<compile_context>
chip_gen: v7x
topology: tpu7x:2x2x1
jax: 0.10.2.dev20260603
libtpu: 0.0.44.dev20260713+nightly
codegen_flags: <defaults>
</compile_context>

<pallas_src>
import jax
import jax.numpy as jnp
from jax import lax
from jax.experimental import pallas as pl
from jax.experimental.pallas import tpu as pltpu
from jax.experimental.pallas import tpu_sc as plsc

N = 10000
D = 128
E = 320000
C = 16
G = 0.5
L1 = 0.5
L2 = 0.01
A0 = 1.0 - G * L1 + G * L2
A1 = G * L1
A2 = G * L2

NC = 2
NS = 16
NW = NC * NS
KE = 128
NITER = 79
PPW = NITER * KE - E // NW
NA = N + PPW
NFULL = N // KE
NTAIL = N - NFULL * KE
NFULLA = NA // KE
CPT = -(-NFULLA // NS)
DEGW = 16

def _mesh():
    return plsc.VectorSubcoreMesh(core_axis_name="c", subcore_axis_name="s")


def _deg_body(dst3_hbm, out_hbm, didx_all, buf, acc, sem0, sem1):
    c = lax.axis_index("c")
    s = lax.axis_index("s")
    w = c * NS + s

    one16 = jnp.full((16,), 1.0, jnp.float32)
    zero16 = jnp.zeros((16,), jnp.float32)

    @pl.loop(0, KE)
    def _(i):
        buf[i, pl.ds(0, DEGW)] = zero16

    pltpu.sync_copy(dst3_hbm.at[w], didx_all)
    for k in range(CPT):
        idx = s + NS * k

        @pl.when(idx < NFULLA)
        def _():
            pltpu.sync_copy(buf, acc.at[pl.ds(pl.multiple_of(idx * KE, 8),
                                              KE)])

    @pl.loop(0, KE)
    def _(i):
        buf[i, pl.ds(0, DEGW)] = one16

    plsc.subcore_barrier()

    def sstart(i, sem):
        pltpu.async_copy(buf, acc.at[didx_all.at[i]], sem, add=True)

    def swait(i, sem):
        pltpu.make_async_copy(buf, acc.at[didx_all.at[i]], sem).wait()

    sstart(0, sem0)

    @pl.loop(0, (NITER - 1) // 2)
    def _(j):
        i0 = 2 * j
        sstart(i0 + 1, sem1)
        swait(i0, sem0)
        sstart(i0 + 2, sem0)
        swait(i0 + 1, sem1)

    swait(NITER - 1, sem0)

    plsc.subcore_barrier()
    for k in range(CPT):
        idx = s + NS * k

        @pl.when(idx < NFULL)
        def _():
            r0 = pl.multiple_of(idx * KE, 8)
            pltpu.sync_copy(acc.at[pl.ds(r0, KE)], buf)
            pltpu.sync_copy(buf, out_hbm.at[c, pl.ds(r0, KE)])

    @pl.when(s == 1)
    def _():
        pltpu.sync_copy(acc.at[pl.ds(NFULL * KE, NTAIL)],
                        buf.at[pl.ds(0, NTAIL)])
        pltpu.sync_copy(buf.at[pl.ds(0, NTAIL)],
                        out_hbm.at[c, pl.ds(NFULL * KE, NTAIL)])


def _sc_deg(dst3):
    kfn = pl.kernel(
        _deg_body,
        out_type=jax.ShapeDtypeStruct((NC, N, DEGW), jnp.float32),
        mesh=_mesh(),
        scratch_types=[
            pltpu.VMEM((NITER, KE), jnp.int32),
            pltpu.VMEM((KE, DEGW), jnp.float32),
            pltpu.VMEM_SHARED((NA, DEGW), jnp.float32),
            pltpu.SemaphoreType.DMA,
            pltpu.SemaphoreType.DMA,
        ],
    )
    return kfn(dst3)


def _scatter_body(hs_hbm, src3_hbm, dst3_hbm, out_hbm, sidx0, sidx1, didx0,
                  didx1, rows0, rows1, acc, isem0, isem1, gsem0, gsem1, ssem0,
                  ssem1):
    c = lax.axis_index("c")
    s = lax.axis_index("s")
    w = c * NS + s

    zero16 = jnp.zeros((16,), jnp.float32)

    @pl.loop(0, KE)
    def _(i):
        for j in range(D // 16):
            rows0[i, pl.ds(j * 16, 16)] = zero16

    for k in range(CPT):
        idx = s + NS * k

        @pl.when(idx < NFULLA)
        def _():
            pltpu.sync_copy(rows0, acc.at[pl.ds(pl.multiple_of(idx * KE, 8),
                                                KE)])
    plsc.subcore_barrier()

    def istart(i, sb, db, isem):
        pltpu.async_copy(src3_hbm.at[w, i], sb, isem)
        pltpu.async_copy(dst3_hbm.at[w, i], db, isem)

    def iwait(i, sb, db, isem):
        pltpu.make_async_copy(src3_hbm.at[w, i], sb, isem).wait()
        pltpu.make_async_copy(dst3_hbm.at[w, i], db, isem).wait()

    def gstart(sb, buf, gsem):
        pltpu.async_copy(hs_hbm.at[sb], buf, gsem)

    def gwait(sb, buf, gsem):
        pltpu.make_async_copy(hs_hbm.at[sb], buf, gsem).wait()

    def sstart(buf, db, ssem):
        pltpu.async_copy(buf, acc.at[db], ssem, add=True)

    def swait(buf, db, ssem):
        pltpu.make_async_copy(buf, acc.at[db], ssem).wait()

    istart(0, sidx0, didx0, isem0)
    iwait(0, sidx0, didx0, isem0)
    gstart(sidx0, rows0, gsem0)
    istart(1, sidx1, didx1, isem1)

    @pl.loop(0, (NITER - 1) // 2)
    def _(j):
        i0 = 2 * j
        iwait(i0 + 1, sidx1, didx1, isem1)
        gstart(sidx1, rows1, gsem1)
        gwait(sidx0, rows0, gsem0)
        sstart(rows0, didx0, ssem0)

        @pl.when(i0 + 2 < NITER)
        def _():
            swait(rows0, didx0, ssem0)
            istart(i0 + 2, sidx0, didx0, isem0)
            iwait(i0 + 2, sidx0, didx0, isem0)
            gstart(sidx0, rows0, gsem0)

        gwait(sidx1, rows1, gsem1)
        sstart(rows1, didx1, ssem1)

        @pl.when(i0 + 3 < NITER)
        def _():
            swait(rows1, didx1, ssem1)
            istart(i0 + 3, sidx1, didx1, isem1)

    gwait(sidx0, rows0, gsem0)
    sstart(rows0, didx0, ssem0)
    swait(rows0, didx0, ssem0)
    swait(rows1, didx1, ssem1)

    plsc.subcore_barrier()
    for k in range(CPT):
        idx = s + NS * k

        @pl.when(idx < NFULL)
        def _():
            r0 = pl.multiple_of(idx * KE, 8)
            pltpu.sync_copy(acc.at[pl.ds(r0, KE)], rows0)
            pltpu.sync_copy(rows0, out_hbm.at[c, pl.ds(r0, KE)])

    @pl.when(s == 1)
    def _():
        pltpu.sync_copy(acc.at[pl.ds(NFULL * KE, NTAIL)],
                        rows1.at[pl.ds(0, NTAIL)])
        pltpu.sync_copy(rows1.at[pl.ds(0, NTAIL)],
                        out_hbm.at[c, pl.ds(NFULL * KE, NTAIL)])


def _sc_scatter(hs, src3, dst3):
    kfn = pl.kernel(
        _scatter_body,
        out_type=jax.ShapeDtypeStruct((NC, N, D), jnp.float32),
        mesh=_mesh(),
        scratch_types=(
            [pltpu.VMEM((KE,), jnp.int32)] * 4
            + [pltpu.VMEM((KE, D), jnp.float32)] * 2
            + [pltpu.VMEM_SHARED((NA, D), jnp.float32)]
            + [pltpu.SemaphoreType.DMA] * 6
        ),
    )
    return kfn(hs, src3, dst3)



R = 1000
NB = N // R

_DOT = dict(preferred_element_type=jnp.float32, precision=lax.Precision.HIGHEST)


def _tc1_body(deg_ref, x_ref, w1_ref, dinv_ref, h_ref, hs_ref, gram_ref):
    i = pl.program_id(0)
    dv = lax.rsqrt(deg_ref[0] + deg_ref[1] + 1.0)
    dinv_ref[...] = dv
    h = lax.dot_general(x_ref[...], w1_ref[...], (((1,), (1,)), ((), ())),
                        **_DOT)
    h_ref[...] = h
    hs_ref[...] = dv * h
    g = lax.dot_general(h, h, (((0,), (0,)), ((), ())), **_DOT)

    @pl.when(i == 0)
    def _():
        gram_ref[...] = g

    @pl.when(i != 0)
    def _():
        gram_ref[...] += g


def _tc1(deg3, x, W1):
    return pl.pallas_call(
        _tc1_body,
        grid=(NB,),
        in_specs=[
            pl.BlockSpec((NC, R, 1), lambda i: (0, i, 0)),
            pl.BlockSpec((R, D), lambda i: (i, 0)),
            pl.BlockSpec((D, D), lambda i: (0, 0)),
        ],
        out_specs=[
            pl.BlockSpec((R, 1), lambda i: (i, 0)),
            pl.BlockSpec((R, D), lambda i: (i, 0)),
            pl.BlockSpec((R, D), lambda i: (i, 0)),
            pl.BlockSpec((D, D), lambda i: (0, 0)),
        ],
        out_shape=[
            jax.ShapeDtypeStruct((N, 1), jnp.float32),
            jax.ShapeDtypeStruct((N, D), jnp.float32),
            jax.ShapeDtypeStruct((N, D), jnp.float32),
            jax.ShapeDtypeStruct((D, D), jnp.float32),
        ],
    )(deg3, x, W1)


def _conv_out(dinv_ref, h_ref, hs_ref, p_ref, gram_ref, b_ref):
    dv = dinv_ref[...]
    h = h_ref[...]
    aggs = p_ref[0] + p_ref[1] + hs_ref[...]
    t = lax.dot_general(h, gram_ref[...], (((1,), (0,)), ((), ())), **_DOT)
    cv = A0 * h + A1 * (dv * aggs) - A2 * t + b_ref[...]
    return jnp.maximum(cv, 0.0)


def _tc2_body(dinv_ref, h1_ref, hs1_ref, p1_ref, gram1_ref, b1_ref, w2_ref,
              h2_ref, hs2_ref, gram2_ref):
    i = pl.program_id(0)
    r = _conv_out(dinv_ref, h1_ref, hs1_ref, p1_ref, gram1_ref, b1_ref)
    h2 = lax.dot_general(r, w2_ref[...], (((1,), (1,)), ((), ())), **_DOT)
    h2_ref[...] = h2
    hs2_ref[...] = dinv_ref[...] * h2
    g = lax.dot_general(h2, h2, (((0,), (0,)), ((), ())), **_DOT)

    @pl.when(i == 0)
    def _():
        gram2_ref[...] = g

    @pl.when(i != 0)
    def _():
        gram2_ref[...] += g


def _tc2(dinv, h1, hs1, p1, gram1, b1r, W2):
    return pl.pallas_call(
        _tc2_body,
        grid=(NB,),
        in_specs=[
            pl.BlockSpec((R, 1), lambda i: (i, 0)),
            pl.BlockSpec((R, D), lambda i: (i, 0)),
            pl.BlockSpec((R, D), lambda i: (i, 0)),
            pl.BlockSpec((NC, R, D), lambda i: (0, i, 0)),
            pl.BlockSpec((D, D), lambda i: (0, 0)),
            pl.BlockSpec((1, D), lambda i: (0, 0)),
            pl.BlockSpec((D, D), lambda i: (0, 0)),
        ],
        out_specs=[
            pl.BlockSpec((R, D), lambda i: (i, 0)),
            pl.BlockSpec((R, D), lambda i: (i, 0)),
            pl.BlockSpec((D, D), lambda i: (0, 0)),
        ],
        out_shape=[
            jax.ShapeDtypeStruct((N, D), jnp.float32),
            jax.ShapeDtypeStruct((N, D), jnp.float32),
            jax.ShapeDtypeStruct((D, D), jnp.float32),
        ],
    )(dinv, h1, hs1, p1, gram1, b1r, W2)


def _tc3_body(dinv_ref, h2_ref, hs2_ref, p2_ref, gram2_ref, b2_ref, fcw_ref,
              fcb_ref, out_ref):
    r = _conv_out(dinv_ref, h2_ref, hs2_ref, p2_ref, gram2_ref, b2_ref)
    logits = lax.dot_general(r, fcw_ref[...], (((1,), (1,)), ((), ())),
                             **_DOT) + fcb_ref[...]
    m = jnp.max(logits, axis=1, keepdims=True)
    sh = logits - m
    lse = jnp.log(jnp.sum(jnp.exp(sh), axis=1, keepdims=True))
    out_ref[...] = sh - lse


def _tc3(dinv, h2, hs2, p2, gram2, b2r, fcW, fcbr):
    return pl.pallas_call(
        _tc3_body,
        grid=(NB,),
        in_specs=[
            pl.BlockSpec((R, 1), lambda i: (i, 0)),
            pl.BlockSpec((R, D), lambda i: (i, 0)),
            pl.BlockSpec((R, D), lambda i: (i, 0)),
            pl.BlockSpec((NC, R, D), lambda i: (0, i, 0)),
            pl.BlockSpec((D, D), lambda i: (0, 0)),
            pl.BlockSpec((1, D), lambda i: (0, 0)),
            pl.BlockSpec((C, D), lambda i: (0, 0)),
            pl.BlockSpec((1, C), lambda i: (0, 0)),
        ],
        out_specs=pl.BlockSpec((R, C), lambda i: (i, 0)),
        out_shape=jax.ShapeDtypeStruct((N, C), jnp.float32),
    )(dinv, h2, hs2, p2, gram2, b2r, fcW, fcbr)


def kernel(x, edge_index, W1, b1, W2, b2, fcW, fcb):
    srcw = edge_index[0].reshape(NW, E // NW)
    dstw = edge_index[1].reshape(NW, E // NW)
    pad_src = jnp.zeros((NW, PPW), jnp.int32)
    pad_dst = jnp.broadcast_to(N + jnp.arange(PPW, dtype=jnp.int32),
                               (NW, PPW))
    src3 = jnp.concatenate([srcw, pad_src], axis=1).reshape(NW, NITER, KE)
    dst3 = jnp.concatenate([dstw, pad_dst], axis=1).reshape(NW, NITER, KE)
    degp = _sc_deg(dst3)
    deg3 = degp[:, :, :1]
    b1r = b1.reshape(1, D)
    b2r = b2.reshape(1, D)
    fcbr = fcb.reshape(1, C)
    dinv, h1, hs1, gram1 = _tc1(deg3, x, W1)
    p1 = _sc_scatter(hs1, src3, dst3)
    h2, hs2, gram2 = _tc2(dinv, h1, hs1, p1, gram1, b1r, W2)
    p2 = _sc_scatter(hs2, src3, dst3)
    return _tc3(dinv, h2, hs2, p2, gram2, b2r, fcW, fcbr)

# --- scband reference (transcript-rebuilt; emitter-appended) ---
"""Pipeline reference for scband-encoding3-54760833024262 (READ-ONLY COPY).

The authoritative reference and input builder live on the scoring server;
editing this copy changes nothing except your own understanding.
"""

import jax, jax.numpy as jnp
import numpy as np

N = 10000
E = 320000
D = 128
H = 128
C = 16
G = 0.5   # step_size_gamma
L1 = 0.5  # alphaH (lambda1)
L2 = 0.01 # alphaO (lambda2)


def gcn_norm(edge_index, num_nodes):
    src = edge_index[0]
    dst = edge_index[1]
    loop = jnp.arange(num_nodes, dtype=src.dtype)
    src = jnp.concatenate([src, loop])
    dst = jnp.concatenate([dst, loop])
    w = jnp.ones(src.shape[0], dtype=jnp.float32)
    deg = jnp.zeros((num_nodes,), dtype=jnp.float32).at[dst].add(w)
    dinv = deg ** -0.5
    dinv = jnp.where(jnp.isinf(dinv), 0.0, dinv)
    norm = dinv[src] * w * dinv[dst]
    return src, dst, norm


def setup_inputs(seed: int = 0) -> dict:
    key = jax.random.key(seed)
    ks = jax.random.split(key, 8)
    x = jax.random.normal(ks[0], (N, D), dtype=jnp.float32)
    edge_index = jax.random.randint(ks[1], (2, E), 0, N, dtype=jnp.int32)
    s1 = (2.0 / (D + H)) ** 0.5
    W1 = jax.random.normal(ks[2], (H, D), dtype=jnp.float32) * s1
    b1 = jnp.zeros((H,), dtype=jnp.float32)
    s2 = (2.0 / (H + H)) ** 0.5
    W2 = jax.random.normal(ks[3], (H, H), dtype=jnp.float32) * s2
    b2 = jnp.zeros((H,), dtype=jnp.float32)
    s3 = (2.0 / (H + C)) ** 0.5
    fcW = jax.random.normal(ks[4], (C, H), dtype=jnp.float32) * s3
    fcb = jnp.zeros((C,), dtype=jnp.float32)
    return {"x": x, "edge_index": edge_index, "W1": W1, "b1": b1, "W2": W2, "b2": b2, "fcW": fcW, "fcb": fcb}


def reference(x, edge_index, W1, b1, W2, b2, fcW, fcb):
    # eval mode: dropout is a no-op
    src, dst, norm = gcn_norm(edge_index, N)

    def conv(h, W, b):
        h = h @ W.T  # lin, no bias
        agg = jnp.zeros_like(h).at[dst].add(norm[:, None] * h[src])  # scatter-add propagate
        z = (1.0 - G * L1 + G * L2) * h
        s = G * L1 * agg
        t = G * L2 * (h @ (h.T @ h))
        return z + s - t + b

    h = jax.nn.relu(conv(x, W1, b1))
    h = jax.nn.relu(conv(h, W2, b2))
    out = h @ fcW.T + fcb
    return jax.nn.log_softmax(out, axis=1)

if __name__ == "__main__":
    import jax
    _d = setup_inputs()
    print(jax.jit(kernel)(*tuple(_d.values())))

</pallas_src>

<mosaic_0001>
#map = affine_map<(d0, d1) -> (0, 0)>
#map1 = affine_map<(d0, d1) -> (0, 0, 0)>
module attributes {stable_mosaic.version = 14 : i64} {
  func.func @_scatter_body(%arg0: i32, %arg1: i32, %arg2: memref<10000x128xf32, #tpu.memory_space<hbm>>, %arg3: memref<32x79x128xi32, #tpu.memory_space<hbm>>, %arg4: memref<32x79x128xi32, #tpu.memory_space<hbm>>, %arg5: memref<2x10000x128xf32, #tpu.memory_space<hbm>>, %arg6: memref<128xi32, #tpu.memory_space<vmem>>, %arg7: memref<128xi32, #tpu.memory_space<vmem>>, %arg8: memref<128xi32, #tpu.memory_space<vmem>>, %arg9: memref<128xi32, #tpu.memory_space<vmem>>, %arg10: memref<128x128xf32, #tpu.memory_space<vmem>>, %arg11: memref<128x128xf32, #tpu.memory_space<vmem>>, %arg12: memref<10112x128xf32, #tpu.memory_space<vmem_shared>>, %arg13: memref<!tpu.dma_semaphore, #tpu.memory_space<semaphore_mem>>, %arg14: memref<!tpu.dma_semaphore, #tpu.memory_space<semaphore_mem>>, %arg15: memref<!tpu.dma_semaphore, #tpu.memory_space<semaphore_mem>>, %arg16: memref<!tpu.dma_semaphore, #tpu.memory_space<semaphore_mem>>, %arg17: memref<!tpu.dma_semaphore, #tpu.memory_space<semaphore_mem>>, %arg18: memref<!tpu.dma_semaphore, #tpu.memory_space<semaphore_mem>>) attributes {dimension_semantics = [#tpu.dimension_semantics<core_parallel>, #tpu.dimension_semantics<subcore_parallel>], iteration_bounds = array<i64: 2, 16>, scalar_prefetch = 0 : i64, scratch_operands = 13 : i64, tpu.core_type = #tpu.core_type<sc_vector_subcore>, window_params = [{transform_indices = #map}, {transform_indices = #map1}, {transform_indices = #map1}, {transform_indices = #map1}]} {
    %mul3A = arith.constant 16 : i32
    %mul3A_0 = arith.muli %arg0, %mul3A : i32
    %add3A = arith.addi %mul3A_0, %arg1 : i32
    %broadcast_in_dim3A = arith.constant 0.000000e+00 : f32
    %broadcast_in_dim3A_1 = vector.broadcast %broadcast_in_dim3A : f32 to vector<16xf32>
    %scan3A = arith.constant 0 : i32
    %scan3A_2 = arith.constant 128 : i32
    %scan3A_3 = arith.addi %scan3A, %scan3A_2 : i32
    %scan3A_4 = arith.constant 1 : i32
    scf.for %scan3A_138 = %scan3A to %scan3A_3 step %scan3A_4  : i32 {
      %mul3A_139 = arith.constant 1 : i32
      %mul3A_140 = arith.muli %scan3A_138, %mul3A_139 : i32
      %add3A_141 = arith.constant 0 : i32
      %add3A_142 = arith.addi %add3A_141, %mul3A_140 : i32
      %swap3A = arith.index_cast %add3A_142 : i32 to index
      %swap3A_143 = arith.constant 0 : index
      %swap3A_144 = tpu.vector_load %arg10[%swap3A, %swap3A_143] {strides = array<i32>} : memref<128x128xf32, #tpu.memory_space<vmem>>, vector<1x16xf32>,
      %swap3A_145 = vector.shape_cast %swap3A_144 : vector<1x16xf32> to vector<16xf32>
      %swap3A_146 = vector.shape_cast %broadcast_in_dim3A_1 : vector<16xf32> to vector<1x16xf32>
      tpu.vector_store %arg10[%swap3A, %swap3A_143], %swap3A_146 {strides = array<i32>} : memref<128x128xf32, #tpu.memory_space<vmem>>, vector<1x16xf32>,
      %swap3A_147 = arith.index_cast %add3A_142 : i32 to index
      %swap3A_148 = arith.constant 16 : index
      %swap3A_149 = tpu.vector_load %arg10[%swap3A_147, %swap3A_148] {strides = array<i32>} : memref<128x128xf32, #tpu.memory_space<vmem>>, vector<1x16xf32>,
      %swap3A_150 = vector.shape_cast %swap3A_149 : vector<1x16xf32> to vector<16xf32>
      %swap3A_151 = vector.shape_cast %broadcast_in_dim3A_1 : vector<16xf32> to vector<1x16xf32>
      tpu.vector_store %arg10[%swap3A_147, %swap3A_148], %swap3A_151 {strides = array<i32>} : memref<128x128xf32, #tpu.memory_space<vmem>>, vector<1x16xf32>,
      %swap3A_152 = arith.index_cast %add3A_142 : i32 to index
      %swap3A_153 = arith.constant 32 : index
      %swap3A_154 = tpu.vector_load %arg10[%swap3A_152, %swap3A_153] {strides = array<i32>} : memref<128x128xf32, #tpu.memory_space<vmem>>, vector<1x16xf32>,
      %swap3A_155 = vector.shape_cast %swap3A_154 : vector<1x16xf32> to vector<16xf32>
      %swap3A_156 = vector.shape_cast %broadcast_in_dim3A_1 : vector<16xf32> to vector<1x16xf32>
      tpu.vector_store %arg10[%swap3A_152, %swap3A_153], %swap3A_156 {strides = array<i32>} : memref<128x128xf32, #tpu.memory_space<vmem>>, vector<1x16xf32>,
      %swap3A_157 = arith.index_cast %add3A_142 : i32 to index
      %swap3A_158 = arith.constant 48 : index
      %swap3A_159 = tpu.vector_load %arg10[%swap3A_157, %swap3A_158] {strides = array<i32>} : memref<128x128xf32, #tpu.memory_space<vmem>>, vector<1x16xf32>,
      %swap3A_160 = vector.shape_cast %swap3A_159 : vector<1x16xf32> to vector<16xf32>
      %swap3A_161 = vector.shape_cast %broadcast_in_dim3A_1 : vector<16xf32> to vector<1x16xf32>
      tpu.vector_store %arg10[%swap3A_157, %swap3A_158], %swap3A_161 {strides = array<i32>} : memref<128x128xf32, #tpu.memory_space<vmem>>, vector<1x16xf32>,
      %swap3A_162 = arith.index_cast %add3A_142 : i32 to index
      %swap3A_163 = arith.constant 64 : index
      %swap3A_164 = tpu.vector_load %arg10[%swap3A_162, %swap3A_163] {strides = array<i32>} : memref<128x128xf32, #tpu.memory_space<vmem>>, vector<1x16xf32>,
      %swap3A_165 = vector.shape_cast %swap3A_164 : vector<1x16xf32> to vector<16xf32>
      %swap3A_166 = vector.shape_cast %broadcast_in_dim3A_1 : vector<16xf32> to vector<1x16xf32>
      tpu.vector_store %arg10[%swap3A_162, %swap3A_163], %swap3A_166 {strides = array<i32>} : memref<128x128xf32, #tpu.memory_space<vmem>>, vector<1x16xf32>,
      %swap3A_167 = arith.index_cast %add3A_142 : i32 to index
      %swap3A_168 = arith.constant 80 : index
      %swap3A_169 = tpu.vector_load %arg10[%swap3A_167, %swap3A_168] {strides = array<i32>} : memref<128x128xf32, #tpu.memory_space<vmem>>, vector<1x16xf32>,
      %swap3A_170 = vector.shape_cast %swap3A_169 : vector<1x16xf32> to vector<16xf32>
      %swap3A_171 = vector.shape_cast %broadcast_in_dim3A_1 : vector<16xf32> to vector<1x16xf32>
      tpu.vector_store %arg10[%swap3A_167, %swap3A_168], %swap3A_171 {strides = array<i32>} : memref<128x128xf32, #tpu.memory_space<vmem>>, vector<1x16xf32>,
      %swap3A_172 = arith.index_cast %add3A_142 : i32 to index
      %swap3A_173 = arith.constant 96 : index
      %swap3A_174 = tpu.vector_load %arg10[%swap3A_172, %swap3A_173] {strides = array<i32>} : memref<128x128xf32, #tpu.memory_space<vmem>>, vector<1x16xf32>,
      %swap3A_175 = vector.shape_cast %swap3A_174 : vector<1x16xf32> to vector<16xf32>
      %swap3A_176 = vector.shape_cast %broadcast_in_dim3A_1 : vector<16xf32> to vector<1x16xf32>
      tpu.vector_store %arg10[%swap3A_172, %swap3A_173], %swap3A_176 {strides = array<i32>} : memref<128x128xf32, #tpu.memory_space<vmem>>, vector<1x16xf32>,
      %swap3A_177 = arith.index_cast %add3A_142 : i32 to index
      %swap3A_178 = arith.constant 112 : index
      %swap3A_179 = tpu.vector_load %arg10[%swap3A_177, %swap3A_178] {strides = array<i32>} : memref<128x128xf32, #tpu.memory_space<vmem>>, vector<1x16xf32>,
      %swap3A_180 = vector.shape_cast %swap3A_179 : vector<1x16xf32> to vector<16xf32>
      %swap3A_181 = vector.shape_cast %broadcast_in_dim3A_1 : vector<16xf32> to vector<1x16xf32>
      tpu.vector_store %arg10[%swap3A_177, %swap3A_178], %swap3A_181 {strides = array<i32>} : memref<128x128xf32, #tpu.memory_space<vmem>>, vector<1x16xf32>,
    }
    %scan3A_5 = arith.constant 128 : i32
    %add3A_6 = arith.constant 0 : i32
    %add3A_7 = arith.addi %arg1, %add3A_6 : i32
    %lt3A = arith.constant 79 : i32
    %lt3A_8 = arith.cmpi slt, %add3A_7, %lt3A : i32
    %convert_element_type3A = arith.extui %lt3A_8 : i1 to i32
    %cond3A = arith.constant 0 : i32
    %cond3A_9 = arith.cmpi ne, %convert_element_type3A, %cond3A : i32
    scf.if %cond3A_9 {
      %mul3A_138 = arith.constant 128 : i32
      %mul3A_139 = arith.muli %add3A_7, %mul3A_138 : i32
      %multiple_of3A = tpu.assume_multiple %mul3A_139, 8 : i32
      "tpu.region"() ({
        %run_scoped3A = tpu.sem_alloc : memref<!tpu.dma_semaphore, #tpu.memory_space<semaphore_mem>>
        %dma_start3A_140 = arith.constant 0 : i32
        %dma_start3A_141 = tpu.memref_slice %arg12[%multiple_of3A, %dma_start3A_140] : memref<10112x128xf32, #tpu.memory_space<vmem_shared>> -> memref<128x128xf32, #tpu.memory_space<vmem_shared>>
        %dma_start3A_142 = arith.constant 0 : i32
        %dma_start3A_143 = tpu.memref_slice %arg12[%multiple_of3A, %dma_start3A_142] : memref<10112x128xf32, #tpu.memory_space<vmem_shared>> -> memref<128x128xf32, #tpu.memory_space<vmem_shared>>
        tpu.enqueue_dma source(%arg10 : memref<128x128xf32, #tpu.memory_space<vmem>>) target(%dma_start3A_143 : memref<128x128xf32, #tpu.memory_space<vmem_shared>>) target_semaphore(%run_scoped3A : memref<!tpu.dma_semaphore, #tpu.memory_space<semaphore_mem>>)
        %dma_wait3A_144 = arith.constant 0 : i32
        %dma_wait3A_145 = tpu.memref_slice %arg12[%multiple_of3A, %dma_wait3A_144] : memref<10112x128xf32, #tpu.memory_space<vmem_shared>> -> memref<128x128xf32, #tpu.memory_space<vmem_shared>>
        %dma_wait3A_146 = arith.constant 0 : i32
        %dma_wait3A_147 = tpu.memref_slice %arg12[%multiple_of3A, %dma_wait3A_146] : memref<10112x128xf32, #tpu.memory_space<vmem_shared>> -> memref<128x128xf32, #tpu.memory_space<vmem_shared>>
        tpu.wait_dma2 semaphore(%run_scoped3A : memref<!tpu.dma_semaphore, #tpu.memory_space<semaphore_mem>>) src(%arg10 : memref<128x128xf32, #tpu.memory_space<vmem>>) dst(%dma_wait3A_147 : memref<128x128xf32, #tpu.memory_space<vmem_shared>>)
        tpu.yield
      }) : () -> ()
    } else {
    }
    %add3A_10 = arith.constant 16 : i32
    %add3A_11 = arith.addi %arg1, %add3A_10 : i32
    %lt3A_12 = arith.constant 79 : i32
    %lt3A_13 = arith.cmpi slt, %add3A_11, %lt3A_12 : i32
    %convert_element_type3A_14 = arith.extui %lt3A_13 : i1 to i32
    %cond3A_15 = arith.constant 0 : i32
    %cond3A_16 = arith.cmpi ne, %convert_element_type3A_14, %cond3A_15 : i32
    scf.if %cond3A_16 {
      %mul3A_138 = arith.constant 128 : i32
      %mul3A_139 = arith.muli %add3A_11, %mul3A_138 : i32
      %multiple_of3A = tpu.assume_multiple %mul3A_139, 8 : i32
      "tpu.region"() ({
        %run_scoped3A = tpu.sem_alloc : memref<!tpu.dma_semaphore, #tpu.memory_space<semaphore_mem>>
        %dma_start3A_140 = arith.constant 0 : i32
        %dma_start3A_141 = tpu.memref_slice %arg12[%multiple_of3A, %dma_start3A_140] : memref<10112x128xf32, #tpu.memory_space<vmem_shared>> -> memref<128x128xf32, #tpu.memory_space<vmem_shared>>
        %dma_start3A_142 = arith.constant 0 : i32
        %dma_start3A_143 = tpu.memref_slice %arg12[%multiple_of3A, %dma_start3A_142] : memref<10112x128xf32, #tpu.memory_space<vmem_shared>> -> memref<128x128xf32, #tpu.memory_space<vmem_shared>>
        tpu.enqueue_dma source(%arg10 : memref<128x128xf32, #tpu.memory_space<vmem>>) target(%dma_start3A_143 : memref<128x128xf32, #tpu.memory_space<vmem_shared>>) target_semaphore(%run_scoped3A : memref<!tpu.dma_semaphore, #tpu.memory_space<semaphore_mem>>)
        %dma_wait3A_144 = arith.constant 0 : i32
        %dma_wait3A_145 = tpu.memref_slice %arg12[%multiple_of3A, %dma_wait3A_144] : memref<10112x128xf32, #tpu.memory_space<vmem_shared>> -> memref<128x128xf32, #tpu.memory_space<vmem_shared>>
        %dma_wait3A_146 = arith.constant 0 : i32
        %dma_wait3A_147 = tpu.memref_slice %arg12[%multiple_of3A, %dma_wait3A_146] : memref<10112x128xf32, #tpu.memory_space<vmem_shared>> -> memref<128x128xf32, #tpu.memory_space<vmem_shared>>
        tpu.wait_dma2 semaphore(%run_scoped3A : memref<!tpu.dma_semaphore, #tpu.memory_space<semaphore_mem>>) src(%arg10 : memref<128x128xf32, #tpu.memory_space<vmem>>) dst(%dma_wait3A_147 : memref<128x128xf32, #tpu.memory_space<vmem_shared>>)
        tpu.yield
      }) : () -> ()
    } else {
    }
    %add3A_17 = arith.constant 32 : i32
    %add3A_18 = arith.addi %arg1, %add3A_17 : i32
    %lt3A_19 = arith.constant 79 : i32
    %lt3A_20 = arith.cmpi slt, %add3A_18, %lt3A_19 : i32
    %convert_element_type3A_21 = arith.extui %lt3A_20 : i1 to i32
    %cond3A_22 = arith.constant 0 : i32
    %cond3A_23 = arith.cmpi ne, %convert_element_type3A_21, %cond3A_22 : i32
    scf.if %cond3A_23 {
      %mul3A_138 = arith.constant 128 : i32
      %mul3A_139 = arith.muli %add3A_18, %mul3A_138 : i32
      %multiple_of3A = tpu.assume_multiple %mul3A_139, 8 : i32
      "tpu.region"() ({
        %run_scoped3A = tpu.sem_alloc : memref<!tpu.dma_semaphore, #tpu.memory_space<semaphore_mem>>
        %dma_start3A_140 = arith.constant 0 : i32
        %dma_start3A_141 = tpu.memref_slice %arg12[%multiple_of3A, %dma_start3A_140] : memref<10112x128xf32, #tpu.memory_space<vmem_shared>> -> memref<128x128xf32, #tpu.memory_space<vmem_shared>>
        %dma_start3A_142 = arith.constant 0 : i32
        %dma_start3A_143 = tpu.memref_slice %arg12[%multiple_of3A, %dma_start3A_142] : memref<10112x128xf32, #tpu.memory_space<vmem_shared>> -> memref<128x128xf32, #tpu.memory_space<vmem_shared>>
        tpu.enqueue_dma source(%arg10 : memref<128x128xf32, #tpu.memory_space<vmem>>) target(%dma_start3A_143 : memref<128x128xf32, #tpu.memory_space<vmem_shared>>) target_semaphore(%run_scoped3A : memref<!tpu.dma_semaphore, #tpu.memory_space<semaphore_mem>>)
        %dma_wait3A_144 = arith.constant 0 : i32
        %dma_wait3A_145 = tpu.memref_slice %arg12[%multiple_of3A, %dma_wait3A_144] : memref<10112x128xf32, #tpu.memory_space<vmem_shared>> -> memref<128x128xf32, #tpu.memory_space<vmem_shared>>
        %dma_wait3A_146 = arith.constant 0 : i32
        %dma_wait3A_147 = tpu.memref_slice %arg12[%multiple_of3A, %dma_wait3A_146] : memref<10112x128xf32, #tpu.memory_space<vmem_shared>> -> memref<128x128xf32, #tpu.memory_space<vmem_shared>>
        tpu.wait_dma2 semaphore(%run_scoped3A : memref<!tpu.dma_semaphore, #tpu.memory_space<semaphore_mem>>) src(%arg10 : memref<128x128xf32, #tpu.memory_space<vmem>>) dst(%dma_wait3A_147 : memref<128x128xf32, #tpu.memory_space<vmem_shared>>)
        tpu.yield
      }) : () -> ()
    } else {
    }
    %add3A_24 = arith.constant 48 : i32
    %add3A_25 = arith.addi %arg1, %add3A_24 : i32
    %lt3A_26 = arith.constant 79 : i32
    %lt3A_27 = arith.cmpi slt, %add3A_25, %lt3A_26 : i32
    %convert_element_type3A_28 = arith.extui %lt3A_27 : i1 to i32
    %cond3A_29 = arith.constant 0 : i32
    %cond3A_30 = arith.cmpi ne, %convert_element_type3A_28, %cond3A_29 : i32
    scf.if %cond3A_30 {
      %mul3A_138 = arith.constant 128 : i32
      %mul3A_139 = arith.muli %add3A_25, %mul3A_138 : i32
      %multiple_of3A = tpu.assume_multiple %mul3A_139, 8 : i32
      "tpu.region"() ({
        %run_scoped3A = tpu.sem_alloc : memref<!tpu.dma_semaphore, #tpu.memory_space<semaphore_mem>>
        %dma_start3A_140 = arith.constant 0 : i32
        %dma_start3A_141 = tpu.memref_slice %arg12[%multiple_of3A, %dma_start3A_140] : memref<10112x128xf32, #tpu.memory_space<vmem_shared>> -> memref<128x128xf32, #tpu.memory_space<vmem_shared>>
        %dma_start3A_142 = arith.constant 0 : i32
        %dma_start3A_143 = tpu.memref_slice %arg12[%multiple_of3A, %dma_start3A_142] : memref<10112x128xf32, #tpu.memory_space<vmem_shared>> -> memref<128x128xf32, #tpu.memory_space<vmem_shared>>
        tpu.enqueue_dma source(%arg10 : memref<128x128xf32, #tpu.memory_space<vmem>>) target(%dma_start3A_143 : memref<128x128xf32, #tpu.memory_space<vmem_shared>>) target_semaphore(%run_scoped3A : memref<!tpu.dma_semaphore, #tpu.memory_space<semaphore_mem>>)
        %dma_wait3A_144 = arith.constant 0 : i32
        %dma_wait3A_145 = tpu.memref_slice %arg12[%multiple_of3A, %dma_wait3A_144] : memref<10112x128xf32, #tpu.memory_space<vmem_shared>> -> memref<128x128xf32, #tpu.memory_space<vmem_shared>>
        %dma_wait3A_146 = arith.constant 0 : i32
        %dma_wait3A_147 = tpu.memref_slice %arg12[%multiple_of3A, %dma_wait3A_146] : memref<10112x128xf32, #tpu.memory_space<vmem_shared>> -> memref<128x128xf32, #tpu.memory_space<vmem_shared>>
        tpu.wait_dma2 semaphore(%run_scoped3A : memref<!tpu.dma_semaphore, #tpu.memory_space<semaphore_mem>>) src(%arg10 : memref<128x128xf32, #tpu.memory_space<vmem>>) dst(%dma_wait3A_147 : memref<128x128xf32, #tpu.memory_space<vmem_shared>>)
        tpu.yield
      }) : () -> ()
    } else {
    }
    %add3A_31 = arith.constant 64 : i32
    %add3A_32 = arith.addi %arg1, %add3A_31 : i32
    %lt3A_33 = arith.constant 79 : i32
    %lt3A_34 = arith.cmpi slt, %add3A_32, %lt3A_33 : i32
    %convert_element_type3A_35 = arith.extui %lt3A_34 : i1 to i32
    %cond3A_36 = arith.constant 0 : i32
    %cond3A_37 = arith.cmpi ne, %convert_element_type3A_35, %cond3A_36 : i32
    scf.if %cond3A_37 {
      %mul3A_138 = arith.constant 128 : i32
      %mul3A_139 = arith.muli %add3A_32, %mul3A_138 : i32
      %multiple_of3A = tpu.assume_multiple %mul3A_139, 8 : i32
      "tpu.region"() ({
        %run_scoped3A = tpu.sem_alloc : memref<!tpu.dma_semaphore, #tpu.memory_space<semaphore_mem>>
        %dma_start3A_140 = arith.constant 0 : i32
        %dma_start3A_141 = tpu.memref_slice %arg12[%multiple_of3A, %dma_start3A_140] : memref<10112x128xf32, #tpu.memory_space<vmem_shared>> -> memref<128x128xf32, #tpu.memory_space<vmem_shared>>
        %dma_start3A_142 = arith.constant 0 : i32
        %dma_start3A_143 = tpu.memref_slice %arg12[%multiple_of3A, %dma_start3A_142] : memref<10112x128xf32, #tpu.memory_space<vmem_shared>> -> memref<128x128xf32, #tpu.memory_space<vmem_shared>>
        tpu.enqueue_dma source(%arg10 : memref<128x128xf32, #tpu.memory_space<vmem>>) target(%dma_start3A_143 : memref<128x128xf32, #tpu.memory_space<vmem_shared>>) target_semaphore(%run_scoped3A : memref<!tpu.dma_semaphore, #tpu.memory_space<semaphore_mem>>)
        %dma_wait3A_144 = arith.constant 0 : i32
        %dma_wait3A_145 = tpu.memref_slice %arg12[%multiple_of3A, %dma_wait3A_144] : memref<10112x128xf32, #tpu.memory_space<vmem_shared>> -> memref<128x128xf32, #tpu.memory_space<vmem_shared>>
        %dma_wait3A_146 = arith.constant 0 : i32
        %dma_wait3A_147 = tpu.memref_slice %arg12[%multiple_of3A, %dma_wait3A_146] : memref<10112x128xf32, #tpu.memory_space<vmem_shared>> -> memref<128x128xf32, #tpu.memory_space<vmem_shared>>
        tpu.wait_dma2 semaphore(%run_scoped3A : memref<!tpu.dma_semaphore, #tpu.memory_space<semaphore_mem>>) src(%arg10 : memref<128x128xf32, #tpu.memory_space<vmem>>) dst(%dma_wait3A_147 : memref<128x128xf32, #tpu.memory_space<vmem_shared>>)
        tpu.yield
      }) : () -> ()
    } else {
    }
    %barrier3A = arith.constant 0 : index
    tpu.barrier barrier_id(%barrier3A)
    %dma_start3A = arith.constant 0 : i32
    %dma_start3A_38 = arith.constant 0 : i32
    %dma_start3A_39 = tpu.memref_slice %arg3[%add3A, %dma_start3A, %dma_start3A_38] : memref<32x79x128xi32, #tpu.memory_space<hbm>> -> memref<1x1x128xi32, #tpu.memory_space<hbm>>
    %dma_start3A_40 = tpu.memref_squeeze %dma_start3A_39 : memref<1x1x128xi32, #tpu.memory_space<hbm>> -> memref<128xi32, #tpu.memory_space<hbm>>
    %dma_start3A_41 = arith.constant 0 : i32
    %dma_start3A_42 = tpu.memref_slice %arg3[%add3A, %dma_start3A, %dma_start3A_41] : memref<32x79x128xi32, #tpu.memory_space<hbm>> -> memref<1x1x128xi32, #tpu.memory_space<hbm>>
    %dma_start3A_43 = tpu.memref_squeeze %dma_start3A_42 : memref<1x1x128xi32, #tpu.memory_space<hbm>> -> memref<128xi32, #tpu.memory_space<hbm>>
    tpu.enqueue_dma source(%dma_start3A_43 : memref<128xi32, #tpu.memory_space<hbm>>) target(%arg6 : memref<128xi32, #tpu.memory_space<vmem>>) target_semaphore(%arg13 : memref<!tpu.dma_semaphore, #tpu.memory_space<semaphore_mem>>)
    %dma_start3A_44 = arith.constant 0 : i32
    %dma_start3A_45 = arith.constant 0 : i32
    %dma_start3A_46 = tpu.memref_slice %arg4[%add3A, %dma_start3A_44, %dma_start3A_45] : memref<32x79x128xi32, #tpu.memory_space<hbm>> -> memref<1x1x128xi32, #tpu.memory_space<hbm>>
    %dma_start3A_47 = tpu.memref_squeeze %dma_start3A_46 : memref<1x1x128xi32, #tpu.memory_space<hbm>> -> memref<128xi32, #tpu.memory_space<hbm>>
    %dma_start3A_48 = arith.constant 0 : i32
    %dma_start3A_49 = tpu.memref_slice %arg4[%add3A, %dma_start3A_44, %dma_start3A_48] : memref<32x79x128xi32, #tpu.memory_space<hbm>> -> memref<1x1x128xi32, #tpu.memory_space<hbm>>
    %dma_start3A_50 = tpu.memref_squeeze %dma_start3A_49 : memref<1x1x128xi32, #tpu.memory_space<hbm>> -> memref<128xi32, #tpu.memory_space<hbm>>
    tpu.enqueue_dma source(%dma_start3A_50 : memref<128xi32, #tpu.memory_space<hbm>>) target(%arg8 : memref<128xi32, #tpu.memory_space<vmem>>) target_semaphore(%arg13 : memref<!tpu.dma_semaphore, #tpu.memory_space<semaphore_mem>>)
    %dma_wait3A = arith.constant 0 : i32
    %dma_wait3A_51 = arith.constant 0 : i32
    %dma_wait3A_52 = tpu.memref_slice %arg3[%add3A, %dma_wait3A, %dma_wait3A_51] : memref<32x79x128xi32, #tpu.memory_space<hbm>> -> memref<1x1x128xi32, #tpu.memory_space<hbm>>
    %dma_wait3A_53 = tpu.memref_squeeze %dma_wait3A_52 : memref<1x1x128xi32, #tpu.memory_space<hbm>> -> memref<128xi32, #tpu.memory_space<hbm>>
    %dma_wait3A_54 = arith.constant 0 : i32
    %dma_wait3A_55 = tpu.memref_slice %arg3[%add3A, %dma_wait3A, %dma_wait3A_54] : memref<32x79x128xi32, #tpu.memory_space<hbm>> -> memref<1x1x128xi32, #tpu.memory_space<hbm>>
    %dma_wait3A_56 = tpu.memref_squeeze %dma_wait3A_55 : memref<1x1x128xi32, #tpu.memory_space<hbm>> -> memref<128xi32, #tpu.memory_space<hbm>>
    tpu.wait_dma2 semaphore(%arg13 : memref<!tpu.dma_semaphore, #tpu.memory_space<semaphore_mem>>) src(%dma_wait3A_56 : memref<128xi32, #tpu.memory_space<hbm>>) dst(%arg6 : memref<128xi32, #tpu.memory_space<vmem>>)
    %dma_wait3A_57 = arith.constant 0 : i32
    %dma_wait3A_58 = arith.constant 0 : i32
    %dma_wait3A_59 = tpu.memref_slice %arg4[%add3A, %dma_wait3A_57, %dma_wait3A_58] : memref<32x79x128xi32, #tpu.memory_space<hbm>> -> memref<1x1x128xi32, #tpu.memory_space<hbm>>
    %dma_wait3A_60 = tpu.memref_squeeze %dma_wait3A_59 : memref<1x1x128xi32, #tpu.memory_space<hbm>> -> memref<128xi32, #tpu.memory_space<hbm>>
    %dma_wait3A_61 = arith.constant 0 : i32
    %dma_wait3A_62 = tpu.memref_slice %arg4[%add3A, %dma_wait3A_57, %dma_wait3A_61] : memref<32x79x128xi32, #tpu.memory_space<hbm>> -> memref<1x1x128xi32, #tpu.memory_space<hbm>>
    %dma_wait3A_63 = tpu.memref_squeeze %dma_wait3A_62 : memref<1x1x128xi32, #tpu.memory_space<hbm>> -> memref<128xi32, #tpu.memory_space<hbm>>
    tpu.wait_dma2 semaphore(%arg13 : memref<!tpu.dma_semaphore, #tpu.memory_space<semaphore_mem>>) src(%dma_wait3A_63 : memref<128xi32, #tpu.memory_space<hbm>>) dst(%arg8 : memref<128xi32, #tpu.memory_space<vmem>>)
    %dma_start3A_64 = arith.constant 0 : i32
    %dma_start3A_65 = arith.constant 0 : i32
    %dma_start3A_66 = tpu.memref_slice %arg2[%dma_start3A_64, %dma_start3A_65] : memref<10000x128xf32, #tpu.memory_space<hbm>> -> memref<10000x128xf32, #tpu.memory_space<hbm>>
    tpu.enqueue_indirect_dma source(%dma_start3A_66 : memref<10000x128xf32, #tpu.memory_space<hbm>>) target(%arg10 : memref<128x128xf32, #tpu.memory_space<vmem>>) offsets(%arg6 : memref<128xi32, #tpu.memory_space<vmem>>) semaphore(%arg15 : memref<!tpu.dma_semaphore, #tpu.memory_space<semaphore_mem>>)
    %dma_start3A_67 = arith.constant 1 : i32
    %dma_start3A_68 = arith.constant 0 : i32
    %dma_start3A_69 = tpu.memref_slice %arg3[%add3A, %dma_start3A_67, %dma_start3A_68] : memref<32x79x128xi32, #tpu.memory_space<hbm>> -> memref<1x1x128xi32, #tpu.memory_space<hbm>>
    %dma_start3A_70 = tpu.memref_squeeze %dma_start3A_69 : memref<1x1x128xi32, #tpu.memory_space<hbm>> -> memref<128xi32, #tpu.memory_space<hbm>>
    %dma_start3A_71 = arith.constant 0 : i32
    %dma_start3A_72 = tpu.memref_slice %arg3[%add3A, %dma_start3A_67, %dma_start3A_71] : memref<32x79x128xi32, #tpu.memory_space<hbm>> -> memref<1x1x128xi32, #tpu.memory_space<hbm>>
    %dma_start3A_73 = tpu.memref_squeeze %dma_start3A_72 : memref<1x1x128xi32, #tpu.memory_space<hbm>> -> memref<128xi32, #tpu.memory_space<hbm>>
    tpu.enqueue_dma source(%dma_start3A_73 : memref<128xi32, #tpu.memory_space<hbm>>) target(%arg7 : memref<128xi32, #tpu.memory_space<vmem>>) target_semaphore(%arg14 : memref<!tpu.dma_semaphore, #tpu.memory_space<semaphore_mem>>)
    %dma_start3A_74 = arith.constant 1 : i32
    %dma_start3A_75 = arith.constant 0 : i32
    %dma_start3A_76 = tpu.memref_slice %arg4[%add3A, %dma_start3A_74, %dma_start3A_75] : memref<32x79x128xi32, #tpu.memory_space<hbm>> -> memref<1x1x128xi32, #tpu.memory_space<hbm>>
    %dma_start3A_77 = tpu.memref_squeeze %dma_start3A_76 : memref<1x1x128xi32, #tpu.memory_space<hbm>> -> memref<128xi32, #tpu.memory_space<hbm>>
    %dma_start3A_78 = arith.constant 0 : i32
    %dma_start3A_79 = tpu.memref_slice %arg4[%add3A, %dma_start3A_74, %dma_start3A_78] : memref<32x79x128xi32, #tpu.memory_space<hbm>> -> memref<1x1x128xi32, #tpu.memory_space<hbm>>
    %dma_start3A_80 = tpu.memref_squeeze %dma_start3A_79 : memref<1x1x128xi32, #tpu.memory_space<hbm>> -> memref<128xi32, #tpu.memory_space<hbm>>
    tpu.enqueue_dma source(%dma_start3A_80 : memref<128xi32, #tpu.memory_space<hbm>>) target(%arg9 : memref<128xi32, #tpu.memory_space<vmem>>) target_semaphore(%arg14 : memref<!tpu.dma_semaphore, #tpu.memory_space<semaphore_mem>>)
    %scan3A_81 = arith.constant 0 : i32
    %scan3A_82 = arith.constant 39 : i32
    %scan3A_83 = arith.addi %scan3A_81, %scan3A_82 : i32
    %scan3A_84 = arith.constant 1 : i32
    scf.for %scan3A_138 = %scan3A_81 to %scan3A_83 step %scan3A_84  : i32 {
      %mul3A_139 = arith.constant 1 : i32
      %mul3A_140 = arith.muli %scan3A_138, %mul3A_139 : i32
      %add3A_141 = arith.constant 0 : i32
      %add3A_142 = arith.addi %add3A_141, %mul3A_140 : i32
      %mul3A_143 = arith.constant 2 : i32
      %mul3A_144 = arith.muli %mul3A_143, %add3A_142 : i32
      %add3A_145 = arith.constant 1 : i32
      %add3A_146 = arith.addi %mul3A_144, %add3A_145 : i32
      %dma_wait3A_147 = arith.constant 0 : i32
      %dma_wait3A_148 = tpu.memref_slice %arg3[%add3A, %add3A_146, %dma_wait3A_147] : memref<32x79x128xi32, #tpu.memory_space<hbm>> -> memref<1x1x128xi32, #tpu.memory_space<hbm>>
      %dma_wait3A_149 = tpu.memref_squeeze %dma_wait3A_148 : memref<1x1x128xi32, #tpu.memory_space<hbm>> -> memref<128xi32, #tpu.memory_space<hbm>>
      %dma_wait3A_150 = arith.constant 0 : i32
      %dma_wait3A_151 = tpu.memref_slice %arg3[%add3A, %add3A_146, %dma_wait3A_150] : memref<32x79x128xi32, #tpu.memory_space<hbm>> -> memref<1x1x128xi32, #tpu.memory_space<hbm>>
      %dma_wait3A_152 = tpu.memref_squeeze %dma_wait3A_151 : memref<1x1x128xi32, #tpu.memory_space<hbm>> -> memref<128xi32, #tpu.memory_space<hbm>>
      tpu.wait_dma2 semaphore(%arg14 : memref<!tpu.dma_semaphore, #tpu.memory_space<semaphore_mem>>) src(%dma_wait3A_152 : memref<128xi32, #tpu.memory_space<hbm>>) dst(%arg7 : memref<128xi32, #tpu.memory_space<vmem>>)
      %dma_wait3A_153 = arith.constant 0 : i32
      %dma_wait3A_154 = tpu.memref_slice %arg4[%add3A, %add3A_146, %dma_wait3A_153] : memref<32x79x128xi32, #tpu.memory_space<hbm>> -> memref<1x1x128xi32, #tpu.memory_space<hbm>>
      %dma_wait3A_155 = tpu.memref_squeeze %dma_wait3A_154 : memref<1x1x128xi32, #tpu.memory_space<hbm>> -> memref<128xi32, #tpu.memory_space<hbm>>
      %dma_wait3A_156 = arith.constant 0 : i32
      %dma_wait3A_157 = tpu.memref_slice %arg4[%add3A, %add3A_146, %dma_wait3A_156] : memref<32x79x128xi32, #tpu.memory_space<hbm>> -> memref<1x1x128xi32, #tpu.memory_space<hbm>>
      %dma_wait3A_158 = tpu.memref_squeeze %dma_wait3A_157 : memref<1x1x128xi32, #tpu.memory_space<hbm>> -> memref<128xi32, #tpu.memory_space<hbm>>
      tpu.wait_dma2 semaphore(%arg14 : memref<!tpu.dma_semaphore, #tpu.memory_space<semaphore_mem>>) src(%dma_wait3A_158 : memref<128xi32, #tpu.memory_space<hbm>>) dst(%arg9 : memref<128xi32, #tpu.memory_space<vmem>>)
      %dma_start3A_159 = arith.constant 0 : i32
      %dma_start3A_160 = arith.constant 0 : i32
      %dma_start3A_161 = tpu.memref_slice %arg2[%dma_start3A_159, %dma_start3A_160] : memref<10000x128xf32, #tpu.memory_space<hbm>> -> memref<10000x128xf32, #tpu.memory_space<hbm>>
      tpu.enqueue_indirect_dma source(%dma_start3A_161 : memref<10000x128xf32, #tpu.memory_space<hbm>>) target(%arg11 : memref<128x128xf32, #tpu.memory_space<vmem>>) offsets(%arg7 : memref<128xi32, #tpu.memory_space<vmem>>) semaphore(%arg16 : memref<!tpu.dma_semaphore, #tpu.memory_space<semaphore_mem>>)
      %dma_wait3A_162 = arith.constant 0 : i32
      %dma_wait3A_163 = arith.constant 0 : i32
      %dma_wait3A_164 = tpu.memref_slice %arg2[%dma_wait3A_162, %dma_wait3A_163] : memref<10000x128xf32, #tpu.memory_space<hbm>> -> memref<10000x128xf32, #tpu.memory_space<hbm>>
      tpu.wait_indirect_dma semaphore(%arg15 : memref<!tpu.dma_semaphore, #tpu.memory_space<semaphore_mem>>) src(%dma_wait3A_164 : memref<10000x128xf32, #tpu.memory_space<hbm>>) dst(%arg10 : memref<128x128xf32, #tpu.memory_space<vmem>>)
      %dma_start3A_165 = arith.constant 0 : i32
      %dma_start3A_166 = arith.constant 0 : i32
      %dma_start3A_167 = tpu.memref_slice %arg12[%dma_start3A_165, %dma_start3A_166] : memref<10112x128xf32, #tpu.memory_space<vmem_shared>> -> memref<10112x128xf32, #tpu.memory_space<vmem_shared>>
      tpu.enqueue_indirect_dma source(%arg10 : memref<128x128xf32, #tpu.memory_space<vmem>>) target(%dma_start3A_167 : memref<10112x128xf32, #tpu.memory_space<vmem_shared>>) offsets(%arg8 : memref<128xi32, #tpu.memory_space<vmem>>) semaphore(%arg17 : memref<!tpu.dma_semaphore, #tpu.memory_space<semaphore_mem>>) {add = true}
      %add3A_168 = arith.constant 2 : i32
      %add3A_169 = arith.addi %mul3A_144, %add3A_168 : i32
      %lt3A_170 = arith.constant 79 : i32
      %lt3A_171 = arith.cmpi slt, %add3A_169, %lt3A_170 : i32
      %convert_element_type3A_172 = arith.extui %lt3A_171 : i1 to i32
      %cond3A_173 = arith.constant 0 : i32
      %cond3A_174 = arith.cmpi ne, %convert_element_type3A_172, %cond3A_173 : i32
      scf.if %cond3A_174 {
        %dma_wait3A_188 = arith.constant 0 : i32
        %dma_wait3A_189 = arith.constant 0 : i32
        %dma_wait3A_190 = tpu.memref_slice %arg12[%dma_wait3A_188, %dma_wait3A_189] : memref<10112x128xf32, #tpu.memory_space<vmem_shared>> -> memref<10112x128xf32, #tpu.memory_space<vmem_shared>>
        tpu.wait_indirect_dma semaphore(%arg17 : memref<!tpu.dma_semaphore, #tpu.memory_space<semaphore_mem>>) src(%arg10 : memref<128x128xf32, #tpu.memory_space<vmem>>) dst(%dma_wait3A_190 : memref<10112x128xf32, #tpu.memory_space<vmem_shared>>)
        %add3A_191 = arith.constant 2 : i32
        %add3A_192 = arith.addi %mul3A_144, %add3A_191 : i32
        %dma_start3A_193 = arith.constant 0 : i32
        %dma_start3A_194 = tpu.memref_slice %arg3[%add3A, %add3A_192, %dma_start3A_193] : memref<32x79x128xi32, #tpu.memory_space<hbm>> -> memref<1x1x128xi32, #tpu.memory_space<hbm>>
        %dma_start3A_195 = tpu.memref_squeeze %dma_start3A_194 : memref<1x1x128xi32, #tpu.memory_space<hbm>> -> memref<128xi32, #tpu.memory_space<hbm>>
        %dma_start3A_196 = arith.constant 0 : i32
        %dma_start3A_197 = tpu.memref_slice %arg3[%add3A, %add3A_192, %dma_start3A_196] : memref<32x79x128xi32, #tpu.memory_space<hbm>> -> memref<1x1x128xi32, #tpu.memory_space<hbm>>
        %dma_start3A_198 = tpu.memref_squeeze %dma_start3A_197 : memref<1x1x128xi32, #tpu.memory_space<hbm>> -> memref<128xi32, #tpu.memory_space<hbm>>
        tpu.enqueue_dma source(%dma_start3A_198 : memref<128xi32, #tpu.memory_space<hbm>>) target(%arg6 : memref<128xi32, #tpu.memory_space<vmem>>) target_semaphore(%arg13 : memref<!tpu.dma_semaphore, #tpu.memory_space<semaphore_mem>>)
        %dma_start3A_199 = arith.constant 0 : i32
        %dma_start3A_200 = tpu.memref_slice %arg4[%add3A, %add3A_192, %dma_start3A_199] : memref<32x79x128xi32, #tpu.memory_space<hbm>> -> memref<1x1x128xi32, #tpu.memory_space<hbm>>
        %dma_start3A_201 = tpu.memref_squeeze %dma_start3A_200 : memref<1x1x128xi32, #tpu.memory_space<hbm>> -> memref<128xi32, #tpu.memory_space<hbm>>
        %dma_start3A_202 = arith.constant 0 : i32
        %dma_start3A_203 = tpu.memref_slice %arg4[%add3A, %add3A_192, %dma_start3A_202] : memref<32x79x128xi32, #tpu.memory_space<hbm>> -> memref<1x1x128xi32, #tpu.memory_space<hbm>>
        %dma_start3A_204 = tpu.memref_squeeze %dma_start3A_203 : memref<1x1x128xi32, #tpu.memory_space<hbm>> -> memref<128xi32, #tpu.memory_space<hbm>>
        tpu.enqueue_dma source(%dma_start3A_204 : memref<128xi32, #tpu.memory_space<hbm>>) target(%arg8 : memref<128xi32, #tpu.memory_space<vmem>>) target_semaphore(%arg13 : memref<!tpu.dma_semaphore, #tpu.memory_space<semaphore_mem>>)
        %add3A_205 = arith.constant 2 : i32
        %add3A_206 = arith.addi %mul3A_144, %add3A_205 : i32
        %dma_wait3A_207 = arith.constant 0 : i32
        %dma_wait3A_208 = tpu.memref_slice %arg3[%add3A, %add3A_206, %dma_wait3A_207] : memref<32x79x128xi32, #tpu.memory_space<hbm>> -> memref<1x1x128xi32, #tpu.memory_space<hbm>>
        %dma_wait3A_209 = tpu.memref_squeeze %dma_wait3A_208 : memref<1x1x128xi32, #tpu.memory_space<hbm>> -> memref<128xi32, #tpu.memory_space<hbm>>
        %dma_wait3A_210 = arith.constant 0 : i32
        %dma_wait3A_211 = tpu.memref_slice %arg3[%add3A, %add3A_206, %dma_wait3A_210] : memref<32x79x128xi32, #tpu.memory_space<hbm>> -> memref<1x1x128xi32, #tpu.memory_space<hbm>>
        %dma_wait3A_212 = tpu.memref_squeeze %dma_wait3A_211 : memref<1x1x128xi32, #tpu.memory_space<hbm>> -> memref<128xi32, #tpu.memory_space<hbm>>
        tpu.wait_dma2 semaphore(%arg13 : memref<!tpu.dma_semaphore, #tpu.memory_space<semaphore_mem>>) src(%dma_wait3A_212 : memref<128xi32, #tpu.memory_space<hbm>>) dst(%arg6 : memref<128xi32, #tpu.memory_space<vmem>>)
        %dma_wait3A_213 = arith.constant 0 : i32
        %dma_wait3A_214 = tpu.memref_slice %arg4[%add3A, %add3A_206, %dma_wait3A_213] : memref<32x79x128xi32, #tpu.memory_space<hbm>> -> memref<1x1x128xi32, #tpu.memory_space<hbm>>
        %dma_wait3A_215 = tpu.memref_squeeze %dma_wait3A_214 : memref<1x1x128xi32, #tpu.memory_space<hbm>> -> memref<128xi32, #tpu.memory_space<hbm>>
        %dma_wait3A_216 = arith.constant 0 : i32
        %dma_wait3A_217 = tpu.memref_slice %arg4[%add3A, %add3A_206, %dma_wait3A_216] : memref<32x79x128xi32, #tpu.memory_space<hbm>> -> memref<1x1x128xi32, #tpu.memory_space<hbm>>
        %dma_wait3A_218 = tpu.memref_squeeze %dma_wait3A_217 : memref<1x1x128xi32, #tpu.memory_space<hbm>> -> memref<128xi32, #tpu.memory_space<hbm>>
        tpu.wait_dma2 semaphore(%arg13 : memref<!tpu.dma_semaphore, #tpu.memory_space<semaphore_mem>>) src(%dma_wait3A_218 : memref<128xi32, #tpu.memory_space<hbm>>) dst(%arg8 : memref<128xi32, #tpu.memory_space<vmem>>)
        %dma_start3A_219 = arith.constant 0 : i32
        %dma_start3A_220 = arith.constant 0 : i32
        %dma_start3A_221 = tpu.memref_slice %arg2[%dma_start3A_219, %dma_start3A_220] : memref<10000x128xf32, #tpu.memory_space<hbm>> -> memref<10000x128xf32, #tpu.memory_space<hbm>>
        tpu.enqueue_indirect_dma source(%dma_start3A_221 : memref<10000x128xf32, #tpu.memory_space<hbm>>) target(%arg10 : memref<128x128xf32, #tpu.memory_space<vmem>>) offsets(%arg6 : memref<128xi32, #tpu.memory_space<vmem>>) semaphore(%arg15 : memref<!tpu.dma_semaphore, #tpu.memory_space<semaphore_mem>>)
      } else {
      }
      %dma_wait3A_175 = arith.constant 0 : i32
      %dma_wait3A_176 = arith.constant 0 : i32
      %dma_wait3A_177 = tpu.memref_slice %arg2[%dma_wait3A_175, %dma_wait3A_176] : memref<10000x128xf32, #tpu.memory_space<hbm>> -> memref<10000x128xf32, #tpu.memory_space<hbm>>
      tpu.wait_indirect_dma semaphore(%arg16 : memref<!tpu.dma_semaphore, #tpu.memory_space<semaphore_mem>>) src(%dma_wait3A_177 : memref<10000x128xf32, #tpu.memory_space<hbm>>) dst(%arg11 : memref<128x128xf32, #tpu.memory_space<vmem>>)
      %dma_start3A_178 = arith.constant 0 : i32
      %dma_start3A_179 = arith.constant 0 : i32
      %dma_start3A_180 = tpu.memref_slice %arg12[%dma_start3A_178, %dma_start3A_179] : memref<10112x128xf32, #tpu.memory_space<vmem_shared>> -> memref<10112x128xf32, #tpu.memory_space<vmem_shared>>
      tpu.enqueue_indirect_dma source(%arg11 : memref<128x128xf32, #tpu.memory_space<vmem>>) target(%dma_start3A_180 : memref<10112x128xf32, #tpu.memory_space<vmem_shared>>) offsets(%arg9 : memref<128xi32, #tpu.memory_space<vmem>>) semaphore(%arg18 : memref<!tpu.dma_semaphore, #tpu.memory_space<semaphore_mem>>) {add = true}
      %add3A_181 = arith.constant 3 : i32
      %add3A_182 = arith.addi %mul3A_144, %add3A_181 : i32
      %lt3A_183 = arith.constant 79 : i32
      %lt3A_184 = arith.cmpi slt, %add3A_182, %lt3A_183 : i32
      %convert_element_type3A_185 = arith.extui %lt3A_184 : i1 to i32
      %cond3A_186 = arith.constant 0 : i32
      %cond3A_187 = arith.cmpi ne, %convert_element_type3A_185, %cond3A_186 : i32
      scf.if %cond3A_187 {
        %dma_wait3A_188 = arith.constant 0 : i32
        %dma_wait3A_189 = arith.constant 0 : i32
        %dma_wait3A_190 = tpu.memref_slice %arg12[%dma_wait3A_188, %dma_wait3A_189] : memref<10112x128xf32, #tpu.memory_space<vmem_shared>> -> memref<10112x128xf32, #tpu.memory_space<vmem_shared>>
        tpu.wait_indirect_dma semaphore(%arg18 : memref<!tpu.dma_semaphore, #tpu.memory_space<semaphore_mem>>) src(%arg11 : memref<128x128xf32, #tpu.memory_space<vmem>>) dst(%dma_wait3A_190 : memref<10112x128xf32, #tpu.memory_space<vmem_shared>>)
        %add3A_191 = arith.constant 3 : i32
        %add3A_192 = arith.addi %mul3A_144, %add3A_191 : i32
        %dma_start3A_193 = arith.constant 0 : i32
        %dma_start3A_194 = tpu.memref_slice %arg3[%add3A, %add3A_192, %dma_start3A_193] : memref<32x79x128xi32, #tpu.memory_space<hbm>> -> memref<1x1x128xi32, #tpu.memory_space<hbm>>
        %dma_start3A_195 = tpu.memref_squeeze %dma_start3A_194 : memref<1x1x128xi32, #tpu.memory_space<hbm>> -> memref<128xi32, #tpu.memory_space<hbm>>
        %dma_start3A_196 = arith.constant 0 : i32
        %dma_start3A_197 = tpu.memref_slice %arg3[%add3A, %add3A_192, %dma_start3A_196] : memref<32x79x128xi32, #tpu.memory_space<hbm>> -> memref<1x1x128xi32, #tpu.memory_space<hbm>>
        %dma_start3A_198 = tpu.memref_squeeze %dma_start3A_197 : memref<1x1x128xi32, #tpu.memory_space<hbm>> -> memref<128xi32, #tpu.memory_space<hbm>>
        tpu.enqueue_dma source(%dma_start3A_198 : memref<128xi32, #tpu.memory_space<hbm>>) target(%arg7 : memref<128xi32, #tpu.memory_space<vmem>>) target_semaphore(%arg14 : memref<!tpu.dma_semaphore, #tpu.memory_space<semaphore_mem>>)
        %dma_start3A_199 = arith.constant 0 : i32
        %dma_start3A_200 = tpu.memref_slice %arg4[%add3A, %add3A_192, %dma_start3A_199] : memref<32x79x128xi32, #tpu.memory_space<hbm>> -> memref<1x1x128xi32, #tpu.memory_space<hbm>>
        %dma_start3A_201 = tpu.memref_squeeze %dma_start3A_200 : memref<1x1x128xi32, #tpu.memory_space<hbm>> -> memref<128xi32, #tpu.memory_space<hbm>>
        %dma_start3A_202 = arith.constant 0 : i32
        %dma_start3A_203 = tpu.memref_slice %arg4[%add3A, %add3A_192, %dma_start3A_202] : memref<32x79x128xi32, #tpu.memory_space<hbm>> -> memref<1x1x128xi32, #tpu.memory_space<hbm>>
        %dma_start3A_204 = tpu.memref_squeeze %dma_start3A_203 : memref<1x1x128xi32, #tpu.memory_space<hbm>> -> memref<128xi32, #tpu.memory_space<hbm>>
        tpu.enqueue_dma source(%dma_start3A_204 : memref<128xi32, #tpu.memory_space<hbm>>) target(%arg9 : memref<128xi32, #tpu.memory_space<vmem>>) target_semaphore(%arg14 : memref<!tpu.dma_semaphore, #tpu.memory_space<semaphore_mem>>)
      } else {
      }
    }
    %scan3A_85 = arith.constant 39 : i32
    %dma_wait3A_86 = arith.constant 0 : i32
    %dma_wait3A_87 = arith.constant 0 : i32
    %dma_wait3A_88 = tpu.memref_slice %arg2[%dma_wait3A_86, %dma_wait3A_87] : memref<10000x128xf32, #tpu.memory_space<hbm>> -> memref<10000x128xf32, #tpu.memory_space<hbm>>
    tpu.wait_indirect_dma semaphore(%arg15 : memref<!tpu.dma_semaphore, #tpu.memory_space<semaphore_mem>>) src(%dma_wait3A_88 : memref<10000x128xf32, #tpu.memory_space<hbm>>) dst(%arg10 : memref<128x128xf32, #tpu.memory_space<vmem>>)
    %dma_start3A_89 = arith.constant 0 : i32
    %dma_start3A_90 = arith.constant 0 : i32
    %dma_start3A_91 = tpu.memref_slice %arg12[%dma_start3A_89, %dma_start3A_90] : memref<10112x128xf32, #tpu.memory_space<vmem_shared>> -> memref<10112x128xf32, #tpu.memory_space<vmem_shared>>
    tpu.enqueue_indirect_dma source(%arg10 : memref<128x128xf32, #tpu.memory_space<vmem>>) target(%dma_start3A_91 : memref<10112x128xf32, #tpu.memory_space<vmem_shared>>) offsets(%arg8 : memref<128xi32, #tpu.memory_space<vmem>>) semaphore(%arg17 : memref<!tpu.dma_semaphore, #tpu.memory_space<semaphore_mem>>) {add = true}
    %dma_wait3A_92 = arith.constant 0 : i32
    %dma_wait3A_93 = arith.constant 0 : i32
    %dma_wait3A_94 = tpu.memref_slice %arg12[%dma_wait3A_92, %dma_wait3A_93] : memref<10112x128xf32, #tpu.memory_space<vmem_shared>> -> memref<10112x128xf32, #tpu.memory_space<vmem_shared>>
    tpu.wait_indirect_dma semaphore(%arg17 : memref<!tpu.dma_semaphore, #tpu.memory_space<semaphore_mem>>) src(%arg10 : memref<128x128xf32, #tpu.memory_space<vmem>>) dst(%dma_wait3A_94 : memref<10112x128xf32, #tpu.memory_space<vmem_shared>>)
    %dma_wait3A_95 = arith.constant 0 : i32
    %dma_wait3A_96 = arith.constant 0 : i32
    %dma_wait3A_97 = tpu.memref_slice %arg12[%dma_wait3A_95, %dma_wait3A_96] : memref<10112x128xf32, #tpu.memory_space<vmem_shared>> -> memref<10112x128xf32, #tpu.memory_space<vmem_shared>>
    tpu.wait_indirect_dma semaphore(%arg18 : memref<!tpu.dma_semaphore, #tpu.memory_space<semaphore_mem>>) src(%arg11 : memref<128x128xf32, #tpu.memory_space<vmem>>) dst(%dma_wait3A_97 : memref<10112x128xf32, #tpu.memory_space<vmem_shared>>)
    %barrier3A_98 = arith.constant 0 : index
    tpu.barrier barrier_id(%barrier3A_98)
    %add3A_99 = arith.constant 0 : i32
    %add3A_100 = arith.addi %arg1, %add3A_99 : i32
    %lt3A_101 = arith.constant 78 : i32
    %lt3A_102 = arith.cmpi slt, %add3A_100, %lt3A_101 : i32
    %convert_element_type3A_103 = arith.extui %lt3A_102 : i1 to i32
    %cond3A_104 = arith.constant 0 : i32
    %cond3A_105 = arith.cmpi ne, %convert_element_type3A_103, %cond3A_104 : i32
    scf.if %cond3A_105 {
      %mul3A_138 = arith.constant 128 : i32
      %mul3A_139 = arith.muli %add3A_100, %mul3A_138 : i32
      %multiple_of3A = tpu.assume_multiple %mul3A_139, 8 : i32
      "tpu.region"() ({
        %run_scoped3A = tpu.sem_alloc : memref<!tpu.dma_semaphore, #tpu.memory_space<semaphore_mem>>
        %dma_start3A_140 = arith.constant 0 : i32
        %dma_start3A_141 = tpu.memref_slice %arg12[%multiple_of3A, %dma_start3A_140] : memref<10112x128xf32, #tpu.memory_space<vmem_shared>> -> memref<128x128xf32, #tpu.memory_space<vmem_shared>>
        %dma_start3A_142 = arith.constant 0 : i32
        %dma_start3A_143 = tpu.memref_slice %arg12[%multiple_of3A, %dma_start3A_142] : memref<10112x128xf32, #tpu.memory_space<vmem_shared>> -> memref<128x128xf32, #tpu.memory_space<vmem_shared>>
        tpu.enqueue_dma source(%dma_start3A_143 : memref<128x128xf32, #tpu.memory_space<vmem_shared>>) target(%arg10 : memref<128x128xf32, #tpu.memory_space<vmem>>) target_semaphore(%run_scoped3A : memref<!tpu.dma_semaphore, #tpu.memory_space<semaphore_mem>>)
        %dma_wait3A_144 = arith.constant 0 : i32
        %dma_wait3A_145 = tpu.memref_slice %arg12[%multiple_of3A, %dma_wait3A_144] : memref<10112x128xf32, #tpu.memory_space<vmem_shared>> -> memref<128x128xf32, #tpu.memory_space<vmem_shared>>
        %dma_wait3A_146 = arith.constant 0 : i32
        %dma_wait3A_147 = tpu.memref_slice %arg12[%multiple_of3A, %dma_wait3A_146] : memref<10112x128xf32, #tpu.memory_space<vmem_shared>> -> memref<128x128xf32, #tpu.memory_space<vmem_shared>>
        tpu.wait_dma2 semaphore(%run_scoped3A : memref<!tpu.dma_semaphore, #tpu.memory_space<semaphore_mem>>) src(%dma_wait3A_147 : memref<128x128xf32, #tpu.memory_space<vmem_shared>>) dst(%arg10 : memref<128x128xf32, #tpu.memory_space<vmem>>)
        tpu.yield
      }) : () -> ()
      "tpu.region"() ({
        %run_scoped3A = tpu.sem_alloc : memref<!tpu.dma_semaphore, #tpu.memory_space<semaphore_mem>>
        %dma_start3A_140 = arith.constant 0 : i32
        %dma_start3A_141 = tpu.memref_slice %arg5[%arg0, %multiple_of3A, %dma_start3A_140] : memref<2x10000x128xf32, #tpu.memory_space<hbm>> -> memref<1x128x128xf32, #tpu.memory_space<hbm>>
        %dma_start3A_142 = tpu.memref_squeeze %dma_start3A_141 : memref<1x128x128xf32, #tpu.memory_space<hbm>> -> memref<128x128xf32, #tpu.memory_space<hbm>>
        %dma_start3A_143 = arith.constant 0 : i32
        %dma_start3A_144 = tpu.memref_slice %arg5[%arg0, %multiple_of3A, %dma_start3A_143] : memref<2x10000x128xf32, #tpu.memory_space<hbm>> -> memref<1x128x128xf32, #tpu.memory_space<hbm>>
        %dma_start3A_145 = tpu.memref_squeeze %dma_start3A_144 : memref<1x128x128xf32, #tpu.memory_space<hbm>> -> memref<128x128xf32, #tpu.memory_space<hbm>>
        tpu.enqueue_dma source(%arg10 : memref<128x128xf32, #tpu.memory_space<vmem>>) target(%dma_start3A_145 : memref<128x128xf32, #tpu.memory_space<hbm>>) target_semaphore(%run_scoped3A : memref<!tpu.dma_semaphore, #tpu.memory_space<semaphore_mem>>)
        %dma_wait3A_146 = arith.constant 0 : i32
        %dma_wait3A_147 = tpu.memref_slice %arg5[%arg0, %multiple_of3A, %dma_wait3A_146] : memref<2x10000x128xf32, #tpu.memory_space<hbm>> -> memref<1x128x128xf32, #tpu.memory_space<hbm>>
        %dma_wait3A_148 = tpu.memref_squeeze %dma_wait3A_147 : memref<1x128x128xf32, #tpu.memory_space<hbm>> -> memref<128x128xf32, #tpu.memory_space<hbm>>
        %dma_wait3A_149 = arith.constant 0 : i32
        %dma_wait3A_150 = tpu.memref_slice %arg5[%arg0, %multiple_of3A, %dma_wait3A_149] : memref<2x10000x128xf32, #tpu.memory_space<hbm>> -> memref<1x128x128xf32, #tpu.memory_space<hbm>>
        %dma_wait3A_151 = tpu.memref_squeeze %dma_wait3A_150 : memref<1x128x128xf32, #tpu.memory_space<hbm>> -> memref<128x128xf32, #tpu.memory_space<hbm>>
        tpu.wait_dma2 semaphore(%run_scoped3A : memref<!tpu.dma_semaphore, #tpu.memory_space<semaphore_mem>>) src(%arg10 : memref<128x128xf32, #tpu.memory_space<vmem>>) dst(%dma_wait3A_151 : memref<128x128xf32, #tpu.memory_space<hbm>>)
        tpu.yield
      }) : () -> ()
    } else {
    }
    %add3A_106 = arith.constant 16 : i32
    %add3A_107 = arith.addi %arg1, %add3A_106 : i32
    %lt3A_108 = arith.constant 78 : i32
    %lt3A_109 = arith.cmpi slt, %add3A_107, %lt3A_108 : i32
    %convert_element_type3A_110 = arith.extui %lt3A_109 : i1 to i32
    %cond3A_111 = arith.constant 0 : i32
    %cond3A_112 = arith.cmpi ne, %convert_element_type3A_110, %cond3A_111 : i32
    scf.if %cond3A_112 {
      %mul3A_138 = arith.constant 128 : i32
      %mul3A_139 = arith.muli %add3A_107, %mul3A_138 : i32
      %multiple_of3A = tpu.assume_multiple %mul3A_139, 8 : i32
      "tpu.region"() ({
        %run_scoped3A = tpu.sem_alloc : memref<!tpu.dma_semaphore, #tpu.memory_space<semaphore_mem>>
        %dma_start3A_140 = arith.constant 0 : i32
        %dma_start3A_141 = tpu.memref_slice %arg12[%multiple_of3A, %dma_start3A_140] : memref<10112x128xf32, #tpu.memory_space<vmem_shared>> -> memref<128x128xf32, #tpu.memory_space<vmem_shared>>
        %dma_start3A_142 = arith.constant 0 : i32
        %dma_start3A_143 = tpu.memref_slice %arg12[%multiple_of3A, %dma_start3A_142] : memref<10112x128xf32, #tpu.memory_space<vmem_shared>> -> memref<128x128xf32, #tpu.memory_space<vmem_shared>>
        tpu.enqueue_dma source(%dma_start3A_143 : memref<128x128xf32, #tpu.memory_space<vmem_shared>>) target(%arg10 : memref<128x128xf32, #tpu.memory_space<vmem>>) target_semaphore(%run_scoped3A : memref<!tpu.dma_semaphore, #tpu.memory_space<semaphore_mem>>)
        %dma_wait3A_144 = arith.constant 0 : i32
        %dma_wait3A_145 = tpu.memref_slice %arg12[%multiple_of3A, %dma_wait3A_144] : memref<10112x128xf32, #tpu.memory_space<vmem_shared>> -> memref<128x128xf32, #tpu.memory_space<vmem_shared>>
        %dma_wait3A_146 = arith.constant 0 : i32
        %dma_wait3A_147 = tpu.memref_slice %arg12[%multiple_of3A, %dma_wait3A_146] : memref<10112x128xf32, #tpu.memory_space<vmem_shared>> -> memref<128x128xf32, #tpu.memory_space<vmem_shared>>
        tpu.wait_dma2 semaphore(%run_scoped3A : memref<!tpu.dma_semaphore, #tpu.memory_space<semaphore_mem>>) src(%dma_wait3A_147 : memref<128x128xf32, #tpu.memory_space<vmem_shared>>) dst(%arg10 : memref<128x128xf32, #tpu.memory_space<vmem>>)
        tpu.yield
      }) : () -> ()
      "tpu.region"() ({
        %run_scoped3A = tpu.sem_alloc : memref<!tpu.dma_semaphore, #tpu.memory_space<semaphore_mem>>
        %dma_start3A_140 = arith.constant 0 : i32
        %dma_start3A_141 = tpu.memref_slice %arg5[%arg0, %multiple_of3A, %dma_start3A_140] : memref<2x10000x128xf32, #tpu.memory_space<hbm>> -> memref<1x128x128xf32, #tpu.memory_space<hbm>>
        %dma_start3A_142 = tpu.memref_squeeze %dma_start3A_141 : memref<1x128x128xf32, #tpu.memory_space<hbm>> -> memref<128x128xf32, #tpu.memory_space<hbm>>
        %dma_start3A_143 = arith.constant 0 : i32
        %dma_start3A_144 = tpu.memref_slice %arg5[%arg0, %multiple_of3A, %dma_start3A_143] : memref<2x10000x128xf32, #tpu.memory_space<hbm>> -> memref<1x128x128xf32, #tpu.memory_space<hbm>>
        %dma_start3A_145 = tpu.memref_squeeze %dma_start3A_144 : memref<1x128x128xf32, #tpu.memory_space<hbm>> -> memref<128x128xf32, #tpu.memory_space<hbm>>
        tpu.enqueue_dma source(%arg10 : memref<128x128xf32, #tpu.memory_space<vmem>>) target(%dma_start3A_145 : memref<128x128xf32, #tpu.memory_space<hbm>>) target_semaphore(%run_scoped3A : memref<!tpu.dma_semaphore, #tpu.memory_space<semaphore_mem>>)
        %dma_wait3A_146 = arith.constant 0 : i32
        %dma_wait3A_147 = tpu.memref_slice %arg5[%arg0, %multiple_of3A, %dma_wait3A_146] : memref<2x10000x128xf32, #tpu.memory_space<hbm>> -> memref<1x128x128xf32, #tpu.memory_space<hbm>>
        %dma_wait3A_148 = tpu.memref_squeeze %dma_wait3A_147 : memref<1x128x128xf32, #tpu.memory_space<hbm>> -> memref<128x128xf32, #tpu.memory_space<hbm>>
        %dma_wait3A_149 = arith.constant 0 : i32
        %dma_wait3A_150 = tpu.memref_slice %arg5[%arg0, %multiple_of3A, %dma_wait3A_149] : memref<2x10000x128xf32, #tpu.memory_space<hbm>> -> memref<1x128x128xf32, #tpu.memory_space<hbm>>
        %dma_wait3A_151 = tpu.memref_squeeze %dma_wait3A_150 : memref<1x128x128xf32, #tpu.memory_space<hbm>> -> memref<128x128xf32, #tpu.memory_space<hbm>>
        tpu.wait_dma2 semaphore(%run_scoped3A : memref<!tpu.dma_semaphore, #tpu.memory_space<semaphore_mem>>) src(%arg10 : memref<128x128xf32, #tpu.memory_space<vmem>>) dst(%dma_wait3A_151 : memref<128x128xf32, #tpu.memory_space<hbm>>)
        tpu.yield
      }) : () -> ()
    } else {
    }
    %add3A_113 = arith.constant 32 : i32
    %add3A_114 = arith.addi %arg1, %add3A_113 : i32
    %lt3A_115 = arith.constant 78 : i32
    %lt3A_116 = arith.cmpi slt, %add3A_114, %lt3A_115 : i32
    %convert_element_type3A_117 = arith.extui %lt3A_116 : i1 to i32
    %cond3A_118 = arith.constant 0 : i32
    %cond3A_119 = arith.cmpi ne, %convert_element_type3A_117, %cond3A_118 : i32
    scf.if %cond3A_119 {
      %mul3A_138 = arith.constant 128 : i32
      %mul3A_139 = arith.muli %add3A_114, %mul3A_138 : i32
      %multiple_of3A = tpu.assume_multiple %mul3A_139, 8 : i32
      "tpu.region"() ({
        %run_scoped3A = tpu.sem_alloc : memref<!tpu.dma_semaphore, #tpu.memory_space<semaphore_mem>>
        %dma_start3A_140 = arith.constant 0 : i32
        %dma_start3A_141 = tpu.memref_slice %arg12[%multiple_of3A, %dma_start3A_140] : memref<10112x128xf32, #tpu.memory_space<vmem_shared>> -> memref<128x128xf32, #tpu.memory_space<vmem_shared>>
        %dma_start3A_142 = arith.constant 0 : i32
        %dma_start3A_143 = tpu.memref_slice %arg12[%multiple_of3A, %dma_start3A_142] : memref<10112x128xf32, #tpu.memory_space<vmem_shared>> -> memref<128x128xf32, #tpu.memory_space<vmem_shared>>
        tpu.enqueue_dma source(%dma_start3A_143 : memref<128x128xf32, #tpu.memory_space<vmem_shared>>) target(%arg10 : memref<128x128xf32, #tpu.memory_space<vmem>>) target_semaphore(%run_scoped3A : memref<!tpu.dma_semaphore, #tpu.memory_space<semaphore_mem>>)
        %dma_wait3A_144 = arith.constant 0 : i32
        %dma_wait3A_145 = tpu.memref_slice %arg12[%multiple_of3A, %dma_wait3A_144] : memref<10112x128xf32, #tpu.memory_space<vmem_shared>> -> memref<128x128xf32, #tpu.memory_space<vmem_shared>>
        %dma_wait3A_146 = arith.constant 0 : i32
        %dma_wait3A_147 = tpu.memref_slice %arg12[%multiple_of3A, %dma_wait3A_146] : memref<10112x128xf32, #tpu.memory_space<vmem_shared>> -> memref<128x128xf32, #tpu.memory_space<vmem_shared>>
        tpu.wait_dma2 semaphore(%run_scoped3A : memref<!tpu.dma_semaphore, #tpu.memory_space<semaphore_mem>>) src(%dma_wait3A_147 : memref<128x128xf32, #tpu.memory_space<vmem_shared>>) dst(%arg10 : memref<128x128xf32, #tpu.memory_space<vmem>>)
        tpu.yield
      }) : () -> ()
      "tpu.region"() ({
        %run_scoped3A = tpu.sem_alloc : memref<!tpu.dma_semaphore, #tpu.memory_space<semaphore_mem>>
        %dma_start3A_140 = arith.constant 0 : i32
        %dma_start3A_141 = tpu.memref_slice %arg5[%arg0, %multiple_of3A, %dma_start3A_140] : memref<2x10000x128xf32, #tpu.memory_space<hbm>> -> memref<1x128x128xf32, #tpu.memory_space<hbm>>
        %dma_start3A_142 = tpu.memref_squeeze %dma_start3A_141 : memref<1x128x128xf32, #tpu.memory_space<hbm>> -> memref<128x128xf32, #tpu.memory_space<hbm>>
        %dma_start3A_143 = arith.constant 0 : i32
        %dma_start3A_144 = tpu.memref_slice %arg5[%arg0, %multiple_of3A, %dma_start3A_143] : memref<2x10000x128xf32, #tpu.memory_space<hbm>> -> memref<1x128x128xf32, #tpu.memory_space<hbm>>
        %dma_start3A_145 = tpu.memref_squeeze %dma_start3A_144 : memref<1x128x128xf32, #tpu.memory_space<hbm>> -> memref<128x128xf32, #tpu.memory_space<hbm>>
        tpu.enqueue_dma source(%arg10 : memref<128x128xf32, #tpu.memory_space<vmem>>) target(%dma_start3A_145 : memref<128x128xf32, #tpu.memory_space<hbm>>) target_semaphore(%run_scoped3A : memref<!tpu.dma_semaphore, #tpu.memory_space<semaphore_mem>>)
        %dma_wait3A_146 = arith.constant 0 : i32
        %dma_wait3A_147 = tpu.memref_slice %arg5[%arg0, %multiple_of3A, %dma_wait3A_146] : memref<2x10000x128xf32, #tpu.memory_space<hbm>> -> memref<1x128x128xf32, #tpu.memory_space<hbm>>
        %dma_wait3A_148 = tpu.memref_squeeze %dma_wait3A_147 : memref<1x128x128xf32, #tpu.memory_space<hbm>> -> memref<128x128xf32, #tpu.memory_space<hbm>>
        %dma_wait3A_149 = arith.constant 0 : i32
        %dma_wait3A_150 = tpu.memref_slice %arg5[%arg0, %multiple_of3A, %dma_wait3A_149] : memref<2x10000x128xf32, #tpu.memory_space<hbm>> -> memref<1x128x128xf32, #tpu.memory_space<hbm>>
        %dma_wait3A_151 = tpu.memref_squeeze %dma_wait3A_150 : memref<1x128x128xf32, #tpu.memory_space<hbm>> -> memref<128x128xf32, #tpu.memory_space<hbm>>
        tpu.wait_dma2 semaphore(%run_scoped3A : memref<!tpu.dma_semaphore, #tpu.memory_space<semaphore_mem>>) src(%arg10 : memref<128x128xf32, #tpu.memory_space<vmem>>) dst(%dma_wait3A_151 : memref<128x128xf32, #tpu.memory_space<hbm>>)
        tpu.yield
      }) : () -> ()
    } else {
    }
    %add3A_120 = arith.constant 48 : i32
    %add3A_121 = arith.addi %arg1, %add3A_120 : i32
    %lt3A_122 = arith.constant 78 : i32
    %lt3A_123 = arith.cmpi slt, %add3A_121, %lt3A_122 : i32
    %convert_element_type3A_124 = arith.extui %lt3A_123 : i1 to i32
    %cond3A_125 = arith.constant 0 : i32
    %cond3A_126 = arith.cmpi ne, %convert_element_type3A_124, %cond3A_125 : i32
    scf.if %cond3A_126 {
      %mul3A_138 = arith.constant 128 : i32
      %mul3A_139 = arith.muli %add3A_121, %mul3A_138 : i32
      %multiple_of3A = tpu.assume_multiple %mul3A_139, 8 : i32
      "tpu.region"() ({
        %run_scoped3A = tpu.sem_alloc : memref<!tpu.dma_semaphore, #tpu.memory_space<semaphore_mem>>
        %dma_start3A_140 = arith.constant 0 : i32
        %dma_start3A_141 = tpu.memref_slice %arg12[%multiple_of3A, %dma_start3A_140] : memref<10112x128xf32, #tpu.memory_space<vmem_shared>> -> memref<128x128xf32, #tpu.memory_space<vmem_shared>>
        %dma_start3A_142 = arith.constant 0 : i32
        %dma_start3A_143 = tpu.memref_slice %arg12[%multiple_of3A, %dma_start3A_142] : memref<10112x128xf32, #tpu.memory_space<vmem_shared>> -> memref<128x128xf32, #tpu.memory_space<vmem_shared>>
        tpu.enqueue_dma source(%dma_start3A_143 : memref<128x128xf32, #tpu.memory_space<vmem_shared>>) target(%arg10 : memref<128x128xf32, #tpu.memory_space<vmem>>) target_semaphore(%run_scoped3A : memref<!tpu.dma_semaphore, #tpu.memory_space<semaphore_mem>>)
        %dma_wait3A_144 = arith.constant 0 : i32
        %dma_wait3A_145 = tpu.memref_slice %arg12[%multiple_of3A, %dma_wait3A_144] : memref<10112x128xf32, #tpu.memory_space<vmem_shared>> -> memref<128x128xf32, #tpu.memory_space<vmem_shared>>
        %dma_wait3A_146 = arith.constant 0 : i32
        %dma_wait3A_147 = tpu.memref_slice %arg12[%multiple_of3A, %dma_wait3A_146] : memref<10112x128xf32, #tpu.memory_space<vmem_shared>> -> memref<128x128xf32, #tpu.memory_space<vmem_shared>>
        tpu.wait_dma2 semaphore(%run_scoped3A : memref<!tpu.dma_semaphore, #tpu.memory_space<semaphore_mem>>) src(%dma_wait3A_147 : memref<128x128xf32, #tpu.memory_space<vmem_shared>>) dst(%arg10 : memref<128x128xf32, #tpu.memory_space<vmem>>)
        tpu.yield
      }) : () -> ()
      "tpu.region"() ({
        %run_scoped3A = tpu.sem_alloc : memref<!tpu.dma_semaphore, #tpu.memory_space<semaphore_mem>>
        %dma_start3A_140 = arith.constant 0 : i32
        %dma_start3A_141 = tpu.memref_slice %arg5[%arg0, %multiple_of3A, %dma_start3A_140] : memref<2x10000x128xf32, #tpu.memory_space<hbm>> -> memref<1x128x128xf32, #tpu.memory_space<hbm>>
        %dma_start3A_142 = tpu.memref_squeeze %dma_start3A_141 : memref<1x128x128xf32, #tpu.memory_space<hbm>> -> memref<128x128xf32, #tpu.memory_space<hbm>>
        %dma_start3A_143 = arith.constant 0 : i32
        %dma_start3A_144 = tpu.memref_slice %arg5[%arg0, %multiple_of3A, %dma_start3A_143] : memref<2x10000x128xf32, #tpu.memory_space<hbm>> -> memref<1x128x128xf32, #tpu.memory_space<hbm>>
        %dma_start3A_145 = tpu.memref_squeeze %dma_start3A_144 : memref<1x128x128xf32, #tpu.memory_space<hbm>> -> memref<128x128xf32, #tpu.memory_space<hbm>>
        tpu.enqueue_dma source(%arg10 : memref<128x128xf32, #tpu.memory_space<vmem>>) target(%dma_start3A_145 : memref<128x128xf32, #tpu.memory_space<hbm>>) target_semaphore(%run_scoped3A : memref<!tpu.dma_semaphore, #tpu.memory_space<semaphore_mem>>)
        %dma_wait3A_146 = arith.constant 0 : i32
        %dma_wait3A_147 = tpu.memref_slice %arg5[%arg0, %multiple_of3A, %dma_wait3A_146] : memref<2x10000x128xf32, #tpu.memory_space<hbm>> -> memref<1x128x128xf32, #tpu.memory_space<hbm>>
        %dma_wait3A_148 = tpu.memref_squeeze %dma_wait3A_147 : memref<1x128x128xf32, #tpu.memory_space<hbm>> -> memref<128x128xf32, #tpu.memory_space<hbm>>
        %dma_wait3A_149 = arith.constant 0 : i32
        %dma_wait3A_150 = tpu.memref_slice %arg5[%arg0, %multiple_of3A, %dma_wait3A_149] : memref<2x10000x128xf32, #tpu.memory_space<hbm>> -> memref<1x128x128xf32, #tpu.memory_space<hbm>>
        %dma_wait3A_151 = tpu.memref_squeeze %dma_wait3A_150 : memref<1x128x128xf32, #tpu.memory_space<hbm>> -> memref<128x128xf32, #tpu.memory_space<hbm>>
        tpu.wait_dma2 semaphore(%run_scoped3A : memref<!tpu.dma_semaphore, #tpu.memory_space<semaphore_mem>>) src(%arg10 : memref<128x128xf32, #tpu.memory_space<vmem>>) dst(%dma_wait3A_151 : memref<128x128xf32, #tpu.memory_space<hbm>>)
        tpu.yield
      }) : () -> ()
    } else {
    }
    %add3A_127 = arith.constant 64 : i32
    %add3A_128 = arith.addi %arg1, %add3A_127 : i32
    %lt3A_129 = arith.constant 78 : i32
    %lt3A_130 = arith.cmpi slt, %add3A_128, %lt3A_129 : i32
    %convert_element_type3A_131 = arith.extui %lt3A_130 : i1 to i32
    %cond3A_132 = arith.constant 0 : i32
    %cond3A_133 = arith.cmpi ne, %convert_element_type3A_131, %cond3A_132 : i32
    scf.if %cond3A_133 {
      %mul3A_138 = arith.constant 128 : i32
      %mul3A_139 = arith.muli %add3A_128, %mul3A_138 : i32
      %multiple_of3A = tpu.assume_multiple %mul3A_139, 8 : i32
      "tpu.region"() ({
        %run_scoped3A = tpu.sem_alloc : memref<!tpu.dma_semaphore, #tpu.memory_space<semaphore_mem>>
        %dma_start3A_140 = arith.constant 0 : i32
        %dma_start3A_141 = tpu.memref_slice %arg12[%multiple_of3A, %dma_start3A_140] : memref<10112x128xf32, #tpu.memory_space<vmem_shared>> -> memref<128x128xf32, #tpu.memory_space<vmem_shared>>
        %dma_start3A_142 = arith.constant 0 : i32
        %dma_start3A_143 = tpu.memref_slice %arg12[%multiple_of3A, %dma_start3A_142] : memref<10112x128xf32, #tpu.memory_space<vmem_shared>> -> memref<128x128xf32, #tpu.memory_space<vmem_shared>>
        tpu.enqueue_dma source(%dma_start3A_143 : memref<128x128xf32, #tpu.memory_space<vmem_shared>>) target(%arg10 : memref<128x128xf32, #tpu.memory_space<vmem>>) target_semaphore(%run_scoped3A : memref<!tpu.dma_semaphore, #tpu.memory_space<semaphore_mem>>)
        %dma_wait3A_144 = arith.constant 0 : i32
        %dma_wait3A_145 = tpu.memref_slice %arg12[%multiple_of3A, %dma_wait3A_144] : memref<10112x128xf32, #tpu.memory_space<vmem_shared>> -> memref<128x128xf32, #tpu.memory_space<vmem_shared>>
        %dma_wait3A_146 = arith.constant 0 : i32
        %dma_wait3A_147 = tpu.memref_slice %arg12[%multiple_of3A, %dma_wait3A_146] : memref<10112x128xf32, #tpu.memory_space<vmem_shared>> -> memref<128x128xf32, #tpu.memory_space<vmem_shared>>
        tpu.wait_dma2 semaphore(%run_scoped3A : memref<!tpu.dma_semaphore, #tpu.memory_space<semaphore_mem>>) src(%dma_wait3A_147 : memref<128x128xf32, #tpu.memory_space<vmem_shared>>) dst(%arg10 : memref<128x128xf32, #tpu.memory_space<vmem>>)
        tpu.yield
      }) : () -> ()
      "tpu.region"() ({
        %run_scoped3A = tpu.sem_alloc : memref<!tpu.dma_semaphore, #tpu.memory_space<semaphore_mem>>
        %dma_start3A_140 = arith.constant 0 : i32
        %dma_start3A_141 = tpu.memref_slice %arg5[%arg0, %multiple_of3A, %dma_start3A_140] : memref<2x10000x128xf32, #tpu.memory_space<hbm>> -> memref<1x128x128xf32, #tpu.memory_space<hbm>>
        %dma_start3A_142 = tpu.memref_squeeze %dma_start3A_141 : memref<1x128x128xf32, #tpu.memory_space<hbm>> -> memref<128x128xf32, #tpu.memory_space<hbm>>
        %dma_start3A_143 = arith.constant 0 : i32
        %dma_start3A_144 = tpu.memref_slice %arg5[%arg0, %multiple_of3A, %dma_start3A_143] : memref<2x10000x128xf32, #tpu.memory_space<hbm>> -> memref<1x128x128xf32, #tpu.memory_space<hbm>>
        %dma_start3A_145 = tpu.memref_squeeze %dma_start3A_144 : memref<1x128x128xf32, #tpu.memory_space<hbm>> -> memref<128x128xf32, #tpu.memory_space<hbm>>
        tpu.enqueue_dma source(%arg10 : memref<128x128xf32, #tpu.memory_space<vmem>>) target(%dma_start3A_145 : memref<128x128xf32, #tpu.memory_space<hbm>>) target_semaphore(%run_scoped3A : memref<!tpu.dma_semaphore, #tpu.memory_space<semaphore_mem>>)
        %dma_wait3A_146 = arith.constant 0 : i32
        %dma_wait3A_147 = tpu.memref_slice %arg5[%arg0, %multiple_of3A, %dma_wait3A_146] : memref<2x10000x128xf32, #tpu.memory_space<hbm>> -> memref<1x128x128xf32, #tpu.memory_space<hbm>>
        %dma_wait3A_148 = tpu.memref_squeeze %dma_wait3A_147 : memref<1x128x128xf32, #tpu.memory_space<hbm>> -> memref<128x128xf32, #tpu.memory_space<hbm>>
        %dma_wait3A_149 = arith.constant 0 : i32
        %dma_wait3A_150 = tpu.memref_slice %arg5[%arg0, %multiple_of3A, %dma_wait3A_149] : memref<2x10000x128xf32, #tpu.memory_space<hbm>> -> memref<1x128x128xf32, #tpu.memory_space<hbm>>
        %dma_wait3A_151 = tpu.memref_squeeze %dma_wait3A_150 : memref<1x128x128xf32, #tpu.memory_space<hbm>> -> memref<128x128xf32, #tpu.memory_space<hbm>>
        tpu.wait_dma2 semaphore(%run_scoped3A : memref<!tpu.dma_semaphore, #tpu.memory_space<semaphore_mem>>) src(%arg10 : memref<128x128xf32, #tpu.memory_space<vmem>>) dst(%dma_wait3A_151 : memref<128x128xf32, #tpu.memory_space<hbm>>)
        tpu.yield
      }) : () -> ()
    } else {
    }
    %eq3A = arith.constant 1 : i32
    %eq3A_134 = arith.cmpi eq, %arg1, %eq3A : i32
    %convert_element_type3A_135 = arith.extui %eq3A_134 : i1 to i32
    %cond3A_136 = arith.constant 0 : i32
    %cond3A_137 = arith.cmpi ne, %convert_element_type3A_135, %cond3A_136 : i32
    scf.if %cond3A_137 {
      "tpu.region"() ({
        %run_scoped3A = tpu.sem_alloc : memref<!tpu.dma_semaphore, #tpu.memory_space<semaphore_mem>>
        %dma_start3A_138 = arith.constant 0 : i32
        %dma_start3A_139 = arith.constant 0 : i32
        %dma_start3A_140 = tpu.memref_slice %arg11[%dma_start3A_138, %dma_start3A_139] : memref<128x128xf32, #tpu.memory_space<vmem>> -> memref<16x128xf32, #tpu.memory_space<vmem>>
        %dma_start3A_141 = arith.constant 9984 : i32
        %dma_start3A_142 = arith.constant 0 : i32
        %dma_start3A_143 = tpu.memref_slice %arg12[%dma_start3A_141, %dma_start3A_142] : memref<10112x128xf32, #tpu.memory_space<vmem_shared>> -> memref<16x128xf32, #tpu.memory_space<vmem_shared>>
        %dma_start3A_144 = arith.constant 0 : i32
        %dma_start3A_145 = arith.constant 0 : i32
        %dma_start3A_146 = tpu.memref_slice %arg11[%dma_start3A_144, %dma_start3A_145] : memref<128x128xf32, #tpu.memory_space<vmem>> -> memref<16x128xf32, #tpu.memory_space<vmem>>
        %dma_start3A_147 = arith.constant 9984 : i32
        %dma_start3A_148 = arith.constant 0 : i32
        %dma_start3A_149 = tpu.memref_slice %arg12[%dma_start3A_147, %dma_start3A_148] : memref<10112x128xf32, #tpu.memory_space<vmem_shared>> -> memref<16x128xf32, #tpu.memory_space<vmem_shared>>
        tpu.enqueue_dma source(%dma_start3A_149 : memref<16x128xf32, #tpu.memory_space<vmem_shared>>) target(%dma_start3A_146 : memref<16x128xf32, #tpu.memory_space<vmem>>) target_semaphore(%run_scoped3A : memref<!tpu.dma_semaphore, #tpu.memory_space<semaphore_mem>>)
        %dma_wait3A_150 = arith.constant 0 : i32
        %dma_wait3A_151 = arith.constant 0 : i32
        %dma_wait3A_152 = tpu.memref_slice %arg11[%dma_wait3A_150, %dma_wait3A_151] : memref<128x128xf32, #tpu.memory_space<vmem>> -> memref<16x128xf32, #tpu.memory_space<vmem>>
        %dma_wait3A_153 = arith.constant 9984 : i32
        %dma_wait3A_154 = arith.constant 0 : i32
        %dma_wait3A_155 = tpu.memref_slice %arg12[%dma_wait3A_153, %dma_wait3A_154] : memref<10112x128xf32, #tpu.memory_space<vmem_shared>> -> memref<16x128xf32, #tpu.memory_space<vmem_shared>>
        %dma_wait3A_156 = arith.constant 0 : i32
        %dma_wait3A_157 = arith.constant 0 : i32
        %dma_wait3A_158 = tpu.memref_slice %arg11[%dma_wait3A_156, %dma_wait3A_157] : memref<128x128xf32, #tpu.memory_space<vmem>> -> memref<16x128xf32, #tpu.memory_space<vmem>>
        %dma_wait3A_159 = arith.constant 9984 : i32
        %dma_wait3A_160 = arith.constant 0 : i32
        %dma_wait3A_161 = tpu.memref_slice %arg12[%dma_wait3A_159, %dma_wait3A_160] : memref<10112x128xf32, #tpu.memory_space<vmem_shared>> -> memref<16x128xf32, #tpu.memory_space<vmem_shared>>
        tpu.wait_dma2 semaphore(%run_scoped3A : memref<!tpu.dma_semaphore, #tpu.memory_space<semaphore_mem>>) src(%dma_wait3A_161 : memref<16x128xf32, #tpu.memory_space<vmem_shared>>) dst(%dma_wait3A_158 : memref<16x128xf32, #tpu.memory_space<vmem>>)
        tpu.yield
      }) : () -> ()
      "tpu.region"() ({
        %run_scoped3A = tpu.sem_alloc : memref<!tpu.dma_semaphore, #tpu.memory_space<semaphore_mem>>
        %dma_start3A_138 = arith.constant 0 : i32
        %dma_start3A_139 = arith.constant 0 : i32
        %dma_start3A_140 = tpu.memref_slice %arg11[%dma_start3A_138, %dma_start3A_139] : memref<128x128xf32, #tpu.memory_space<vmem>> -> memref<16x128xf32, #tpu.memory_space<vmem>>
        %dma_start3A_141 = arith.constant 9984 : i32
        %dma_start3A_142 = arith.constant 0 : i32
        %dma_start3A_143 = tpu.memref_slice %arg5[%arg0, %dma_start3A_141, %dma_start3A_142] : memref<2x10000x128xf32, #tpu.memory_space<hbm>> -> memref<1x16x128xf32, #tpu.memory_space<hbm>>
        %dma_start3A_144 = tpu.memref_squeeze %dma_start3A_143 : memref<1x16x128xf32, #tpu.memory_space<hbm>> -> memref<16x128xf32, #tpu.memory_space<hbm>>
        %dma_start3A_145 = arith.constant 9984 : i32
        %dma_start3A_146 = arith.constant 0 : i32
        %dma_start3A_147 = tpu.memref_slice %arg5[%arg0, %dma_start3A_145, %dma_start3A_146] : memref<2x10000x128xf32, #tpu.memory_space<hbm>> -> memref<1x16x128xf32, #tpu.memory_space<hbm>>
        %dma_start3A_148 = tpu.memref_squeeze %dma_start3A_147 : memref<1x16x128xf32, #tpu.memory_space<hbm>> -> memref<16x128xf32, #tpu.memory_space<hbm>>
        %dma_start3A_149 = arith.constant 0 : i32
        %dma_start3A_150 = arith.constant 0 : i32
        %dma_start3A_151 = tpu.memref_slice %arg11[%dma_start3A_149, %dma_start3A_150] : memref<128x128xf32, #tpu.memory_space<vmem>> -> memref<16x128xf32, #tpu.memory_space<vmem>>
        tpu.enqueue_dma source(%dma_start3A_151 : memref<16x128xf32, #tpu.memory_space<vmem>>) target(%dma_start3A_148 : memref<16x128xf32, #tpu.memory_space<hbm>>) target_semaphore(%run_scoped3A : memref<!tpu.dma_semaphore, #tpu.memory_space<semaphore_mem>>)
        %dma_wait3A_152 = arith.constant 0 : i32
        %dma_wait3A_153 = arith.constant 0 : i32
        %dma_wait3A_154 = tpu.memref_slice %arg11[%dma_wait3A_152, %dma_wait3A_153] : memref<128x128xf32, #tpu.memory_space<vmem>> -> memref<16x128xf32, #tpu.memory_space<vmem>>
        %dma_wait3A_155 = arith.constant 9984 : i32
        %dma_wait3A_156 = arith.constant 0 : i32
        %dma_wait3A_157 = tpu.memref_slice %arg5[%arg0, %dma_wait3A_155, %dma_wait3A_156] : memref<2x10000x128xf32, #tpu.memory_space<hbm>> -> memref<1x16x128xf32, #tpu.memory_space<hbm>>
        %dma_wait3A_158 = tpu.memref_squeeze %dma_wait3A_157 : memref<1x16x128xf32, #tpu.memory_space<hbm>> -> memref<16x128xf32, #tpu.memory_space<hbm>>
        %dma_wait3A_159 = arith.constant 9984 : i32
        %dma_wait3A_160 = arith.constant 0 : i32
        %dma_wait3A_161 = tpu.memref_slice %arg5[%arg0, %dma_wait3A_159, %dma_wait3A_160] : memref<2x10000x128xf32, #tpu.memory_space<hbm>> -> memref<1x16x128xf32, #tpu.memory_space<hbm>>
        %dma_wait3A_162 = tpu.memref_squeeze %dma_wait3A_161 : memref<1x16x128xf32, #tpu.memory_space<hbm>> -> memref<16x128xf32, #tpu.memory_space<hbm>>
        %dma_wait3A_163 = arith.constant 0 : i32
        %dma_wait3A_164 = arith.constant 0 : i32
        %dma_wait3A_165 = tpu.memref_slice %arg11[%dma_wait3A_163, %dma_wait3A_164] : memref<128x128xf32, #tpu.memory_space<vmem>> -> memref<16x128xf32, #tpu.memory_space<vmem>>
        tpu.wait_dma2 semaphore(%run_scoped3A : memref<!tpu.dma_semaphore, #tpu.memory_space<semaphore_mem>>) src(%dma_wait3A_165 : memref<16x128xf32, #tpu.memory_space<vmem>>) dst(%dma_wait3A_162 : memref<16x128xf32, #tpu.memory_space<hbm>>)
        tpu.yield
      }) : () -> ()
    } else {
    }
    return
  }
}

#map = affine_map<(d0, d1) -> (0, 0)>
#map1 = affine_map<(d0, d1) -> (0, 0, 0)>
module attributes {stable_mosaic.version = 14 : i64} {
  func.func @_scatter_body(%arg0: i32, %arg1: i32, %arg2: memref<10000x128xf32, #tpu.memory_space<hbm>>, %arg3: memref<32x79x128xi32, #tpu.memory_space<hbm>>, %arg4: memref<32x79x128xi32, #tpu.memory_space<hbm>>, %arg5: memref<2x10000x128xf32, #tpu.memory_space<hbm>>, %arg6: memref<128xi32, #tpu.memory_space<vmem>>, %arg7: memref<128xi32, #tpu.memory_space<vmem>>, %arg8: memref<128xi32, #tpu.memory_space<vmem>>, %arg9: memref<128xi32, #tpu.memory_space<vmem>>, %arg10: memref<128x128xf32, #tpu.memory_space<vmem>>, %arg11: memref<128x128xf32, #tpu.memory_space<vmem>>, %arg12: memref<10112x128xf32, #tpu.memory_space<vmem_shared>>, %arg13: memref<!tpu.dma_semaphore, #tpu.memory_space<semaphore_mem>>, %arg14: memref<!tpu.dma_semaphore, #tpu.memory_space<semaphore_mem>>, %arg15: memref<!tpu.dma_semaphore, #tpu.memory_space<semaphore_mem>>, %arg16: memref<!tpu.dma_semaphore, #tpu.memory_space<semaphore_mem>>, %arg17: memref<!tpu.dma_semaphore, #tpu.memory_space<semaphore_mem>>, %arg18: memref<!tpu.dma_semaphore, #tpu.memory_space<semaphore_mem>>) attributes {dimension_semantics = [#tpu.dimension_semantics<core_parallel>, #tpu.dimension_semantics<subcore_parallel>], iteration_bounds = array<i64: 2, 16>, scalar_prefetch = 0 : i64, scratch_operands = 13 : i64, tpu.core_type = #tpu.core_type<sc_vector_subcore>, window_params = [{transform_indices = #map}, {transform_indices = #map1}, {transform_indices = #map1}, {transform_indices = #map1}]} {
    %mul3A = arith.constant 16 : i32
    %mul3A_0 = arith.muli %arg0, %mul3A : i32
    %add3A = arith.addi %mul3A_0, %arg1 : i32
    %broadcast_in_dim3A = arith.constant 0.000000e+00 : f32
    %broadcast_in_dim3A_1 = vector.broadcast %broadcast_in_dim3A : f32 to vector<16xf32>
    %scan3A = arith.constant 0 : i32
    %scan3A_2 = arith.constant 128 : i32
    %scan3A_3 = arith.addi %scan3A, %scan3A_2 : i32
    %scan3A_4 = arith.constant 1 : i32
    scf.for %scan3A_138 = %scan3A to %scan3A_3 step %scan3A_4  : i32 {
      %mul3A_139 = arith.constant 1 : i32
      %mul3A_140 = arith.muli %scan3A_138, %mul3A_139 : i32
      %add3A_141 = arith.constant 0 : i32
      %add3A_142 = arith.addi %add3A_141, %mul3A_140 : i32
      %swap3A = arith.index_cast %add3A_142 : i32 to index
      %swap3A_143 = arith.constant 0 : index
      %swap3A_144 = tpu.vector_load %arg10[%swap3A, %swap3A_143] {strides = array<i32>} : memref<128x128xf32, #tpu.memory_space<vmem>>, vector<1x16xf32>,
      %swap3A_145 = vector.shape_cast %swap3A_144 : vector<1x16xf32> to vector<16xf32>
      %swap3A_146 = vector.shape_cast %broadcast_in_dim3A_1 : vector<16xf32> to vector<1x16xf32>
      tpu.vector_store %arg10[%swap3A, %swap3A_143], %swap3A_146 {strides = array<i32>} : memref<128x128xf32, #tpu.memory_space<vmem>>, vector<1x16xf32>,
      %swap3A_147 = arith.index_cast %add3A_142 : i32 to index
      %swap3A_148 = arith.constant 16 : index
      %swap3A_149 = tpu.vector_load %arg10[%swap3A_147, %swap3A_148] {strides = array<i32>} : memref<128x128xf32, #tpu.memory_space<vmem>>, vector<1x16xf32>,
      %swap3A_150 = vector.shape_cast %swap3A_149 : vector<1x16xf32> to vector<16xf32>
      %swap3A_151 = vector.shape_cast %broadcast_in_dim3A_1 : vector<16xf32> to vector<1x16xf32>
      tpu.vector_store %arg10[%swap3A_147, %swap3A_148], %swap3A_151 {strides = array<i32>} : memref<128x128xf32, #tpu.memory_space<vmem>>, vector<1x16xf32>,
      %swap3A_152 = arith.index_cast %add3A_142 : i32 to index
      %swap3A_153 = arith.constant 32 : index
      %swap3A_154 = tpu.vector_load %arg10[%swap3A_152, %swap3A_153] {strides = array<i32>} : memref<128x128xf32, #tpu.memory_space<vmem>>, vector<1x16xf32>,
      %swap3A_155 = vector.shape_cast %swap3A_154 : vector<1x16xf32> to vector<16xf32>
      %swap3A_156 = vector.shape_cast %broadcast_in_dim3A_1 : vector<16xf32> to vector<1x16xf32>
      tpu.vector_store %arg10[%swap3A_152, %swap3A_153], %swap3A_156 {strides = array<i32>} : memref<128x128xf32, #tpu.memory_space<vmem>>, vector<1x16xf32>,
      %swap3A_157 = arith.index_cast %add3A_142 : i32 to index
      %swap3A_158 = arith.constant 48 : index
      %swap3A_159 = tpu.vector_load %arg10[%swap3A_157, %swap3A_158] {strides = array<i32>} : memref<128x128xf32, #tpu.memory_space<vmem>>, vector<1x16xf32>,
      %swap3A_160 = vector.shape_cast %swap3A_159 : vector<1x16xf32> to vector<16xf32>
      %swap3A_161 = vector.shape_cast %broadcast_in_dim3A_1 : vector<16xf32> to vector<1x16xf32>
      tpu.vector_store %arg10[%swap3A_157, %swap3A_158], %swap3A_161 {strides = array<i32>} : memref<128x128xf32, #tpu.memory_space<vmem>>, vector<1x16xf32>,
      %swap3A_162 = arith.index_cast %add3A_142 : i32 to index
      %swap3A_163 = arith.constant 64 : index
      %swap3A_164 = tpu.vector_load %arg10[%swap3A_162, %swap3A_163] {strides = array<i32>} : memref<128x128xf32, #tpu.memory_space<vmem>>, vector<1x16xf32>,
      %swap3A_165 = vector.shape_cast %swap3A_164 : vector<1x16xf32> to vector<16xf32>
      %swap3A_166 = vector.shape_cast %broadcast_in_dim3A_1 : vector<16xf32> to vector<1x16xf32>
      tpu.vector_store %arg10[%swap3A_162, %swap3A_163], %swap3A_166 {strides = array<i32>} : memref<128x128xf32, #tpu.memory_space<vmem>>, vector<1x16xf32>,
      %swap3A_167 = arith.index_cast %add3A_142 : i32 to index
      %swap3A_168 = arith.constant 80 : index
      %swap3A_169 = tpu.vector_load %arg10[%swap3A_167, %swap3A_168] {strides = array<i32>} : memref<128x128xf32, #tpu.memory_space<vmem>>, vector<1x16xf32>,
      %swap3A_170 = vector.shape_cast %swap3A_169 : vector<1x16xf32> to vector<16xf32>
      %swap3A_171 = vector.shape_cast %broadcast_in_dim3A_1 : vector<16xf32> to vector<1x16xf32>
      tpu.vector_store %arg10[%swap3A_167, %swap3A_168], %swap3A_171 {strides = array<i32>} : memref<128x128xf32, #tpu.memory_space<vmem>>, vector<1x16xf32>,
      %swap3A_172 = arith.index_cast %add3A_142 : i32 to index
      %swap3A_173 = arith.constant 96 : index
      %swap3A_174 = tpu.vector_load %arg10[%swap3A_172, %swap3A_173] {strides = array<i32>} : memref<128x128xf32, #tpu.memory_space<vmem>>, vector<1x16xf32>,
      %swap3A_175 = vector.shape_cast %swap3A_174 : vector<1x16xf32> to vector<16xf32>
      %swap3A_176 = vector.shape_cast %broadcast_in_dim3A_1 : vector<16xf32> to vector<1x16xf32>
      tpu.vector_store %arg10[%swap3A_172, %swap3A_173], %swap3A_176 {strides = array<i32>} : memref<128x128xf32, #tpu.memory_space<vmem>>, vector<1x16xf32>,
      %swap3A_177 = arith.index_cast %add3A_142 : i32 to index
      %swap3A_178 = arith.constant 112 : index
      %swap3A_179 = tpu.vector_load %arg10[%swap3A_177, %swap3A_178] {strides = array<i32>} : memref<128x128xf32, #tpu.memory_space<vmem>>, vector<1x16xf32>,
      %swap3A_180 = vector.shape_cast %swap3A_179 : vector<1x16xf32> to vector<16xf32>
      %swap3A_181 = vector.shape_cast %broadcast_in_dim3A_1 : vector<16xf32> to vector<1x16xf32>
      tpu.vector_store %arg10[%swap3A_177, %swap3A_178], %swap3A_181 {strides = array<i32>} : memref<128x128xf32, #tpu.memory_space<vmem>>, vector<1x16xf32>,
    }
    %scan3A_5 = arith.constant 128 : i32
    %add3A_6 = arith.constant 0 : i32
    %add3A_7 = arith.addi %arg1, %add3A_6 : i32
    %lt3A = arith.constant 79 : i32
    %lt3A_8 = arith.cmpi slt, %add3A_7, %lt3A : i32
    %convert_element_type3A = arith.extui %lt3A_8 : i1 to i32
    %cond3A = arith.constant 0 : i32
    %cond3A_9 = arith.cmpi ne, %convert_element_type3A, %cond3A : i32
    scf.if %cond3A_9 {
      %mul3A_138 = arith.constant 128 : i32
      %mul3A_139 = arith.muli %add3A_7, %mul3A_138 : i32
      %multiple_of3A = tpu.assume_multiple %mul3A_139, 8 : i32
      "tpu.region"() ({
        %run_scoped3A = tpu.sem_alloc : memref<!tpu.dma_semaphore, #tpu.memory_space<semaphore_mem>>
        %dma_start3A_140 = arith.constant 0 : i32
        %dma_start3A_141 = tpu.memref_slice %arg12[%multiple_of3A, %dma_start3A_140] : memref<10112x128xf32, #tpu.memory_space<vmem_shared>> -> memref<128x128xf32, #tpu.memory_space<vmem_shared>>
        %dma_start3A_142 = arith.constant 0 : i32
        %dma_start3A_143 = tpu.memref_slice %arg12[%multiple_of3A, %dma_start3A_142] : memref<10112x128xf32, #tpu.memory_space<vmem_shared>> -> memref<128x128xf32, #tpu.memory_space<vmem_shared>>
        tpu.enqueue_dma source(%arg10 : memref<128x128xf32, #tpu.memory_space<vmem>>) target(%dma_start3A_143 : memref<128x128xf32, #tpu.memory_space<vmem_shared>>) target_semaphore(%run_scoped3A : memref<!tpu.dma_semaphore, #tpu.memory_space<semaphore_mem>>)
        %dma_wait3A_144 = arith.constant 0 : i32
        %dma_wait3A_145 = tpu.memref_slice %arg12[%multiple_of3A, %dma_wait3A_144] : memref<10112x128xf32, #tpu.memory_space<vmem_shared>> -> memref<128x128xf32, #tpu.memory_space<vmem_shared>>
        %dma_wait3A_146 = arith.constant 0 : i32
        %dma_wait3A_147 = tpu.memref_slice %arg12[%multiple_of3A, %dma_wait3A_146] : memref<10112x128xf32, #tpu.memory_space<vmem_shared>> -> memref<128x128xf32, #tpu.memory_space<vmem_shared>>
        tpu.wait_dma2 semaphore(%run_scoped3A : memref<!tpu.dma_semaphore, #tpu.memory_space<semaphore_mem>>) src(%arg10 : memref<128x128xf32, #tpu.memory_space<vmem>>) dst(%dma_wait3A_147 : memref<128x128xf32, #tpu.memory_space<vmem_shared>>)
        tpu.yield
      }) : () -> ()
    } else {
    }
    %add3A_10 = arith.constant 16 : i32
    %add3A_11 = arith.addi %arg1, %add3A_10 : i32
    %lt3A_12 = arith.constant 79 : i32
    %lt3A_13 = arith.cmpi slt, %add3A_11, %lt3A_12 : i32
    %convert_element_type3A_14 = arith.extui %lt3A_13 : i1 to i32
    %cond3A_15 = arith.constant 0 : i32
    %cond3A_16 = arith.cmpi ne, %convert_element_type3A_14, %cond3A_15 : i32
    scf.if %cond3A_16 {
      %mul3A_138 = arith.constant 128 : i32
      %mul3A_139 = arith.muli %add3A_11, %mul3A_138 : i32
      %multiple_of3A = tpu.assume_multiple %mul3A_139, 8 : i32
      "tpu.region"() ({
        %run_scoped3A = tpu.sem_alloc : memref<!tpu.dma_semaphore, #tpu.memory_space<semaphore_mem>>
        %dma_start3A_140 = arith.constant 0 : i32
        %dma_start3A_141 = tpu.memref_slice %arg12[%multiple_of3A, %dma_start3A_140] : memref<10112x128xf32, #tpu.memory_space<vmem_shared>> -> memref<128x128xf32, #tpu.memory_space<vmem_shared>>
        %dma_start3A_142 = arith.constant 0 : i32
        %dma_start3A_143 = tpu.memref_slice %arg12[%multiple_of3A, %dma_start3A_142] : memref<10112x128xf32, #tpu.memory_space<vmem_shared>> -> memref<128x128xf32, #tpu.memory_space<vmem_shared>>
        tpu.enqueue_dma source(%arg10 : memref<128x128xf32, #tpu.memory_space<vmem>>) target(%dma_start3A_143 : memref<128x128xf32, #tpu.memory_space<vmem_shared>>) target_semaphore(%run_scoped3A : memref<!tpu.dma_semaphore, #tpu.memory_space<semaphore_mem>>)
        %dma_wait3A_144 = arith.constant 0 : i32
        %dma_wait3A_145 = tpu.memref_slice %arg12[%multiple_of3A, %dma_wait3A_144] : memref<10112x128xf32, #tpu.memory_space<vmem_shared>> -> memref<128x128xf32, #tpu.memory_space<vmem_shared>>
        %dma_wait3A_146 = arith.constant 0 : i32
        %dma_wait3A_147 = tpu.memref_slice %arg12[%multiple_of3A, %dma_wait3A_146] : memref<10112x128xf32, #tpu.memory_space<vmem_shared>> -> memref<128x128xf32, #tpu.memory_space<vmem_shared>>
        tpu.wait_dma2 semaphore(%run_scoped3A : memref<!tpu.dma_semaphore, #tpu.memory_space<semaphore_mem>>) src(%arg10 : memref<128x128xf32, #tpu.memory_space<vmem>>) dst(%dma_wait3A_147 : memref<128x128xf32, #tpu.memory_space<vmem_shared>>)
        tpu.yield
      }) : () -> ()
    } else {
    }
    %add3A_17 = arith.constant 32 : i32
    %add3A_18 = arith.addi %arg1, %add3A_17 : i32
    %lt3A_19 = arith.constant 79 : i32
    %lt3A_20 = arith.cmpi slt, %add3A_18, %lt3A_19 : i32
    %convert_element_type3A_21 = arith.extui %lt3A_20 : i1 to i32
    %cond3A_22 = arith.constant 0 : i32
    %cond3A_23 = arith.cmpi ne, %convert_element_type3A_21, %cond3A_22 : i32
    scf.if %cond3A_23 {
      %mul3A_138 = arith.constant 128 : i32
      %mul3A_139 = arith.muli %add3A_18, %mul3A_138 : i32
      %multiple_of3A = tpu.assume_multiple %mul3A_139, 8 : i32
      "tpu.region"() ({
        %run_scoped3A = tpu.sem_alloc : memref<!tpu.dma_semaphore, #tpu.memory_space<semaphore_mem>>
        %dma_start3A_140 = arith.constant 0 : i32
        %dma_start3A_141 = tpu.memref_slice %arg12[%multiple_of3A, %dma_start3A_140] : memref<10112x128xf32, #tpu.memory_space<vmem_shared>> -> memref<128x128xf32, #tpu.memory_space<vmem_shared>>
        %dma_start3A_142 = arith.constant 0 : i32
        %dma_start3A_143 = tpu.memref_slice %arg12[%multiple_of3A, %dma_start3A_142] : memref<10112x128xf32, #tpu.memory_space<vmem_shared>> -> memref<128x128xf32, #tpu.memory_space<vmem_shared>>
        tpu.enqueue_dma source(%arg10 : memref<128x128xf32, #tpu.memory_space<vmem>>) target(%dma_start3A_143 : memref<128x128xf32, #tpu.memory_space<vmem_shared>>) target_semaphore(%run_scoped3A : memref<!tpu.dma_semaphore, #tpu.memory_space<semaphore_mem>>)
        %dma_wait3A_144 = arith.constant 0 : i32
        %dma_wait3A_145 = tpu.memref_slice %arg12[%multiple_of3A, %dma_wait3A_144] : memref<10112x128xf32, #tpu.memory_space<vmem_shared>> -> memref<128x128xf32, #tpu.memory_space<vmem_shared>>
        %dma_wait3A_146 = arith.constant 0 : i32
        %dma_wait3A_147 = tpu.memref_slice %arg12[%multiple_of3A, %dma_wait3A_146] : memref<10112x128xf32, #tpu.memory_space<vmem_shared>> -> memref<128x128xf32, #tpu.memory_space<vmem_shared>>
        tpu.wait_dma2 semaphore(%run_scoped3A : memref<!tpu.dma_semaphore, #tpu.memory_space<semaphore_mem>>) src(%arg10 : memref<128x128xf32, #tpu.memory_space<vmem>>) dst(%dma_wait3A_147 : memref<128x128xf32, #tpu.memory_space<vmem_shared>>)
        tpu.yield
      }) : () -> ()
    } else {
    }
    %add3A_24 = arith.constant 48 : i32
    %add3A_25 = arith.addi %arg1, %add3A_24 : i32
    %lt3A_26 = arith.constant 79 : i32
    %lt3A_27 = arith.cmpi slt, %add3A_25, %lt3A_26 : i32
    %convert_element_type3A_28 = arith.extui %lt3A_27 : i1 to i32
    %cond3A_29 = arith.constant 0 : i32
    %cond3A_30 = arith.cmpi ne, %convert_element_type3A_28, %cond3A_29 : i32
    scf.if %cond3A_30 {
      %mul3A_138 = arith.constant 128 : i32
      %mul3A_139 = arith.muli %add3A_25, %mul3A_138 : i32
      %multiple_of3A = tpu.assume_multiple %mul3A_139, 8 : i32
      "tpu.region"() ({
        %run_scoped3A = tpu.sem_alloc : memref<!tpu.dma_semaphore, #tpu.memory_space<semaphore_mem>>
        %dma_start3A_140 = arith.constant 0 : i32
        %dma_start3A_141 = tpu.memref_slice %arg12[%multiple_of3A, %dma_start3A_140] : memref<10112x128xf32, #tpu.memory_space<vmem_shared>> -> memref<128x128xf32, #tpu.memory_space<vmem_shared>>
        %dma_start3A_142 = arith.constant 0 : i32
        %dma_start3A_143 = tpu.memref_slice %arg12[%multiple_of3A, %dma_start3A_142] : memref<10112x128xf32, #tpu.memory_space<vmem_shared>> -> memref<128x128xf32, #tpu.memory_space<vmem_shared>>
        tpu.enqueue_dma source(%arg10 : memref<128x128xf32, #tpu.memory_space<vmem>>) target(%dma_start3A_143 : memref<128x128xf32, #tpu.memory_space<vmem_shared>>) target_semaphore(%run_scoped3A : memref<!tpu.dma_semaphore, #tpu.memory_space<semaphore_mem>>)
        %dma_wait3A_144 = arith.constant 0 : i32
        %dma_wait3A_145 = tpu.memref_slice %arg12[%multiple_of3A, %dma_wait3A_144] : memref<10112x128xf32, #tpu.memory_space<vmem_shared>> -> memref<128x128xf32, #tpu.memory_space<vmem_shared>>
        %dma_wait3A_146 = arith.constant 0 : i32
        %dma_wait3A_147 = tpu.memref_slice %arg12[%multiple_of3A, %dma_wait3A_146] : memref<10112x128xf32, #tpu.memory_space<vmem_shared>> -> memref<128x128xf32, #tpu.memory_space<vmem_shared>>
        tpu.wait_dma2 semaphore(%run_scoped3A : memref<!tpu.dma_semaphore, #tpu.memory_space<semaphore_mem>>) src(%arg10 : memref<128x128xf32, #tpu.memory_space<vmem>>) dst(%dma_wait3A_147 : memref<128x128xf32, #tpu.memory_space<vmem_shared>>)
        tpu.yield
      }) : () -> ()
    } else {
    }
    %add3A_31 = arith.constant 64 : i32
    %add3A_32 = arith.addi %arg1, %add3A_31 : i32
    %lt3A_33 = arith.constant 79 : i32
    %lt3A_34 = arith.cmpi slt, %add3A_32, %lt3A_33 : i32
    %convert_element_type3A_35 = arith.extui %lt3A_34 : i1 to i32
    %cond3A_36 = arith.constant 0 : i32
    %cond3A_37 = arith.cmpi ne, %convert_element_type3A_35, %cond3A_36 : i32
    scf.if %cond3A_37 {
      %mul3A_138 = arith.constant 128 : i32
      %mul3A_139 = arith.muli %add3A_32, %mul3A_138 : i32
      %multiple_of3A = tpu.assume_multiple %mul3A_139, 8 : i32
      "tpu.region"() ({
        %run_scoped3A = tpu.sem_alloc : memref<!tpu.dma_semaphore, #tpu.memory_space<semaphore_mem>>
        %dma_start3A_140 = arith.constant 0 : i32
        %dma_start3A_141 = tpu.memref_slice %arg12[%multiple_of3A, %dma_start3A_140] : memref<10112x128xf32, #tpu.memory_space<vmem_shared>> -> memref<128x128xf32, #tpu.memory_space<vmem_shared>>
        %dma_start3A_142 = arith.constant 0 : i32
        %dma_start3A_143 = tpu.memref_slice %arg12[%multiple_of3A, %dma_start3A_142] : memref<10112x128xf32, #tpu.memory_space<vmem_shared>> -> memref<128x128xf32, #tpu.memory_space<vmem_shared>>
        tpu.enqueue_dma source(%arg10 : memref<128x128xf32, #tpu.memory_space<vmem>>) target(%dma_start3A_143 : memref<128x128xf32, #tpu.memory_space<vmem_shared>>) target_semaphore(%run_scoped3A : memref<!tpu.dma_semaphore, #tpu.memory_space<semaphore_mem>>)
        %dma_wait3A_144 = arith.constant 0 : i32
        %dma_wait3A_145 = tpu.memref_slice %arg12[%multiple_of3A, %dma_wait3A_144] : memref<10112x128xf32, #tpu.memory_space<vmem_shared>> -> memref<128x128xf32, #tpu.memory_space<vmem_shared>>
        %dma_wait3A_146 = arith.constant 0 : i32
        %dma_wait3A_147 = tpu.memref_slice %arg12[%multiple_of3A, %dma_wait3A_146] : memref<10112x128xf32, #tpu.memory_space<vmem_shared>> -> memref<128x128xf32, #tpu.memory_space<vmem_shared>>
        tpu.wait_dma2 semaphore(%run_scoped3A : memref<!tpu.dma_semaphore, #tpu.memory_space<semaphore_mem>>) src(%arg10 : memref<128x128xf32, #tpu.memory_space<vmem>>) dst(%dma_wait3A_147 : memref<128x128xf32, #tpu.memory_space<vmem_shared>>)
        tpu.yield
      }) : () -> ()
    } else {
    }
    %barrier3A = arith.constant 0 : index
    tpu.barrier barrier_id(%barrier3A)
    %dma_start3A = arith.constant 0 : i32
    %dma_start3A_38 = arith.constant 0 : i32
    %dma_start3A_39 = tpu.memref_slice %arg3[%add3A, %dma_start3A, %dma_start3A_38] : memref<32x79x128xi32, #tpu.memory_space<hbm>> -> memref<1x1x128xi32, #tpu.memory_space<hbm>>
    %dma_start3A_40 = tpu.memref_squeeze %dma_start3A_39 : memref<1x1x128xi32, #tpu.memory_space<hbm>> -> memref<128xi32, #tpu.memory_space<hbm>>
    %dma_start3A_41 = arith.constant 0 : i32
    %dma_start3A_42 = tpu.memref_slice %arg3[%add3A, %dma_start3A, %dma_start3A_41] : memref<32x79x128xi32, #tpu.memory_space<hbm>> -> memref<1x1x128xi32, #tpu.memory_space<hbm>>
    %dma_start3A_43 = tpu.memref_squeeze %dma_start3A_42 : memref<1x1x128xi32, #tpu.memory_space<hbm>> -> memref<128xi32, #tpu.memory_space<hbm>>
    tpu.enqueue_dma source(%dma_start3A_43 : memref<128xi32, #tpu.memory_space<hbm>>) target(%arg6 : memref<128xi32, #tpu.memory_space<vmem>>) target_semaphore(%arg13 : memref<!tpu.dma_semaphore, #tpu.memory_space<semaphore_mem>>)
    %dma_start3A_44 = arith.constant 0 : i32
    %dma_start3A_45 = arith.constant 0 : i32
    %dma_start3A_46 = tpu.memref_slice %arg4[%add3A, %dma_start3A_44, %dma_start3A_45] : memref<32x79x128xi32, #tpu.memory_space<hbm>> -> memref<1x1x128xi32, #tpu.memory_space<hbm>>
    %dma_start3A_47 = tpu.memref_squeeze %dma_start3A_46 : memref<1x1x128xi32, #tpu.memory_space<hbm>> -> memref<128xi32, #tpu.memory_space<hbm>>
    %dma_start3A_48 = arith.constant 0 : i32
    %dma_start3A_49 = tpu.memref_slice %arg4[%add3A, %dma_start3A_44, %dma_start3A_48] : memref<32x79x128xi32, #tpu.memory_space<hbm>> -> memref<1x1x128xi32, #tpu.memory_space<hbm>>
    %dma_start3A_50 = tpu.memref_squeeze %dma_start3A_49 : memref<1x1x128xi32, #tpu.memory_space<hbm>> -> memref<128xi32, #tpu.memory_space<hbm>>
    tpu.enqueue_dma source(%dma_start3A_50 : memref<128xi32, #tpu.memory_space<hbm>>) target(%arg8 : memref<128xi32, #tpu.memory_space<vmem>>) target_semaphore(%arg13 : memref<!tpu.dma_semaphore, #tpu.memory_space<semaphore_mem>>)
    %dma_wait3A = arith.constant 0 : i32
    %dma_wait3A_51 = arith.constant 0 : i32
    %dma_wait3A_52 = tpu.memref_slice %arg3[%add3A, %dma_wait3A, %dma_wait3A_51] : memref<32x79x128xi32, #tpu.memory_space<hbm>> -> memref<1x1x128xi32, #tpu.memory_space<hbm>>
    %dma_wait3A_53 = tpu.memref_squeeze %dma_wait3A_52 : memref<1x1x128xi32, #tpu.memory_space<hbm>> -> memref<128xi32, #tpu.memory_space<hbm>>
    %dma_wait3A_54 = arith.constant 0 : i32
    %dma_wait3A_55 = tpu.memref_slice %arg3[%add3A, %dma_wait3A, %dma_wait3A_54] : memref<32x79x128xi32, #tpu.memory_space<hbm>> -> memref<1x1x128xi32, #tpu.memory_space<hbm>>
    %dma_wait3A_56 = tpu.memref_squeeze %dma_wait3A_55 : memref<1x1x128xi32, #tpu.memory_space<hbm>> -> memref<128xi32, #tpu.memory_space<hbm>>
    tpu.wait_dma2 semaphore(%arg13 : memref<!tpu.dma_semaphore, #tpu.memory_space<semaphore_mem>>) src(%dma_wait3A_56 : memref<128xi32, #tpu.memory_space<hbm>>) dst(%arg6 : memref<128xi32, #tpu.memory_space<vmem>>)
    %dma_wait3A_57 = arith.constant 0 : i32
    %dma_wait3A_58 = arith.constant 0 : i32
    %dma_wait3A_59 = tpu.memref_slice %arg4[%add3A, %dma_wait3A_57, %dma_wait3A_58] : memref<32x79x128xi32, #tpu.memory_space<hbm>> -> memref<1x1x128xi32, #tpu.memory_space<hbm>>
    %dma_wait3A_60 = tpu.memref_squeeze %dma_wait3A_59 : memref<1x1x128xi32, #tpu.memory_space<hbm>> -> memref<128xi32, #tpu.memory_space<hbm>>
    %dma_wait3A_61 = arith.constant 0 : i32
    %dma_wait3A_62 = tpu.memref_slice %arg4[%add3A, %dma_wait3A_57, %dma_wait3A_61] : memref<32x79x128xi32, #tpu.memory_space<hbm>> -> memref<1x1x128xi32, #tpu.memory_space<hbm>>
    %dma_wait3A_63 = tpu.memref_squeeze %dma_wait3A_62 : memref<1x1x128xi32, #tpu.memory_space<hbm>> -> memref<128xi32, #tpu.memory_space<hbm>>
    tpu.wait_dma2 semaphore(%arg13 : memref<!tpu.dma_semaphore, #tpu.memory_space<semaphore_mem>>) src(%dma_wait3A_63 : memref<128xi32, #tpu.memory_space<hbm>>) dst(%arg8 : memref<128xi32, #tpu.memory_space<vmem>>)
    %dma_start3A_64 = arith.constant 0 : i32
    %dma_start3A_65 = arith.constant 0 : i32
    %dma_start3A_66 = tpu.memref_slice %arg2[%dma_start3A_64, %dma_start3A_65] : memref<10000x128xf32, #tpu.memory_space<hbm>> -> memref<10000x128xf32, #tpu.memory_space<hbm>>
    tpu.enqueue_indirect_dma source(%dma_start3A_66 : memref<10000x128xf32, #tpu.memory_space<hbm>>) target(%arg10 : memref<128x128xf32, #tpu.memory_space<vmem>>) offsets(%arg6 : memref<128xi32, #tpu.memory_space<vmem>>) semaphore(%arg15 : memref<!tpu.dma_semaphore, #tpu.memory_space<semaphore_mem>>)
    %dma_start3A_67 = arith.constant 1 : i32
    %dma_start3A_68 = arith.constant 0 : i32
    %dma_start3A_69 = tpu.memref_slice %arg3[%add3A, %dma_start3A_67, %dma_start3A_68] : memref<32x79x128xi32, #tpu.memory_space<hbm>> -> memref<1x1x128xi32, #tpu.memory_space<hbm>>
    %dma_start3A_70 = tpu.memref_squeeze %dma_start3A_69 : memref<1x1x128xi32, #tpu.memory_space<hbm>> -> memref<128xi32, #tpu.memory_space<hbm>>
    %dma_start3A_71 = arith.constant 0 : i32
    %dma_start3A_72 = tpu.memref_slice %arg3[%add3A, %dma_start3A_67, %dma_start3A_71] : memref<32x79x128xi32, #tpu.memory_space<hbm>> -> memref<1x1x128xi32, #tpu.memory_space<hbm>>
    %dma_start3A_73 = tpu.memref_squeeze %dma_start3A_72 : memref<1x1x128xi32, #tpu.memory_space<hbm>> -> memref<128xi32, #tpu.memory_space<hbm>>
    tpu.enqueue_dma source(%dma_start3A_73 : memref<128xi32, #tpu.memory_space<hbm>>) target(%arg7 : memref<128xi32, #tpu.memory_space<vmem>>) target_semaphore(%arg14 : memref<!tpu.dma_semaphore, #tpu.memory_space<semaphore_mem>>)
    %dma_start3A_74 = arith.constant 1 : i32
    %dma_start3A_75 = arith.constant 0 : i32
    %dma_start3A_76 = tpu.memref_slice %arg4[%add3A, %dma_start3A_74, %dma_start3A_75] : memref<32x79x128xi32, #tpu.memory_space<hbm>> -> memref<1x1x128xi32, #tpu.memory_space<hbm>>
    %dma_start3A_77 = tpu.memref_squeeze %dma_start3A_76 : memref<1x1x128xi32, #tpu.memory_space<hbm>> -> memref<128xi32, #tpu.memory_space<hbm>>
    %dma_start3A_78 = arith.constant 0 : i32
    %dma_start3A_79 = tpu.memref_slice %arg4[%add3A, %dma_start3A_74, %dma_start3A_78] : memref<32x79x128xi32, #tpu.memory_space<hbm>> -> memref<1x1x128xi32, #tpu.memory_space<hbm>>
    %dma_start3A_80 = tpu.memref_squeeze %dma_start3A_79 : memref<1x1x128xi32, #tpu.memory_space<hbm>> -> memref<128xi32, #tpu.memory_space<hbm>>
    tpu.enqueue_dma source(%dma_start3A_80 : memref<128xi32, #tpu.memory_space<hbm>>) target(%arg9 : memref<128xi32, #tpu.memory_space<vmem>>) target_semaphore(%arg14 : memref<!tpu.dma_semaphore, #tpu.memory_space<semaphore_mem>>)
    %scan3A_81 = arith.constant 0 : i32
    %scan3A_82 = arith.constant 39 : i32
    %scan3A_83 = arith.addi %scan3A_81, %scan3A_82 : i32
    %scan3A_84 = arith.constant 1 : i32
    scf.for %scan3A_138 = %scan3A_81 to %scan3A_83 step %scan3A_84  : i32 {
      %mul3A_139 = arith.constant 1 : i32
      %mul3A_140 = arith.muli %scan3A_138, %mul3A_139 : i32
      %add3A_141 = arith.constant 0 : i32
      %add3A_142 = arith.addi %add3A_141, %mul3A_140 : i32
      %mul3A_143 = arith.constant 2 : i32
      %mul3A_144 = arith.muli %mul3A_143, %add3A_142 : i32
      %add3A_145 = arith.constant 1 : i32
      %add3A_146 = arith.addi %mul3A_144, %add3A_145 : i32
      %dma_wait3A_147 = arith.constant 0 : i32
      %dma_wait3A_148 = tpu.memref_slice %arg3[%add3A, %add3A_146, %dma_wait3A_147] : memref<32x79x128xi32, #tpu.memory_space<hbm>> -> memref<1x1x128xi32, #tpu.memory_space<hbm>>
      %dma_wait3A_149 = tpu.memref_squeeze %dma_wait3A_148 : memref<1x1x128xi32, #tpu.memory_space<hbm>> -> memref<128xi32, #tpu.memory_space<hbm>>
      %dma_wait3A_150 = arith.constant 0 : i32
      %dma_wait3A_151 = tpu.memref_slice %arg3[%add3A, %add3A_146, %dma_wait3A_150] : memref<32x79x128xi32, #tpu.memory_space<hbm>> -> memref<1x1x128xi32, #tpu.memory_space<hbm>>
      %dma_wait3A_152 = tpu.memref_squeeze %dma_wait3A_151 : memref<1x1x128xi32, #tpu.memory_space<hbm>> -> memref<128xi32, #tpu.memory_space<hbm>>
      tpu.wait_dma2 semaphore(%arg14 : memref<!tpu.dma_semaphore, #tpu.memory_space<semaphore_mem>>) src(%dma_wait3A_152 : memref<128xi32, #tpu.memory_space<hbm>>) dst(%arg7 : memref<128xi32, #tpu.memory_space<vmem>>)
      %dma_wait3A_153 = arith.constant 0 : i32
      %dma_wait3A_154 = tpu.memref_slice %arg4[%add3A, %add3A_146, %dma_wait3A_153] : memref<32x79x128xi32, #tpu.memory_space<hbm>> -> memref<1x1x128xi32, #tpu.memory_space<hbm>>
      %dma_wait3A_155 = tpu.memref_squeeze %dma_wait3A_154 : memref<1x1x128xi32, #tpu.memory_space<hbm>> -> memref<128xi32, #tpu.memory_space<hbm>>
      %dma_wait3A_156 = arith.constant 0 : i32
      %dma_wait3A_157 = tpu.memref_slice %arg4[%add3A, %add3A_146, %dma_wait3A_156] : memref<32x79x128xi32, #tpu.memory_space<hbm>> -> memref<1x1x128xi32, #tpu.memory_space<hbm>>
      %dma_wait3A_158 = tpu.memref_squeeze %dma_wait3A_157 : memref<1x1x128xi32, #tpu.memory_space<hbm>> -> memref<128xi32, #tpu.memory_space<hbm>>
      tpu.wait_dma2 semaphore(%arg14 : memref<!tpu.dma_semaphore, #tpu.memory_space<semaphore_mem>>) src(%dma_wait3A_158 : memref<128xi32, #tpu.memory_space<hbm>>) dst(%arg9 : memref<128xi32, #tpu.memory_space<vmem>>)
      %dma_start3A_159 = arith.constant 0 : i32
      %dma_start3A_160 = arith.constant 0 : i32
      %dma_start3A_161 = tpu.memref_slice %arg2[%dma_start3A_159, %dma_start3A_160] : memref<10000x128xf32, #tpu.memory_space<hbm>> -> memref<10000x128xf32, #tpu.memory_space<hbm>>
      tpu.enqueue_indirect_dma source(%dma_start3A_161 : memref<10000x128xf32, #tpu.memory_space<hbm>>) target(%arg11 : memref<128x128xf32, #tpu.memory_space<vmem>>) offsets(%arg7 : memref<128xi32, #tpu.memory_space<vmem>>) semaphore(%arg16 : memref<!tpu.dma_semaphore, #tpu.memory_space<semaphore_mem>>)
      %dma_wait3A_162 = arith.constant 0 : i32
      %dma_wait3A_163 = arith.constant 0 : i32
      %dma_wait3A_164 = tpu.memref_slice %arg2[%dma_wait3A_162, %dma_wait3A_163] : memref<10000x128xf32, #tpu.memory_space<hbm>> -> memref<10000x128xf32, #tpu.memory_space<hbm>>
      tpu.wait_indirect_dma semaphore(%arg15 : memref<!tpu.dma_semaphore, #tpu.memory_space<semaphore_mem>>) src(%dma_wait3A_164 : memref<10000x128xf32, #tpu.memory_space<hbm>>) dst(%arg10 : memref<128x128xf32, #tpu.memory_space<vmem>>)
      %dma_start3A_165 = arith.constant 0 : i32
      %dma_start3A_166 = arith.constant 0 : i32
      %dma_start3A_167 = tpu.memref_slice %arg12[%dma_start3A_165, %dma_start3A_166] : memref<10112x128xf32, #tpu.memory_space<vmem_shared>> -> memref<10112x128xf32, #tpu.memory_space<vmem_shared>>
      tpu.enqueue_indirect_dma source(%arg10 : memref<128x128xf32, #tpu.memory_space<vmem>>) target(%dma_start3A_167 : memref<10112x128xf32, #tpu.memory_space<vmem_shared>>) offsets(%arg8 : memref<128xi32, #tpu.memory_space<vmem>>) semaphore(%arg17 : memref<!tpu.dma_semaphore, #tpu.memory_space<semaphore_mem>>) {add = true}
      %add3A_168 = arith.constant 2 : i32
      %add3A_169 = arith.addi %mul3A_144, %add3A_168 : i32
      %lt3A_170 = arith.constant 79 : i32
      %lt3A_171 = arith.cmpi slt, %add3A_169, %lt3A_170 : i32
      %convert_element_type3A_172 = arith.extui %lt3A_171 : i1 to i32
      %cond3A_173 = arith.constant 0 : i32
      %cond3A_174 = arith.cmpi ne, %convert_element_type3A_172, %cond3A_173 : i32
      scf.if %cond3A_174 {
        %dma_wait3A_188 = arith.constant 0 : i32
        %dma_wait3A_189 = arith.constant 0 : i32
        %dma_wait3A_190 = tpu.memref_slice %arg12[%dma_wait3A_188, %dma_wait3A_189] : memref<10112x128xf32, #tpu.memory_space<vmem_shared>> -> memref<10112x128xf32, #tpu.memory_space<vmem_shared>>
        tpu.wait_indirect_dma semaphore(%arg17 : memref<!tpu.dma_semaphore, #tpu.memory_space<semaphore_mem>>) src(%arg10 : memref<128x128xf32, #tpu.memory_space<vmem>>) dst(%dma_wait3A_190 : memref<10112x128xf32, #tpu.memory_space<vmem_shared>>)
        %add3A_191 = arith.constant 2 : i32
        %add3A_192 = arith.addi %mul3A_144, %add3A_191 : i32
        %dma_start3A_193 = arith.constant 0 : i32
        %dma_start3A_194 = tpu.memref_slice %arg3[%add3A, %add3A_192, %dma_start3A_193] : memref<32x79x128xi32, #tpu.memory_space<hbm>> -> memref<1x1x128xi32, #tpu.memory_space<hbm>>
        %dma_start3A_195 = tpu.memref_squeeze %dma_start3A_194 : memref<1x1x128xi32, #tpu.memory_space<hbm>> -> memref<128xi32, #tpu.memory_space<hbm>>
        %dma_start3A_196 = arith.constant 0 : i32
        %dma_start3A_197 = tpu.memref_slice %arg3[%add3A, %add3A_192, %dma_start3A_196] : memref<32x79x128xi32, #tpu.memory_space<hbm>> -> memref<1x1x128xi32, #tpu.memory_space<hbm>>
        %dma_start3A_198 = tpu.memref_squeeze %dma_start3A_197 : memref<1x1x128xi32, #tpu.memory_space<hbm>> -> memref<128xi32, #tpu.memory_space<hbm>>
        tpu.enqueue_dma source(%dma_start3A_198 : memref<128xi32, #tpu.memory_space<hbm>>) target(%arg6 : memref<128xi32, #tpu.memory_space<vmem>>) target_semaphore(%arg13 : memref<!tpu.dma_semaphore, #tpu.memory_space<semaphore_mem>>)
        %dma_start3A_199 = arith.constant 0 : i32
        %dma_start3A_200 = tpu.memref_slice %arg4[%add3A, %add3A_192, %dma_start3A_199] : memref<32x79x128xi32, #tpu.memory_space<hbm>> -> memref<1x1x128xi32, #tpu.memory_space<hbm>>
        %dma_start3A_201 = tpu.memref_squeeze %dma_start3A_200 : memref<1x1x128xi32, #tpu.memory_space<hbm>> -> memref<128xi32, #tpu.memory_space<hbm>>
        %dma_start3A_202 = arith.constant 0 : i32
        %dma_start3A_203 = tpu.memref_slice %arg4[%add3A, %add3A_192, %dma_start3A_202] : memref<32x79x128xi32, #tpu.memory_space<hbm>> -> memref<1x1x128xi32, #tpu.memory_space<hbm>>
        %dma_start3A_204 = tpu.memref_squeeze %dma_start3A_203 : memref<1x1x128xi32, #tpu.memory_space<hbm>> -> memref<128xi32, #tpu.memory_space<hbm>>
        tpu.enqueue_dma source(%dma_start3A_204 : memref<128xi32, #tpu.memory_space<hbm>>) target(%arg8 : memref<128xi32, #tpu.memory_space<vmem>>) target_semaphore(%arg13 : memref<!tpu.dma_semaphore, #tpu.memory_space<semaphore_mem>>)
        %add3A_205 = arith.constant 2 : i32
        %add3A_206 = arith.addi %mul3A_144, %add3A_205 : i32
        %dma_wait3A_207 = arith.constant 0 : i32
        %dma_wait3A_208 = tpu.memref_slice %arg3[%add3A, %add3A_206, %dma_wait3A_207] : memref<32x79x128xi32, #tpu.memory_space<hbm>> -> memref<1x1x128xi32, #tpu.memory_space<hbm>>
        %dma_wait3A_209 = tpu.memref_squeeze %dma_wait3A_208 : memref<1x1x128xi32, #tpu.memory_space<hbm>> -> memref<128xi32, #tpu.memory_space<hbm>>
        %dma_wait3A_210 = arith.constant 0 : i32
        %dma_wait3A_211 = tpu.memref_slice %arg3[%add3A, %add3A_206, %dma_wait3A_210] : memref<32x79x128xi32, #tpu.memory_space<hbm>> -> memref<1x1x128xi32, #tpu.memory_space<hbm>>
        %dma_wait3A_212 = tpu.memref_squeeze %dma_wait3A_211 : memref<1x1x128xi32, #tpu.memory_space<hbm>> -> memref<128xi32, #tpu.memory_space<hbm>>
        tpu.wait_dma2 semaphore(%arg13 : memref<!tpu.dma_semaphore, #tpu.memory_space<semaphore_mem>>) src(%dma_wait3A_212 : memref<128xi32, #tpu.memory_space<hbm>>) dst(%arg6 : memref<128xi32, #tpu.memory_space<vmem>>)
        %dma_wait3A_213 = arith.constant 0 : i32
        %dma_wait3A_214 = tpu.memref_slice %arg4[%add3A, %add3A_206, %dma_wait3A_213] : memref<32x79x128xi32, #tpu.memory_space<hbm>> -> memref<1x1x128xi32, #tpu.memory_space<hbm>>
        %dma_wait3A_215 = tpu.memref_squeeze %dma_wait3A_214 : memref<1x1x128xi32, #tpu.memory_space<hbm>> -> memref<128xi32, #tpu.memory_space<hbm>>
        %dma_wait3A_216 = arith.constant 0 : i32
        %dma_wait3A_217 = tpu.memref_slice %arg4[%add3A, %add3A_206, %dma_wait3A_216] : memref<32x79x128xi32, #tpu.memory_space<hbm>> -> memref<1x1x128xi32, #tpu.memory_space<hbm>>
        %dma_wait3A_218 = tpu.memref_squeeze %dma_wait3A_217 : memref<1x1x128xi32, #tpu.memory_space<hbm>> -> memref<128xi32, #tpu.memory_space<hbm>>
        tpu.wait_dma2 semaphore(%arg13 : memref<!tpu.dma_semaphore, #tpu.memory_space<semaphore_mem>>) src(%dma_wait3A_218 : memref<128xi32, #tpu.memory_space<hbm>>) dst(%arg8 : memref<128xi32, #tpu.memory_space<vmem>>)
        %dma_start3A_219 = arith.constant 0 : i32
        %dma_start3A_220 = arith.constant 0 : i32
        %dma_start3A_221 = tpu.memref_slice %arg2[%dma_start3A_219, %dma_start3A_220] : memref<10000x128xf32, #tpu.memory_space<hbm>> -> memref<10000x128xf32, #tpu.memory_space<hbm>>
        tpu.enqueue_indirect_dma source(%dma_start3A_221 : memref<10000x128xf32, #tpu.memory_space<hbm>>) target(%arg10 : memref<128x128xf32, #tpu.memory_space<vmem>>) offsets(%arg6 : memref<128xi32, #tpu.memory_space<vmem>>) semaphore(%arg15 : memref<!tpu.dma_semaphore, #tpu.memory_space<semaphore_mem>>)
      } else {
      }
      %dma_wait3A_175 = arith.constant 0 : i32
      %dma_wait3A_176 = arith.constant 0 : i32
      %dma_wait3A_177 = tpu.memref_slice %arg2[%dma_wait3A_175, %dma_wait3A_176] : memref<10000x128xf32, #tpu.memory_space<hbm>> -> memref<10000x128xf32, #tpu.memory_space<hbm>>
      tpu.wait_indirect_dma semaphore(%arg16 : memref<!tpu.dma_semaphore, #tpu.memory_space<semaphore_mem>>) src(%dma_wait3A_177 : memref<10000x128xf32, #tpu.memory_space<hbm>>) dst(%arg11 : memref<128x128xf32, #tpu.memory_space<vmem>>)
      %dma_start3A_178 = arith.constant 0 : i32
      %dma_start3A_179 = arith.constant 0 : i32
      %dma_start3A_180 = tpu.memref_slice %arg12[%dma_start3A_178, %dma_start3A_179] : memref<10112x128xf32, #tpu.memory_space<vmem_shared>> -> memref<10112x128xf32, #tpu.memory_space<vmem_shared>>
      tpu.enqueue_indirect_dma source(%arg11 : memref<128x128xf32, #tpu.memory_space<vmem>>) target(%dma_start3A_180 : memref<10112x128xf32, #tpu.memory_space<vmem_shared>>) offsets(%arg9 : memref<128xi32, #tpu.memory_space<vmem>>) semaphore(%arg18 : memref<!tpu.dma_semaphore, #tpu.memory_space<semaphore_mem>>) {add = true}
      %add3A_181 = arith.constant 3 : i32
      %add3A_182 = arith.addi %mul3A_144, %add3A_181 : i32
      %lt3A_183 = arith.constant 79 : i32
      %lt3A_184 = arith.cmpi slt, %add3A_182, %lt3A_183 : i32
      %convert_element_type3A_185 = arith.extui %lt3A_184 : i1 to i32
      %cond3A_186 = arith.constant 0 : i32
      %cond3A_187 = arith.cmpi ne, %convert_element_type3A_185, %cond3A_186 : i32
      scf.if %cond3A_187 {
        %dma_wait3A_188 = arith.constant 0 : i32
        %dma_wait3A_189 = arith.constant 0 : i32
        %dma_wait3A_190 = tpu.memref_slice %arg12[%dma_wait3A_188, %dma_wait3A_189] : memref<10112x128xf32, #tpu.memory_space<vmem_shared>> -> memref<10112x128xf32, #tpu.memory_space<vmem_shared>>
        tpu.wait_indirect_dma semaphore(%arg18 : memref<!tpu.dma_semaphore, #tpu.memory_space<semaphore_mem>>) src(%arg11 : memref<128x128xf32, #tpu.memory_space<vmem>>) dst(%dma_wait3A_190 : memref<10112x128xf32, #tpu.memory_space<vmem_shared>>)
        %add3A_191 = arith.constant 3 : i32
        %add3A_192 = arith.addi %mul3A_144, %add3A_191 : i32
        %dma_start3A_193 = arith.constant 0 : i32
        %dma_start3A_194 = tpu.memref_slice %arg3[%add3A, %add3A_192, %dma_start3A_193] : memref<32x79x128xi32, #tpu.memory_space<hbm>> -> memref<1x1x128xi32, #tpu.memory_space<hbm>>
        %dma_start3A_195 = tpu.memref_squeeze %dma_start3A_194 : memref<1x1x128xi32, #tpu.memory_space<hbm>> -> memref<128xi32, #tpu.memory_space<hbm>>
        %dma_start3A_196 = arith.constant 0 : i32
        %dma_start3A_197 = tpu.memref_slice %arg3[%add3A, %add3A_192, %dma_start3A_196] : memref<32x79x128xi32, #tpu.memory_space<hbm>> -> memref<1x1x128xi32, #tpu.memory_space<hbm>>
        %dma_start3A_198 = tpu.memref_squeeze %dma_start3A_197 : memref<1x1x128xi32, #tpu.memory_space<hbm>> -> memref<128xi32, #tpu.memory_space<hbm>>
        tpu.enqueue_dma source(%dma_start3A_198 : memref<128xi32, #tpu.memory_space<hbm>>) target(%arg7 : memref<128xi32, #tpu.memory_space<vmem>>) target_semaphore(%arg14 : memref<!tpu.dma_semaphore, #tpu.memory_space<semaphore_mem>>)
        %dma_start3A_199 = arith.constant 0 : i32
        %dma_start3A_200 = tpu.memref_slice %arg4[%add3A, %add3A_192, %dma_start3A_199] : memref<32x79x128xi32, #tpu.memory_space<hbm>> -> memref<1x1x128xi32, #tpu.memory_space<hbm>>
        %dma_start3A_201 = tpu.memref_squeeze %dma_start3A_200 : memref<1x1x128xi32, #tpu.memory_space<hbm>> -> memref<128xi32, #tpu.memory_space<hbm>>
        %dma_start3A_202 = arith.constant 0 : i32
        %dma_start3A_203 = tpu.memref_slice %arg4[%add3A, %add3A_192, %dma_start3A_202] : memref<32x79x128xi32, #tpu.memory_space<hbm>> -> memref<1x1x128xi32, #tpu.memory_space<hbm>>
        %dma_start3A_204 = tpu.memref_squeeze %dma_start3A_203 : memref<1x1x128xi32, #tpu.memory_space<hbm>> -> memref<128xi32, #tpu.memory_space<hbm>>
        tpu.enqueue_dma source(%dma_start3A_204 : memref<128xi32, #tpu.memory_space<hbm>>) target(%arg9 : memref<128xi32, #tpu.memory_space<vmem>>) target_semaphore(%arg14 : memref<!tpu.dma_semaphore, #tpu.memory_space<semaphore_mem>>)
      } else {
      }
    }
    %scan3A_85 = arith.constant 39 : i32
    %dma_wait3A_86 = arith.constant 0 : i32
    %dma_wait3A_87 = arith.constant 0 : i32
    %dma_wait3A_88 = tpu.memref_slice %arg2[%dma_wait3A_86, %dma_wait3A_87] : memref<10000x128xf32, #tpu.memory_space<hbm>> -> memref<10000x128xf32, #tpu.memory_space<hbm>>
    tpu.wait_indirect_dma semaphore(%arg15 : memref<!tpu.dma_semaphore, #tpu.memory_space<semaphore_mem>>) src(%dma_wait3A_88 : memref<10000x128xf32, #tpu.memory_space<hbm>>) dst(%arg10 : memref<128x128xf32, #tpu.memory_space<vmem>>)
    %dma_start3A_89 = arith.constant 0 : i32
    %dma_start3A_90 = arith.constant 0 : i32
    %dma_start3A_91 = tpu.memref_slice %arg12[%dma_start3A_89, %dma_start3A_90] : memref<10112x128xf32, #tpu.memory_space<vmem_shared>> -> memref<10112x128xf32, #tpu.memory_space<vmem_shared>>
    tpu.enqueue_indirect_dma source(%arg10 : memref<128x128xf32, #tpu.memory_space<vmem>>) target(%dma_start3A_91 : memref<10112x128xf32, #tpu.memory_space<vmem_shared>>) offsets(%arg8 : memref<128xi32, #tpu.memory_space<vmem>>) semaphore(%arg17 : memref<!tpu.dma_semaphore, #tpu.memory_space<semaphore_mem>>) {add = true}
    %dma_wait3A_92 = arith.constant 0 : i32
    %dma_wait3A_93 = arith.constant 0 : i32
    %dma_wait3A_94 = tpu.memref_slice %arg12[%dma_wait3A_92, %dma_wait3A_93] : memref<10112x128xf32, #tpu.memory_space<vmem_shared>> -> memref<10112x128xf32, #tpu.memory_space<vmem_shared>>
    tpu.wait_indirect_dma semaphore(%arg17 : memref<!tpu.dma_semaphore, #tpu.memory_space<semaphore_mem>>) src(%arg10 : memref<128x128xf32, #tpu.memory_space<vmem>>) dst(%dma_wait3A_94 : memref<10112x128xf32, #tpu.memory_space<vmem_shared>>)
    %dma_wait3A_95 = arith.constant 0 : i32
    %dma_wait3A_96 = arith.constant 0 : i32
    %dma_wait3A_97 = tpu.memref_slice %arg12[%dma_wait3A_95, %dma_wait3A_96] : memref<10112x128xf32, #tpu.memory_space<vmem_shared>> -> memref<10112x128xf32, #tpu.memory_space<vmem_shared>>
    tpu.wait_indirect_dma semaphore(%arg18 : memref<!tpu.dma_semaphore, #tpu.memory_space<semaphore_mem>>) src(%arg11 : memref<128x128xf32, #tpu.memory_space<vmem>>) dst(%dma_wait3A_97 : memref<10112x128xf32, #tpu.memory_space<vmem_shared>>)
    %barrier3A_98 = arith.constant 0 : index
    tpu.barrier barrier_id(%barrier3A_98)
    %add3A_99 = arith.constant 0 : i32
    %add3A_100 = arith.addi %arg1, %add3A_99 : i32
    %lt3A_101 = arith.constant 78 : i32
    %lt3A_102 = arith.cmpi slt, %add3A_100, %lt3A_101 : i32
    %convert_element_type3A_103 = arith.extui %lt3A_102 : i1 to i32
    %cond3A_104 = arith.constant 0 : i32
    %cond3A_105 = arith.cmpi ne, %convert_element_type3A_103, %cond3A_104 : i32
    scf.if %cond3A_105 {
      %mul3A_138 = arith.constant 128 : i32
      %mul3A_139 = arith.muli %add3A_100, %mul3A_138 : i32
      %multiple_of3A = tpu.assume_multiple %mul3A_139, 8 : i32
      "tpu.region"() ({
        %run_scoped3A = tpu.sem_alloc : memref<!tpu.dma_semaphore, #tpu.memory_space<semaphore_mem>>
        %dma_start3A_140 = arith.constant 0 : i32
        %dma_start3A_141 = tpu.memref_slice %arg12[%multiple_of3A, %dma_start3A_140] : memref<10112x128xf32, #tpu.memory_space<vmem_shared>> -> memref<128x128xf32, #tpu.memory_space<vmem_shared>>
        %dma_start3A_142 = arith.constant 0 : i32
        %dma_start3A_143 = tpu.memref_slice %arg12[%multiple_of3A, %dma_start3A_142] : memref<10112x128xf32, #tpu.memory_space<vmem_shared>> -> memref<128x128xf32, #tpu.memory_space<vmem_shared>>
        tpu.enqueue_dma source(%dma_start3A_143 : memref<128x128xf32, #tpu.memory_space<vmem_shared>>) target(%arg10 : memref<128x128xf32, #tpu.memory_space<vmem>>) target_semaphore(%run_scoped3A : memref<!tpu.dma_semaphore, #tpu.memory_space<semaphore_mem>>)
        %dma_wait3A_144 = arith.constant 0 : i32
        %dma_wait3A_145 = tpu.memref_slice %arg12[%multiple_of3A, %dma_wait3A_144] : memref<10112x128xf32, #tpu.memory_space<vmem_shared>> -> memref<128x128xf32, #tpu.memory_space<vmem_shared>>
        %dma_wait3A_146 = arith.constant 0 : i32
        %dma_wait3A_147 = tpu.memref_slice %arg12[%multiple_of3A, %dma_wait3A_146] : memref<10112x128xf32, #tpu.memory_space<vmem_shared>> -> memref<128x128xf32, #tpu.memory_space<vmem_shared>>
        tpu.wait_dma2 semaphore(%run_scoped3A : memref<!tpu.dma_semaphore, #tpu.memory_space<semaphore_mem>>) src(%dma_wait3A_147 : memref<128x128xf32, #tpu.memory_space<vmem_shared>>) dst(%arg10 : memref<128x128xf32, #tpu.memory_space<vmem>>)
        tpu.yield
      }) : () -> ()
      "tpu.region"() ({
        %run_scoped3A = tpu.sem_alloc : memref<!tpu.dma_semaphore, #tpu.memory_space<semaphore_mem>>
        %dma_start3A_140 = arith.constant 0 : i32
        %dma_start3A_141 = tpu.memref_slice %arg5[%arg0, %multiple_of3A, %dma_start3A_140] : memref<2x10000x128xf32, #tpu.memory_space<hbm>> -> memref<1x128x128xf32, #tpu.memory_space<hbm>>
        %dma_start3A_142 = tpu.memref_squeeze %dma_start3A_141 : memref<1x128x128xf32, #tpu.memory_space<hbm>> -> memref<128x128xf32, #tpu.memory_space<hbm>>
        %dma_start3A_143 = arith.constant 0 : i32
        %dma_start3A_144 = tpu.memref_slice %arg5[%arg0, %multiple_of3A, %dma_start3A_143] : memref<2x10000x128xf32, #tpu.memory_space<hbm>> -> memref<1x128x128xf32, #tpu.memory_space<hbm>>
        %dma_start3A_145 = tpu.memref_squeeze %dma_start3A_144 : memref<1x128x128xf32, #tpu.memory_space<hbm>> -> memref<128x128xf32, #tpu.memory_space<hbm>>
        tpu.enqueue_dma source(%arg10 : memref<128x128xf32, #tpu.memory_space<vmem>>) target(%dma_start3A_145 : memref<128x128xf32, #tpu.memory_space<hbm>>) target_semaphore(%run_scoped3A : memref<!tpu.dma_semaphore, #tpu.memory_space<semaphore_mem>>)
        %dma_wait3A_146 = arith.constant 0 : i32
        %dma_wait3A_147 = tpu.memref_slice %arg5[%arg0, %multiple_of3A, %dma_wait3A_146] : memref<2x10000x128xf32, #tpu.memory_space<hbm>> -> memref<1x128x128xf32, #tpu.memory_space<hbm>>
        %dma_wait3A_148 = tpu.memref_squeeze %dma_wait3A_147 : memref<1x128x128xf32, #tpu.memory_space<hbm>> -> memref<128x128xf32, #tpu.memory_space<hbm>>
        %dma_wait3A_149 = arith.constant 0 : i32
        %dma_wait3A_150 = tpu.memref_slice %arg5[%arg0, %multiple_of3A, %dma_wait3A_149] : memref<2x10000x128xf32, #tpu.memory_space<hbm>> -> memref<1x128x128xf32, #tpu.memory_space<hbm>>
        %dma_wait3A_151 = tpu.memref_squeeze %dma_wait3A_150 : memref<1x128x128xf32, #tpu.memory_space<hbm>> -> memref<128x128xf32, #tpu.memory_space<hbm>>
        tpu.wait_dma2 semaphore(%run_scoped3A : memref<!tpu.dma_semaphore, #tpu.memory_space<semaphore_mem>>) src(%arg10 : memref<128x128xf32, #tpu.memory_space<vmem>>) dst(%dma_wait3A_151 : memref<128x128xf32, #tpu.memory_space<hbm>>)
        tpu.yield
      }) : () -> ()
    } else {
    }
    %add3A_106 = arith.constant 16 : i32
    %add3A_107 = arith.addi %arg1, %add3A_106 : i32
    %lt3A_108 = arith.constant 78 : i32
    %lt3A_109 = arith.cmpi slt, %add3A_107, %lt3A_108 : i32
    %convert_element_type3A_110 = arith.extui %lt3A_109 : i1 to i32
    %cond3A_111 = arith.constant 0 : i32
    %cond3A_112 = arith.cmpi ne, %convert_element_type3A_110, %cond3A_111 : i32
    scf.if %cond3A_112 {
      %mul3A_138 = arith.constant 128 : i32
      %mul3A_139 = arith.muli %add3A_107, %mul3A_138 : i32
      %multiple_of3A = tpu.assume_multiple %mul3A_139, 8 : i32
      "tpu.region"() ({
        %run_scoped3A = tpu.sem_alloc : memref<!tpu.dma_semaphore, #tpu.memory_space<semaphore_mem>>
        %dma_start3A_140 = arith.constant 0 : i32
        %dma_start3A_141 = tpu.memref_slice %arg12[%multiple_of3A, %dma_start3A_140] : memref<10112x128xf32, #tpu.memory_space<vmem_shared>> -> memref<128x128xf32, #tpu.memory_space<vmem_shared>>
        %dma_start3A_142 = arith.constant 0 : i32
        %dma_start3A_143 = tpu.memref_slice %arg12[%multiple_of3A, %dma_start3A_142] : memref<10112x128xf32, #tpu.memory_space<vmem_shared>> -> memref<128x128xf32, #tpu.memory_space<vmem_shared>>
        tpu.enqueue_dma source(%dma_start3A_143 : memref<128x128xf32, #tpu.memory_space<vmem_shared>>) target(%arg10 : memref<128x128xf32, #tpu.memory_space<vmem>>) target_semaphore(%run_scoped3A : memref<!tpu.dma_semaphore, #tpu.memory_space<semaphore_mem>>)
        %dma_wait3A_144 = arith.constant 0 : i32
        %dma_wait3A_145 = tpu.memref_slice %arg12[%multiple_of3A, %dma_wait3A_144] : memref<10112x128xf32, #tpu.memory_space<vmem_shared>> -> memref<128x128xf32, #tpu.memory_space<vmem_shared>>
        %dma_wait3A_146 = arith.constant 0 : i32
        %dma_wait3A_147 = tpu.memref_slice %arg12[%multiple_of3A, %dma_wait3A_146] : memref<10112x128xf32, #tpu.memory_space<vmem_shared>> -> memref<128x128xf32, #tpu.memory_space<vmem_shared>>
        tpu.wait_dma2 semaphore(%run_scoped3A : memref<!tpu.dma_semaphore, #tpu.memory_space<semaphore_mem>>) src(%dma_wait3A_147 : memref<128x128xf32, #tpu.memory_space<vmem_shared>>) dst(%arg10 : memref<128x128xf32, #tpu.memory_space<vmem>>)
        tpu.yield
      }) : () -> ()
      "tpu.region"() ({
        %run_scoped3A = tpu.sem_alloc : memref<!tpu.dma_semaphore, #tpu.memory_space<semaphore_mem>>
        %dma_start3A_140 = arith.constant 0 : i32
        %dma_start3A_141 = tpu.memref_slice %arg5[%arg0, %multiple_of3A, %dma_start3A_140] : memref<2x10000x128xf32, #tpu.memory_space<hbm>> -> memref<1x128x128xf32, #tpu.memory_space<hbm>>
        %dma_start3A_142 = tpu.memref_squeeze %dma_start3A_141 : memref<1x128x128xf32, #tpu.memory_space<hbm>> -> memref<128x128xf32, #tpu.memory_space<hbm>>
        %dma_start3A_143 = arith.constant 0 : i32
        %dma_start3A_144 = tpu.memref_slice %arg5[%arg0, %multiple_of3A, %dma_start3A_143] : memref<2x10000x128xf32, #tpu.memory_space<hbm>> -> memref<1x128x128xf32, #tpu.memory_space<hbm>>
        %dma_start3A_145 = tpu.memref_squeeze %dma_start3A_144 : memref<1x128x128xf32, #tpu.memory_space<hbm>> -> memref<128x128xf32, #tpu.memory_space<hbm>>
        tpu.enqueue_dma source(%arg10 : memref<128x128xf32, #tpu.memory_space<vmem>>) target(%dma_start3A_145 : memref<128x128xf32, #tpu.memory_space<hbm>>) target_semaphore(%run_scoped3A : memref<!tpu.dma_semaphore, #tpu.memory_space<semaphore_mem>>)
        %dma_wait3A_146 = arith.constant 0 : i32
        %dma_wait3A_147 = tpu.memref_slice %arg5[%arg0, %multiple_of3A, %dma_wait3A_146] : memref<2x10000x128xf32, #tpu.memory_space<hbm>> -> memref<1x128x128xf32, #tpu.memory_space<hbm>>
        %dma_wait3A_148 = tpu.memref_squeeze %dma_wait3A_147 : memref<1x128x128xf32, #tpu.memory_space<hbm>> -> memref<128x128xf32, #tpu.memory_space<hbm>>
        %dma_wait3A_149 = arith.constant 0 : i32
        %dma_wait3A_150 = tpu.memref_slice %arg5[%arg0, %multiple_of3A, %dma_wait3A_149] : memref<2x10000x128xf32, #tpu.memory_space<hbm>> -> memref<1x128x128xf32, #tpu.memory_space<hbm>>
        %dma_wait3A_151 = tpu.memref_squeeze %dma_wait3A_150 : memref<1x128x128xf32, #tpu.memory_space<hbm>> -> memref<128x128xf32, #tpu.memory_space<hbm>>
        tpu.wait_dma2 semaphore(%run_scoped3A : memref<!tpu.dma_semaphore, #tpu.memory_space<semaphore_mem>>) src(%arg10 : memref<128x128xf32, #tpu.memory_space<vmem>>) dst(%dma_wait3A_151 : memref<128x128xf32, #tpu.memory_space<hbm>>)
        tpu.yield
      }) : () -> ()
    } else {
    }
    %add3A_113 = arith.constant 32 : i32
    %add3A_114 = arith.addi %arg1, %add3A_113 : i32
    %lt3A_115 = arith.constant 78 : i32
    %lt3A_116 = arith.cmpi slt, %add3A_114, %lt3A_115 : i32
    %convert_element_type3A_117 = arith.extui %lt3A_116 : i1 to i32
    %cond3A_118 = arith.constant 0 : i32
    %cond3A_119 = arith.cmpi ne, %convert_element_type3A_117, %cond3A_118 : i32
    scf.if %cond3A_119 {
      %mul3A_138 = arith.constant 128 : i32
      %mul3A_139 = arith.muli %add3A_114, %mul3A_138 : i32
      %multiple_of3A = tpu.assume_multiple %mul3A_139, 8 : i32
      "tpu.region"() ({
        %run_scoped3A = tpu.sem_alloc : memref<!tpu.dma_semaphore, #tpu.memory_space<semaphore_mem>>
        %dma_start3A_140 = arith.constant 0 : i32
        %dma_start3A_141 = tpu.memref_slice %arg12[%multiple_of3A, %dma_start3A_140] : memref<10112x128xf32, #tpu.memory_space<vmem_shared>> -> memref<128x128xf32, #tpu.memory_space<vmem_shared>>
        %dma_start3A_142 = arith.constant 0 : i32
        %dma_start3A_143 = tpu.memref_slice %arg12[%multiple_of3A, %dma_start3A_142] : memref<10112x128xf32, #tpu.memory_space<vmem_shared>> -> memref<128x128xf32, #tpu.memory_space<vmem_shared>>
        tpu.enqueue_dma source(%dma_start3A_143 : memref<128x128xf32, #tpu.memory_space<vmem_shared>>) target(%arg10 : memref<128x128xf32, #tpu.memory_space<vmem>>) target_semaphore(%run_scoped3A : memref<!tpu.dma_semaphore, #tpu.memory_space<semaphore_mem>>)
        %dma_wait3A_144 = arith.constant 0 : i32
        %dma_wait3A_145 = tpu.memref_slice %arg12[%multiple_of3A, %dma_wait3A_144] : memref<10112x128xf32, #tpu.memory_space<vmem_shared>> -> memref<128x128xf32, #tpu.memory_space<vmem_shared>>
        %dma_wait3A_146 = arith.constant 0 : i32
        %dma_wait3A_147 = tpu.memref_slice %arg12[%multiple_of3A, %dma_wait3A_146] : memref<10112x128xf32, #tpu.memory_space<vmem_shared>> -> memref<128x128xf32, #tpu.memory_space<vmem_shared>>
        tpu.wait_dma2 semaphore(%run_scoped3A : memref<!tpu.dma_semaphore, #tpu.memory_space<semaphore_mem>>) src(%dma_wait3A_147 : memref<128x128xf32, #tpu.memory_space<vmem_shared>>) dst(%arg10 : memref<128x128xf32, #tpu.memory_space<vmem>>)
        tpu.yield
      }) : () -> ()
      "tpu.region"() ({
        %run_scoped3A = tpu.sem_alloc : memref<!tpu.dma_semaphore, #tpu.memory_space<semaphore_mem>>
        %dma_start3A_140 = arith.constant 0 : i32
        %dma_start3A_141 = tpu.memref_slice %arg5[%arg0, %multiple_of3A, %dma_start3A_140] : memref<2x10000x128xf32, #tpu.memory_space<hbm>> -> memref<1x128x128xf32, #tpu.memory_space<hbm>>
        %dma_start3A_142 = tpu.memref_squeeze %dma_start3A_141 : memref<1x128x128xf32, #tpu.memory_space<hbm>> -> memref<128x128xf32, #tpu.memory_space<hbm>>
        %dma_start3A_143 = arith.constant 0 : i32
        %dma_start3A_144 = tpu.memref_slice %arg5[%arg0, %multiple_of3A, %dma_start3A_143] : memref<2x10000x128xf32, #tpu.memory_space<hbm>> -> memref<1x128x128xf32, #tpu.memory_space<hbm>>
        %dma_start3A_145 = tpu.memref_squeeze %dma_start3A_144 : memref<1x128x128xf32, #tpu.memory_space<hbm>> -> memref<128x128xf32, #tpu.memory_space<hbm>>
        tpu.enqueue_dma source(%arg10 : memref<128x128xf32, #tpu.memory_space<vmem>>) target(%dma_start3A_145 : memref<128x128xf32, #tpu.memory_space<hbm>>) target_semaphore(%run_scoped3A : memref<!tpu.dma_semaphore, #tpu.memory_space<semaphore_mem>>)
        %dma_wait3A_146 = arith.constant 0 : i32
        %dma_wait3A_147 = tpu.memref_slice %arg5[%arg0, %multiple_of3A, %dma_wait3A_146] : memref<2x10000x128xf32, #tpu.memory_space<hbm>> -> memref<1x128x128xf32, #tpu.memory_space<hbm>>
        %dma_wait3A_148 = tpu.memref_squeeze %dma_wait3A_147 : memref<1x128x128xf32, #tpu.memory_space<hbm>> -> memref<128x128xf32, #tpu.memory_space<hbm>>
        %dma_wait3A_149 = arith.constant 0 : i32
        %dma_wait3A_150 = tpu.memref_slice %arg5[%arg0, %multiple_of3A, %dma_wait3A_149] : memref<2x10000x128xf32, #tpu.memory_space<hbm>> -> memref<1x128x128xf32, #tpu.memory_space<hbm>>
        %dma_wait3A_151 = tpu.memref_squeeze %dma_wait3A_150 : memref<1x128x128xf32, #tpu.memory_space<hbm>> -> memref<128x128xf32, #tpu.memory_space<hbm>>
        tpu.wait_dma2 semaphore(%run_scoped3A : memref<!tpu.dma_semaphore, #tpu.memory_space<semaphore_mem>>) src(%arg10 : memref<128x128xf32, #tpu.memory_space<vmem>>) dst(%dma_wait3A_151 : memref<128x128xf32, #tpu.memory_space<hbm>>)
        tpu.yield
      }) : () -> ()
    } else {
    }
    %add3A_120 = arith.constant 48 : i32
    %add3A_121 = arith.addi %arg1, %add3A_120 : i32
    %lt3A_122 = arith.constant 78 : i32
    %lt3A_123 = arith.cmpi slt, %add3A_121, %lt3A_122 : i32
    %convert_element_type3A_124 = arith.extui %lt3A_123 : i1 to i32
    %cond3A_125 = arith.constant 0 : i32
    %cond3A_126 = arith.cmpi ne, %convert_element_type3A_124, %cond3A_125 : i32
    scf.if %cond3A_126 {
      %mul3A_138 = arith.constant 128 : i32
      %mul3A_139 = arith.muli %add3A_121, %mul3A_138 : i32
      %multiple_of3A = tpu.assume_multiple %mul3A_139, 8 : i32
      "tpu.region"() ({
        %run_scoped3A = tpu.sem_alloc : memref<!tpu.dma_semaphore, #tpu.memory_space<semaphore_mem>>
        %dma_start3A_140 = arith.constant 0 : i32
        %dma_start3A_141 = tpu.memref_slice %arg12[%multiple_of3A, %dma_start3A_140] : memref<10112x128xf32, #tpu.memory_space<vmem_shared>> -> memref<128x128xf32, #tpu.memory_space<vmem_shared>>
        %dma_start3A_142 = arith.constant 0 : i32
        %dma_start3A_143 = tpu.memref_slice %arg12[%multiple_of3A, %dma_start3A_142] : memref<10112x128xf32, #tpu.memory_space<vmem_shared>> -> memref<128x128xf32, #tpu.memory_space<vmem_shared>>
        tpu.enqueue_dma source(%dma_start3A_143 : memref<128x128xf32, #tpu.memory_space<vmem_shared>>) target(%arg10 : memref<128x128xf32, #tpu.memory_space<vmem>>) target_semaphore(%run_scoped3A : memref<!tpu.dma_semaphore, #tpu.memory_space<semaphore_mem>>)
        %dma_wait3A_144 = arith.constant 0 : i32
        %dma_wait3A_145 = tpu.memref_slice %arg12[%multiple_of3A, %dma_wait3A_144] : memref<10112x128xf32, #tpu.memory_space<vmem_shared>> -> memref<128x128xf32, #tpu.memory_space<vmem_shared>>
        %dma_wait3A_146 = arith.constant 0 : i32
        %dma_wait3A_147 = tpu.memref_slice %arg12[%multiple_of3A, %dma_wait3A_146] : memref<10112x128xf32, #tpu.memory_space<vmem_shared>> -> memref<128x128xf32, #tpu.memory_space<vmem_shared>>
        tpu.wait_dma2 semaphore(%run_scoped3A : memref<!tpu.dma_semaphore, #tpu.memory_space<semaphore_mem>>) src(%dma_wait3A_147 : memref<128x128xf32, #tpu.memory_space<vmem_shared>>) dst(%arg10 : memref<128x128xf32, #tpu.memory_space<vmem>>)
        tpu.yield
      }) : () -> ()
      "tpu.region"() ({
        %run_scoped3A = tpu.sem_alloc : memref<!tpu.dma_semaphore, #tpu.memory_space<semaphore_mem>>
        %dma_start3A_140 = arith.constant 0 : i32
        %dma_start3A_141 = tpu.memref_slice %arg5[%arg0, %multiple_of3A, %dma_start3A_140] : memref<2x10000x128xf32, #tpu.memory_space<hbm>> -> memref<1x128x128xf32, #tpu.memory_space<hbm>>
        %dma_start3A_142 = tpu.memref_squeeze %dma_start3A_141 : memref<1x128x128xf32, #tpu.memory_space<hbm>> -> memref<128x128xf32, #tpu.memory_space<hbm>>
        %dma_start3A_143 = arith.constant 0 : i32
        %dma_start3A_144 = tpu.memref_slice %arg5[%arg0, %multiple_of3A, %dma_start3A_143] : memref<2x10000x128xf32, #tpu.memory_space<hbm>> -> memref<1x128x128xf32, #tpu.memory_space<hbm>>
        %dma_start3A_145 = tpu.memref_squeeze %dma_start3A_144 : memref<1x128x128xf32, #tpu.memory_space<hbm>> -> memref<128x128xf32, #tpu.memory_space<hbm>>
        tpu.enqueue_dma source(%arg10 : memref<128x128xf32, #tpu.memory_space<vmem>>) target(%dma_start3A_145 : memref<128x128xf32, #tpu.memory_space<hbm>>) target_semaphore(%run_scoped3A : memref<!tpu.dma_semaphore, #tpu.memory_space<semaphore_mem>>)
        %dma_wait3A_146 = arith.constant 0 : i32
        %dma_wait3A_147 = tpu.memref_slice %arg5[%arg0, %multiple_of3A, %dma_wait3A_146] : memref<2x10000x128xf32, #tpu.memory_space<hbm>> -> memref<1x128x128xf32, #tpu.memory_space<hbm>>
        %dma_wait3A_148 = tpu.memref_squeeze %dma_wait3A_147 : memref<1x128x128xf32, #tpu.memory_space<hbm>> -> memref<128x128xf32, #tpu.memory_space<hbm>>
        %dma_wait3A_149 = arith.constant 0 : i32
        %dma_wait3A_150 = tpu.memref_slice %arg5[%arg0, %multiple_of3A, %dma_wait3A_149] : memref<2x10000x128xf32, #tpu.memory_space<hbm>> -> memref<1x128x128xf32, #tpu.memory_space<hbm>>
        %dma_wait3A_151 = tpu.memref_squeeze %dma_wait3A_150 : memref<1x128x128xf32, #tpu.memory_space<hbm>> -> memref<128x128xf32, #tpu.memory_space<hbm>>
        tpu.wait_dma2 semaphore(%run_scoped3A : memref<!tpu.dma_semaphore, #tpu.memory_space<semaphore_mem>>) src(%arg10 : memref<128x128xf32, #tpu.memory_space<vmem>>) dst(%dma_wait3A_151 : memref<128x128xf32, #tpu.memory_space<hbm>>)
        tpu.yield
      }) : () -> ()
    } else {
    }
    %add3A_127 = arith.constant 64 : i32
    %add3A_128 = arith.addi %arg1, %add3A_127 : i32
    %lt3A_129 = arith.constant 78 : i32
    %lt3A_130 = arith.cmpi slt, %add3A_128, %lt3A_129 : i32
    %convert_element_type3A_131 = arith.extui %lt3A_130 : i1 to i32
    %cond3A_132 = arith.constant 0 : i32
    %cond3A_133 = arith.cmpi ne, %convert_element_type3A_131, %cond3A_132 : i32
    scf.if %cond3A_133 {
      %mul3A_138 = arith.constant 128 : i32
      %mul3A_139 = arith.muli %add3A_128, %mul3A_138 : i32
      %multiple_of3A = tpu.assume_multiple %mul3A_139, 8 : i32
      "tpu.region"() ({
        %run_scoped3A = tpu.sem_alloc : memref<!tpu.dma_semaphore, #tpu.memory_space<semaphore_mem>>
        %dma_start3A_140 = arith.constant 0 : i32
        %dma_start3A_141 = tpu.memref_slice %arg12[%multiple_of3A, %dma_start3A_140] : memref<10112x128xf32, #tpu.memory_space<vmem_shared>> -> memref<128x128xf32, #tpu.memory_space<vmem_shared>>
        %dma_start3A_142 = arith.constant 0 : i32
        %dma_start3A_143 = tpu.memref_slice %arg12[%multiple_of3A, %dma_start3A_142] : memref<10112x128xf32, #tpu.memory_space<vmem_shared>> -> memref<128x128xf32, #tpu.memory_space<vmem_shared>>
        tpu.enqueue_dma source(%dma_start3A_143 : memref<128x128xf32, #tpu.memory_space<vmem_shared>>) target(%arg10 : memref<128x128xf32, #tpu.memory_space<vmem>>) target_semaphore(%run_scoped3A : memref<!tpu.dma_semaphore, #tpu.memory_space<semaphore_mem>>)
        %dma_wait3A_144 = arith.constant 0 : i32
        %dma_wait3A_145 = tpu.memref_slice %arg12[%multiple_of3A, %dma_wait3A_144] : memref<10112x128xf32, #tpu.memory_space<vmem_shared>> -> memref<128x128xf32, #tpu.memory_space<vmem_shared>>
        %dma_wait3A_146 = arith.constant 0 : i32
        %dma_wait3A_147 = tpu.memref_slice %arg12[%multiple_of3A, %dma_wait3A_146] : memref<10112x128xf32, #tpu.memory_space<vmem_shared>> -> memref<128x128xf32, #tpu.memory_space<vmem_shared>>
        tpu.wait_dma2 semaphore(%run_scoped3A : memref<!tpu.dma_semaphore, #tpu.memory_space<semaphore_mem>>) src(%dma_wait3A_147 : memref<128x128xf32, #tpu.memory_space<vmem_shared>>) dst(%arg10 : memref<128x128xf32, #tpu.memory_space<vmem>>)
        tpu.yield
      }) : () -> ()
      "tpu.region"() ({
        %run_scoped3A = tpu.sem_alloc : memref<!tpu.dma_semaphore, #tpu.memory_space<semaphore_mem>>
        %dma_start3A_140 = arith.constant 0 : i32
        %dma_start3A_141 = tpu.memref_slice %arg5[%arg0, %multiple_of3A, %dma_start3A_140] : memref<2x10000x128xf32, #tpu.memory_space<hbm>> -> memref<1x128x128xf32, #tpu.memory_space<hbm>>
        %dma_start3A_142 = tpu.memref_squeeze %dma_start3A_141 : memref<1x128x128xf32, #tpu.memory_space<hbm>> -> memref<128x128xf32, #tpu.memory_space<hbm>>
        %dma_start3A_143 = arith.constant 0 : i32
        %dma_start3A_144 = tpu.memref_slice %arg5[%arg0, %multiple_of3A, %dma_start3A_143] : memref<2x10000x128xf32, #tpu.memory_space<hbm>> -> memref<1x128x128xf32, #tpu.memory_space<hbm>>
        %dma_start3A_145 = tpu.memref_squeeze %dma_start3A_144 : memref<1x128x128xf32, #tpu.memory_space<hbm>> -> memref<128x128xf32, #tpu.memory_space<hbm>>
        tpu.enqueue_dma source(%arg10 : memref<128x128xf32, #tpu.memory_space<vmem>>) target(%dma_start3A_145 : memref<128x128xf32, #tpu.memory_space<hbm>>) target_semaphore(%run_scoped3A : memref<!tpu.dma_semaphore, #tpu.memory_space<semaphore_mem>>)
        %dma_wait3A_146 = arith.constant 0 : i32
        %dma_wait3A_147 = tpu.memref_slice %arg5[%arg0, %multiple_of3A, %dma_wait3A_146] : memref<2x10000x128xf32, #tpu.memory_space<hbm>> -> memref<1x128x128xf32, #tpu.memory_space<hbm>>
        %dma_wait3A_148 = tpu.memref_squeeze %dma_wait3A_147 : memref<1x128x128xf32, #tpu.memory_space<hbm>> -> memref<128x128xf32, #tpu.memory_space<hbm>>
        %dma_wait3A_149 = arith.constant 0 : i32
        %dma_wait3A_150 = tpu.memref_slice %arg5[%arg0, %multiple_of3A, %dma_wait3A_149] : memref<2x10000x128xf32, #tpu.memory_space<hbm>> -> memref<1x128x128xf32, #tpu.memory_space<hbm>>
        %dma_wait3A_151 = tpu.memref_squeeze %dma_wait3A_150 : memref<1x128x128xf32, #tpu.memory_space<hbm>> -> memref<128x128xf32, #tpu.memory_space<hbm>>
        tpu.wait_dma2 semaphore(%run_scoped3A : memref<!tpu.dma_semaphore, #tpu.memory_space<semaphore_mem>>) src(%arg10 : memref<128x128xf32, #tpu.memory_space<vmem>>) dst(%dma_wait3A_151 : memref<128x128xf32, #tpu.memory_space<hbm>>)
        tpu.yield
      }) : () -> ()
    } else {
    }
    %eq3A = arith.constant 1 : i32
    %eq3A_134 = arith.cmpi eq, %arg1, %eq3A : i32
    %convert_element_type3A_135 = arith.extui %eq3A_134 : i1 to i32
    %cond3A_136 = arith.constant 0 : i32
    %cond3A_137 = arith.cmpi ne, %convert_element_type3A_135, %cond3A_136 : i32
    scf.if %cond3A_137 {
      "tpu.region"() ({
        %run_scoped3A = tpu.sem_alloc : memref<!tpu.dma_semaphore, #tpu.memory_space<semaphore_mem>>
        %dma_start3A_138 = arith.constant 0 : i32
        %dma_start3A_139 = arith.constant 0 : i32
        %dma_start3A_140 = tpu.memref_slice %arg11[%dma_start3A_138, %dma_start3A_139] : memref<128x128xf32, #tpu.memory_space<vmem>> -> memref<16x128xf32, #tpu.memory_space<vmem>>
        %dma_start3A_141 = arith.constant 9984 : i32
        %dma_start3A_142 = arith.constant 0 : i32
        %dma_start3A_143 = tpu.memref_slice %arg12[%dma_start3A_141, %dma_start3A_142] : memref<10112x128xf32, #tpu.memory_space<vmem_shared>> -> memref<16x128xf32, #tpu.memory_space<vmem_shared>>
        %dma_start3A_144 = arith.constant 0 : i32
        %dma_start3A_145 = arith.constant 0 : i32
        %dma_start3A_146 = tpu.memref_slice %arg11[%dma_start3A_144, %dma_start3A_145] : memref<128x128xf32, #tpu.memory_space<vmem>> -> memref<16x128xf32, #tpu.memory_space<vmem>>
        %dma_start3A_147 = arith.constant 9984 : i32
        %dma_start3A_148 = arith.constant 0 : i32
        %dma_start3A_149 = tpu.memref_slice %arg12[%dma_start3A_147, %dma_start3A_148] : memref<10112x128xf32, #tpu.memory_space<vmem_shared>> -> memref<16x128xf32, #tpu.memory_space<vmem_shared>>
        tpu.enqueue_dma source(%dma_start3A_149 : memref<16x128xf32, #tpu.memory_space<vmem_shared>>) target(%dma_start3A_146 : memref<16x128xf32, #tpu.memory_space<vmem>>) target_semaphore(%run_scoped3A : memref<!tpu.dma_semaphore, #tpu.memory_space<semaphore_mem>>)
        %dma_wait3A_150 = arith.constant 0 : i32
        %dma_wait3A_151 = arith.constant 0 : i32
        %dma_wait3A_152 = tpu.memref_slice %arg11[%dma_wait3A_150, %dma_wait3A_151] : memref<128x128xf32, #tpu.memory_space<vmem>> -> memref<16x128xf32, #tpu.memory_space<vmem>>
        %dma_wait3A_153 = arith.constant 9984 : i32
        %dma_wait3A_154 = arith.constant 0 : i32
        %dma_wait3A_155 = tpu.memref_slice %arg12[%dma_wait3A_153, %dma_wait3A_154] : memref<10112x128xf32, #tpu.memory_space<vmem_shared>> -> memref<16x128xf32, #tpu.memory_space<vmem_shared>>
        %dma_wait3A_156 = arith.constant 0 : i32
        %dma_wait3A_157 = arith.constant 0 : i32
        %dma_wait3A_158 = tpu.memref_slice %arg11[%dma_wait3A_156, %dma_wait3A_157] : memref<128x128xf32, #tpu.memory_space<vmem>> -> memref<16x128xf32, #tpu.memory_space<vmem>>
        %dma_wait3A_159 = arith.constant 9984 : i32
        %dma_wait3A_160 = arith.constant 0 : i32
        %dma_wait3A_161 = tpu.memref_slice %arg12[%dma_wait3A_159, %dma_wait3A_160] : memref<10112x128xf32, #tpu.memory_space<vmem_shared>> -> memref<16x128xf32, #tpu.memory_space<vmem_shared>>
        tpu.wait_dma2 semaphore(%run_scoped3A : memref<!tpu.dma_semaphore, #tpu.memory_space<semaphore_mem>>) src(%dma_wait3A_161 : memref<16x128xf32, #tpu.memory_space<vmem_shared>>) dst(%dma_wait3A_158 : memref<16x128xf32, #tpu.memory_space<vmem>>)
        tpu.yield
      }) : () -> ()
      "tpu.region"() ({
        %run_scoped3A = tpu.sem_alloc : memref<!tpu.dma_semaphore, #tpu.memory_space<semaphore_mem>>
        %dma_start3A_138 = arith.constant 0 : i32
        %dma_start3A_139 = arith.constant 0 : i32
        %dma_start3A_140 = tpu.memref_slice %arg11[%dma_start3A_138, %dma_start3A_139] : memref<128x128xf32, #tpu.memory_space<vmem>> -> memref<16x128xf32, #tpu.memory_space<vmem>>
        %dma_start3A_141 = arith.constant 9984 : i32
        %dma_start3A_142 = arith.constant 0 : i32
        %dma_start3A_143 = tpu.memref_slice %arg5[%arg0, %dma_start3A_141, %dma_start3A_142] : memref<2x10000x128xf32, #tpu.memory_space<hbm>> -> memref<1x16x128xf32, #tpu.memory_space<hbm>>
        %dma_start3A_144 = tpu.memref_squeeze %dma_start3A_143 : memref<1x16x128xf32, #tpu.memory_space<hbm>> -> memref<16x128xf32, #tpu.memory_space<hbm>>
        %dma_start3A_145 = arith.constant 9984 : i32
        %dma_start3A_146 = arith.constant 0 : i32
        %dma_start3A_147 = tpu.memref_slice %arg5[%arg0, %dma_start3A_145, %dma_start3A_146] : memref<2x10000x128xf32, #tpu.memory_space<hbm>> -> memref<1x16x128xf32, #tpu.memory_space<hbm>>
        %dma_start3A_148 = tpu.memref_squeeze %dma_start3A_147 : memref<1x16x128xf32, #tpu.memory_space<hbm>> -> memref<16x128xf32, #tpu.memory_space<hbm>>
        %dma_start3A_149 = arith.constant 0 : i32
        %dma_start3A_150 = arith.constant 0 : i32
        %dma_start3A_151 = tpu.memref_slice %arg11[%dma_start3A_149, %dma_start3A_150] : memref<128x128xf32, #tpu.memory_space<vmem>> -> memref<16x128xf32, #tpu.memory_space<vmem>>
        tpu.enqueue_dma source(%dma_start3A_151 : memref<16x128xf32, #tpu.memory_space<vmem>>) target(%dma_start3A_148 : memref<16x128xf32, #tpu.memory_space<hbm>>) target_semaphore(%run_scoped3A : memref<!tpu.dma_semaphore, #tpu.memory_space<semaphore_mem>>)
        %dma_wait3A_152 = arith.constant 0 : i32
        %dma_wait3A_153 = arith.constant 0 : i32
        %dma_wait3A_154 = tpu.memref_slice %arg11[%dma_wait3A_152, %dma_wait3A_153] : memref<128x128xf32, #tpu.memory_space<vmem>> -> memref<16x128xf32, #tpu.memory_space<vmem>>
        %dma_wait3A_155 = arith.constant 9984 : i32
        %dma_wait3A_156 = arith.constant 0 : i32
        %dma_wait3A_157 = tpu.memref_slice %arg5[%arg0, %dma_wait3A_155, %dma_wait3A_156] : memref<2x10000x128xf32, #tpu.memory_space<hbm>> -> memref<1x16x128xf32, #tpu.memory_space<hbm>>
        %dma_wait3A_158 = tpu.memref_squeeze %dma_wait3A_157 : memref<1x16x128xf32, #tpu.memory_space<hbm>> -> memref<16x128xf32, #tpu.memory_space<hbm>>
        %dma_wait3A_159 = arith.constant 9984 : i32
        %dma_wait3A_160 = arith.constant 0 : i32
        %dma_wait3A_161 = tpu.memref_slice %arg5[%arg0, %dma_wait3A_159, %dma_wait3A_160] : memref<2x10000x128xf32, #tpu.memory_space<hbm>> -> memref<1x16x128xf32, #tpu.memory_space<hbm>>
        %dma_wait3A_162 = tpu.memref_squeeze %dma_wait3A_161 : memref<1x16x128xf32, #tpu.memory_space<hbm>> -> memref<16x128xf32, #tpu.memory_space<hbm>>
        %dma_wait3A_163 = arith.constant 0 : i32
        %dma_wait3A_164 = arith.constant 0 : i32
        %dma_wait3A_165 = tpu.memref_slice %arg11[%dma_wait3A_163, %dma_wait3A_164] : memref<128x128xf32, #tpu.memory_space<vmem>> -> memref<16x128xf32, #tpu.memory_space<vmem>>
        tpu.wait_dma2 semaphore(%run_scoped3A : memref<!tpu.dma_semaphore, #tpu.memory_space<semaphore_mem>>) src(%dma_wait3A_165 : memref<16x128xf32, #tpu.memory_space<vmem>>) dst(%dma_wait3A_162 : memref<16x128xf32, #tpu.memory_space<hbm>>)
        tpu.yield
      }) : () -> ()
    } else {
    }
    return
  }
}

#map = affine_map<(d0, d1) -> (0, 0, 0)>
module attributes {stable_mosaic.version = 14 : i64} {
  func.func @_deg_body(%arg0: i32, %arg1: i32, %arg2: memref<32x79x128xi32, #tpu.memory_space<hbm>>, %arg3: memref<2x10000x16xf32, #tpu.memory_space<hbm>>, %arg4: memref<79x128xi32, #tpu.memory_space<vmem>>, %arg5: memref<128x16xf32, #tpu.memory_space<vmem>>, %arg6: memref<10112x16xf32, #tpu.memory_space<vmem_shared>>, %arg7: memref<!tpu.dma_semaphore, #tpu.memory_space<semaphore_mem>>, %arg8: memref<!tpu.dma_semaphore, #tpu.memory_space<semaphore_mem>>) attributes {dimension_semantics = [#tpu.dimension_semantics<core_parallel>, #tpu.dimension_semantics<subcore_parallel>], iteration_bounds = array<i64: 2, 16>, scalar_prefetch = 0 : i64, scratch_operands = 5 : i64, tpu.core_type = #tpu.core_type<sc_vector_subcore>, window_params = [{transform_indices = #map}, {transform_indices = #map}]} {
    %mul3A = arith.constant 16 : i32
    %mul3A_0 = arith.muli %arg0, %mul3A : i32
    %add3A = arith.addi %mul3A_0, %arg1 : i32
    %broadcast_in_dim3A = arith.constant 1.000000e+00 : f32
    %broadcast_in_dim3A_1 = vector.broadcast %broadcast_in_dim3A : f32 to vector<16xf32>
    %broadcast_in_dim3A_2 = arith.constant 0.000000e+00 : f32
    %broadcast_in_dim3A_3 = vector.broadcast %broadcast_in_dim3A_2 : f32 to vector<16xf32>
    %scan3A = arith.constant 0 : i32
    %scan3A_4 = arith.constant 128 : i32
    %scan3A_5 = arith.addi %scan3A, %scan3A_4 : i32
    %scan3A_6 = arith.constant 1 : i32
    scf.for %scan3A_102 = %scan3A to %scan3A_5 step %scan3A_6  : i32 {
      %mul3A_103 = arith.constant 1 : i32
      %mul3A_104 = arith.muli %scan3A_102, %mul3A_103 : i32
      %add3A_105 = arith.constant 0 : i32
      %add3A_106 = arith.addi %add3A_105, %mul3A_104 : i32
      %swap3A = arith.index_cast %add3A_106 : i32 to index
      %swap3A_107 = arith.constant 0 : index
      %swap3A_108 = tpu.vector_load %arg5[%swap3A, %swap3A_107] {strides = array<i32>} : memref<128x16xf32, #tpu.memory_space<vmem>>, vector<1x16xf32>,
      %swap3A_109 = vector.shape_cast %swap3A_108 : vector<1x16xf32> to vector<16xf32>
      %swap3A_110 = vector.shape_cast %broadcast_in_dim3A_3 : vector<16xf32> to vector<1x16xf32>
      tpu.vector_store %arg5[%swap3A, %swap3A_107], %swap3A_110 {strides = array<i32>} : memref<128x16xf32, #tpu.memory_space<vmem>>, vector<1x16xf32>,
    }
    %scan3A_7 = arith.constant 128 : i32
    "tpu.region"() ({
      %run_scoped3A = tpu.sem_alloc : memref<!tpu.dma_semaphore, #tpu.memory_space<semaphore_mem>>
      %dma_start3A_102 = arith.constant 0 : i32
      %dma_start3A_103 = arith.constant 0 : i32
      %dma_start3A_104 = tpu.memref_slice %arg2[%add3A, %dma_start3A_102, %dma_start3A_103] : memref<32x79x128xi32, #tpu.memory_space<hbm>> -> memref<1x79x128xi32, #tpu.memory_space<hbm>>
      %dma_start3A_105 = tpu.memref_squeeze %dma_start3A_104 : memref<1x79x128xi32, #tpu.memory_space<hbm>> -> memref<79x128xi32, #tpu.memory_space<hbm>>
      %dma_start3A_106 = arith.constant 0 : i32
      %dma_start3A_107 = arith.constant 0 : i32
      %dma_start3A_108 = tpu.memref_slice %arg2[%add3A, %dma_start3A_106, %dma_start3A_107] : memref<32x79x128xi32, #tpu.memory_space<hbm>> -> memref<1x79x128xi32, #tpu.memory_space<hbm>>
      %dma_start3A_109 = tpu.memref_squeeze %dma_start3A_108 : memref<1x79x128xi32, #tpu.memory_space<hbm>> -> memref<79x128xi32, #tpu.memory_space<hbm>>
      tpu.enqueue_dma source(%dma_start3A_109 : memref<79x128xi32, #tpu.memory_space<hbm>>) target(%arg4 : memref<79x128xi32, #tpu.memory_space<vmem>>) target_semaphore(%run_scoped3A : memref<!tpu.dma_semaphore, #tpu.memory_space<semaphore_mem>>)
      %dma_wait3A_110 = arith.constant 0 : i32
      %dma_wait3A_111 = arith.constant 0 : i32
      %dma_wait3A_112 = tpu.memref_slice %arg2[%add3A, %dma_wait3A_110, %dma_wait3A_111] : memref<32x79x128xi32, #tpu.memory_space<hbm>> -> memref<1x79x128xi32, #tpu.memory_space<hbm>>
      %dma_wait3A_113 = tpu.memref_squeeze %dma_wait3A_112 : memref<1x79x128xi32, #tpu.memory_space<hbm>> -> memref<79x128xi32, #tpu.memory_space<hbm>>
      %dma_wait3A_114 = arith.constant 0 : i32
      %dma_wait3A_115 = arith.constant 0 : i32
      %dma_wait3A_116 = tpu.memref_slice %arg2[%add3A, %dma_wait3A_114, %dma_wait3A_115] : memref<32x79x128xi32, #tpu.memory_space<hbm>> -> memref<1x79x128xi32, #tpu.memory_space<hbm>>
      %dma_wait3A_117 = tpu.memref_squeeze %dma_wait3A_116 : memref<1x79x128xi32, #tpu.memory_space<hbm>> -> memref<79x128xi32, #tpu.memory_space<hbm>>
      tpu.wait_dma2 semaphore(%run_scoped3A : memref<!tpu.dma_semaphore, #tpu.memory_space<semaphore_mem>>) src(%dma_wait3A_117 : memref<79x128xi32, #tpu.memory_space<hbm>>) dst(%arg4 : memref<79x128xi32, #tpu.memory_space<vmem>>)
      tpu.yield
    }) : () -> ()
    %add3A_8 = arith.constant 0 : i32
    %add3A_9 = arith.addi %arg1, %add3A_8 : i32
    %lt3A = arith.constant 79 : i32
    %lt3A_10 = arith.cmpi slt, %add3A_9, %lt3A : i32
    %convert_element_type3A = arith.extui %lt3A_10 : i1 to i32
    %cond3A = arith.constant 0 : i32
    %cond3A_11 = arith.cmpi ne, %convert_element_type3A, %cond3A : i32
    scf.if %cond3A_11 {
      %mul3A_102 = arith.constant 128 : i32
      %mul3A_103 = arith.muli %add3A_9, %mul3A_102 : i32
      %multiple_of3A = tpu.assume_multiple %mul3A_103, 8 : i32
      "tpu.region"() ({
        %run_scoped3A = tpu.sem_alloc : memref<!tpu.dma_semaphore, #tpu.memory_space<semaphore_mem>>
        %dma_start3A_104 = arith.constant 0 : i32
        %dma_start3A_105 = tpu.memref_slice %arg6[%multiple_of3A, %dma_start3A_104] : memref<10112x16xf32, #tpu.memory_space<vmem_shared>> -> memref<128x16xf32, #tpu.memory_space<vmem_shared>>
        %dma_start3A_106 = arith.constant 0 : i32
        %dma_start3A_107 = tpu.memref_slice %arg6[%multiple_of3A, %dma_start3A_106] : memref<10112x16xf32, #tpu.memory_space<vmem_shared>> -> memref<128x16xf32, #tpu.memory_space<vmem_shared>>
        tpu.enqueue_dma source(%arg5 : memref<128x16xf32, #tpu.memory_space<vmem>>) target(%dma_start3A_107 : memref<128x16xf32, #tpu.memory_space<vmem_shared>>) target_semaphore(%run_scoped3A : memref<!tpu.dma_semaphore, #tpu.memory_space<semaphore_mem>>)
        %dma_wait3A_108 = arith.constant 0 : i32
        %dma_wait3A_109 = tpu.memref_slice %arg6[%multiple_of3A, %dma_wait3A_108] : memref<10112x16xf32, #tpu.memory_space<vmem_shared>> -> memref<128x16xf32, #tpu.memory_space<vmem_shared>>
        %dma_wait3A_110 = arith.constant 0 : i32
        %dma_wait3A_111 = tpu.memref_slice %arg6[%multiple_of3A, %dma_wait3A_110] : memref<10112x16xf32, #tpu.memory_space<vmem_shared>> -> memref<128x16xf32, #tpu.memory_space<vmem_shared>>
        tpu.wait_dma2 semaphore(%run_scoped3A : memref<!tpu.dma_semaphore, #tpu.memory_space<semaphore_mem>>) src(%arg5 : memref<128x16xf32, #tpu.memory_space<vmem>>) dst(%dma_wait3A_111 : memref<128x16xf32, #tpu.memory_space<vmem_shared>>)
        tpu.yield
      }) : () -> ()
    } else {
    }
    %add3A_12 = arith.constant 16 : i32
    %add3A_13 = arith.addi %arg1, %add3A_12 : i32
    %lt3A_14 = arith.constant 79 : i32
    %lt3A_15 = arith.cmpi slt, %add3A_13, %lt3A_14 : i32
    %convert_element_type3A_16 = arith.extui %lt3A_15 : i1 to i32
    %cond3A_17 = arith.constant 0 : i32
    %cond3A_18 = arith.cmpi ne, %convert_element_type3A_16, %cond3A_17 : i32
    scf.if %cond3A_18 {
      %mul3A_102 = arith.constant 128 : i32
      %mul3A_103 = arith.muli %add3A_13, %mul3A_102 : i32
      %multiple_of3A = tpu.assume_multiple %mul3A_103, 8 : i32
      "tpu.region"() ({
        %run_scoped3A = tpu.sem_alloc : memref<!tpu.dma_semaphore, #tpu.memory_space<semaphore_mem>>
        %dma_start3A_104 = arith.constant 0 : i32
        %dma_start3A_105 = tpu.memref_slice %arg6[%multiple_of3A, %dma_start3A_104] : memref<10112x16xf32, #tpu.memory_space<vmem_shared>> -> memref<128x16xf32, #tpu.memory_space<vmem_shared>>
        %dma_start3A_106 = arith.constant 0 : i32
        %dma_start3A_107 = tpu.memref_slice %arg6[%multiple_of3A, %dma_start3A_106] : memref<10112x16xf32, #tpu.memory_space<vmem_shared>> -> memref<128x16xf32, #tpu.memory_space<vmem_shared>>
        tpu.enqueue_dma source(%arg5 : memref<128x16xf32, #tpu.memory_space<vmem>>) target(%dma_start3A_107 : memref<128x16xf32, #tpu.memory_space<vmem_shared>>) target_semaphore(%run_scoped3A : memref<!tpu.dma_semaphore, #tpu.memory_space<semaphore_mem>>)
        %dma_wait3A_108 = arith.constant 0 : i32
        %dma_wait3A_109 = tpu.memref_slice %arg6[%multiple_of3A, %dma_wait3A_108] : memref<10112x16xf32, #tpu.memory_space<vmem_shared>> -> memref<128x16xf32, #tpu.memory_space<vmem_shared>>
        %dma_wait3A_110 = arith.constant 0 : i32
        %dma_wait3A_111 = tpu.memref_slice %arg6[%multiple_of3A, %dma_wait3A_110] : memref<10112x16xf32, #tpu.memory_space<vmem_shared>> -> memref<128x16xf32, #tpu.memory_space<vmem_shared>>
        tpu.wait_dma2 semaphore(%run_scoped3A : memref<!tpu.dma_semaphore, #tpu.memory_space<semaphore_mem>>) src(%arg5 : memref<128x16xf32, #tpu.memory_space<vmem>>) dst(%dma_wait3A_111 : memref<128x16xf32, #tpu.memory_space<vmem_shared>>)
        tpu.yield
      }) : () -> ()
    } else {
    }
    %add3A_19 = arith.constant 32 : i32
    %add3A_20 = arith.addi %arg1, %add3A_19 : i32
    %lt3A_21 = arith.constant 79 : i32
    %lt3A_22 = arith.cmpi slt, %add3A_20, %lt3A_21 : i32
    %convert_element_type3A_23 = arith.extui %lt3A_22 : i1 to i32
    %cond3A_24 = arith.constant 0 : i32
    %cond3A_25 = arith.cmpi ne, %convert_element_type3A_23, %cond3A_24 : i32
    scf.if %cond3A_25 {
      %mul3A_102 = arith.constant 128 : i32
      %mul3A_103 = arith.muli %add3A_20, %mul3A_102 : i32
      %multiple_of3A = tpu.assume_multiple %mul3A_103, 8 : i32
      "tpu.region"() ({
        %run_scoped3A = tpu.sem_alloc : memref<!tpu.dma_semaphore, #tpu.memory_space<semaphore_mem>>
        %dma_start3A_104 = arith.constant 0 : i32
        %dma_start3A_105 = tpu.memref_slice %arg6[%multiple_of3A, %dma_start3A_104] : memref<10112x16xf32, #tpu.memory_space<vmem_shared>> -> memref<128x16xf32, #tpu.memory_space<vmem_shared>>
        %dma_start3A_106 = arith.constant 0 : i32
        %dma_start3A_107 = tpu.memref_slice %arg6[%multiple_of3A, %dma_start3A_106] : memref<10112x16xf32, #tpu.memory_space<vmem_shared>> -> memref<128x16xf32, #tpu.memory_space<vmem_shared>>
        tpu.enqueue_dma source(%arg5 : memref<128x16xf32, #tpu.memory_space<vmem>>) target(%dma_start3A_107 : memref<128x16xf32, #tpu.memory_space<vmem_shared>>) target_semaphore(%run_scoped3A : memref<!tpu.dma_semaphore, #tpu.memory_space<semaphore_mem>>)
        %dma_wait3A_108 = arith.constant 0 : i32
        %dma_wait3A_109 = tpu.memref_slice %arg6[%multiple_of3A, %dma_wait3A_108] : memref<10112x16xf32, #tpu.memory_space<vmem_shared>> -> memref<128x16xf32, #tpu.memory_space<vmem_shared>>
        %dma_wait3A_110 = arith.constant 0 : i32
        %dma_wait3A_111 = tpu.memref_slice %arg6[%multiple_of3A, %dma_wait3A_110] : memref<10112x16xf32, #tpu.memory_space<vmem_shared>> -> memref<128x16xf32, #tpu.memory_space<vmem_shared>>
        tpu.wait_dma2 semaphore(%run_scoped3A : memref<!tpu.dma_semaphore, #tpu.memory_space<semaphore_mem>>) src(%arg5 : memref<128x16xf32, #tpu.memory_space<vmem>>) dst(%dma_wait3A_111 : memref<128x16xf32, #tpu.memory_space<vmem_shared>>)
        tpu.yield
      }) : () -> ()
    } else {
    }
    %add3A_26 = arith.constant 48 : i32
    %add3A_27 = arith.addi %arg1, %add3A_26 : i32
    %lt3A_28 = arith.constant 79 : i32
    %lt3A_29 = arith.cmpi slt, %add3A_27, %lt3A_28 : i32
    %convert_element_type3A_30 = arith.extui %lt3A_29 : i1 to i32
    %cond3A_31 = arith.constant 0 : i32
    %cond3A_32 = arith.cmpi ne, %convert_element_type3A_30, %cond3A_31 : i32
    scf.if %cond3A_32 {
      %mul3A_102 = arith.constant 128 : i32
      %mul3A_103 = arith.muli %add3A_27, %mul3A_102 : i32
      %multiple_of3A = tpu.assume_multiple %mul3A_103, 8 : i32
      "tpu.region"() ({
        %run_scoped3A = tpu.sem_alloc : memref<!tpu.dma_semaphore, #tpu.memory_space<semaphore_mem>>
        %dma_start3A_104 = arith.constant 0 : i32
        %dma_start3A_105 = tpu.memref_slice %arg6[%multiple_of3A, %dma_start3A_104] : memref<10112x16xf32, #tpu.memory_space<vmem_shared>> -> memref<128x16xf32, #tpu.memory_space<vmem_shared>>
        %dma_start3A_106 = arith.constant 0 : i32
        %dma_start3A_107 = tpu.memref_slice %arg6[%multiple_of3A, %dma_start3A_106] : memref<10112x16xf32, #tpu.memory_space<vmem_shared>> -> memref<128x16xf32, #tpu.memory_space<vmem_shared>>
        tpu.enqueue_dma source(%arg5 : memref<128x16xf32, #tpu.memory_space<vmem>>) target(%dma_start3A_107 : memref<128x16xf32, #tpu.memory_space<vmem_shared>>) target_semaphore(%run_scoped3A : memref<!tpu.dma_semaphore, #tpu.memory_space<semaphore_mem>>)
        %dma_wait3A_108 = arith.constant 0 : i32
        %dma_wait3A_109 = tpu.memref_slice %arg6[%multiple_of3A, %dma_wait3A_108] : memref<10112x16xf32, #tpu.memory_space<vmem_shared>> -> memref<128x16xf32, #tpu.memory_space<vmem_shared>>
        %dma_wait3A_110 = arith.constant 0 : i32
        %dma_wait3A_111 = tpu.memref_slice %arg6[%multiple_of3A, %dma_wait3A_110] : memref<10112x16xf32, #tpu.memory_space<vmem_shared>> -> memref<128x16xf32, #tpu.memory_space<vmem_shared>>
        tpu.wait_dma2 semaphore(%run_scoped3A : memref<!tpu.dma_semaphore, #tpu.memory_space<semaphore_mem>>) src(%arg5 : memref<128x16xf32, #tpu.memory_space<vmem>>) dst(%dma_wait3A_111 : memref<128x16xf32, #tpu.memory_space<vmem_shared>>)
        tpu.yield
      }) : () -> ()
    } else {
    }
    %add3A_33 = arith.constant 64 : i32
    %add3A_34 = arith.addi %arg1, %add3A_33 : i32
    %lt3A_35 = arith.constant 79 : i32
    %lt3A_36 = arith.cmpi slt, %add3A_34, %lt3A_35 : i32
    %convert_element_type3A_37 = arith.extui %lt3A_36 : i1 to i32
    %cond3A_38 = arith.constant 0 : i32
    %cond3A_39 = arith.cmpi ne, %convert_element_type3A_37, %cond3A_38 : i32
    scf.if %cond3A_39 {
      %mul3A_102 = arith.constant 128 : i32
      %mul3A_103 = arith.muli %add3A_34, %mul3A_102 : i32
      %multiple_of3A = tpu.assume_multiple %mul3A_103, 8 : i32
      "tpu.region"() ({
        %run_scoped3A = tpu.sem_alloc : memref<!tpu.dma_semaphore, #tpu.memory_space<semaphore_mem>>
        %dma_start3A_104 = arith.constant 0 : i32
        %dma_start3A_105 = tpu.memref_slice %arg6[%multiple_of3A, %dma_start3A_104] : memref<10112x16xf32, #tpu.memory_space<vmem_shared>> -> memref<128x16xf32, #tpu.memory_space<vmem_shared>>
        %dma_start3A_106 = arith.constant 0 : i32
        %dma_start3A_107 = tpu.memref_slice %arg6[%multiple_of3A, %dma_start3A_106] : memref<10112x16xf32, #tpu.memory_space<vmem_shared>> -> memref<128x16xf32, #tpu.memory_space<vmem_shared>>
        tpu.enqueue_dma source(%arg5 : memref<128x16xf32, #tpu.memory_space<vmem>>) target(%dma_start3A_107 : memref<128x16xf32, #tpu.memory_space<vmem_shared>>) target_semaphore(%run_scoped3A : memref<!tpu.dma_semaphore, #tpu.memory_space<semaphore_mem>>)
        %dma_wait3A_108 = arith.constant 0 : i32
        %dma_wait3A_109 = tpu.memref_slice %arg6[%multiple_of3A, %dma_wait3A_108] : memref<10112x16xf32, #tpu.memory_space<vmem_shared>> -> memref<128x16xf32, #tpu.memory_space<vmem_shared>>
        %dma_wait3A_110 = arith.constant 0 : i32
        %dma_wait3A_111 = tpu.memref_slice %arg6[%multiple_of3A, %dma_wait3A_110] : memref<10112x16xf32, #tpu.memory_space<vmem_shared>> -> memref<128x16xf32, #tpu.memory_space<vmem_shared>>
        tpu.wait_dma2 semaphore(%run_scoped3A : memref<!tpu.dma_semaphore, #tpu.memory_space<semaphore_mem>>) src(%arg5 : memref<128x16xf32, #tpu.memory_space<vmem>>) dst(%dma_wait3A_111 : memref<128x16xf32, #tpu.memory_space<vmem_shared>>)
        tpu.yield
      }) : () -> ()
    } else {
    }
    %scan3A_40 = arith.constant 0 : i32
    %scan3A_41 = arith.constant 128 : i32
    %scan3A_42 = arith.addi %scan3A_40, %scan3A_41 : i32
    %scan3A_43 = arith.constant 1 : i32
    scf.for %scan3A_102 = %scan3A_40 to %scan3A_42 step %scan3A_43  : i32 {
      %mul3A_103 = arith.constant 1 : i32
      %mul3A_104 = arith.muli %scan3A_102, %mul3A_103 : i32
      %add3A_105 = arith.constant 0 : i32
      %add3A_106 = arith.addi %add3A_105, %mul3A_104 : i32
      %swap3A = arith.index_cast %add3A_106 : i32 to index
      %swap3A_107 = arith.constant 0 : index
      %swap3A_108 = tpu.vector_load %arg5[%swap3A, %swap3A_107] {strides = array<i32>} : memref<128x16xf32, #tpu.memory_space<vmem>>, vector<1x16xf32>,
      %swap3A_109 = vector.shape_cast %swap3A_108 : vector<1x16xf32> to vector<16xf32>
      %swap3A_110 = vector.shape_cast %broadcast_in_dim3A_1 : vector<16xf32> to vector<1x16xf32>
      tpu.vector_store %arg5[%swap3A, %swap3A_107], %swap3A_110 {strides = array<i32>} : memref<128x16xf32, #tpu.memory_space<vmem>>, vector<1x16xf32>,
    }
    %scan3A_44 = arith.constant 128 : i32
    %barrier3A = arith.constant 0 : index
    tpu.barrier barrier_id(%barrier3A)
    %dma_start3A = arith.constant 0 : i32
    %dma_start3A_45 = arith.constant 0 : i32
    %dma_start3A_46 = tpu.memref_slice %arg4[%dma_start3A, %dma_start3A_45] : memref<79x128xi32, #tpu.memory_space<vmem>> -> memref<1x128xi32, #tpu.memory_space<vmem>>
    %dma_start3A_47 = tpu.memref_squeeze %dma_start3A_46 : memref<1x128xi32, #tpu.memory_space<vmem>> -> memref<128xi32, #tpu.memory_space<vmem>>
    %dma_start3A_48 = arith.constant 0 : i32
    %dma_start3A_49 = arith.constant 0 : i32
    %dma_start3A_50 = tpu.memref_slice %arg6[%dma_start3A_48, %dma_start3A_49] : memref<10112x16xf32, #tpu.memory_space<vmem_shared>> -> memref<10112x16xf32, #tpu.memory_space<vmem_shared>>
    tpu.enqueue_indirect_dma source(%arg5 : memref<128x16xf32, #tpu.memory_space<vmem>>) target(%dma_start3A_50 : memref<10112x16xf32, #tpu.memory_space<vmem_shared>>) offsets(%dma_start3A_47 : memref<128xi32, #tpu.memory_space<vmem>>) semaphore(%arg7 : memref<!tpu.dma_semaphore, #tpu.memory_space<semaphore_mem>>) {add = true}
    %scan3A_51 = arith.constant 0 : i32
    %scan3A_52 = arith.constant 39 : i32
    %scan3A_53 = arith.addi %scan3A_51, %scan3A_52 : i32
    %scan3A_54 = arith.constant 1 : i32
    scf.for %scan3A_102 = %scan3A_51 to %scan3A_53 step %scan3A_54  : i32 {
      %mul3A_103 = arith.constant 1 : i32
      %mul3A_104 = arith.muli %scan3A_102, %mul3A_103 : i32
      %add3A_105 = arith.constant 0 : i32
      %add3A_106 = arith.addi %add3A_105, %mul3A_104 : i32
      %mul3A_107 = arith.constant 2 : i32
      %mul3A_108 = arith.muli %mul3A_107, %add3A_106 : i32
      %add3A_109 = arith.constant 1 : i32
      %add3A_110 = arith.addi %mul3A_108, %add3A_109 : i32
      %dma_start3A_111 = arith.constant 0 : i32
      %dma_start3A_112 = tpu.memref_slice %arg4[%add3A_110, %dma_start3A_111] : memref<79x128xi32, #tpu.memory_space<vmem>> -> memref<1x128xi32, #tpu.memory_space<vmem>>
      %dma_start3A_113 = tpu.memref_squeeze %dma_start3A_112 : memref<1x128xi32, #tpu.memory_space<vmem>> -> memref<128xi32, #tpu.memory_space<vmem>>
      %dma_start3A_114 = arith.constant 0 : i32
      %dma_start3A_115 = arith.constant 0 : i32
      %dma_start3A_116 = tpu.memref_slice %arg6[%dma_start3A_114, %dma_start3A_115] : memref<10112x16xf32, #tpu.memory_space<vmem_shared>> -> memref<10112x16xf32, #tpu.memory_space<vmem_shared>>
      tpu.enqueue_indirect_dma source(%arg5 : memref<128x16xf32, #tpu.memory_space<vmem>>) target(%dma_start3A_116 : memref<10112x16xf32, #tpu.memory_space<vmem_shared>>) offsets(%dma_start3A_113 : memref<128xi32, #tpu.memory_space<vmem>>) semaphore(%arg8 : memref<!tpu.dma_semaphore, #tpu.memory_space<semaphore_mem>>) {add = true}
      %dma_wait3A_117 = arith.constant 0 : i32
      %dma_wait3A_118 = tpu.memref_slice %arg4[%mul3A_108, %dma_wait3A_117] : memref<79x128xi32, #tpu.memory_space<vmem>> -> memref<1x128xi32, #tpu.memory_space<vmem>>
      %dma_wait3A_119 = tpu.memref_squeeze %dma_wait3A_118 : memref<1x128xi32, #tpu.memory_space<vmem>> -> memref<128xi32, #tpu.memory_space<vmem>>
      %dma_wait3A_120 = arith.constant 0 : i32
      %dma_wait3A_121 = arith.constant 0 : i32
      %dma_wait3A_122 = tpu.memref_slice %arg6[%dma_wait3A_120, %dma_wait3A_121] : memref<10112x16xf32, #tpu.memory_space<vmem_shared>> -> memref<10112x16xf32, #tpu.memory_space<vmem_shared>>
      tpu.wait_indirect_dma semaphore(%arg7 : memref<!tpu.dma_semaphore, #tpu.memory_space<semaphore_mem>>) src(%arg5 : memref<128x16xf32, #tpu.memory_space<vmem>>) dst(%dma_wait3A_122 : memref<10112x16xf32, #tpu.memory_space<vmem_shared>>)
      %add3A_123 = arith.constant 2 : i32
      %add3A_124 = arith.addi %mul3A_108, %add3A_123 : i32
      %dma_start3A_125 = arith.constant 0 : i32
      %dma_start3A_126 = tpu.memref_slice %arg4[%add3A_124, %dma_start3A_125] : memref<79x128xi32, #tpu.memory_space<vmem>> -> memref<1x128xi32, #tpu.memory_space<vmem>>
      %dma_start3A_127 = tpu.memref_squeeze %dma_start3A_126 : memref<1x128xi32, #tpu.memory_space<vmem>> -> memref<128xi32, #tpu.memory_space<vmem>>
      %dma_start3A_128 = arith.constant 0 : i32
      %dma_start3A_129 = arith.constant 0 : i32
      %dma_start3A_130 = tpu.memref_slice %arg6[%dma_start3A_128, %dma_start3A_129] : memref<10112x16xf32, #tpu.memory_space<vmem_shared>> -> memref<10112x16xf32, #tpu.memory_space<vmem_shared>>
      tpu.enqueue_indirect_dma source(%arg5 : memref<128x16xf32, #tpu.memory_space<vmem>>) target(%dma_start3A_130 : memref<10112x16xf32, #tpu.memory_space<vmem_shared>>) offsets(%dma_start3A_127 : memref<128xi32, #tpu.memory_space<vmem>>) semaphore(%arg7 : memref<!tpu.dma_semaphore, #tpu.memory_space<semaphore_mem>>) {add = true}
      %add3A_131 = arith.constant 1 : i32
      %add3A_132 = arith.addi %mul3A_108, %add3A_131 : i32
      %dma_wait3A_133 = arith.constant 0 : i32
      %dma_wait3A_134 = tpu.memref_slice %arg4[%add3A_132, %dma_wait3A_133] : memref<79x128xi32, #tpu.memory_space<vmem>> -> memref<1x128xi32, #tpu.memory_space<vmem>>
      %dma_wait3A_135 = tpu.memref_squeeze %dma_wait3A_134 : memref<1x128xi32, #tpu.memory_space<vmem>> -> memref<128xi32, #tpu.memory_space<vmem>>
      %dma_wait3A_136 = arith.constant 0 : i32
      %dma_wait3A_137 = arith.constant 0 : i32
      %dma_wait3A_138 = tpu.memref_slice %arg6[%dma_wait3A_136, %dma_wait3A_137] : memref<10112x16xf32, #tpu.memory_space<vmem_shared>> -> memref<10112x16xf32, #tpu.memory_space<vmem_shared>>
      tpu.wait_indirect_dma semaphore(%arg8 : memref<!tpu.dma_semaphore, #tpu.memory_space<semaphore_mem>>) src(%arg5 : memref<128x16xf32, #tpu.memory_space<vmem>>) dst(%dma_wait3A_138 : memref<10112x16xf32, #tpu.memory_space<vmem_shared>>)
    }
    %scan3A_55 = arith.constant 39 : i32
    %dma_wait3A = arith.constant 78 : i32
    %dma_wait3A_56 = arith.constant 0 : i32
    %dma_wait3A_57 = tpu.memref_slice %arg4[%dma_wait3A, %dma_wait3A_56] : memref<79x128xi32, #tpu.memory_space<vmem>> -> memref<1x128xi32, #tpu.memory_space<vmem>>
    %dma_wait3A_58 = tpu.memref_squeeze %dma_wait3A_57 : memref<1x128xi32, #tpu.memory_space<vmem>> -> memref<128xi32, #tpu.memory_space<vmem>>
    %dma_wait3A_59 = arith.constant 0 : i32
    %dma_wait3A_60 = arith.constant 0 : i32
    %dma_wait3A_61 = tpu.memref_slice %arg6[%dma_wait3A_59, %dma_wait3A_60] : memref<10112x16xf32, #tpu.memory_space<vmem_shared>> -> memref<10112x16xf32, #tpu.memory_space<vmem_shared>>
    tpu.wait_indirect_dma semaphore(%arg7 : memref<!tpu.dma_semaphore, #tpu.memory_space<semaphore_mem>>) src(%arg5 : memref<128x16xf32, #tpu.memory_space<vmem>>) dst(%dma_wait3A_61 : memref<10112x16xf32, #tpu.memory_space<vmem_shared>>)
    %barrier3A_62 = arith.constant 0 : index
    tpu.barrier barrier_id(%barrier3A_62)
    %add3A_63 = arith.constant 0 : i32
    %add3A_64 = arith.addi %arg1, %add3A_63 : i32
    %lt3A_65 = arith.constant 78 : i32
    %lt3A_66 = arith.cmpi slt, %add3A_64, %lt3A_65 : i32
    %convert_element_type3A_67 = arith.extui %lt3A_66 : i1 to i32
    %cond3A_68 = arith.constant 0 : i32
    %cond3A_69 = arith.cmpi ne, %convert_element_type3A_67, %cond3A_68 : i32
    scf.if %cond3A_69 {
      %mul3A_102 = arith.constant 128 : i32
      %mul3A_103 = arith.muli %add3A_64, %mul3A_102 : i32
      %multiple_of3A = tpu.assume_multiple %mul3A_103, 8 : i32
      "tpu.region"() ({
        %run_scoped3A = tpu.sem_alloc : memref<!tpu.dma_semaphore, #tpu.memory_space<semaphore_mem>>
        %dma_start3A_104 = arith.constant 0 : i32
        %dma_start3A_105 = tpu.memref_slice %arg6[%multiple_of3A, %dma_start3A_104] : memref<10112x16xf32, #tpu.memory_space<vmem_shared>> -> memref<128x16xf32, #tpu.memory_space<vmem_shared>>
        %dma_start3A_106 = arith.constant 0 : i32
        %dma_start3A_107 = tpu.memref_slice %arg6[%multiple_of3A, %dma_start3A_106] : memref<10112x16xf32, #tpu.memory_space<vmem_shared>> -> memref<128x16xf32, #tpu.memory_space<vmem_shared>>
        tpu.enqueue_dma source(%dma_start3A_107 : memref<128x16xf32, #tpu.memory_space<vmem_shared>>) target(%arg5 : memref<128x16xf32, #tpu.memory_space<vmem>>) target_semaphore(%run_scoped3A : memref<!tpu.dma_semaphore, #tpu.memory_space<semaphore_mem>>)
        %dma_wait3A_108 = arith.constant 0 : i32
        %dma_wait3A_109 = tpu.memref_slice %arg6[%multiple_of3A, %dma_wait3A_108] : memref<10112x16xf32, #tpu.memory_space<vmem_shared>> -> memref<128x16xf32, #tpu.memory_space<vmem_shared>>
        %dma_wait3A_110 = arith.constant 0 : i32
        %dma_wait3A_111 = tpu.memref_slice %arg6[%multiple_of3A, %dma_wait3A_110] : memref<10112x16xf32, #tpu.memory_space<vmem_shared>> -> memref<128x16xf32, #tpu.memory_space<vmem_shared>>
        tpu.wait_dma2 semaphore(%run_scoped3A : memref<!tpu.dma_semaphore, #tpu.memory_space<semaphore_mem>>) src(%dma_wait3A_111 : memref<128x16xf32, #tpu.memory_space<vmem_shared>>) dst(%arg5 : memref<128x16xf32, #tpu.memory_space<vmem>>)
        tpu.yield
      }) : () -> ()
      "tpu.region"() ({
        %run_scoped3A = tpu.sem_alloc : memref<!tpu.dma_semaphore, #tpu.memory_space<semaphore_mem>>
        %dma_start3A_104 = arith.constant 0 : i32
        %dma_start3A_105 = tpu.memref_slice %arg3[%arg0, %multiple_of3A, %dma_start3A_104] : memref<2x10000x16xf32, #tpu.memory_space<hbm>> -> memref<1x128x16xf32, #tpu.memory_space<hbm>>
        %dma_start3A_106 = tpu.memref_squeeze %dma_start3A_105 : memref<1x128x16xf32, #tpu.memory_space<hbm>> -> memref<128x16xf32, #tpu.memory_space<hbm>>
        %dma_start3A_107 = arith.constant 0 : i32
        %dma_start3A_108 = tpu.memref_slice %arg3[%arg0, %multiple_of3A, %dma_start3A_107] : memref<2x10000x16xf32, #tpu.memory_space<hbm>> -> memref<1x128x16xf32, #tpu.memory_space<hbm>>
        %dma_start3A_109 = tpu.memref_squeeze %dma_start3A_108 : memref<1x128x16xf32, #tpu.memory_space<hbm>> -> memref<128x16xf32, #tpu.memory_space<hbm>>
        tpu.enqueue_dma source(%arg5 : memref<128x16xf32, #tpu.memory_space<vmem>>) target(%dma_start3A_109 : memref<128x16xf32, #tpu.memory_space<hbm>>) target_semaphore(%run_scoped3A : memref<!tpu.dma_semaphore, #tpu.memory_space<semaphore_mem>>)
        %dma_wait3A_110 = arith.constant 0 : i32
        %dma_wait3A_111 = tpu.memref_slice %arg3[%arg0, %multiple_of3A, %dma_wait3A_110] : memref<2x10000x16xf32, #tpu.memory_space<hbm>> -> memref<1x128x16xf32, #tpu.memory_space<hbm>>
        %dma_wait3A_112 = tpu.memref_squeeze %dma_wait3A_111 : memref<1x128x16xf32, #tpu.memory_space<hbm>> -> memref<128x16xf32, #tpu.memory_space<hbm>>
        %dma_wait3A_113 = arith.constant 0 : i32
        %dma_wait3A_114 = tpu.memref_slice %arg3[%arg0, %multiple_of3A, %dma_wait3A_113] : memref<2x10000x16xf32, #tpu.memory_space<hbm>> -> memref<1x128x16xf32, #tpu.memory_space<hbm>>
        %dma_wait3A_115 = tpu.memref_squeeze %dma_wait3A_114 : memref<1x128x16xf32, #tpu.memory_space<hbm>> -> memref<128x16xf32, #tpu.memory_space<hbm>>
        tpu.wait_dma2 semaphore(%run_scoped3A : memref<!tpu.dma_semaphore, #tpu.memory_space<semaphore_mem>>) src(%arg5 : memref<128x16xf32, #tpu.memory_space<vmem>>) dst(%dma_wait3A_115 : memref<128x16xf32, #tpu.memory_space<hbm>>)
        tpu.yield
      }) : () -> ()
    } else {
    }
    %add3A_70 = arith.constant 16 : i32
    %add3A_71 = arith.addi %arg1, %add3A_70 : i32
    %lt3A_72 = arith.constant 78 : i32
    %lt3A_73 = arith.cmpi slt, %add3A_71, %lt3A_72 : i32
    %convert_element_type3A_74 = arith.extui %lt3A_73 : i1 to i32
    %cond3A_75 = arith.constant 0 : i32
    %cond3A_76 = arith.cmpi ne, %convert_element_type3A_74, %cond3A_75 : i32
    scf.if %cond3A_76 {
      %mul3A_102 = arith.constant 128 : i32
      %mul3A_103 = arith.muli %add3A_71, %mul3A_102 : i32
      %multiple_of3A = tpu.assume_multiple %mul3A_103, 8 : i32
      "tpu.region"() ({
        %run_scoped3A = tpu.sem_alloc : memref<!tpu.dma_semaphore, #tpu.memory_space<semaphore_mem>>
        %dma_start3A_104 = arith.constant 0 : i32
        %dma_start3A_105 = tpu.memref_slice %arg6[%multiple_of3A, %dma_start3A_104] : memref<10112x16xf32, #tpu.memory_space<vmem_shared>> -> memref<128x16xf32, #tpu.memory_space<vmem_shared>>
        %dma_start3A_106 = arith.constant 0 : i32
        %dma_start3A_107 = tpu.memref_slice %arg6[%multiple_of3A, %dma_start3A_106] : memref<10112x16xf32, #tpu.memory_space<vmem_shared>> -> memref<128x16xf32, #tpu.memory_space<vmem_shared>>
        tpu.enqueue_dma source(%dma_start3A_107 : memref<128x16xf32, #tpu.memory_space<vmem_shared>>) target(%arg5 : memref<128x16xf32, #tpu.memory_space<vmem>>) target_semaphore(%run_scoped3A : memref<!tpu.dma_semaphore, #tpu.memory_space<semaphore_mem>>)
        %dma_wait3A_108 = arith.constant 0 : i32
        %dma_wait3A_109 = tpu.memref_slice %arg6[%multiple_of3A, %dma_wait3A_108] : memref<10112x16xf32, #tpu.memory_space<vmem_shared>> -> memref<128x16xf32, #tpu.memory_space<vmem_shared>>
        %dma_wait3A_110 = arith.constant 0 : i32
        %dma_wait3A_111 = tpu.memref_slice %arg6[%multiple_of3A, %dma_wait3A_110] : memref<10112x16xf32, #tpu.memory_space<vmem_shared>> -> memref<128x16xf32, #tpu.memory_space<vmem_shared>>
        tpu.wait_dma2 semaphore(%run_scoped3A : memref<!tpu.dma_semaphore, #tpu.memory_space<semaphore_mem>>) src(%dma_wait3A_111 : memref<128x16xf32, #tpu.memory_space<vmem_shared>>) dst(%arg5 : memref<128x16xf32, #tpu.memory_space<vmem>>)
        tpu.yield
      }) : () -> ()
      "tpu.region"() ({
        %run_scoped3A = tpu.sem_alloc : memref<!tpu.dma_semaphore, #tpu.memory_space<semaphore_mem>>
        %dma_start3A_104 = arith.constant 0 : i32
        %dma_start3A_105 = tpu.memref_slice %arg3[%arg0, %multiple_of3A, %dma_start3A_104] : memref<2x10000x16xf32, #tpu.memory_space<hbm>> -> memref<1x128x16xf32, #tpu.memory_space<hbm>>
        %dma_start3A_106 = tpu.memref_squeeze %dma_start3A_105 : memref<1x128x16xf32, #tpu.memory_space<hbm>> -> memref<128x16xf32, #tpu.memory_space<hbm>>
        %dma_start3A_107 = arith.constant 0 : i32
        %dma_start3A_108 = tpu.memref_slice %arg3[%arg0, %multiple_of3A, %dma_start3A_107] : memref<2x10000x16xf32, #tpu.memory_space<hbm>> -> memref<1x128x16xf32, #tpu.memory_space<hbm>>
        %dma_start3A_109 = tpu.memref_squeeze %dma_start3A_108 : memref<1x128x16xf32, #tpu.memory_space<hbm>> -> memref<128x16xf32, #tpu.memory_space<hbm>>
        tpu.enqueue_dma source(%arg5 : memref<128x16xf32, #tpu.memory_space<vmem>>) target(%dma_start3A_109 : memref<128x16xf32, #tpu.memory_space<hbm>>) target_semaphore(%run_scoped3A : memref<!tpu.dma_semaphore, #tpu.memory_space<semaphore_mem>>)
        %dma_wait3A_110 = arith.constant 0 : i32
        %dma_wait3A_111 = tpu.memref_slice %arg3[%arg0, %multiple_of3A, %dma_wait3A_110] : memref<2x10000x16xf32, #tpu.memory_space<hbm>> -> memref<1x128x16xf32, #tpu.memory_space<hbm>>
        %dma_wait3A_112 = tpu.memref_squeeze %dma_wait3A_111 : memref<1x128x16xf32, #tpu.memory_space<hbm>> -> memref<128x16xf32, #tpu.memory_space<hbm>>
        %dma_wait3A_113 = arith.constant 0 : i32
        %dma_wait3A_114 = tpu.memref_slice %arg3[%arg0, %multiple_of3A, %dma_wait3A_113] : memref<2x10000x16xf32, #tpu.memory_space<hbm>> -> memref<1x128x16xf32, #tpu.memory_space<hbm>>
        %dma_wait3A_115 = tpu.memref_squeeze %dma_wait3A_114 : memref<1x128x16xf32, #tpu.memory_space<hbm>> -> memref<128x16xf32, #tpu.memory_space<hbm>>
        tpu.wait_dma2 semaphore(%run_scoped3A : memref<!tpu.dma_semaphore, #tpu.memory_space<semaphore_mem>>) src(%arg5 : memref<128x16xf32, #tpu.memory_space<vmem>>) dst(%dma_wait3A_115 : memref<128x16xf32, #tpu.memory_space<hbm>>)
        tpu.yield
      }) : () -> ()
    } else {
    }
    %add3A_77 = arith.constant 32 : i32
    %add3A_78 = arith.addi %arg1, %add3A_77 : i32
    %lt3A_79 = arith.constant 78 : i32
    %lt3A_80 = arith.cmpi slt, %add3A_78, %lt3A_79 : i32
    %convert_element_type3A_81 = arith.extui %lt3A_80 : i1 to i32
    %cond3A_82 = arith.constant 0 : i32
    %cond3A_83 = arith.cmpi ne, %convert_element_type3A_81, %cond3A_82 : i32
    scf.if %cond3A_83 {
      %mul3A_102 = arith.constant 128 : i32
      %mul3A_103 = arith.muli %add3A_78, %mul3A_102 : i32
      %multiple_of3A = tpu.assume_multiple %mul3A_103, 8 : i32
      "tpu.region"() ({
        %run_scoped3A = tpu.sem_alloc : memref<!tpu.dma_semaphore, #tpu.memory_space<semaphore_mem>>
        %dma_start3A_104 = arith.constant 0 : i32
        %dma_start3A_105 = tpu.memref_slice %arg6[%multiple_of3A, %dma_start3A_104] : memref<10112x16xf32, #tpu.memory_space<vmem_shared>> -> memref<128x16xf32, #tpu.memory_space<vmem_shared>>
        %dma_start3A_106 = arith.constant 0 : i32
        %dma_start3A_107 = tpu.memref_slice %arg6[%multiple_of3A, %dma_start3A_106] : memref<10112x16xf32, #tpu.memory_space<vmem_shared>> -> memref<128x16xf32, #tpu.memory_space<vmem_shared>>
        tpu.enqueue_dma source(%dma_start3A_107 : memref<128x16xf32, #tpu.memory_space<vmem_shared>>) target(%arg5 : memref<128x16xf32, #tpu.memory_space<vmem>>) target_semaphore(%run_scoped3A : memref<!tpu.dma_semaphore, #tpu.memory_space<semaphore_mem>>)
        %dma_wait3A_108 = arith.constant 0 : i32
        %dma_wait3A_109 = tpu.memref_slice %arg6[%multiple_of3A, %dma_wait3A_108] : memref<10112x16xf32, #tpu.memory_space<vmem_shared>> -> memref<128x16xf32, #tpu.memory_space<vmem_shared>>
        %dma_wait3A_110 = arith.constant 0 : i32
        %dma_wait3A_111 = tpu.memref_slice %arg6[%multiple_of3A, %dma_wait3A_110] : memref<10112x16xf32, #tpu.memory_space<vmem_shared>> -> memref<128x16xf32, #tpu.memory_space<vmem_shared>>
        tpu.wait_dma2 semaphore(%run_scoped3A : memref<!tpu.dma_semaphore, #tpu.memory_space<semaphore_mem>>) src(%dma_wait3A_111 : memref<128x16xf32, #tpu.memory_space<vmem_shared>>) dst(%arg5 : memref<128x16xf32, #tpu.memory_space<vmem>>)
        tpu.yield
      }) : () -> ()
      "tpu.region"() ({
        %run_scoped3A = tpu.sem_alloc : memref<!tpu.dma_semaphore, #tpu.memory_space<semaphore_mem>>
        %dma_start3A_104 = arith.constant 0 : i32
        %dma_start3A_105 = tpu.memref_slice %arg3[%arg0, %multiple_of3A, %dma_start3A_104] : memref<2x10000x16xf32, #tpu.memory_space<hbm>> -> memref<1x128x16xf32, #tpu.memory_space<hbm>>
        %dma_start3A_106 = tpu.memref_squeeze %dma_start3A_105 : memref<1x128x16xf32, #tpu.memory_space<hbm>> -> memref<128x16xf32, #tpu.memory_space<hbm>>
        %dma_start3A_107 = arith.constant 0 : i32
        %dma_start3A_108 = tpu.memref_slice %arg3[%arg0, %multiple_of3A, %dma_start3A_107] : memref<2x10000x16xf32, #tpu.memory_space<hbm>> -> memref<1x128x16xf32, #tpu.memory_space<hbm>>
        %dma_start3A_109 = tpu.memref_squeeze %dma_start3A_108 : memref<1x128x16xf32, #tpu.memory_space<hbm>> -> memref<128x16xf32, #tpu.memory_space<hbm>>
        tpu.enqueue_dma source(%arg5 : memref<128x16xf32, #tpu.memory_space<vmem>>) target(%dma_start3A_109 : memref<128x16xf32, #tpu.memory_space<hbm>>) target_semaphore(%run_scoped3A : memref<!tpu.dma_semaphore, #tpu.memory_space<semaphore_mem>>)
        %dma_wait3A_110 = arith.constant 0 : i32
        %dma_wait3A_111 = tpu.memref_slice %arg3[%arg0, %multiple_of3A, %dma_wait3A_110] : memref<2x10000x16xf32, #tpu.memory_space<hbm>> -> memref<1x128x16xf32, #tpu.memory_space<hbm>>
        %dma_wait3A_112 = tpu.memref_squeeze %dma_wait3A_111 : memref<1x128x16xf32, #tpu.memory_space<hbm>> -> memref<128x16xf32, #tpu.memory_space<hbm>>
        %dma_wait3A_113 = arith.constant 0 : i32
        %dma_wait3A_114 = tpu.memref_slice %arg3[%arg0, %multiple_of3A, %dma_wait3A_113] : memref<2x10000x16xf32, #tpu.memory_space<hbm>> -> memref<1x128x16xf32, #tpu.memory_space<hbm>>
        %dma_wait3A_115 = tpu.memref_squeeze %dma_wait3A_114 : memref<1x128x16xf32, #tpu.memory_space<hbm>> -> memref<128x16xf32, #tpu.memory_space<hbm>>
        tpu.wait_dma2 semaphore(%run_scoped3A : memref<!tpu.dma_semaphore, #tpu.memory_space<semaphore_mem>>) src(%arg5 : memref<128x16xf32, #tpu.memory_space<vmem>>) dst(%dma_wait3A_115 : memref<128x16xf32, #tpu.memory_space<hbm>>)
        tpu.yield
      }) : () -> ()
    } else {
    }
    %add3A_84 = arith.constant 48 : i32
    %add3A_85 = arith.addi %arg1, %add3A_84 : i32
    %lt3A_86 = arith.constant 78 : i32
    %lt3A_87 = arith.cmpi slt, %add3A_85, %lt3A_86 : i32
    %convert_element_type3A_88 = arith.extui %lt3A_87 : i1 to i32
    %cond3A_89 = arith.constant 0 : i32
    %cond3A_90 = arith.cmpi ne, %convert_element_type3A_88, %cond3A_89 : i32
    scf.if %cond3A_90 {
      %mul3A_102 = arith.constant 128 : i32
      %mul3A_103 = arith.muli %add3A_85, %mul3A_102 : i32
      %multiple_of3A = tpu.assume_multiple %mul3A_103, 8 : i32
      "tpu.region"() ({
        %run_scoped3A = tpu.sem_alloc : memref<!tpu.dma_semaphore, #tpu.memory_space<semaphore_mem>>
        %dma_start3A_104 = arith.constant 0 : i32
        %dma_start3A_105 = tpu.memref_slice %arg6[%multiple_of3A, %dma_start3A_104] : memref<10112x16xf32, #tpu.memory_space<vmem_shared>> -> memref<128x16xf32, #tpu.memory_space<vmem_shared>>
        %dma_start3A_106 = arith.constant 0 : i32
        %dma_start3A_107 = tpu.memref_slice %arg6[%multiple_of3A, %dma_start3A_106] : memref<10112x16xf32, #tpu.memory_space<vmem_shared>> -> memref<128x16xf32, #tpu.memory_space<vmem_shared>>
        tpu.enqueue_dma source(%dma_start3A_107 : memref<128x16xf32, #tpu.memory_space<vmem_shared>>) target(%arg5 : memref<128x16xf32, #tpu.memory_space<vmem>>) target_semaphore(%run_scoped3A : memref<!tpu.dma_semaphore, #tpu.memory_space<semaphore_mem>>)
        %dma_wait3A_108 = arith.constant 0 : i32
        %dma_wait3A_109 = tpu.memref_slice %arg6[%multiple_of3A, %dma_wait3A_108] : memref<10112x16xf32, #tpu.memory_space<vmem_shared>> -> memref<128x16xf32, #tpu.memory_space<vmem_shared>>
        %dma_wait3A_110 = arith.constant 0 : i32
        %dma_wait3A_111 = tpu.memref_slice %arg6[%multiple_of3A, %dma_wait3A_110] : memref<10112x16xf32, #tpu.memory_space<vmem_shared>> -> memref<128x16xf32, #tpu.memory_space<vmem_shared>>
        tpu.wait_dma2 semaphore(%run_scoped3A : memref<!tpu.dma_semaphore, #tpu.memory_space<semaphore_mem>>) src(%dma_wait3A_111 : memref<128x16xf32, #tpu.memory_space<vmem_shared>>) dst(%arg5 : memref<128x16xf32, #tpu.memory_space<vmem>>)
        tpu.yield
      }) : () -> ()
      "tpu.region"() ({
        %run_scoped3A = tpu.sem_alloc : memref<!tpu.dma_semaphore, #tpu.memory_space<semaphore_mem>>
        %dma_start3A_104 = arith.constant 0 : i32
        %dma_start3A_105 = tpu.memref_slice %arg3[%arg0, %multiple_of3A, %dma_start3A_104] : memref<2x10000x16xf32, #tpu.memory_space<hbm>> -> memref<1x128x16xf32, #tpu.memory_space<hbm>>
        %dma_start3A_106 = tpu.memref_squeeze %dma_start3A_105 : memref<1x128x16xf32, #tpu.memory_space<hbm>> -> memref<128x16xf32, #tpu.memory_space<hbm>>
        %dma_start3A_107 = arith.constant 0 : i32
        %dma_start3A_108 = tpu.memref_slice %arg3[%arg0, %multiple_of3A, %dma_start3A_107] : memref<2x10000x16xf32, #tpu.memory_space<hbm>> -> memref<1x128x16xf32, #tpu.memory_space<hbm>>
        %dma_start3A_109 = tpu.memref_squeeze %dma_start3A_108 : memref<1x128x16xf32, #tpu.memory_space<hbm>> -> memref<128x16xf32, #tpu.memory_space<hbm>>
        tpu.enqueue_dma source(%arg5 : memref<128x16xf32, #tpu.memory_space<vmem>>) target(%dma_start3A_109 : memref<128x16xf32, #tpu.memory_space<hbm>>) target_semaphore(%run_scoped3A : memref<!tpu.dma_semaphore, #tpu.memory_space<semaphore_mem>>)
        %dma_wait3A_110 = arith.constant 0 : i32
        %dma_wait3A_111 = tpu.memref_slice %arg3[%arg0, %multiple_of3A, %dma_wait3A_110] : memref<2x10000x16xf32, #tpu.memory_space<hbm>> -> memref<1x128x16xf32, #tpu.memory_space<hbm>>
        %dma_wait3A_112 = tpu.memref_squeeze %dma_wait3A_111 : memref<1x128x16xf32, #tpu.memory_space<hbm>> -> memref<128x16xf32, #tpu.memory_space<hbm>>
        %dma_wait3A_113 = arith.constant 0 : i32
        %dma_wait3A_114 = tpu.memref_slice %arg3[%arg0, %multiple_of3A, %dma_wait3A_113] : memref<2x10000x16xf32, #tpu.memory_space<hbm>> -> memref<1x128x16xf32, #tpu.memory_space<hbm>>
        %dma_wait3A_115 = tpu.memref_squeeze %dma_wait3A_114 : memref<1x128x16xf32, #tpu.memory_space<hbm>> -> memref<128x16xf32, #tpu.memory_space<hbm>>
        tpu.wait_dma2 semaphore(%run_scoped3A : memref<!tpu.dma_semaphore, #tpu.memory_space<semaphore_mem>>) src(%arg5 : memref<128x16xf32, #tpu.memory_space<vmem>>) dst(%dma_wait3A_115 : memref<128x16xf32, #tpu.memory_space<hbm>>)
        tpu.yield
      }) : () -> ()
    } else {
    }
    %add3A_91 = arith.constant 64 : i32
    %add3A_92 = arith.addi %arg1, %add3A_91 : i32
    %lt3A_93 = arith.constant 78 : i32
    %lt3A_94 = arith.cmpi slt, %add3A_92, %lt3A_93 : i32
    %convert_element_type3A_95 = arith.extui %lt3A_94 : i1 to i32
    %cond3A_96 = arith.constant 0 : i32
    %cond3A_97 = arith.cmpi ne, %convert_element_type3A_95, %cond3A_96 : i32
    scf.if %cond3A_97 {
      %mul3A_102 = arith.constant 128 : i32
      %mul3A_103 = arith.muli %add3A_92, %mul3A_102 : i32
      %multiple_of3A = tpu.assume_multiple %mul3A_103, 8 : i32
      "tpu.region"() ({
        %run_scoped3A = tpu.sem_alloc : memref<!tpu.dma_semaphore, #tpu.memory_space<semaphore_mem>>
        %dma_start3A_104 = arith.constant 0 : i32
        %dma_start3A_105 = tpu.memref_slice %arg6[%multiple_of3A, %dma_start3A_104] : memref<10112x16xf32, #tpu.memory_space<vmem_shared>> -> memref<128x16xf32, #tpu.memory_space<vmem_shared>>
        %dma_start3A_106 = arith.constant 0 : i32
        %dma_start3A_107 = tpu.memref_slice %arg6[%multiple_of3A, %dma_start3A_106] : memref<10112x16xf32, #tpu.memory_space<vmem_shared>> -> memref<128x16xf32, #tpu.memory_space<vmem_shared>>
        tpu.enqueue_dma source(%dma_start3A_107 : memref<128x16xf32, #tpu.memory_space<vmem_shared>>) target(%arg5 : memref<128x16xf32, #tpu.memory_space<vmem>>) target_semaphore(%run_scoped3A : memref<!tpu.dma_semaphore, #tpu.memory_space<semaphore_mem>>)
        %dma_wait3A_108 = arith.constant 0 : i32
        %dma_wait3A_109 = tpu.memref_slice %arg6[%multiple_of3A, %dma_wait3A_108] : memref<10112x16xf32, #tpu.memory_space<vmem_shared>> -> memref<128x16xf32, #tpu.memory_space<vmem_shared>>
        %dma_wait3A_110 = arith.constant 0 : i32
        %dma_wait3A_111 = tpu.memref_slice %arg6[%multiple_of3A, %dma_wait3A_110] : memref<10112x16xf32, #tpu.memory_space<vmem_shared>> -> memref<128x16xf32, #tpu.memory_space<vmem_shared>>
        tpu.wait_dma2 semaphore(%run_scoped3A : memref<!tpu.dma_semaphore, #tpu.memory_space<semaphore_mem>>) src(%dma_wait3A_111 : memref<128x16xf32, #tpu.memory_space<vmem_shared>>) dst(%arg5 : memref<128x16xf32, #tpu.memory_space<vmem>>)
        tpu.yield
      }) : () -> ()
      "tpu.region"() ({
        %run_scoped3A = tpu.sem_alloc : memref<!tpu.dma_semaphore, #tpu.memory_space<semaphore_mem>>
        %dma_start3A_104 = arith.constant 0 : i32
        %dma_start3A_105 = tpu.memref_slice %arg3[%arg0, %multiple_of3A, %dma_start3A_104] : memref<2x10000x16xf32, #tpu.memory_space<hbm>> -> memref<1x128x16xf32, #tpu.memory_space<hbm>>
        %dma_start3A_106 = tpu.memref_squeeze %dma_start3A_105 : memref<1x128x16xf32, #tpu.memory_space<hbm>> -> memref<128x16xf32, #tpu.memory_space<hbm>>
        %dma_start3A_107 = arith.constant 0 : i32
        %dma_start3A_108 = tpu.memref_slice %arg3[%arg0, %multiple_of3A, %dma_start3A_107] : memref<2x10000x16xf32, #tpu.memory_space<hbm>> -> memref<1x128x16xf32, #tpu.memory_space<hbm>>
        %dma_start3A_109 = tpu.memref_squeeze %dma_start3A_108 : memref<1x128x16xf32, #tpu.memory_space<hbm>> -> memref<128x16xf32, #tpu.memory_space<hbm>>
        tpu.enqueue_dma source(%arg5 : memref<128x16xf32, #tpu.memory_space<vmem>>) target(%dma_start3A_109 : memref<128x16xf32, #tpu.memory_space<hbm>>) target_semaphore(%run_scoped3A : memref<!tpu.dma_semaphore, #tpu.memory_space<semaphore_mem>>)
        %dma_wait3A_110 = arith.constant 0 : i32
        %dma_wait3A_111 = tpu.memref_slice %arg3[%arg0, %multiple_of3A, %dma_wait3A_110] : memref<2x10000x16xf32, #tpu.memory_space<hbm>> -> memref<1x128x16xf32, #tpu.memory_space<hbm>>
        %dma_wait3A_112 = tpu.memref_squeeze %dma_wait3A_111 : memref<1x128x16xf32, #tpu.memory_space<hbm>> -> memref<128x16xf32, #tpu.memory_space<hbm>>
        %dma_wait3A_113 = arith.constant 0 : i32
        %dma_wait3A_114 = tpu.memref_slice %arg3[%arg0, %multiple_of3A, %dma_wait3A_113] : memref<2x10000x16xf32, #tpu.memory_space<hbm>> -> memref<1x128x16xf32, #tpu.memory_space<hbm>>
        %dma_wait3A_115 = tpu.memref_squeeze %dma_wait3A_114 : memref<1x128x16xf32, #tpu.memory_space<hbm>> -> memref<128x16xf32, #tpu.memory_space<hbm>>
        tpu.wait_dma2 semaphore(%run_scoped3A : memref<!tpu.dma_semaphore, #tpu.memory_space<semaphore_mem>>) src(%arg5 : memref<128x16xf32, #tpu.memory_space<vmem>>) dst(%dma_wait3A_115 : memref<128x16xf32, #tpu.memory_space<hbm>>)
        tpu.yield
      }) : () -> ()
    } else {
    }
    %eq3A = arith.constant 1 : i32
    %eq3A_98 = arith.cmpi eq, %arg1, %eq3A : i32
    %convert_element_type3A_99 = arith.extui %eq3A_98 : i1 to i32
    %cond3A_100 = arith.constant 0 : i32
    %cond3A_101 = arith.cmpi ne, %convert_element_type3A_99, %cond3A_100 : i32
    scf.if %cond3A_101 {
      "tpu.region"() ({
        %run_scoped3A = tpu.sem_alloc : memref<!tpu.dma_semaphore, #tpu.memory_space<semaphore_mem>>
        %dma_start3A_102 = arith.constant 0 : i32
        %dma_start3A_103 = arith.constant 0 : i32
        %dma_start3A_104 = tpu.memref_slice %arg5[%dma_start3A_102, %dma_start3A_103] : memref<128x16xf32, #tpu.memory_space<vmem>> -> memref<16x16xf32, #tpu.memory_space<vmem>>
        %dma_start3A_105 = arith.constant 9984 : i32
        %dma_start3A_106 = arith.constant 0 : i32
        %dma_start3A_107 = tpu.memref_slice %arg6[%dma_start3A_105, %dma_start3A_106] : memref<10112x16xf32, #tpu.memory_space<vmem_shared>> -> memref<16x16xf32, #tpu.memory_space<vmem_shared>>
        %dma_start3A_108 = arith.constant 0 : i32
        %dma_start3A_109 = arith.constant 0 : i32
        %dma_start3A_110 = tpu.memref_slice %arg5[%dma_start3A_108, %dma_start3A_109] : memref<128x16xf32, #tpu.memory_space<vmem>> -> memref<16x16xf32, #tpu.memory_space<vmem>>
        %dma_start3A_111 = arith.constant 9984 : i32
        %dma_start3A_112 = arith.constant 0 : i32
        %dma_start3A_113 = tpu.memref_slice %arg6[%dma_start3A_111, %dma_start3A_112] : memref<10112x16xf32, #tpu.memory_space<vmem_shared>> -> memref<16x16xf32, #tpu.memory_space<vmem_shared>>
        tpu.enqueue_dma source(%dma_start3A_113 : memref<16x16xf32, #tpu.memory_space<vmem_shared>>) target(%dma_start3A_110 : memref<16x16xf32, #tpu.memory_space<vmem>>) target_semaphore(%run_scoped3A : memref<!tpu.dma_semaphore, #tpu.memory_space<semaphore_mem>>)
        %dma_wait3A_114 = arith.constant 0 : i32
        %dma_wait3A_115 = arith.constant 0 : i32
        %dma_wait3A_116 = tpu.memref_slice %arg5[%dma_wait3A_114, %dma_wait3A_115] : memref<128x16xf32, #tpu.memory_space<vmem>> -> memref<16x16xf32, #tpu.memory_space<vmem>>
        %dma_wait3A_117 = arith.constant 9984 : i32
        %dma_wait3A_118 = arith.constant 0 : i32
        %dma_wait3A_119 = tpu.memref_slice %arg6[%dma_wait3A_117, %dma_wait3A_118] : memref<10112x16xf32, #tpu.memory_space<vmem_shared>> -> memref<16x16xf32, #tpu.memory_space<vmem_shared>>
        %dma_wait3A_120 = arith.constant 0 : i32
        %dma_wait3A_121 = arith.constant 0 : i32
        %dma_wait3A_122 = tpu.memref_slice %arg5[%dma_wait3A_120, %dma_wait3A_121] : memref<128x16xf32, #tpu.memory_space<vmem>> -> memref<16x16xf32, #tpu.memory_space<vmem>>
        %dma_wait3A_123 = arith.constant 9984 : i32
        %dma_wait3A_124 = arith.constant 0 : i32
        %dma_wait3A_125 = tpu.memref_slice %arg6[%dma_wait3A_123, %dma_wait3A_124] : memref<10112x16xf32, #tpu.memory_space<vmem_shared>> -> memref<16x16xf32, #tpu.memory_space<vmem_shared>>
        tpu.wait_dma2 semaphore(%run_scoped3A : memref<!tpu.dma_semaphore, #tpu.memory_space<semaphore_mem>>) src(%dma_wait3A_125 : memref<16x16xf32, #tpu.memory_space<vmem_shared>>) dst(%dma_wait3A_122 : memref<16x16xf32, #tpu.memory_space<vmem>>)
        tpu.yield
      }) : () -> ()
      "tpu.region"() ({
        %run_scoped3A = tpu.sem_alloc : memref<!tpu.dma_semaphore, #tpu.memory_space<semaphore_mem>>
        %dma_start3A_102 = arith.constant 0 : i32
        %dma_start3A_103 = arith.constant 0 : i32
        %dma_start3A_104 = tpu.memref_slice %arg5[%dma_start3A_102, %dma_start3A_103] : memref<128x16xf32, #tpu.memory_space<vmem>> -> memref<16x16xf32, #tpu.memory_space<vmem>>
        %dma_start3A_105 = arith.constant 9984 : i32
        %dma_start3A_106 = arith.constant 0 : i32
        %dma_start3A_107 = tpu.memref_slice %arg3[%arg0, %dma_start3A_105, %dma_start3A_106] : memref<2x10000x16xf32, #tpu.memory_space<hbm>> -> memref<1x16x16xf32, #tpu.memory_space<hbm>>
        %dma_start3A_108 = tpu.memref_squeeze %dma_start3A_107 : memref<1x16x16xf32, #tpu.memory_space<hbm>> -> memref<16x16xf32, #tpu.memory_space<hbm>>
        %dma_start3A_109 = arith.constant 9984 : i32
        %dma_start3A_110 = arith.constant 0 : i32
        %dma_start3A_111 = tpu.memref_slice %arg3[%arg0, %dma_start3A_109, %dma_start3A_110] : memref<2x10000x16xf32, #tpu.memory_space<hbm>> -> memref<1x16x16xf32, #tpu.memory_space<hbm>>
        %dma_start3A_112 = tpu.memref_squeeze %dma_start3A_111 : memref<1x16x16xf32, #tpu.memory_space<hbm>> -> memref<16x16xf32, #tpu.memory_space<hbm>>
        %dma_start3A_113 = arith.constant 0 : i32
        %dma_start3A_114 = arith.constant 0 : i32
        %dma_start3A_115 = tpu.memref_slice %arg5[%dma_start3A_113, %dma_start3A_114] : memref<128x16xf32, #tpu.memory_space<vmem>> -> memref<16x16xf32, #tpu.memory_space<vmem>>
        tpu.enqueue_dma source(%dma_start3A_115 : memref<16x16xf32, #tpu.memory_space<vmem>>) target(%dma_start3A_112 : memref<16x16xf32, #tpu.memory_space<hbm>>) target_semaphore(%run_scoped3A : memref<!tpu.dma_semaphore, #tpu.memory_space<semaphore_mem>>)
        %dma_wait3A_116 = arith.constant 0 : i32
        %dma_wait3A_117 = arith.constant 0 : i32
        %dma_wait3A_118 = tpu.memref_slice %arg5[%dma_wait3A_116, %dma_wait3A_117] : memref<128x16xf32, #tpu.memory_space<vmem>> -> memref<16x16xf32, #tpu.memory_space<vmem>>
        %dma_wait3A_119 = arith.constant 9984 : i32
        %dma_wait3A_120 = arith.constant 0 : i32
        %dma_wait3A_121 = tpu.memref_slice %arg3[%arg0, %dma_wait3A_119, %dma_wait3A_120] : memref<2x10000x16xf32, #tpu.memory_space<hbm>> -> memref<1x16x16xf32, #tpu.memory_space<hbm>>
        %dma_wait3A_122 = tpu.memref_squeeze %dma_wait3A_121 : memref<1x16x16xf32, #tpu.memory_space<hbm>> -> memref<16x16xf32, #tpu.memory_space<hbm>>
        %dma_wait3A_123 = arith.constant 9984 : i32
        %dma_wait3A_124 = arith.constant 0 : i32
        %dma_wait3A_125 = tpu.memref_slice %arg3[%arg0, %dma_wait3A_123, %dma_wait3A_124] : memref<2x10000x16xf32, #tpu.memory_space<hbm>> -> memref<1x16x16xf32, #tpu.memory_space<hbm>>
        %dma_wait3A_126 = tpu.memref_squeeze %dma_wait3A_125 : memref<1x16x16xf32, #tpu.memory_space<hbm>> -> memref<16x16xf32, #tpu.memory_space<hbm>>
        %dma_wait3A_127 = arith.constant 0 : i32
        %dma_wait3A_128 = arith.constant 0 : i32
        %dma_wait3A_129 = tpu.memref_slice %arg5[%dma_wait3A_127, %dma_wait3A_128] : memref<128x16xf32, #tpu.memory_space<vmem>> -> memref<16x16xf32, #tpu.memory_space<vmem>>
        tpu.wait_dma2 semaphore(%run_scoped3A : memref<!tpu.dma_semaphore, #tpu.memory_space<semaphore_mem>>) src(%dma_wait3A_129 : memref<16x16xf32, #tpu.memory_space<vmem>>) dst(%dma_wait3A_126 : memref<16x16xf32, #tpu.memory_space<hbm>>)
        tpu.yield
      }) : () -> ()
    } else {
    }
    return
  }
}

module attributes {stable_mosaic.version = 14 : i64} {
  func.func @_tc1_body(%arg0: i32, %arg1: memref<2x1000x1xf32, #tpu.memory_space<vmem>>, %arg2: memref<1000x128xf32, #tpu.memory_space<vmem>>, %arg3: memref<128x128xf32, #tpu.memory_space<vmem>>, %arg4: memref<1000x1xf32, #tpu.memory_space<vmem>>, %arg5: memref<1000x128xf32, #tpu.memory_space<vmem>>, %arg6: memref<1000x128xf32, #tpu.memory_space<vmem>>, %arg7: memref<128x128xf32, #tpu.memory_space<vmem>>) attributes {dimension_semantics = [#tpu.dimension_semantics<arbitrary>], iteration_bounds = array<i64: 10>, scalar_prefetch = 0 : i64, scratch_operands = 0 : i64, tpu.core_type = #tpu.core_type<tc>, window_params = [{transform_indices = @transform_0, window_bounds = array<i64: 2, 1000, 1>}, {transform_indices = @transform_1, window_bounds = array<i64: 1000, 128>}, {pipeline_mode = #tpu.pipeline_mode<synchronous>, transform_indices = @transform_2, window_bounds = array<i64: 128, 128>}, {transform_indices = @transform_3, window_bounds = array<i64: 1000, 1>}, {transform_indices = @transform_4, window_bounds = array<i64: 1000, 128>}, {transform_indices = @transform_5, window_bounds = array<i64: 1000, 128>}, {pipeline_mode = #tpu.pipeline_mode<synchronous>, transform_indices = @transform_6, window_bounds = array<i64: 128, 128>}]} {
    %get3A = arith.constant 0 : index
    %get3A_0 = arith.constant 0 : index
    %get3A_1 = arith.constant 0 : index
    %get3A_2 = vector.load %arg1[%get3A, %get3A_0, %get3A_1] : memref<2x1000x1xf32, #tpu.memory_space<vmem>>, vector<1x1000x1xf32>
    %get3A_3 = vector.shape_cast %get3A_2 : vector<1x1000x1xf32> to vector<1000x1xf32>
    %get3A_4 = arith.constant 1 : index
    %get3A_5 = arith.constant 0 : index
    %get3A_6 = arith.constant 0 : index
    %get3A_7 = vector.load %arg1[%get3A_4, %get3A_5, %get3A_6] : memref<2x1000x1xf32, #tpu.memory_space<vmem>>, vector<1x1000x1xf32>
    %get3A_8 = vector.shape_cast %get3A_7 : vector<1x1000x1xf32> to vector<1000x1xf32>
    %add3A = arith.addf %get3A_3, %get3A_8 : vector<1000x1xf32>
    %add3A_9 = arith.constant 1.000000e+00 : f32
    %add3A_10 = vector.broadcast %add3A_9 : f32 to vector<1000x1xf32>
    %add3A_11 = arith.addf %add3A, %add3A_10 : vector<1000x1xf32>
    %rsqrt3A = math.rsqrt %add3A_11 : vector<1000x1xf32>
    %swap3A = arith.constant 0 : index
    %swap3A_12 = arith.constant 0 : index
    %swap3A_13 = vector.load %arg4[%swap3A, %swap3A_12] : memref<1000x1xf32, #tpu.memory_space<vmem>>, vector<1000x1xf32>
    tpu.vector_store %arg4[%swap3A, %swap3A_12], %rsqrt3A {strides = array<i32>} : memref<1000x1xf32, #tpu.memory_space<vmem>>, vector<1000x1xf32>,
    %get3A_14 = arith.constant 0 : index
    %get3A_15 = arith.constant 0 : index
    %get3A_16 = vector.load %arg2[%get3A_14, %get3A_15] : memref<1000x128xf32, #tpu.memory_space<vmem>>, vector<1000x128xf32>
    %get3A_17 = arith.constant 0 : index
    %get3A_18 = arith.constant 0 : index
    %get3A_19 = vector.load %arg3[%get3A_17, %get3A_18] : memref<128x128xf32, #tpu.memory_space<vmem>>, vector<128x128xf32>
    %dot_general3A = arith.constant dense<0.000000e+00> : vector<1000x128xf32>
    %dot_general3A_20 = tpu.matmul %get3A_16, %get3A_19, %dot_general3A {dimension_numbers = #tpu.dot_dimension_numbers<[1], [1], [0], [0], [0, 0, 1, 0], [], []>, precision = #tpu.contract_precision<fp32>, transpose_lhs_hint = false} : vector<1000x128xf32>, vector<128x128xf32>, vector<1000x128xf32> -> vector<1000x128xf32>
    %swap3A_21 = arith.constant 0 : index
    %swap3A_22 = arith.constant 0 : index
    %swap3A_23 = vector.load %arg5[%swap3A_21, %swap3A_22] : memref<1000x128xf32, #tpu.memory_space<vmem>>, vector<1000x128xf32>
    tpu.vector_store %arg5[%swap3A_21, %swap3A_22], %dot_general3A_20 {strides = array<i32>} : memref<1000x128xf32, #tpu.memory_space<vmem>>, vector<1000x128xf32>,
    %mul3A = vector.broadcast %rsqrt3A : vector<1000x1xf32> to vector<1000x128xf32>
    %mul3A_24 = arith.mulf %mul3A, %dot_general3A_20 : vector<1000x128xf32>
    %swap3A_25 = arith.constant 0 : index
    %swap3A_26 = arith.constant 0 : index
    %swap3A_27 = vector.load %arg6[%swap3A_25, %swap3A_26] : memref<1000x128xf32, #tpu.memory_space<vmem>>, vector<1000x128xf32>
    tpu.vector_store %arg6[%swap3A_25, %swap3A_26], %mul3A_24 {strides = array<i32>} : memref<1000x128xf32, #tpu.memory_space<vmem>>, vector<1000x128xf32>,
    %dot_general3A_28 = arith.constant dense<0.000000e+00> : vector<128x128xf32>
    %dot_general3A_29 = tpu.matmul %dot_general3A_20, %dot_general3A_20, %dot_general3A_28 {dimension_numbers = #tpu.dot_dimension_numbers<[0], [0], [1], [1], [0, 1, 1, 1], [], []>, precision = #tpu.contract_precision<fp32>, transpose_lhs_hint = false} : vector<1000x128xf32>, vector<1000x128xf32>, vector<128x128xf32> -> vector<128x128xf32>
    %eq3A = arith.constant 0 : i32
    %eq3A_30 = arith.cmpi eq, %arg0, %eq3A : i32
    %convert_element_type3A = arith.extui %eq3A_30 : i1 to i32
    %cond3A = arith.constant 0 : i32
    %cond3A_31 = arith.cmpi ne, %convert_element_type3A, %cond3A : i32
    scf.if %cond3A_31 {
      %swap3A_36 = arith.constant 0 : index
      %swap3A_37 = arith.constant 0 : index
      %swap3A_38 = vector.load %arg7[%swap3A_36, %swap3A_37] : memref<128x128xf32, #tpu.memory_space<vmem>>, vector<128x128xf32>
      tpu.vector_store %arg7[%swap3A_36, %swap3A_37], %dot_general3A_29 {strides = array<i32>} : memref<128x128xf32, #tpu.memory_space<vmem>>, vector<128x128xf32>,
    } else {
    }
    %ne3A = arith.constant 0 : i32
    %ne3A_32 = arith.cmpi ne, %arg0, %ne3A : i32
    %convert_element_type3A_33 = arith.extui %ne3A_32 : i1 to i32
    %cond3A_34 = arith.constant 0 : i32
    %cond3A_35 = arith.cmpi ne, %convert_element_type3A_33, %cond3A_34 : i32
    scf.if %cond3A_35 {
      %get3A_36 = arith.constant 0 : index
      %get3A_37 = arith.constant 0 : index
      %get3A_38 = vector.load %arg7[%get3A_36, %get3A_37] : memref<128x128xf32, #tpu.memory_space<vmem>>, vector<128x128xf32>
      %add3A_39 = arith.addf %get3A_38, %dot_general3A_29 : vector<128x128xf32>
      %swap3A_40 = arith.constant 0 : index
      %swap3A_41 = arith.constant 0 : index
      %swap3A_42 = vector.load %arg7[%swap3A_40, %swap3A_41] : memref<128x128xf32, #tpu.memory_space<vmem>>, vector<128x128xf32>
      tpu.vector_store %arg7[%swap3A_40, %swap3A_41], %add3A_39 {strides = array<i32>} : memref<128x128xf32, #tpu.memory_space<vmem>>, vector<128x128xf32>,
    } else {
    }
    return
  }
  func.func @transform_0(%arg0: i32) -> (i32, i32, i32) {
    %c0_i32 = arith.constant 0 : i32
    %c0_i32_0 = arith.constant 0 : i32
    %c0_i32_1 = arith.constant 0 : i32
    return %c0_i32, %arg0, %c0_i32_0 : i32, i32, i32
  }
  func.func @transform_1(%arg0: i32) -> (i32, i32) {
    %c0_i32 = arith.constant 0 : i32
    %c0_i32_0 = arith.constant 0 : i32
    return %arg0, %c0_i32 : i32, i32
  }
  func.func @transform_2(%arg0: i32) -> (i32, i32) {
    %c0_i32 = arith.constant 0 : i32
    %c0_i32_0 = arith.constant 0 : i32
    %c0_i32_1 = arith.constant 0 : i32
    return %c0_i32, %c0_i32_0 : i32, i32
  }
  func.func @transform_3(%arg0: i32) -> (i32, i32) {
    %c0_i32 = arith.constant 0 : i32
    %c0_i32_0 = arith.constant 0 : i32
    return %arg0, %c0_i32 : i32, i32
  }
  func.func @transform_4(%arg0: i32) -> (i32, i32) {
    %c0_i32 = arith.constant 0 : i32
    %c0_i32_0 = arith.constant 0 : i32
    return %arg0, %c0_i32 : i32, i32
  }
  func.func @transform_5(%arg0: i32) -> (i32, i32) {
    %c0_i32 = arith.constant 0 : i32
    %c0_i32_0 = arith.constant 0 : i32
    return %arg0, %c0_i32 : i32, i32
  }
  func.func @transform_6(%arg0: i32) -> (i32, i32) {
    %c0_i32 = arith.constant 0 : i32
    %c0_i32_0 = arith.constant 0 : i32
    %c0_i32_1 = arith.constant 0 : i32
    return %c0_i32, %c0_i32_0 : i32, i32
  }
}

module attributes {stable_mosaic.version = 14 : i64} {
  func.func @_tc2_body(%arg0: i32, %arg1: memref<1000x1xf32, #tpu.memory_space<vmem>>, %arg2: memref<1000x128xf32, #tpu.memory_space<vmem>>, %arg3: memref<1000x128xf32, #tpu.memory_space<vmem>>, %arg4: memref<2x1000x128xf32, #tpu.memory_space<vmem>>, %arg5: memref<128x128xf32, #tpu.memory_space<vmem>>, %arg6: memref<1x128xf32, #tpu.memory_space<vmem>>, %arg7: memref<128x128xf32, #tpu.memory_space<vmem>>, %arg8: memref<1000x128xf32, #tpu.memory_space<vmem>>, %arg9: memref<1000x128xf32, #tpu.memory_space<vmem>>, %arg10: memref<128x128xf32, #tpu.memory_space<vmem>>) attributes {dimension_semantics = [#tpu.dimension_semantics<arbitrary>], iteration_bounds = array<i64: 10>, scalar_prefetch = 0 : i64, scratch_operands = 0 : i64, tpu.core_type = #tpu.core_type<tc>, window_params = [{transform_indices = @transform_0, window_bounds = array<i64: 1000, 1>}, {transform_indices = @transform_1, window_bounds = array<i64: 1000, 128>}, {transform_indices = @transform_2, window_bounds = array<i64: 1000, 128>}, {transform_indices = @transform_3, window_bounds = array<i64: 2, 1000, 128>}, {pipeline_mode = #tpu.pipeline_mode<synchronous>, transform_indices = @transform_4, window_bounds = array<i64: 128, 128>}, {pipeline_mode = #tpu.pipeline_mode<synchronous>, transform_indices = @transform_5, window_bounds = array<i64: 1, 128>}, {pipeline_mode = #tpu.pipeline_mode<synchronous>, transform_indices = @transform_6, window_bounds = array<i64: 128, 128>}, {transform_indices = @transform_7, window_bounds = array<i64: 1000, 128>}, {transform_indices = @transform_8, window_bounds = array<i64: 1000, 128>}, {pipeline_mode = #tpu.pipeline_mode<synchronous>, transform_indices = @transform_9, window_bounds = array<i64: 128, 128>}]} {
    %get3A = arith.constant 0 : index
    %get3A_0 = arith.constant 0 : index
    %get3A_1 = vector.load %arg1[%get3A, %get3A_0] : memref<1000x1xf32, #tpu.memory_space<vmem>>, vector<1000x1xf32>
    %get3A_2 = arith.constant 0 : index
    %get3A_3 = arith.constant 0 : index
    %get3A_4 = vector.load %arg2[%get3A_2, %get3A_3] : memref<1000x128xf32, #tpu.memory_space<vmem>>, vector<1000x128xf32>
    %get3A_5 = arith.constant 0 : index
    %get3A_6 = arith.constant 0 : index
    %get3A_7 = arith.constant 0 : index
    %get3A_8 = vector.load %arg4[%get3A_5, %get3A_6, %get3A_7] : memref<2x1000x128xf32, #tpu.memory_space<vmem>>, vector<1x1000x128xf32>
    %get3A_9 = vector.shape_cast %get3A_8 : vector<1x1000x128xf32> to vector<1000x128xf32>
    %get3A_10 = arith.constant 1 : index
    %get3A_11 = arith.constant 0 : index
    %get3A_12 = arith.constant 0 : index
    %get3A_13 = vector.load %arg4[%get3A_10, %get3A_11, %get3A_12] : memref<2x1000x128xf32, #tpu.memory_space<vmem>>, vector<1x1000x128xf32>
    %get3A_14 = vector.shape_cast %get3A_13 : vector<1x1000x128xf32> to vector<1000x128xf32>
    %add3A = arith.addf %get3A_9, %get3A_14 : vector<1000x128xf32>
    %get3A_15 = arith.constant 0 : index
    %get3A_16 = arith.constant 0 : index
    %get3A_17 = vector.load %arg3[%get3A_15, %get3A_16] : memref<1000x128xf32, #tpu.memory_space<vmem>>, vector<1000x128xf32>
    %add3A_18 = arith.addf %add3A, %get3A_17 : vector<1000x128xf32>
    %get3A_19 = arith.constant 0 : index
    %get3A_20 = arith.constant 0 : index
    %get3A_21 = vector.load %arg5[%get3A_19, %get3A_20] : memref<128x128xf32, #tpu.memory_space<vmem>>, vector<128x128xf32>
    %dot_general3A = arith.constant dense<0.000000e+00> : vector<1000x128xf32>
    %dot_general3A_22 = tpu.matmul %get3A_4, %get3A_21, %dot_general3A {dimension_numbers = #tpu.dot_dimension_numbers<[1], [0], [0], [1], [0, 0, 1, 1], [], []>, precision = #tpu.contract_precision<fp32>, transpose_lhs_hint = false} : vector<1000x128xf32>, vector<128x128xf32>, vector<1000x128xf32> -> vector<1000x128xf32>
    %mul3A = arith.constant 7.550000e-01 : f32
    %mul3A_23 = vector.broadcast %mul3A : f32 to vector<1000x128xf32>
    %mul3A_24 = arith.mulf %mul3A_23, %get3A_4 : vector<1000x128xf32>
    %mul3A_25 = vector.broadcast %get3A_1 : vector<1000x1xf32> to vector<1000x128xf32>
    %mul3A_26 = arith.mulf %mul3A_25, %add3A_18 : vector<1000x128xf32>
    %mul3A_27 = arith.constant 2.500000e-01 : f32
    %mul3A_28 = vector.broadcast %mul3A_27 : f32 to vector<1000x128xf32>
    %mul3A_29 = arith.mulf %mul3A_28, %mul3A_26 : vector<1000x128xf32>
    %add3A_30 = arith.addf %mul3A_24, %mul3A_29 : vector<1000x128xf32>
    %mul3A_31 = arith.constant 5.000000e-03 : f32
    %mul3A_32 = vector.broadcast %mul3A_31 : f32 to vector<1000x128xf32>
    %mul3A_33 = arith.mulf %mul3A_32, %dot_general3A_22 : vector<1000x128xf32>
    %sub3A = arith.subf %add3A_30, %mul3A_33 : vector<1000x128xf32>
    %get3A_34 = arith.constant 0 : index
    %get3A_35 = arith.constant 0 : index
    %get3A_36 = vector.load %arg6[%get3A_34, %get3A_35] : memref<1x128xf32, #tpu.memory_space<vmem>>, vector<1x128xf32>
    %add3A_37 = vector.broadcast %get3A_36 : vector<1x128xf32> to vector<1000x128xf32>
    %add3A_38 = arith.addf %sub3A, %add3A_37 : vector<1000x128xf32>
    %max3A = arith.constant 0.000000e+00 : f32
    %max3A_39 = vector.broadcast %max3A : f32 to vector<1000x128xf32>
    %max3A_40 = arith.maximumf %add3A_38, %max3A_39 : vector<1000x128xf32>
    %get3A_41 = arith.constant 0 : index
    %get3A_42 = arith.constant 0 : index
    %get3A_43 = vector.load %arg7[%get3A_41, %get3A_42] : memref<128x128xf32, #tpu.memory_space<vmem>>, vector<128x128xf32>
    %dot_general3A_44 = arith.constant dense<0.000000e+00> : vector<1000x128xf32>
    %dot_general3A_45 = tpu.matmul %max3A_40, %get3A_43, %dot_general3A_44 {dimension_numbers = #tpu.dot_dimension_numbers<[1], [1], [0], [0], [0, 0, 1, 0], [], []>, precision = #tpu.contract_precision<fp32>, transpose_lhs_hint = false} : vector<1000x128xf32>, vector<128x128xf32>, vector<1000x128xf32> -> vector<1000x128xf32>
    %swap3A = arith.constant 0 : index
    %swap3A_46 = arith.constant 0 : index
    %swap3A_47 = vector.load %arg8[%swap3A, %swap3A_46] : memref<1000x128xf32, #tpu.memory_space<vmem>>, vector<1000x128xf32>
    tpu.vector_store %arg8[%swap3A, %swap3A_46], %dot_general3A_45 {strides = array<i32>} : memref<1000x128xf32, #tpu.memory_space<vmem>>, vector<1000x128xf32>,
    %get3A_48 = arith.constant 0 : index
    %get3A_49 = arith.constant 0 : index
    %get3A_50 = vector.load %arg1[%get3A_48, %get3A_49] : memref<1000x1xf32, #tpu.memory_space<vmem>>, vector<1000x1xf32>
    %mul3A_51 = vector.broadcast %get3A_50 : vector<1000x1xf32> to vector<1000x128xf32>
    %mul3A_52 = arith.mulf %mul3A_51, %dot_general3A_45 : vector<1000x128xf32>
    %swap3A_53 = arith.constant 0 : index
    %swap3A_54 = arith.constant 0 : index
    %swap3A_55 = vector.load %arg9[%swap3A_53, %swap3A_54] : memref<1000x128xf32, #tpu.memory_space<vmem>>, vector<1000x128xf32>
    tpu.vector_store %arg9[%swap3A_53, %swap3A_54], %mul3A_52 {strides = array<i32>} : memref<1000x128xf32, #tpu.memory_space<vmem>>, vector<1000x128xf32>,
    %dot_general3A_56 = arith.constant dense<0.000000e+00> : vector<128x128xf32>
    %dot_general3A_57 = tpu.matmul %dot_general3A_45, %dot_general3A_45, %dot_general3A_56 {dimension_numbers = #tpu.dot_dimension_numbers<[0], [0], [1], [1], [0, 1, 1, 1], [], []>, precision = #tpu.contract_precision<fp32>, transpose_lhs_hint = false} : vector<1000x128xf32>, vector<1000x128xf32>, vector<128x128xf32> -> vector<128x128xf32>
    %eq3A = arith.constant 0 : i32
    %eq3A_58 = arith.cmpi eq, %arg0, %eq3A : i32
    %convert_element_type3A = arith.extui %eq3A_58 : i1 to i32
    %cond3A = arith.constant 0 : i32
    %cond3A_59 = arith.cmpi ne, %convert_element_type3A, %cond3A : i32
    scf.if %cond3A_59 {
      %swap3A_64 = arith.constant 0 : index
      %swap3A_65 = arith.constant 0 : index
      %swap3A_66 = vector.load %arg10[%swap3A_64, %swap3A_65] : memref<128x128xf32, #tpu.memory_space<vmem>>, vector<128x128xf32>
      tpu.vector_store %arg10[%swap3A_64, %swap3A_65], %dot_general3A_57 {strides = array<i32>} : memref<128x128xf32, #tpu.memory_space<vmem>>, vector<128x128xf32>,
    } else {
    }
    %ne3A = arith.constant 0 : i32
    %ne3A_60 = arith.cmpi ne, %arg0, %ne3A : i32
    %convert_element_type3A_61 = arith.extui %ne3A_60 : i1 to i32
    %cond3A_62 = arith.constant 0 : i32
    %cond3A_63 = arith.cmpi ne, %convert_element_type3A_61, %cond3A_62 : i32
    scf.if %cond3A_63 {
      %get3A_64 = arith.constant 0 : index
      %get3A_65 = arith.constant 0 : index
      %get3A_66 = vector.load %arg10[%get3A_64, %get3A_65] : memref<128x128xf32, #tpu.memory_space<vmem>>, vector<128x128xf32>
      %add3A_67 = arith.addf %get3A_66, %dot_general3A_57 : vector<128x128xf32>
      %swap3A_68 = arith.constant 0 : index
      %swap3A_69 = arith.constant 0 : index
      %swap3A_70 = vector.load %arg10[%swap3A_68, %swap3A_69] : memref<128x128xf32, #tpu.memory_space<vmem>>, vector<128x128xf32>
      tpu.vector_store %arg10[%swap3A_68, %swap3A_69], %add3A_67 {strides = array<i32>} : memref<128x128xf32, #tpu.memory_space<vmem>>, vector<128x128xf32>,
    } else {
    }
    return
  }
  func.func @transform_0(%arg0: i32) -> (i32, i32) {
    %c0_i32 = arith.constant 0 : i32
    %c0_i32_0 = arith.constant 0 : i32
    return %arg0, %c0_i32 : i32, i32
  }
  func.func @transform_1(%arg0: i32) -> (i32, i32) {
    %c0_i32 = arith.constant 0 : i32
    %c0_i32_0 = arith.constant 0 : i32
    return %arg0, %c0_i32 : i32, i32
  }
  func.func @transform_2(%arg0: i32) -> (i32, i32) {
    %c0_i32 = arith.constant 0 : i32
    %c0_i32_0 = arith.constant 0 : i32
    return %arg0, %c0_i32 : i32, i32
  }
  func.func @transform_3(%arg0: i32) -> (i32, i32, i32) {
    %c0_i32 = arith.constant 0 : i32
    %c0_i32_0 = arith.constant 0 : i32
    %c0_i32_1 = arith.constant 0 : i32
    return %c0_i32, %arg0, %c0_i32_0 : i32, i32, i32
  }
  func.func @transform_4(%arg0: i32) -> (i32, i32) {
    %c0_i32 = arith.constant 0 : i32
    %c0_i32_0 = arith.constant 0 : i32
    %c0_i32_1 = arith.constant 0 : i32
    return %c0_i32, %c0_i32_0 : i32, i32
  }
  func.func @transform_5(%arg0: i32) -> (i32, i32) {
    %c0_i32 = arith.constant 0 : i32
    %c0_i32_0 = arith.constant 0 : i32
    %c0_i32_1 = arith.constant 0 : i32
    return %c0_i32, %c0_i32_0 : i32, i32
  }
  func.func @transform_6(%arg0: i32) -> (i32, i32) {
    %c0_i32 = arith.constant 0 : i32
    %c0_i32_0 = arith.constant 0 : i32
    %c0_i32_1 = arith.constant 0 : i32
    return %c0_i32, %c0_i32_0 : i32, i32
  }
  func.func @transform_7(%arg0: i32) -> (i32, i32) {
    %c0_i32 = arith.constant 0 : i32
    %c0_i32_0 = arith.constant 0 : i32
    return %arg0, %c0_i32 : i32, i32
  }
  func.func @transform_8(%arg0: i32) -> (i32, i32) {
    %c0_i32 = arith.constant 0 : i32
    %c0_i32_0 = arith.constant 0 : i32
    return %arg0, %c0_i32 : i32, i32
  }
  func.func @transform_9(%arg0: i32) -> (i32, i32) {
    %c0_i32 = arith.constant 0 : i32
    %c0_i32_0 = arith.constant 0 : i32
    %c0_i32_1 = arith.constant 0 : i32
    return %c0_i32, %c0_i32_0 : i32, i32
  }
}

module attributes {stable_mosaic.version = 14 : i64} {
  func.func @_tc3_body(%arg0: i32, %arg1: memref<1000x1xf32, #tpu.memory_space<vmem>>, %arg2: memref<1000x128xf32, #tpu.memory_space<vmem>>, %arg3: memref<1000x128xf32, #tpu.memory_space<vmem>>, %arg4: memref<2x1000x128xf32, #tpu.memory_space<vmem>>, %arg5: memref<128x128xf32, #tpu.memory_space<vmem>>, %arg6: memref<1x128xf32, #tpu.memory_space<vmem>>, %arg7: memref<16x128xf32, #tpu.memory_space<vmem>>, %arg8: memref<1x16xf32, #tpu.memory_space<vmem>>, %arg9: memref<1000x16xf32, #tpu.memory_space<vmem>>) attributes {dimension_semantics = [#tpu.dimension_semantics<arbitrary>], iteration_bounds = array<i64: 10>, scalar_prefetch = 0 : i64, scratch_operands = 0 : i64, tpu.core_type = #tpu.core_type<tc>, window_params = [{transform_indices = @transform_0, window_bounds = array<i64: 1000, 1>}, {transform_indices = @transform_1, window_bounds = array<i64: 1000, 128>}, {transform_indices = @transform_2, window_bounds = array<i64: 1000, 128>}, {transform_indices = @transform_3, window_bounds = array<i64: 2, 1000, 128>}, {pipeline_mode = #tpu.pipeline_mode<synchronous>, transform_indices = @transform_4, window_bounds = array<i64: 128, 128>}, {pipeline_mode = #tpu.pipeline_mode<synchronous>, transform_indices = @transform_5, window_bounds = array<i64: 1, 128>}, {pipeline_mode = #tpu.pipeline_mode<synchronous>, transform_indices = @transform_6, window_bounds = array<i64: 16, 128>}, {pipeline_mode = #tpu.pipeline_mode<synchronous>, transform_indices = @transform_7, window_bounds = array<i64: 1, 16>}, {transform_indices = @transform_8, window_bounds = array<i64: 1000, 16>}]} {
    %get3A = arith.constant 0 : index
    %get3A_0 = arith.constant 0 : index
    %get3A_1 = vector.load %arg1[%get3A, %get3A_0] : memref<1000x1xf32, #tpu.memory_space<vmem>>, vector<1000x1xf32>
    %get3A_2 = arith.constant 0 : index
    %get3A_3 = arith.constant 0 : index
    %get3A_4 = vector.load %arg2[%get3A_2, %get3A_3] : memref<1000x128xf32, #tpu.memory_space<vmem>>, vector<1000x128xf32>
    %get3A_5 = arith.constant 0 : index
    %get3A_6 = arith.constant 0 : index
    %get3A_7 = arith.constant 0 : index
    %get3A_8 = vector.load %arg4[%get3A_5, %get3A_6, %get3A_7] : memref<2x1000x128xf32, #tpu.memory_space<vmem>>, vector<1x1000x128xf32>
    %get3A_9 = vector.shape_cast %get3A_8 : vector<1x1000x128xf32> to vector<1000x128xf32>
    %get3A_10 = arith.constant 1 : index
    %get3A_11 = arith.constant 0 : index
    %get3A_12 = arith.constant 0 : index
    %get3A_13 = vector.load %arg4[%get3A_10, %get3A_11, %get3A_12] : memref<2x1000x128xf32, #tpu.memory_space<vmem>>, vector<1x1000x128xf32>
    %get3A_14 = vector.shape_cast %get3A_13 : vector<1x1000x128xf32> to vector<1000x128xf32>
    %add3A = arith.addf %get3A_9, %get3A_14 : vector<1000x128xf32>
    %get3A_15 = arith.constant 0 : index
    %get3A_16 = arith.constant 0 : index
    %get3A_17 = vector.load %arg3[%get3A_15, %get3A_16] : memref<1000x128xf32, #tpu.memory_space<vmem>>, vector<1000x128xf32>
    %add3A_18 = arith.addf %add3A, %get3A_17 : vector<1000x128xf32>
    %get3A_19 = arith.constant 0 : index
    %get3A_20 = arith.constant 0 : index
    %get3A_21 = vector.load %arg5[%get3A_19, %get3A_20] : memref<128x128xf32, #tpu.memory_space<vmem>>, vector<128x128xf32>
    %dot_general3A = arith.constant dense<0.000000e+00> : vector<1000x128xf32>
    %dot_general3A_22 = tpu.matmul %get3A_4, %get3A_21, %dot_general3A {dimension_numbers = #tpu.dot_dimension_numbers<[1], [0], [0], [1], [0, 0, 1, 1], [], []>, precision = #tpu.contract_precision<fp32>, transpose_lhs_hint = false} : vector<1000x128xf32>, vector<128x128xf32>, vector<1000x128xf32> -> vector<1000x128xf32>
    %mul3A = arith.constant 7.550000e-01 : f32
    %mul3A_23 = vector.broadcast %mul3A : f32 to vector<1000x128xf32>
    %mul3A_24 = arith.mulf %mul3A_23, %get3A_4 : vector<1000x128xf32>
    %mul3A_25 = vector.broadcast %get3A_1 : vector<1000x1xf32> to vector<1000x128xf32>
    %mul3A_26 = arith.mulf %mul3A_25, %add3A_18 : vector<1000x128xf32>
    %mul3A_27 = arith.constant 2.500000e-01 : f32
    %mul3A_28 = vector.broadcast %mul3A_27 : f32 to vector<1000x128xf32>
    %mul3A_29 = arith.mulf %mul3A_28, %mul3A_26 : vector<1000x128xf32>
    %add3A_30 = arith.addf %mul3A_24, %mul3A_29 : vector<1000x128xf32>
    %mul3A_31 = arith.constant 5.000000e-03 : f32
    %mul3A_32 = vector.broadcast %mul3A_31 : f32 to vector<1000x128xf32>
    %mul3A_33 = arith.mulf %mul3A_32, %dot_general3A_22 : vector<1000x128xf32>
    %sub3A = arith.subf %add3A_30, %mul3A_33 : vector<1000x128xf32>
    %get3A_34 = arith.constant 0 : index
    %get3A_35 = arith.constant 0 : index
    %get3A_36 = vector.load %arg6[%get3A_34, %get3A_35] : memref<1x128xf32, #tpu.memory_space<vmem>>, vector<1x128xf32>
    %add3A_37 = vector.broadcast %get3A_36 : vector<1x128xf32> to vector<1000x128xf32>
    %add3A_38 = arith.addf %sub3A, %add3A_37 : vector<1000x128xf32>
    %max3A = arith.constant 0.000000e+00 : f32
    %max3A_39 = vector.broadcast %max3A : f32 to vector<1000x128xf32>
    %max3A_40 = arith.maximumf %add3A_38, %max3A_39 : vector<1000x128xf32>
    %get3A_41 = arith.constant 0 : index
    %get3A_42 = arith.constant 0 : index
    %get3A_43 = vector.load %arg7[%get3A_41, %get3A_42] : memref<16x128xf32, #tpu.memory_space<vmem>>, vector<16x128xf32>
    %dot_general3A_44 = arith.constant dense<0.000000e+00> : vector<1000x16xf32>
    %dot_general3A_45 = tpu.matmul %max3A_40, %get3A_43, %dot_general3A_44 {dimension_numbers = #tpu.dot_dimension_numbers<[1], [1], [0], [0], [0, 0, 1, 0], [], []>, precision = #tpu.contract_precision<fp32>, transpose_lhs_hint = false} : vector<1000x128xf32>, vector<16x128xf32>, vector<1000x16xf32> -> vector<1000x16xf32>
    %get3A_46 = arith.constant 0 : index
    %get3A_47 = arith.constant 0 : index
    %get3A_48 = vector.load %arg8[%get3A_46, %get3A_47] : memref<1x16xf32, #tpu.memory_space<vmem>>, vector<1x16xf32>
    %add3A_49 = vector.broadcast %get3A_48 : vector<1x16xf32> to vector<1000x16xf32>
    %add3A_50 = arith.addf %dot_general3A_45, %add3A_49 : vector<1000x16xf32>
    %reduce_max3A = arith.constant dense<0xFF800000> : vector<1000xf32>
    %reduce_max3A_51 = vector.multi_reduction <maximumf>, %add3A_50, %reduce_max3A [1] : vector<1000x16xf32> to vector<1000xf32>
    %broadcast_in_dim3A = vector.shape_cast %reduce_max3A_51 : vector<1000xf32> to vector<1000x1xf32>
    %sub3A_52 = vector.broadcast %broadcast_in_dim3A : vector<1000x1xf32> to vector<1000x16xf32>
    %sub3A_53 = arith.subf %add3A_50, %sub3A_52 : vector<1000x16xf32>
    %exp3A = math.exp %sub3A_53 : vector<1000x16xf32>
    %reduce_sum3A = arith.constant dense<0.000000e+00> : vector<1000xf32>
    %reduce_sum3A_54 = vector.multi_reduction <add>, %exp3A, %reduce_sum3A [1] : vector<1000x16xf32> to vector<1000xf32>
    %broadcast_in_dim3A_55 = vector.shape_cast %reduce_sum3A_54 : vector<1000xf32> to vector<1000x1xf32>
    %log3A = math.log %broadcast_in_dim3A_55 : vector<1000x1xf32>
    %sub3A_56 = vector.broadcast %log3A : vector<1000x1xf32> to vector<1000x16xf32>
    %sub3A_57 = arith.subf %sub3A_53, %sub3A_56 : vector<1000x16xf32>
    %swap3A = arith.constant 0 : index
    %swap3A_58 = arith.constant 0 : index
    %swap3A_59 = vector.load %arg9[%swap3A, %swap3A_58] : memref<1000x16xf32, #tpu.memory_space<vmem>>, vector<1000x16xf32>
    tpu.vector_store %arg9[%swap3A, %swap3A_58], %sub3A_57 {strides = array<i32>} : memref<1000x16xf32, #tpu.memory_space<vmem>>, vector<1000x16xf32>,
    return
  }
  func.func @transform_0(%arg0: i32) -> (i32, i32) {
    %c0_i32 = arith.constant 0 : i32
    %c0_i32_0 = arith.constant 0 : i32
    return %arg0, %c0_i32 : i32, i32
  }
  func.func @transform_1(%arg0: i32) -> (i32, i32) {
    %c0_i32 = arith.constant 0 : i32
    %c0_i32_0 = arith.constant 0 : i32
    return %arg0, %c0_i32 : i32, i32
  }
  func.func @transform_2(%arg0: i32) -> (i32, i32) {
    %c0_i32 = arith.constant 0 : i32
    %c0_i32_0 = arith.constant 0 : i32
    return %arg0, %c0_i32 : i32, i32
  }
  func.func @transform_3(%arg0: i32) -> (i32, i32, i32) {
    %c0_i32 = arith.constant 0 : i32
    %c0_i32_0 = arith.constant 0 : i32
    %c0_i32_1 = arith.constant 0 : i32
    return %c0_i32, %arg0, %c0_i32_0 : i32, i32, i32
  }
  func.func @transform_4(%arg0: i32) -> (i32, i32) {
    %c0_i32 = arith.constant 0 : i32
    %c0_i32_0 = arith.constant 0 : i32
    %c0_i32_1 = arith.constant 0 : i32
    return %c0_i32, %c0_i32_0 : i32, i32
  }
  func.func @transform_5(%arg0: i32) -> (i32, i32) {
    %c0_i32 = arith.constant 0 : i32
    %c0_i32_0 = arith.constant 0 : i32
    %c0_i32_1 = arith.constant 0 : i32
    return %c0_i32, %c0_i32_0 : i32, i32
  }
  func.func @transform_6(%arg0: i32) -> (i32, i32) {
    %c0_i32 = arith.constant 0 : i32
    %c0_i32_0 = arith.constant 0 : i32
    %c0_i32_1 = arith.constant 0 : i32
    return %c0_i32, %c0_i32_0 : i32, i32
  }
  func.func @transform_7(%arg0: i32) -> (i32, i32) {
    %c0_i32 = arith.constant 0 : i32
    %c0_i32_0 = arith.constant 0 : i32
    %c0_i32_1 = arith.constant 0 : i32
    return %c0_i32, %c0_i32_0 : i32, i32
  }
  func.func @transform_8(%arg0: i32) -> (i32, i32) {
    %c0_i32 = arith.constant 0 : i32
    %c0_i32_0 = arith.constant 0 : i32
    return %arg0, %c0_i32 : i32, i32
  }
}

</mosaic_0001>

<sc_bundles>
// kernel: kernel.11.cloned.1.call-start
scs
__scs_entry_jumppad:
0x0: {  	(pc) =	sbr.rel $0x88, $3  }
0x1: {  	(tag) =	ssettag $0x0;
	lr =	simm.s32 $0x1  }
0x2: {  	[smem:$0x3F99] =	sst lr;
	_ =	strace $0xD0000000  }
0x3: {  	_ = 	snop  }
0x4: {  	_ = 	snop  }
0x5: {  	_ = 	snop  }
0x6: {  	_ = 	snop  }
0x7: {  	_ = 	snop  }
__scs_overlays_trampoline_lowered:
0x8: {  	[smem:$0x3FA8] =	sst s0  }
0x9: {  	[smem:$0x3FA9] =	sst s1  }
0xa: {  	[smem:$0x3FAA] =	sst s2  }
0xb: {  	[smem:$0x3FAB] =	sst s3  }
0xc: {  	[smem:$0x3FAC] =	sst s4  }
0xd: {  	[smem:$0x3FAD] =	sst s5  }
0xe: {  	[smem:$0x3FAE] =	sst s6  }
0xf: {  	[smem:$0x3FAF] =	sst s7  }
0x10: {  	[smem:$0x3FB0] =	sst s8  }
0x11: {  	[smem:$0x3FB1] =	sst s9;
	s0 =	simm.s32 @!p0 $0x0  }
0x12: {  	s1 =	sld [smem:$0x3F97];
	s0 =	simm.s32 @p0 $0x1  }
0x13: {  	[smem:$0x3FB2] =	sst s0;
	s0 =	simm.s32 @!p1 $0x0  }
0x14: {  	s2 =	sld [smem:$0x3F96];
	s0 =	simm.s32 @p1 $0x1  }
0x15: {  	[smem:$0x3FB3] =	sst s0;
	s0 =	simm.s32 @!p2 $0x0  }
0x16: {  	s3 =	sld [smem:$0x3FDB];
	s0 =	simm.s32 @p2 $0x1  }
0x17: {  	s4 =	simm.s32 $0x1BF5;
	[smem:$0x3FB5] =	sst s0  }
0x18: {  	s0 =	sld [smem:$0x3F98];
	_ =	swait.ge [sflag:s4], $0x0  }
0x19: {  	s7 =	sld [smem:$0x3F99]  }
0x1a: {  	s8 =	sadd.s32 $0xFFFFE003, lr  }
0x1b: {  	s9 =	sadd.s32 $0xFFFFFEF7, lr;
	s5 =	simm.s32 $0xFFFFFFFF;
	p2 =	slt.u32 s8, $0xFFFFF086  }
0x1c: {  	p1 =	slt.u32 s9, $0xF7A;
	s5 =	simm.s32 @!p2 $0x0  }
0x1d: {  	s5 =	simm.s32 @p1 $0x1;
	p0 =	seq.s32 s7, s2  }
0x1e: {  	s7 =	smul.u32 @!p0 $0xF7A, s2;
	p2 =	seq.s32 @!p0 s5, $0x0  }
0x1f: {  	s9 =	smul.u32 $0xF7A, s1;
	s8 =	simm.s32 @!p0 $0x1BF5;
	p2 =	por !p2, p0  }
0x20: {  	[sflag:s8] =	ssyncset.s32 @!p0 $0xFFFFF086;
	s6 =	sadd.s32 @!p0 s3, s7;
	s7 =	simm.s32 @!p0 $0x108  }
0x21: {  	s3 =	sadd.s32 s3, s9;
	s6 =	sadd.s32 @!p0 $0x88, s6;
	s7 =	simm.s32 @p2 $0x1082  }
0x22: {  	[simem:s7], [sflag:s8] =	dma.local @!p0 [hbm:s6], $0xF7A  }
0x23: {  	s9 =	sor.u32 $0xD0000000, s2;
	s6 =	simm.s32 $0x108;
	_ =	swait.ge @!p0 [sflag:s8], $0x0  }
0x24: {  	s3 =	sadd.s32 $0x88, s3;
	s6 =	simm.s32 @!p1 $0x1082;
	[sflag:s4] =	ssyncset.s32 $0xFFFFF086  }
0x25: {  	[simem:s6], [sflag:s4] =	dma.local [hbm:s3], $0xF7A  }
0x26: {  	[smem:$0x3F99] =	sst s1;
	(tag) =	ssettag s2;
	_ =	strace s9  }
0x27: {  	s1 =	sld [smem:$0x3FA9]  }
0x28: {  	s2 =	sld [smem:$0x3FAA]  }
0x29: {  	s4 =	sld [smem:$0x3FAC]  }
0x2a: {  	p0 =	seq.s32 s5, $0x0;
	s5 =	sld [smem:$0x3FAD]  }
0x2b: {  	s6 =	sld [smem:$0x3FAE]  }
0x2c: {  	s7 =	sld [smem:$0x3FAF]  }
0x2d: {  	s3 =	simm.s32 $0x108;
	s8 =	sld [smem:$0x3FB0]  }
0x2e: {  	s3 =	simm.s32 @!p0 $0x1082;
	s9 =	sld [smem:$0x3FB1]  }
0x2f: {  	lr =	sadd.s32 s0, s3;
	s0 =	sld [smem:$0x3FA8]  }
0x30: {  	s3 =	sld [smem:$0x3FAB]  }
0x31: {  	[smem:$0x3FB4] =	sst s10  }
0x32: {  	s10 =	sld [smem:$0x3FB2];
	_ =	sdelay $0x3  }
0x33: {  	p0 =	seq.s32 s10, $0x1;
	s10 =	sld [smem:$0x3FB4];
	_ =	sdelay $0x3  }
0x34: {  	[smem:$0x3FB4] =	sst s10  }
0x35: {  	s10 =	sld [smem:$0x3FB3];
	_ =	sdelay $0x3  }
0x36: {  	p1 =	seq.s32 s10, $0x1;
	s10 =	sld [smem:$0x3FB4];
	_ =	sdelay $0x3  }
0x37: {  	[smem:$0x3FB4] =	sst s10  }
0x38: {  	s10 =	sld [smem:$0x3FB5]  }
0x39: {  	_ = 	snop;
	(pc) =	sbr.ind lr, $3  }
0x3a: {  	_ = 	snop  }
0x3b: {  	_ = 	snop  }
0x3c: {  	p2 =	seq.s32 s10, $0x1;
	s10 =	sld [smem:$0x3FB4]  }
0x3d: {  	_ =	shalt  }
0x3e: {  	_ =	shalt  }
0x3f: {  	_ =	shalt  }
0x40: {  	_ =	shalt  }
0x41: {  	_ =	shalt  }
0x42: {  	_ =	shalt  }
0x43: {  	_ =	shalt  }
0x44: {  	_ =	shalt  }
0x45: {  	_ =	shalt  }
0x46: {  	_ =	shalt  }
0x47: {  	_ =	shalt  }
0x48: {  	_ =	shalt  }
0x49: {  	_ =	shalt  }
0x4a: {  	_ =	shalt  }
0x4b: {  	_ =	shalt  }
0x4c: {  	_ =	shalt  }
0x4d: {  	_ =	shalt  }
0x4e: {  	_ =	shalt  }
0x4f: {  	_ =	shalt  }
0x50: {  	_ =	shalt  }
0x51: {  	_ =	shalt  }
0x52: {  	_ =	shalt  }
0x53: {  	_ =	shalt  }
0x54: {  	_ =	shalt  }
0x55: {  	_ =	shalt  }
0x56: {  	_ =	shalt  }
0x57: {  	_ =	shalt  }
0x58: {  	_ =	shalt  }
0x59: {  	_ =	shalt  }
0x5a: {  	_ =	shalt  }
0x5b: {  	_ =	shalt  }
0x5c: {  	_ =	shalt  }
0x5d: {  	_ =	shalt  }
0x5e: {  	_ =	shalt  }
0x5f: {  	_ =	shalt  }
0x60: {  	_ =	shalt  }
0x61: {  	_ =	shalt  }
0x62: {  	_ =	shalt  }
0x63: {  	_ =	shalt  }
0x64: {  	_ =	shalt  }
0x65: {  	_ =	shalt  }
0x66: {  	_ =	shalt  }
0x67: {  	_ =	shalt  }
0x68: {  	_ =	shalt  }
0x69: {  	_ =	shalt  }
0x6a: {  	_ =	shalt  }
0x6b: {  	_ =	shalt  }
0x6c: {  	_ =	shalt  }
0x6d: {  	_ =	shalt  }
0x6e: {  	_ =	shalt  }
0x6f: {  	_ =	shalt  }
0x70: {  	_ =	shalt  }
0x71: {  	_ =	shalt  }
0x72: {  	_ =	shalt  }
0x73: {  	_ =	shalt  }
0x74: {  	_ =	shalt  }
0x75: {  	_ =	shalt  }
0x76: {  	_ =	shalt  }
0x77: {  	_ =	shalt  }
0x78: {  	_ =	shalt  }
0x79: {  	_ =	shalt  }
0x7a: {  	_ =	shalt  }
0x7b: {  	_ =	shalt  }
0x7c: {  	_ =	shalt  }
0x7d: {  	_ =	shalt  }
0x7e: {  	_ =	shalt  }
0x7f: {  	_ =	shalt  }
0x80: {  	_ =	shalt  }
0x81: {  	_ =	shalt  }
0x82: {  	_ =	shalt  }
0x83: {  	_ =	shalt  }
0x84: {  	_ =	shalt  }
0x85: {  	_ =	shalt  }
0x86: {  	_ =	shalt  }
0x87: {  	_ =	shalt  }
.Lfunc_end0:
.L_simem_size_0:
called_computation.1_lowered:
.L_overlay_start_0:
0x88: {  	s2 =	sld [smem:$0x3FD9]  }
0x89: {  	s3 =	sld [smem:$0x3FFE];
	_ =	sdelay $0x1  }
0x8a: {  	s1 =	srdreg.scid  }
0x8b: {  	s0 =	sand.u32 $0x1, s1  }
0x8c: {  	s16 =	sshll.u32 s0, $0xA;
	s2 =	sadd.s32 s3, s2  }
0x8d: {  	s2 =	sadd.s32 s2, s16  }
0x8e: {  	[smem:$0x3FC0] =	sst s2  }
0x8f: {  	_ = 	snop  }
0x90: {  	(tm) =	ssettm $0x1  }
0x91: {  	s17 =	sld [smem:$0x3FFB];
	_ =	sdelay $0x3  }
0x92: {  	_ =	strace s17  }
0x93: {  	s2 =	sld [smem:$0x3FFC];
	_ =	sdelay $0x3  }
0x94: {  	_ =	strace s2  }
0x95: {  	s2 =	sld [smem:$0x3FFD];
	_ =	sdelay $0x3  }
0x96: {  	_ =	strace s2  }
0x97: {  	_ =	strace $0x8FFFFFFF  }
0x98: {  	s18 =	sld [smem:$0x3FDB];
	_ =	sdelay $0x1  }
0x99: {  	s19 =	simm.s32 $_scs_section_size  }
0x9a: {  	s4 =	simm.s32 $_size__tile_overlayer_lowered;
	s5 =	simm.s32 $_tile_overlayer_lowered  }
0x9b: {  	s22 =	simm.s32 $0x1BFF;
	s21 =	sshll.u32 s5, $0x1;
	s2 =	sadd.s32 s19, s18  }
0x9c: {  	s6 =	simm.s32 $0x0;
	s20 =	sshll.u32 s4, $0x1;
	s4 =	sadd.s32 s21, s2  }
0x9d: {  	[timem:s6], [sflag:s22] =	dma.local [hbm:s4], s20  }
0x9e: {  	_ =	swait.ge [sflag:s22], s20  }
0x9f: {  	s3 =	ssub.s32 $0x0, s20;
	[sflag:s22] =	ssyncset.done $0x0  }
0xa0: {  	[sflag:s22] =	ssyncadd.s32 s3;
	_ =	sdelay $0x1  }
0xa1: {  	s23 =	simm.s32 $0x1B8B  }
0xa2: {  	_ =	swait.ge [sflag:s23], $0x1  }
0xa3: {  	[sflag:s23] =	ssyncset.done $0x0  }
0xa4: {  	s25 =	simm.s32 $0x1B8E;
	s24 =	sld [smem:$0x3FFE];
	[sflag:s23] =	ssyncadd.s32 $0xFFFFFFFF  }
0xa5: {  	s26 =	simm.s32 $execute0_lowered;
	[smem:$0x3FD2] =	sst s25  }
0xa6: {  	s4 =	sshll.u32 s26, $0x1;
	_ =	strace $0x80000049;
	[dreg:$0x1] =	wrdreg $0xFFFFFFFF  }
0xa7: {  	s28 =	simm.s32 $_size_execute0_lowered;
	s2 =	sadd.s32 s2, s4;
	[dreg:$0x0] =	wrdreg $0x0  }
0xa8: {  	s4 =	sshll.u32 s28, $0x1;
	[dreg:$0x2] =	wrdreg s2  }
0xa9: {  	[dreg:$0x3] =	wrdreg s4  }
0xaa: {  	[dreg:$0x4] =	wrdreg $0xC0  }
0xab: {  	_ =	task [dreg:s6], $0x5FFFF  }
0xac: {  	[dreg:$0x1] =	wrdreg $0xFFFFFFFF  }
0xad: {  	[dreg:$0x0] =	wrdreg $0x60  }
0xae: {  	[dreg:$0x2] =	wrdreg s24  }
0xaf: {  	[dreg:$0x3] =	wrdreg $0x82000  }
0xb0: {  	[dreg:$0x4] =	wrdreg $0x9  }
0xb1: {  	_ =	task.clear_ibuf [dreg:s6], $0x5FFFF;
	_ =	strace $0x90000049  }
0xb2: {  	s29 =	simm.s32 $0x9;
	_ =	strace $0x8000004B  }
0xb3: {  	_ =	swait.ge [sflag:s29], $0x1  }
0xb4: {  	[sflag:s29] =	ssyncadd.s32 $0xFFFFFFFF  }
0xb5: {  	_ =	strace $0x9000004B  }
0xb6: {  	_ =	sfence  }
0xb7: {  	s30 =	sld [smem:$0x0];
	_ =	sdelay $0x2  }
0xb8: {  	s31 =	sshll.u32 s1, $0xD;
	s1 =	sshrl.u32 s1, $0x2  }
0xb9: {  	s3 =	sand.u32 $0x4000, s31;
	s1 =	sadd.s32 s1, s30  }
0xba: {  	s0 =	sor.u32 s3, s0;
	s1 =	sshll.u32 s1, $0x11  }
0xbb: {  	s0 =	sor.u32 s1, s0  }
0xbc: {  	s0 =	sadd.s32 $0x8F2B, s0  }
0xbd: {  	[sflag:s0] =	ssyncadd.remote.s32 $0x1  }
0xbe: {  	_ =	sfence.sel $0xFFFF  }
0xbf: {  	[dreg:$0x0] =	wrdreg $0xFFFFFFFF;
	(pc) =	sbr.abs _section_cstart, $3  }
0xc0: {  	[dreg:$0x1] =	wrdreg $0xFFFFFFFF  }
0xc1: {  	_ =	task.clear_ibuf [dreg:s6], $0x2FFFF;
	_ =	strace $0x9FFFFFFF  }
0xc2: {  	(tm) =	ssettm $0x7FFFFFFF  }
0xc3: {  	_ =	shalt  }
tec
execute0_lowered:
.L_overlay_start_1:
0x0: {  	(tag) =	ssettag $0x1  }
0x1: {  	s0 =	rddreg [dreg:$0x0]  }
0x2: {  	s1 =	rddreg [dreg:$0x1]  }
0x3: {  	s2 =	simm.s32 $0x0;
	s3 =	srdreg.scid;
	s21 =	stileid.u32  }
0x4: {  	s28 =	simm.s32 $0x200;
	s29 =	simm.s32 $0x7;
	s30 =	simm.s32 $0x100  }
0x5: {  	s31 =	simm.s32 $0x1;
	[smem:$0x7FF] =	sst s2;
	s4 =	sadd.s32 $0xC800, s0  }
0x6: {  	s5 =	sadd.s32 $0x5AA00, s0;
	s3 =	sand.u32 $0x1, s3;
	s6 =	sadd.s32 $0x2800, s0  }
0x7: {  	s0 =	sadd.s32 $0x64A00, s0;
	s13 =	sshll.u32 s21, $0xE;
	p0 =	sgt.u32 s21, $0xD  }
0x8: {  	p1 =	seq.s32 s21, $0xF;
	_ =	strace $0x8000004A;
	s7 =	ssub.s32 $0x2, s3  }
0x9: {  	s22 =	sshll.u32 s3, $0x4;
	s15 =	sor.u32 $0x40000, s13;
	s16 =	sor.u32 $0x80000, s13  }
0xa: {  	s17 =	sor.u32 $0xC0000, s13;
	s18 =	sor.u32 $0x100000, s13;
	s3 =	smul.u32 $0x138800, s3  }
0xb: {  	p2 =	sne.s32 @!p0 s21, $0x1;
	s8 =	sshrl.u32 s7, $0x1;
	s9 =	sor.u32 s21, s22  }
0xc: {  	s10 =	sadd.s32 s16, s1;
	s11 =	sadd.s32 s17, s1;
	s12 =	sadd.s32 s18, s1  }
0xd: {  	p2 =	por p2, p0;
	s14 =	ssub.s32 s7, s8;
	s7 =	sadd.s32 s13, s1  }
0xe: {  	s8 =	sadd.s32 s15, s1;
	s9 =	smul.u32 $0x2800, s9;
	s13 =	sadd.s32 s13, s3  }
0xf: {  	s15 =	sadd.s32 s3, s15;
	s16 =	sadd.s32 s3, s16;
	s13 =	sshrl.u32 s13, $0x3  }
0x10: {  	s25 =	sshrl.u32 s15, $0x3;
	s26 =	sshrl.u32 s16, $0x3;
	s13 =	sadd.s32 s0, s13  }
0x11: {  	s15 =	simm.s32 $0x5;
	s16 =	sadd.s32 s0, s26;
	[dreg:$0x7] =	wrdreg s13  }
0x12: {  	s19 =	sshrl.u32 s9, $0x3;
	s26 =	smax.u32 s14, $0x1;
	[dreg:$0x9] =	wrdreg s16  }
0x13: {  	s14 =	simm.s32 $0x3;
	s20 =	sadd.s32 s5, s19;
	[dreg:$0xd] =	wrdreg s26  }
0x14: {  	s23 =	sadd.s32 s6, s19;
	s24 =	sor.u32 $0x10, s19;
	[dreg:$0x3] =	wrdreg s20  }
0x15: {  	s13 =	sadd.s32 s0, s25;
	s25 =	sadd.s32 $0x4E0, s19;
	[dreg:$0x4] =	wrdreg s23  }
0x16: {  	s26 =	sadd.s32 $0x138000, s1;
	s22 =	sadd.s32 s5, s24;
	[dreg:$0x8] =	wrdreg s13  }
0x17: {  	s16 =	simm.s32 $0x4;
	s20 =	sadd.s32 s6, s24;
	[dreg:$0x5] =	wrdreg s22  }
0x18: {  	s19 =	simm.s32 $0x0;
	[dreg:$0x6] =	wrdreg s20;
	s20 =	sadd.s32 s3, s17  }
0x19: {  	s22 =	sadd.s32 s3, s18;
	s3 =	sshrl.u32 s3, $0x3;
	s13 =	sshrl.u32 s20, $0x3  }
0x1a: {  	s17 =	simm.s32 $0x180;
	s23 =	sshrl.u32 s22, $0x3;
	s13 =	sadd.s32 s0, s13  }
0x1b: {  	s3 =	sadd.s32 s0, s3;
	s0 =	sadd.s32 s0, s23;
	[dreg:$0xa] =	wrdreg s13  }
0x1c: {  	s18 =	simm.s32 $0x6;
	s24 =	sadd.s32 $0x27000, s3;
	[dreg:$0xb] =	wrdreg s0  }
0x1d: {  	s3 =	simm.s32 $0x2;
	[dreg:$0xc] =	wrdreg s24;
	s24 =	sadd.s32 s5, s25  }
0x1e: {  	v0 =	vimm.f32 $0.0e+00;
	s25 =	sadd.s32 s6, s25;
	s0 =	simm.s32 $0x80;
	s13 =	simm.s32 $0x4200  }
.LBB2_1:
0x1f: {  	s20 =	simm.s32 $0x0;
	s21 =	simm.s32 $0x200  }
.LBB2_2:
0x20: {  	p3 =	sne.s32 s21, $0xFE00;
	[tilespmem:s20+$0x270] =	vst v0  }
0x21: {  	[tilespmem:s20+$0x200] =	vst v0  }
0x22: {  	[tilespmem:s20+$0x210] =	vst v0  }
.Ltmp0:
0x23: {  	[tilespmem:s20+$0x220] =	vst v0;
	(pc) =	sbr.rel @p3 .LBB2_2-.Ltmp0, $4  }
0x24: {  	[tilespmem:s20+$0x230] =	vst v0  }
0x25: {  	[tilespmem:s20+$0x240] =	vst v0  }
0x26: {  	[tilespmem:s20+$0x250] =	vst v0  }
0x27: {  	[tilespmem:s20+$0x260] =	vst v0;
	s20 =	sshra.s32 s21, $0x2;
	s21 =	sadd.s32 $0x200, s21  }
0x28: {  	[tilespmem:s20+$0x270] =	vst v0  }
0x29: {  	[tilespmem:s20+$0x200] =	vst v0  }
0x2a: {  	[tilespmem:s20+$0x210] =	vst v0  }
0x2b: {  	[tilespmem:s20+$0x220] =	vst v0  }
0x2c: {  	[tilespmem:s20+$0x230] =	vst v0  }
0x2d: {  	[tilespmem:s20+$0x240] =	vst v0  }
0x2e: {  	[tilespmem:s20+$0x250] =	vst v0  }
0x2f: {  	[tilespmem:s20+$0x260] =	vst v0  }
0x30: {  	[spmem:s7] =	stream.linear.scatter [tilespmem:s28], [sflag:$0x7], $0x4000, $0x38;
	[tilespmem:$0x1BE00] =	vst v63  }
0x31: {  	_ =	swait.ge [sflag:s29], $0x4000  }
0x32: {  	[sflag:s29] =	ssyncset.done $0x0  }
0x33: {  	[sflag:s29] =	ssyncadd.s32 $0xFFFFC000  }
0x34: {  	[spmem:s8] =	stream.linear.scatter [tilespmem:s28], [sflag:$0x7], $0x4000, $0x38;
	[tilespmem:$0x1BE00] =	vst v63  }
0x35: {  	_ =	swait.ge [sflag:s29], $0x4000  }
0x36: {  	[sflag:s29] =	ssyncset.done $0x0  }
0x37: {  	[sflag:s29] =	ssyncadd.s32 $0xFFFFC000  }
0x38: {  	[spmem:s10] =	stream.linear.scatter [tilespmem:s28], [sflag:$0x7], $0x4000, $0x38;
	[tilespmem:$0x1BE00] =	vst v63  }
0x39: {  	_ =	swait.ge [sflag:s29], $0x4000  }
0x3a: {  	[sflag:s29] =	ssyncset.done $0x0  }
0x3b: {  	[sflag:s29] =	ssyncadd.s32 $0xFFFFC000  }
0x3c: {  	[spmem:s11] =	stream.linear.scatter [tilespmem:s28], [sflag:$0x7], $0x4000, $0x38;
	[tilespmem:$0x1BE00] =	vst v63  }
0x3d: {  	_ =	swait.ge [sflag:s29], $0x4000  }
0x3e: {  	[sflag:s29] =	ssyncset.done $0x0  }
0x3f: {  	s20 =	simm.s32 @!p1 $0x200;
	[sflag:s29] =	ssyncadd.s32 $0xFFFFC000  }
0x40: {  	[spmem:s12] =	stream.linear.scatter @!p1 [tilespmem:s20], [sflag:$0x7], $0x4000, $0x38;
	[tilespmem:$0x1BE00] =	vst v63  }
0x41: {  	s20 =	simm.s32 @!p1 $0x7  }
0x42: {  	_ =	swait.ge @!p1 [sflag:s20], $0x4000  }
0x43: {  	[sflag:s20] =	ssyncset.done @!p1 $0x0  }
0x44: {  	[sflag:s20] =	ssyncadd.s32 @!p1 $0xFFFFC000  }
0x45: {  	[bflag:$0x0] =	sbarrier.arrive $0xFFFF  }
0x46: {  	s23 =	rddreg [dreg:$0x3]  }
0x47: {  	[tilespmem:s2], [sflag:$0x1] =	stream.linear.gather [hbm4b:s23+s2], $0x80, $0x38;
	[tilespmem:$0x1BE00] =	vst v63  }
0x48: {  	s21 =	rddreg [dreg:$0x4]  }
0x49: {  	[tilespmem:s30], [sflag:$0x1] =	stream.linear.gather [hbm4b:s21+s2], $0x80, $0x38;
	[tilespmem:$0x1BE00] =	vst v63  }
0x4a: {  	_ =	swait.ge [sflag:s31], $0x80  }
0x4b: {  	[sflag:s31] =	ssyncset.done $0x0  }
0x4c: {  	[sflag:s31] =	ssyncadd.s32 $0xFFFFFF80  }
0x4d: {  	_ =	swait.ge [sflag:s31], $0x80  }
0x4e: {  	[sflag:s31] =	ssyncset.done $0x0  }
0x4f: {  	[sflag:s31] =	ssyncadd.s32 $0xFFFFFF80  }
0x50: {  	[tilespmem:s28], [sflag:$0x3] =	stream.indirect.gather [hbm4b:s4+s0], $0x80, s2, s0, $0xb8;
	[tilespmem:$0x1BE00] =	vst v63  }
0x51: {  	s22 =	rddreg [dreg:$0x5]  }
0x52: {  	[tilespmem:s0], [sflag:$0x2] =	stream.linear.gather [hbm4b:s22+s2], $0x80, $0x38;
	[tilespmem:$0x1BE00] =	vst v63  }
0x53: {  	s20 =	simm.s32 $0x180;
	s21 =	rddreg [dreg:$0x6]  }
0x54: {  	[tilespmem:s20], [sflag:$0x2] =	stream.linear.gather [hbm4b:s21+s2], $0x80, $0x38;
	[tilespmem:$0x1BE00] =	vst v63  }
0x55: {  	_ =	swait.ge [sflag:s3], $0x80  }
0x56: {  	[sflag:s3] =	ssyncset.done $0x0  }
0x57: {  	[sflag:s3] =	ssyncadd.s32 $0xFFFFFF80  }
0x58: {  	_ =	swait.ge [sflag:s3], $0x80  }
0x59: {  	[sflag:s3] =	ssyncset.done $0x0  }
0x5a: {  	[sflag:s3] =	ssyncadd.s32 $0xFFFFFF80  }
0x5b: {  	[tilespmem:s13], [sflag:$0x4] =	stream.indirect.gather [hbm4b:s4+s0], $0x80, s0, s0, $0xb8;
	[tilespmem:$0x1BE00] =	vst v63  }
0x5c: {  	s23 =	simm.s32 $0x100;
	_ =	swait.ge [sflag:s14], $0x4000  }
0x5d: {  	s22 =	sand.u32 $0x7C00, s23;
	[sflag:s14] =	ssyncset.done $0x0  }
0x5e: {  	s22 =	sadd.s32 s9, s22;
	s21 =	sand.u32 $0x300, s23;
	[sflag:s14] =	ssyncadd.s32 $0xFFFFC000  }
0x5f: {  	[spmem:s1] =	stream.indirect.scatter.add.f32 [tilespmem:s28], [sflag:$0x5], $0x80, s30, s0, $0xb8;
	[tilespmem:$0x1BE00] =	vst v63  }
0x60: {  	s21 =	sor.u32 s21, s22;
	_ =	swait.ge [sflag:s15], $0x4000  }
0x61: {  	s21 =	sshrl.u32 s21, $0x3;
	[sflag:s15] =	ssyncset.done $0x0  }
0x62: {  	s23 =	sadd.s32 s5, s21;
	[sflag:s15] =	ssyncadd.s32 $0xFFFFC000  }
0x63: {  	[tilespmem:s2], [sflag:$0x1] =	stream.linear.gather [hbm4b:s23+s2], $0x80, $0x38;
	[tilespmem:$0x1BE00] =	vst v63  }
0x64: {  	s21 =	sadd.s32 s6, s21  }
0x65: {  	[tilespmem:s30], [sflag:$0x1] =	stream.linear.gather [hbm4b:s21+s2], $0x80, $0x38;
	[tilespmem:$0x1BE00] =	vst v63  }
0x66: {  	_ =	swait.ge [sflag:s31], $0x80  }
0x67: {  	[sflag:s31] =	ssyncset.done $0x0  }
0x68: {  	[sflag:s31] =	ssyncadd.s32 $0xFFFFFF80  }
0x69: {  	_ =	swait.ge [sflag:s31], $0x80  }
0x6a: {  	[sflag:s31] =	ssyncset.done $0x0  }
0x6b: {  	[sflag:s31] =	ssyncadd.s32 $0xFFFFFF80  }
0x6c: {  	[tilespmem:s28], [sflag:$0x3] =	stream.indirect.gather [hbm4b:s4+s0], $0x80, s2, s0, $0xb8;
	[tilespmem:$0x1BE00] =	vst v63  }
0x6d: {  	_ =	swait.ge [sflag:s16], $0x4000  }
0x6e: {  	s23 =	sand.u32 $0x7C00, s20;
	[sflag:s16] =	ssyncset.done $0x0  }
0x6f: {  	s20 =	sand.u32 $0x380, s20;
	s21 =	sadd.s32 s9, s23;
	[sflag:s16] =	ssyncadd.s32 $0xFFFFC000  }
0x70: {  	[spmem:s1] =	stream.indirect.scatter.add.f32 [tilespmem:s13], [sflag:$0x6], $0x80, s17, s0, $0xb8;
	[tilespmem:$0x1BE00] =	vst v63  }
0x71: {  	s20 =	sor.u32 s20, s21;
	_ =	swait.ge [sflag:s18], $0x4000  }
0x72: {  	s21 =	sshrl.u32 s20, $0x3;
	[sflag:s18] =	ssyncset.done $0x0  }
0x73: {  	s20 =	sadd.s32 s5, s21;
	[sflag:s18] =	ssyncadd.s32 $0xFFFFC000  }
0x74: {  	[tilespmem:s0], [sflag:$0x2] =	stream.linear.gather [hbm4b:s20+s2], $0x80, $0x38;
	[tilespmem:$0x1BE00] =	vst v63  }
0x75: {  	s22 =	sadd.s32 s6, s21;
	s20 =	simm.s32 $0x280  }
.LBB2_4:
0x76: {  	p3 =	sne.s32 s20, $0x2680;
	s21 =	smov.u32 s20;
	s20 =	sadd.s32 $0x100, s20  }
0x77: {  	[tilespmem:s17], [sflag:$0x2] =	stream.linear.gather [hbm4b:s22+s2], $0x80, $0x38;
	[tilespmem:$0x1BE00] =	vst v63  }
0x78: {  	_ =	swait.ge [sflag:s3], $0x80  }
0x79: {  	[sflag:s3] =	ssyncset.done $0x0  }
0x7a: {  	[sflag:s3] =	ssyncadd.s32 $0xFFFFFF80  }
0x7b: {  	_ =	swait.ge [sflag:s3], $0x80  }
0x7c: {  	[sflag:s3] =	ssyncset.done $0x0  }
0x7d: {  	[sflag:s3] =	ssyncadd.s32 $0xFFFFFF80  }
0x7e: {  	[tilespmem:s13], [sflag:$0x4] =	stream.indirect.gather [hbm4b:s4+s0], $0x80, s0, s0, $0xb8;
	[tilespmem:$0x1BE00] =	vst v63  }
0x7f: {  	_ =	swait.ge [sflag:s14], $0x4000  }
0x80: {  	s22 =	sadd.s32 $0xFFFFFF80, s21;
	[sflag:s14] =	ssyncset.done $0x0  }
0x81: {  	s23 =	sand.u32 $0x7C00, s22;
	s22 =	sand.u32 $0x300, s22;
	[sflag:s14] =	ssyncadd.s32 $0xFFFFC000  }
0x82: {  	[spmem:s1] =	stream.indirect.scatter.add.f32 [tilespmem:s28], [sflag:$0x5], $0x80, s30, s0, $0xb8;
	[tilespmem:$0x1BE00] =	vst v63  }
0x83: {  	s23 =	sadd.s32 s9, s23;
	_ =	swait.ge [sflag:s15], $0x4000  }
0x84: {  	s22 =	sor.u32 s22, s23;
	[sflag:s15] =	ssyncset.done $0x0  }
0x85: {  	s22 =	sshrl.u32 s22, $0x3;
	[sflag:s15] =	ssyncadd.s32 $0xFFFFC000  }
0x86: {  	s23 =	sadd.s32 s5, s22;
	s22 =	sadd.s32 s6, s22  }
0x87: {  	[tilespmem:s2], [sflag:$0x1] =	stream.linear.gather [hbm4b:s23+s2], $0x80, $0x38;
	[tilespmem:$0x1BE00] =	vst v63  }
0x88: {  	_ = 	snop  }
0x89: {  	[tilespmem:s30], [sflag:$0x1] =	stream.linear.gather [hbm4b:s22+s2], $0x80, $0x38;
	[tilespmem:$0x1BE00] =	vst v63  }
0x8a: {  	_ =	swait.ge [sflag:s31], $0x80  }
0x8b: {  	[sflag:s31] =	ssyncset.done $0x0  }
0x8c: {  	[sflag:s31] =	ssyncadd.s32 $0xFFFFFF80  }
0x8d: {  	_ =	swait.ge [sflag:s31], $0x80  }
0x8e: {  	[sflag:s31] =	ssyncset.done $0x0  }
0x8f: {  	[sflag:s31] =	ssyncadd.s32 $0xFFFFFF80  }
0x90: {  	[tilespmem:s28], [sflag:$0x3] =	stream.indirect.gather [hbm4b:s4+s0], $0x80, s2, s0, $0xb8;
	[tilespmem:$0x1BE00] =	vst v63  }
0x91: {  	_ =	swait.ge [sflag:s16], $0x4000  }
0x92: {  	s22 =	sand.u32 $0x7C00, s21;
	[sflag:s16] =	ssyncset.done $0x0  }
0x93: {  	s21 =	sand.u32 $0x380, s21;
	s22 =	sadd.s32 s9, s22;
	[sflag:s16] =	ssyncadd.s32 $0xFFFFC000  }
0x94: {  	[spmem:s1] =	stream.indirect.scatter.add.f32 [tilespmem:s13], [sflag:$0x6], $0x80, s17, s0, $0xb8;
	[tilespmem:$0x1BE00] =	vst v63  }
.Ltmp1:
0x95: {  	_ = 	snop;
	(pc) =	sbr.rel @p3 .LBB2_4-.Ltmp1, $4  }
0x96: {  	s21 =	sor.u32 s21, s22;
	_ =	swait.ge [sflag:s18], $0x4000  }
0x97: {  	s21 =	sshrl.u32 s21, $0x3;
	[sflag:s18] =	ssyncset.done $0x0  }
0x98: {  	s23 =	sadd.s32 s5, s21;
	s22 =	sadd.s32 s6, s21;
	[sflag:s18] =	ssyncadd.s32 $0xFFFFC000  }
0x99: {  	[tilespmem:s0], [sflag:$0x2] =	stream.linear.gather [hbm4b:s23+s2], $0x80, $0x38;
	[tilespmem:$0x1BE00] =	vst v63  }
0x9a: {  	[tilespmem:s17], [sflag:$0x2] =	stream.linear.gather [hbm4b:s22+s2], $0x80, $0x38;
	[tilespmem:$0x1BE00] =	vst v63  }
0x9b: {  	_ =	swait.ge [sflag:s3], $0x80  }
0x9c: {  	[sflag:s3] =	ssyncset.done $0x0  }
0x9d: {  	[sflag:s3] =	ssyncadd.s32 $0xFFFFFF80  }
0x9e: {  	_ =	swait.ge [sflag:s3], $0x80  }
0x9f: {  	[sflag:s3] =	ssyncset.done $0x0  }
0xa0: {  	[sflag:s3] =	ssyncadd.s32 $0xFFFFFF80  }
0xa1: {  	[tilespmem:s13], [sflag:$0x4] =	stream.indirect.gather [hbm4b:s4+s0], $0x80, s0, s0, $0xb8;
	[tilespmem:$0x1BE00] =	vst v63  }
0xa2: {  	_ =	swait.ge [sflag:s14], $0x4000  }
0xa3: {  	[sflag:s14] =	ssyncset.done $0x0  }
0xa4: {  	[sflag:s14] =	ssyncadd.s32 $0xFFFFC000  }
0xa5: {  	[spmem:s1] =	stream.indirect.scatter.add.f32 [tilespmem:s28], [sflag:$0x5], $0x80, s30, s0, $0xb8;
	[tilespmem:$0x1BE00] =	vst v63  }
0xa6: {  	_ =	swait.ge [sflag:s15], $0x4000  }
0xa7: {  	[sflag:s15] =	ssyncset.done $0x0  }
0xa8: {  	[sflag:s15] =	ssyncadd.s32 $0xFFFFC000  }
0xa9: {  	[tilespmem:s2], [sflag:$0x1] =	stream.linear.gather [hbm4b:s24+s2], $0x80, $0x38;
	[tilespmem:$0x1BE00] =	vst v63  }
0xaa: {  	_ = 	snop  }
0xab: {  	[tilespmem:s30], [sflag:$0x1] =	stream.linear.gather [hbm4b:s25+s2], $0x80, $0x38;
	[tilespmem:$0x1BE00] =	vst v63  }
0xac: {  	_ =	swait.ge [sflag:s31], $0x80  }
0xad: {  	[sflag:s31] =	ssyncset.done $0x0  }
0xae: {  	[sflag:s31] =	ssyncadd.s32 $0xFFFFFF80  }
0xaf: {  	_ =	swait.ge [sflag:s31], $0x80  }
0xb0: {  	[sflag:s31] =	ssyncset.done $0x0  }
0xb1: {  	[sflag:s31] =	ssyncadd.s32 $0xFFFFFF80  }
0xb2: {  	[tilespmem:s28], [sflag:$0x3] =	stream.indirect.gather [hbm4b:s4+s0], $0x80, s2, s0, $0xb8;
	[tilespmem:$0x1BE00] =	vst v63  }
0xb3: {  	_ =	swait.ge [sflag:s16], $0x4000  }
0xb4: {  	[sflag:s16] =	ssyncset.done $0x0  }
0xb5: {  	[sflag:s16] =	ssyncadd.s32 $0xFFFFC000  }
0xb6: {  	[spmem:s1] =	stream.indirect.scatter.add.f32 [tilespmem:s13], [sflag:$0x6], $0x80, s17, s0, $0xb8;
	[tilespmem:$0x1BE00] =	vst v63  }
0xb7: {  	_ =	swait.ge [sflag:s14], $0x4000  }
0xb8: {  	[sflag:s14] =	ssyncset.done $0x0  }
0xb9: {  	[sflag:s14] =	ssyncadd.s32 $0xFFFFC000  }
0xba: {  	[spmem:s1] =	stream.indirect.scatter.add.f32 [tilespmem:s28], [sflag:$0x5], $0x80, s30, s0, $0xb8;
	[tilespmem:$0x1BE00] =	vst v63  }
0xbb: {  	_ =	swait.ge [sflag:s15], $0x4000  }
0xbc: {  	[sflag:s15] =	ssyncset.done $0x0  }
0xbd: {  	[sflag:s15] =	ssyncadd.s32 $0xFFFFC000  }
0xbe: {  	_ =	swait.ge [sflag:s18], $0x4000  }
0xbf: {  	[sflag:s18] =	ssyncset.done $0x0  }
0xc0: {  	[sflag:s18] =	ssyncadd.s32 $0xFFFFC000  }
0xc1: {  	[bflag:$0x0] =	sbarrier.arrive $0xFFFF  }
0xc2: {  	[tilespmem:s28], [sflag:$0x7] =	stream.linear.gather [spmem:s7], $0x4000, $0x38;
	[tilespmem:$0x1BE00] =	vst v63  }
0xc3: {  	_ =	swait.ge [sflag:s29], $0x4000  }
0xc4: {  	[sflag:s29] =	ssyncset.done $0x0  }
0xc5: {  	s20 =	rddreg [dreg:$0x7];
	[sflag:s29] =	ssyncadd.s32 $0xFFFFC000  }
0xc6: {  	[hbm4b:s20+s2] =	stream.linear.scatter [tilespmem:s28], [sflag:$0x7], $0x4000, $0x38;
	[tilespmem:$0x1BE00] =	vst v63  }
0xc7: {  	_ =	swait.ge [sflag:s29], $0x4000  }
0xc8: {  	[sflag:s29] =	ssyncset.done $0x0  }
0xc9: {  	[sflag:s29] =	ssyncadd.s32 $0xFFFFC000  }
0xca: {  	[tilespmem:s28], [sflag:$0x7] =	stream.linear.gather [spmem:s8], $0x4000, $0x38;
	[tilespmem:$0x1BE00] =	vst v63  }
0xcb: {  	_ =	swait.ge [sflag:s29], $0x4000  }
0xcc: {  	[sflag:s29] =	ssyncset.done $0x0  }
0xcd: {  	s23 =	rddreg [dreg:$0x8];
	[sflag:s29] =	ssyncadd.s32 $0xFFFFC000  }
0xce: {  	[hbm4b:s23+s2] =	stream.linear.scatter [tilespmem:s28], [sflag:$0x7], $0x4000, $0x38;
	[tilespmem:$0x1BE00] =	vst v63  }
0xcf: {  	_ =	swait.ge [sflag:s29], $0x4000  }
0xd0: {  	[sflag:s29] =	ssyncset.done $0x0  }
0xd1: {  	[sflag:s29] =	ssyncadd.s32 $0xFFFFC000  }
0xd2: {  	[tilespmem:s28], [sflag:$0x7] =	stream.linear.gather [spmem:s10], $0x4000, $0x38;
	[tilespmem:$0x1BE00] =	vst v63  }
0xd3: {  	_ =	swait.ge [sflag:s29], $0x4000  }
0xd4: {  	[sflag:s29] =	ssyncset.done $0x0  }
0xd5: {  	s21 =	rddreg [dreg:$0x9];
	[sflag:s29] =	ssyncadd.s32 $0xFFFFC000  }
0xd6: {  	[hbm4b:s21+s2] =	stream.linear.scatter [tilespmem:s28], [sflag:$0x7], $0x4000, $0x38;
	[tilespmem:$0x1BE00] =	vst v63  }
0xd7: {  	_ =	swait.ge [sflag:s29], $0x4000  }
0xd8: {  	[sflag:s29] =	ssyncset.done $0x0  }
0xd9: {  	[sflag:s29] =	ssyncadd.s32 $0xFFFFC000  }
0xda: {  	[tilespmem:s28], [sflag:$0x7] =	stream.linear.gather [spmem:s11], $0x4000, $0x38;
	[tilespmem:$0x1BE00] =	vst v63  }
0xdb: {  	_ =	swait.ge [sflag:s29], $0x4000  }
0xdc: {  	[sflag:s29] =	ssyncset.done $0x0  }
0xdd: {  	s22 =	rddreg [dreg:$0xa];
	[sflag:s29] =	ssyncadd.s32 $0xFFFFC000  }
0xde: {  	[hbm4b:s22+s2] =	stream.linear.scatter [tilespmem:s28], [sflag:$0x7], $0x4000, $0x38;
	[tilespmem:$0x1BE00] =	vst v63  }
0xdf: {  	_ =	swait.ge [sflag:s29], $0x4000  }
0xe0: {  	[sflag:s29] =	ssyncset.done $0x0  }
0xe1: {  	s20 =	simm.s32 @!p0 $0x200;
	s21 =	simm.s32 @!p0 $0x7;
	[sflag:s29] =	ssyncadd.s32 $0xFFFFC000  }
0xe2: {  	[tilespmem:s20], [sflag:$0x7] =	stream.linear.gather @!p0 [spmem:s12], $0x4000, $0x38;
	[tilespmem:$0x1BE00] =	vst v63  }
0xe3: {  	_ =	swait.ge @!p0 [sflag:s21], $0x4000  }
0xe4: {  	[sflag:s21] =	ssyncset.done @!p0 $0x0  }
0xe5: {  	s22 =	simm.s32 @!p0 $0x0;
	s23 =	rddreg [dreg:$0xb];
	[sflag:s21] =	ssyncadd.s32 @!p0 $0xFFFFC000  }
0xe6: {  	[hbm4b:s23+s22] =	stream.linear.scatter @!p0 [tilespmem:s20], [sflag:$0x7], $0x4000, $0x38;
	[tilespmem:$0x1BE00] =	vst v63  }
0xe7: {  	_ =	swait.ge @!p0 [sflag:s21], $0x4000  }
0xe8: {  	[sflag:s21] =	ssyncset.done @!p0 $0x0  }
0xe9: {  	s20 =	simm.s32 @!p2 $0x4200;
	[sflag:s21] =	ssyncadd.s32 @!p0 $0xFFFFC000;
	s21 =	simm.s32 @!p2 $0x7  }
0xea: {  	[tilespmem:s20], [sflag:$0x7] =	stream.linear.gather @!p2 [spmem:s26], $0x800, $0x38;
	[tilespmem:$0x1BE00] =	vst v63  }
0xeb: {  	_ =	swait.ge @!p2 [sflag:s21], $0x800  }
0xec: {  	[sflag:s21] =	ssyncset.done @!p2 $0x0  }
0xed: {  	s22 =	simm.s32 @!p2 $0x0;
	s23 =	rddreg [dreg:$0xc];
	[sflag:s21] =	ssyncadd.s32 @!p2 $0xFFFFF800  }
0xee: {  	[hbm4b:s23+s22] =	stream.linear.scatter @!p2 [tilespmem:s20], [sflag:$0x7], $0x800, $0x38;
	[tilespmem:$0x1BE00] =	vst v63  }
0xef: {  	_ =	swait.ge @!p2 [sflag:s21], $0x800  }
0xf0: {  	s19 =	sadd.s32 $0x1, s19;
	s23 =	rddreg [dreg:$0xd]  }
0xf1: {  	p3 =	sne.s32 s19, s23  }
.Ltmp2:
0xf2: {  	_ = 	snop;
	(pc) =	sbr.rel @p3 .LBB2_1-.Ltmp2, $3  }
0xf3: {  	_ =	sdelay $0x1  }
0xf4: {  	[sflag:s21] =	ssyncset.done @!p2 $0x0  }
0xf5: {  	[sflag:s21] =	ssyncadd.s32 @!p2 $0xFFFFF800  }
0xf6: {  	_ =	sfence.sel $0x180000  }
0xf7: {  	[bflag:$0x0] =	sbarrier.arrive $0xFFFF  }
0xf8: {  	_ =	strace $0x9000004A  }
0xf9: {  	s0 =	stileid.u32;
	[bflag:$0x2] =	sbarrier.arrive $0xFFFF  }
0xfa: {  	p0 =	sne.s32 s0, $0x0;
	s0 =	rddreg [dreg:$0x2]  }
0xfb: {  	s0 =	sadd.s32 @!p0 $0x100000, s0  }
0xfc: {  	[sflag:s0] =	ssyncadd.tile.s32 @!p0 $0x1;
	_ =	shalt  }
.Lfunc_end2:
_tile_overlayer_lowered:
.L_overlay_start_2:
0xfd: {  	(tag) =	ssettag $0x2  }
0xfe: {  	s0 =	rddreg [dreg:$0x0];
	s2 =	stileid.u32  }
0xff: {  	s1 =	rddreg [dreg:$0x1];
	p0 =	sne.s32 s2, $0x0  }
0x100: {  	s3 =	rddreg [dreg:$0x2];
	[bflag:$0x3] =	sbarrier.arrive $0xFFFF;
	s2 =	simm.s32 @!p0 $0x1C07  }
0x101: {  	[timem:s3], [sflag:s2] =	dma.local @!p0 [hbm:s0], s1  }
0x102: {  	s0 =	simm.s32 @!p0 $0x7  }
0x103: {  	_ =	swait.ge @!p0 [sflag:s0], s1  }
0x104: {  	s1 =	ssub.s32 @!p0 $0x0, s1;
	[sflag:s0] =	ssyncset.done @!p0 $0x0  }
0x105: {  	[sflag:s0] =	ssyncadd.s32 @!p0 s1  }
0x106: {  	[bflag:$0x3] =	sbarrier.arrive $0xFFFF  }
0x107: {  	_ =	shalt  }

// kernel: kernel.14.cloned.1.call-start
scs
__scs_entry_jumppad:
0x0: {  	(pc) =	sbr.rel $0x88, $3  }
0x1: {  	(tag) =	ssettag $0x0;
	lr =	simm.s32 $0x1  }
0x2: {  	[smem:$0x3F99] =	sst lr;
	_ =	strace $0xD0000000  }
0x3: {  	_ = 	snop  }
0x4: {  	_ = 	snop  }
0x5: {  	_ = 	snop  }
0x6: {  	_ = 	snop  }
0x7: {  	_ = 	snop  }
__scs_overlays_trampoline_lowered:
0x8: {  	[smem:$0x3FA8] =	sst s0  }
0x9: {  	[smem:$0x3FA9] =	sst s1  }
0xa: {  	[smem:$0x3FAA] =	sst s2  }
0xb: {  	[smem:$0x3FAB] =	sst s3  }
0xc: {  	[smem:$0x3FAC] =	sst s4  }
0xd: {  	[smem:$0x3FAD] =	sst s5  }
0xe: {  	[smem:$0x3FAE] =	sst s6  }
0xf: {  	[smem:$0x3FAF] =	sst s7  }
0x10: {  	[smem:$0x3FB0] =	sst s8  }
0x11: {  	[smem:$0x3FB1] =	sst s9;
	s0 =	simm.s32 @!p0 $0x0  }
0x12: {  	s1 =	sld [smem:$0x3F97];
	s0 =	simm.s32 @p0 $0x1  }
0x13: {  	[smem:$0x3FB2] =	sst s0;
	s0 =	simm.s32 @!p1 $0x0  }
0x14: {  	s2 =	sld [smem:$0x3F96];
	s0 =	simm.s32 @p1 $0x1  }
0x15: {  	[smem:$0x3FB3] =	sst s0;
	s0 =	simm.s32 @!p2 $0x0  }
0x16: {  	s3 =	sld [smem:$0x3FDB];
	s0 =	simm.s32 @p2 $0x1  }
0x17: {  	s4 =	simm.s32 $0x1BF5;
	[smem:$0x3FB5] =	sst s0  }
0x18: {  	s0 =	sld [smem:$0x3F98];
	_ =	swait.ge [sflag:s4], $0x0  }
0x19: {  	s7 =	sld [smem:$0x3F99]  }
0x1a: {  	s8 =	sadd.s32 $0xFFFFE003, lr  }
0x1b: {  	s9 =	sadd.s32 $0xFFFFFEF7, lr;
	s5 =	simm.s32 $0xFFFFFFFF;
	p2 =	slt.u32 s8, $0xFFFFF086  }
0x1c: {  	p1 =	slt.u32 s9, $0xF7A;
	s5 =	simm.s32 @!p2 $0x0  }
0x1d: {  	s5 =	simm.s32 @p1 $0x1;
	p0 =	seq.s32 s7, s2  }
0x1e: {  	s7 =	smul.u32 @!p0 $0xF7A, s2;
	p2 =	seq.s32 @!p0 s5, $0x0  }
0x1f: {  	s9 =	smul.u32 $0xF7A, s1;
	s8 =	simm.s32 @!p0 $0x1BF5;
	p2 =	por !p2, p0  }
0x20: {  	[sflag:s8] =	ssyncset.s32 @!p0 $0xFFFFF086;
	s6 =	sadd.s32 @!p0 s3, s7;
	s7 =	simm.s32 @!p0 $0x108  }
0x21: {  	s3 =	sadd.s32 s3, s9;
	s6 =	sadd.s32 @!p0 $0x88, s6;
	s7 =	simm.s32 @p2 $0x1082  }
0x22: {  	[simem:s7], [sflag:s8] =	dma.local @!p0 [hbm:s6], $0xF7A  }
0x23: {  	s9 =	sor.u32 $0xD0000000, s2;
	s6 =	simm.s32 $0x108;
	_ =	swait.ge @!p0 [sflag:s8], $0x0  }
0x24: {  	s3 =	sadd.s32 $0x88, s3;
	s6 =	simm.s32 @!p1 $0x1082;
	[sflag:s4] =	ssyncset.s32 $0xFFFFF086  }
0x25: {  	[simem:s6], [sflag:s4] =	dma.local [hbm:s3], $0xF7A  }
0x26: {  	[smem:$0x3F99] =	sst s1;
	(tag) =	ssettag s2;
	_ =	strace s9  }
0x27: {  	s1 =	sld [smem:$0x3FA9]  }
0x28: {  	s2 =	sld [smem:$0x3FAA]  }
0x29: {  	s4 =	sld [smem:$0x3FAC]  }
0x2a: {  	p0 =	seq.s32 s5, $0x0;
	s5 =	sld [smem:$0x3FAD]  }
0x2b: {  	s6 =	sld [smem:$0x3FAE]  }
0x2c: {  	s7 =	sld [smem:$0x3FAF]  }
0x2d: {  	s3 =	simm.s32 $0x108;
	s8 =	sld [smem:$0x3FB0]  }
0x2e: {  	s3 =	simm.s32 @!p0 $0x1082;
	s9 =	sld [smem:$0x3FB1]  }
0x2f: {  	lr =	sadd.s32 s0, s3;
	s0 =	sld [smem:$0x3FA8]  }
0x30: {  	s3 =	sld [smem:$0x3FAB]  }
0x31: {  	[smem:$0x3FB4] =	sst s10  }
0x32: {  	s10 =	sld [smem:$0x3FB2];
	_ =	sdelay $0x3  }
0x33: {  	p0 =	seq.s32 s10, $0x1;
	s10 =	sld [smem:$0x3FB4];
	_ =	sdelay $0x3  }
0x34: {  	[smem:$0x3FB4] =	sst s10  }
0x35: {  	s10 =	sld [smem:$0x3FB3];
	_ =	sdelay $0x3  }
0x36: {  	p1 =	seq.s32 s10, $0x1;
	s10 =	sld [smem:$0x3FB4];
	_ =	sdelay $0x3  }
0x37: {  	[smem:$0x3FB4] =	sst s10  }
0x38: {  	s10 =	sld [smem:$0x3FB5]  }
0x39: {  	_ = 	snop;
	(pc) =	sbr.ind lr, $3  }
0x3a: {  	_ = 	snop  }
0x3b: {  	_ = 	snop  }
0x3c: {  	p2 =	seq.s32 s10, $0x1;
	s10 =	sld [smem:$0x3FB4]  }
0x3d: {  	_ =	shalt  }
0x3e: {  	_ =	shalt  }
0x3f: {  	_ =	shalt  }
0x40: {  	_ =	shalt  }
0x41: {  	_ =	shalt  }
0x42: {  	_ =	shalt  }
0x43: {  	_ =	shalt  }
0x44: {  	_ =	shalt  }
0x45: {  	_ =	shalt  }
0x46: {  	_ =	shalt  }
0x47: {  	_ =	shalt  }
0x48: {  	_ =	shalt  }
0x49: {  	_ =	shalt  }
0x4a: {  	_ =	shalt  }
0x4b: {  	_ =	shalt  }
0x4c: {  	_ =	shalt  }
0x4d: {  	_ =	shalt  }
0x4e: {  	_ =	shalt  }
0x4f: {  	_ =	shalt  }
0x50: {  	_ =	shalt  }
0x51: {  	_ =	shalt  }
0x52: {  	_ =	shalt  }
0x53: {  	_ =	shalt  }
0x54: {  	_ =	shalt  }
0x55: {  	_ =	shalt  }
0x56: {  	_ =	shalt  }
0x57: {  	_ =	shalt  }
0x58: {  	_ =	shalt  }
0x59: {  	_ =	shalt  }
0x5a: {  	_ =	shalt  }
0x5b: {  	_ =	shalt  }
0x5c: {  	_ =	shalt  }
0x5d: {  	_ =	shalt  }
0x5e: {  	_ =	shalt  }
0x5f: {  	_ =	shalt  }
0x60: {  	_ =	shalt  }
0x61: {  	_ =	shalt  }
0x62: {  	_ =	shalt  }
0x63: {  	_ =	shalt  }
0x64: {  	_ =	shalt  }
0x65: {  	_ =	shalt  }
0x66: {  	_ =	shalt  }
0x67: {  	_ =	shalt  }
0x68: {  	_ =	shalt  }
0x69: {  	_ =	shalt  }
0x6a: {  	_ =	shalt  }
0x6b: {  	_ =	shalt  }
0x6c: {  	_ =	shalt  }
0x6d: {  	_ =	shalt  }
0x6e: {  	_ =	shalt  }
0x6f: {  	_ =	shalt  }
0x70: {  	_ =	shalt  }
0x71: {  	_ =	shalt  }
0x72: {  	_ =	shalt  }
0x73: {  	_ =	shalt  }
0x74: {  	_ =	shalt  }
0x75: {  	_ =	shalt  }
0x76: {  	_ =	shalt  }
0x77: {  	_ =	shalt  }
0x78: {  	_ =	shalt  }
0x79: {  	_ =	shalt  }
0x7a: {  	_ =	shalt  }
0x7b: {  	_ =	shalt  }
0x7c: {  	_ =	shalt  }
0x7d: {  	_ =	shalt  }
0x7e: {  	_ =	shalt  }
0x7f: {  	_ =	shalt  }
0x80: {  	_ =	shalt  }
0x81: {  	_ =	shalt  }
0x82: {  	_ =	shalt  }
0x83: {  	_ =	shalt  }
0x84: {  	_ =	shalt  }
0x85: {  	_ =	shalt  }
0x86: {  	_ =	shalt  }
0x87: {  	_ =	shalt  }
.Lfunc_end0:
.L_simem_size_0:
called_computation.2_lowered:
.L_overlay_start_0:
0x88: {  	s2 =	sld [smem:$0x3FD9]  }
0x89: {  	s3 =	sld [smem:$0x3FFE];
	_ =	sdelay $0x1  }
0x8a: {  	s1 =	srdreg.scid  }
0x8b: {  	s0 =	sand.u32 $0x1, s1  }
0x8c: {  	s16 =	sshll.u32 s0, $0xA;
	s2 =	sadd.s32 s3, s2  }
0x8d: {  	s2 =	sadd.s32 s2, s16  }
0x8e: {  	[smem:$0x3FC0] =	sst s2  }
0x8f: {  	_ = 	snop  }
0x90: {  	(tm) =	ssettm $0x1  }
0x91: {  	s17 =	sld [smem:$0x3FFB];
	_ =	sdelay $0x3  }
0x92: {  	_ =	strace s17  }
0x93: {  	s2 =	sld [smem:$0x3FFC];
	_ =	sdelay $0x3  }
0x94: {  	_ =	strace s2  }
0x95: {  	s2 =	sld [smem:$0x3FFD];
	_ =	sdelay $0x3  }
0x96: {  	_ =	strace s2  }
0x97: {  	_ =	strace $0x8FFFFFFF  }
0x98: {  	s18 =	sld [smem:$0x3FDB];
	_ =	sdelay $0x1  }
0x99: {  	s19 =	simm.s32 $_scs_section_size  }
0x9a: {  	s4 =	simm.s32 $_size__tile_overlayer_lowered;
	s5 =	simm.s32 $_tile_overlayer_lowered  }
0x9b: {  	s22 =	simm.s32 $0x1BFF;
	s21 =	sshll.u32 s5, $0x1;
	s2 =	sadd.s32 s19, s18  }
0x9c: {  	s6 =	simm.s32 $0x0;
	s20 =	sshll.u32 s4, $0x1;
	s4 =	sadd.s32 s21, s2  }
0x9d: {  	[timem:s6], [sflag:s22] =	dma.local [hbm:s4], s20  }
0x9e: {  	_ =	swait.ge [sflag:s22], s20  }
0x9f: {  	s3 =	ssub.s32 $0x0, s20;
	[sflag:s22] =	ssyncset.done $0x0  }
0xa0: {  	[sflag:s22] =	ssyncadd.s32 s3;
	_ =	sdelay $0x1  }
0xa1: {  	s23 =	simm.s32 $0x1B8B  }
0xa2: {  	_ =	swait.ge [sflag:s23], $0x1  }
0xa3: {  	[sflag:s23] =	ssyncset.done $0x0  }
0xa4: {  	s25 =	simm.s32 $0x1B8E;
	s24 =	sld [smem:$0x3FFE];
	[sflag:s23] =	ssyncadd.s32 $0xFFFFFFFF  }
0xa5: {  	s26 =	simm.s32 $execute0_lowered;
	[smem:$0x3FD2] =	sst s25  }
0xa6: {  	s4 =	sshll.u32 s26, $0x1;
	_ =	strace $0x8000004C;
	[dreg:$0x1] =	wrdreg $0xFFFFFFFF  }
0xa7: {  	s28 =	simm.s32 $_size_execute0_lowered;
	s2 =	sadd.s32 s2, s4;
	[dreg:$0x0] =	wrdreg $0x0  }
0xa8: {  	s4 =	sshll.u32 s28, $0x1;
	[dreg:$0x2] =	wrdreg s2  }
0xa9: {  	[dreg:$0x3] =	wrdreg s4  }
0xaa: {  	[dreg:$0x4] =	wrdreg $0xC0  }
0xab: {  	_ =	task [dreg:s6], $0x5FFFF  }
0xac: {  	[dreg:$0x1] =	wrdreg $0xFFFFFFFF  }
0xad: {  	[dreg:$0x0] =	wrdreg $0x60  }
0xae: {  	[dreg:$0x2] =	wrdreg s24  }
0xaf: {  	[dreg:$0x3] =	wrdreg $0x82000  }
0xb0: {  	[dreg:$0x4] =	wrdreg $0x9  }
0xb1: {  	_ =	task.clear_ibuf [dreg:s6], $0x5FFFF;
	_ =	strace $0x9000004C  }
0xb2: {  	s29 =	simm.s32 $0x9;
	_ =	strace $0x8000004E  }
0xb3: {  	_ =	swait.ge [sflag:s29], $0x1  }
0xb4: {  	[sflag:s29] =	ssyncadd.s32 $0xFFFFFFFF  }
0xb5: {  	_ =	strace $0x9000004E  }
0xb6: {  	_ =	sfence  }
0xb7: {  	s30 =	sld [smem:$0x0];
	_ =	sdelay $0x2  }
0xb8: {  	s31 =	sshll.u32 s1, $0xD;
	s1 =	sshrl.u32 s1, $0x2  }
0xb9: {  	s3 =	sand.u32 $0x4000, s31;
	s1 =	sadd.s32 s1, s30  }
0xba: {  	s0 =	sor.u32 s3, s0;
	s1 =	sshll.u32 s1, $0x11  }
0xbb: {  	s0 =	sor.u32 s1, s0  }
0xbc: {  	s0 =	sadd.s32 $0x8F2B, s0  }
0xbd: {  	[sflag:s0] =	ssyncadd.remote.s32 $0x1  }
0xbe: {  	_ =	sfence.sel $0xFFFF  }
0xbf: {  	[dreg:$0x0] =	wrdreg $0xFFFFFFFF;
	(pc) =	sbr.abs _section_cstart, $3  }
0xc0: {  	[dreg:$0x1] =	wrdreg $0xFFFFFFFF  }
0xc1: {  	_ =	task.clear_ibuf [dreg:s6], $0x2FFFF;
	_ =	strace $0x9FFFFFFF  }
0xc2: {  	(tm) =	ssettm $0x7FFFFFFF  }
0xc3: {  	_ =	shalt  }
tec
execute0_lowered:
.L_overlay_start_1:
0x0: {  	(tag) =	ssettag $0x1  }
0x1: {  	s0 =	rddreg [dreg:$0x0]  }
0x2: {  	s1 =	rddreg [dreg:$0x1]  }
0x3: {  	s2 =	simm.s32 $0x0;
	s3 =	srdreg.scid;
	s21 =	stileid.u32  }
0x4: {  	s28 =	simm.s32 $0x200;
	s29 =	simm.s32 $0x7;
	s30 =	simm.s32 $0x100  }
0x5: {  	s31 =	simm.s32 $0x1;
	[smem:$0x7FF] =	sst s2;
	s4 =	sadd.s32 $0xC800, s0  }
0x6: {  	s5 =	sadd.s32 $0x5AA00, s0;
	s3 =	sand.u32 $0x1, s3;
	s6 =	sadd.s32 $0x2800, s0  }
0x7: {  	s0 =	sadd.s32 $0x64A00, s0;
	s13 =	sshll.u32 s21, $0xE;
	p0 =	sgt.u32 s21, $0xD  }
0x8: {  	p1 =	seq.s32 s21, $0xF;
	_ =	strace $0x8000004D;
	s7 =	ssub.s32 $0x2, s3  }
0x9: {  	s22 =	sshll.u32 s3, $0x4;
	s15 =	sor.u32 $0x40000, s13;
	s16 =	sor.u32 $0x80000, s13  }
0xa: {  	s17 =	sor.u32 $0xC0000, s13;
	s18 =	sor.u32 $0x100000, s13;
	s3 =	smul.u32 $0x138800, s3  }
0xb: {  	p2 =	sne.s32 @!p0 s21, $0x1;
	s8 =	sshrl.u32 s7, $0x1;
	s9 =	sor.u32 s21, s22  }
0xc: {  	s10 =	sadd.s32 s16, s1;
	s11 =	sadd.s32 s17, s1;
	s12 =	sadd.s32 s18, s1  }
0xd: {  	p2 =	por p2, p0;
	s14 =	ssub.s32 s7, s8;
	s7 =	sadd.s32 s13, s1  }
0xe: {  	s8 =	sadd.s32 s15, s1;
	s9 =	smul.u32 $0x2800, s9;
	s13 =	sadd.s32 s13, s3  }
0xf: {  	s15 =	sadd.s32 s3, s15;
	s16 =	sadd.s32 s3, s16;
	s13 =	sshrl.u32 s13, $0x3  }
0x10: {  	s25 =	sshrl.u32 s15, $0x3;
	s26 =	sshrl.u32 s16, $0x3;
	s13 =	sadd.s32 s0, s13  }
0x11: {  	s15 =	simm.s32 $0x5;
	s16 =	sadd.s32 s0, s26;
	[dreg:$0x7] =	wrdreg s13  }
0x12: {  	s19 =	sshrl.u32 s9, $0x3;
	s26 =	smax.u32 s14, $0x1;
	[dreg:$0x9] =	wrdreg s16  }
0x13: {  	s14 =	simm.s32 $0x3;
	s20 =	sadd.s32 s5, s19;
	[dreg:$0xd] =	wrdreg s26  }
0x14: {  	s23 =	sadd.s32 s6, s19;
	s24 =	sor.u32 $0x10, s19;
	[dreg:$0x3] =	wrdreg s20  }
0x15: {  	s13 =	sadd.s32 s0, s25;
	s25 =	sadd.s32 $0x4E0, s19;
	[dreg:$0x4] =	wrdreg s23  }
0x16: {  	s26 =	sadd.s32 $0x138000, s1;
	s22 =	sadd.s32 s5, s24;
	[dreg:$0x8] =	wrdreg s13  }
0x17: {  	s16 =	simm.s32 $0x4;
	s20 =	sadd.s32 s6, s24;
	[dreg:$0x5] =	wrdreg s22  }
0x18: {  	s19 =	simm.s32 $0x0;
	[dreg:$0x6] =	wrdreg s20;
	s20 =	sadd.s32 s3, s17  }
0x19: {  	s22 =	sadd.s32 s3, s18;
	s3 =	sshrl.u32 s3, $0x3;
	s13 =	sshrl.u32 s20, $0x3  }
0x1a: {  	s17 =	simm.s32 $0x180;
	s23 =	sshrl.u32 s22, $0x3;
	s13 =	sadd.s32 s0, s13  }
0x1b: {  	s3 =	sadd.s32 s0, s3;
	s0 =	sadd.s32 s0, s23;
	[dreg:$0xa] =	wrdreg s13  }
0x1c: {  	s18 =	simm.s32 $0x6;
	s24 =	sadd.s32 $0x27000, s3;
	[dreg:$0xb] =	wrdreg s0  }
0x1d: {  	s3 =	simm.s32 $0x2;
	[dreg:$0xc] =	wrdreg s24;
	s24 =	sadd.s32 s5, s25  }
0x1e: {  	v0 =	vimm.f32 $0.0e+00;
	s25 =	sadd.s32 s6, s25;
	s0 =	simm.s32 $0x80;
	s13 =	simm.s32 $0x4200  }
.LBB2_1:
0x1f: {  	s20 =	simm.s32 $0x0;
	s21 =	simm.s32 $0x200  }
.LBB2_2:
0x20: {  	p3 =	sne.s32 s21, $0xFE00;
	[tilespmem:s20+$0x270] =	vst v0  }
0x21: {  	[tilespmem:s20+$0x200] =	vst v0  }
0x22: {  	[tilespmem:s20+$0x210] =	vst v0  }
.Ltmp0:
0x23: {  	[tilespmem:s20+$0x220] =	vst v0;
	(pc) =	sbr.rel @p3 .LBB2_2-.Ltmp0, $4  }
0x24: {  	[tilespmem:s20+$0x230] =	vst v0  }
0x25: {  	[tilespmem:s20+$0x240] =	vst v0  }
0x26: {  	[tilespmem:s20+$0x250] =	vst v0  }
0x27: {  	[tilespmem:s20+$0x260] =	vst v0;
	s20 =	sshra.s32 s21, $0x2;
	s21 =	sadd.s32 $0x200, s21  }
0x28: {  	[tilespmem:s20+$0x270] =	vst v0  }
0x29: {  	[tilespmem:s20+$0x200] =	vst v0  }
0x2a: {  	[tilespmem:s20+$0x210] =	vst v0  }
0x2b: {  	[tilespmem:s20+$0x220] =	vst v0  }
0x2c: {  	[tilespmem:s20+$0x230] =	vst v0  }
0x2d: {  	[tilespmem:s20+$0x240] =	vst v0  }
0x2e: {  	[tilespmem:s20+$0x250] =	vst v0  }
0x2f: {  	[tilespmem:s20+$0x260] =	vst v0  }
0x30: {  	[spmem:s7] =	stream.linear.scatter [tilespmem:s28], [sflag:$0x7], $0x4000, $0x38;
	[tilespmem:$0x1BE00] =	vst v63  }
0x31: {  	_ =	swait.ge [sflag:s29], $0x4000  }
0x32: {  	[sflag:s29] =	ssyncset.done $0x0  }
0x33: {  	[sflag:s29] =	ssyncadd.s32 $0xFFFFC000  }
0x34: {  	[spmem:s8] =	stream.linear.scatter [tilespmem:s28], [sflag:$0x7], $0x4000, $0x38;
	[tilespmem:$0x1BE00] =	vst v63  }
0x35: {  	_ =	swait.ge [sflag:s29], $0x4000  }
0x36: {  	[sflag:s29] =	ssyncset.done $0x0  }
0x37: {  	[sflag:s29] =	ssyncadd.s32 $0xFFFFC000  }
0x38: {  	[spmem:s10] =	stream.linear.scatter [tilespmem:s28], [sflag:$0x7], $0x4000, $0x38;
	[tilespmem:$0x1BE00] =	vst v63  }
0x39: {  	_ =	swait.ge [sflag:s29], $0x4000  }
0x3a: {  	[sflag:s29] =	ssyncset.done $0x0  }
0x3b: {  	[sflag:s29] =	ssyncadd.s32 $0xFFFFC000  }
0x3c: {  	[spmem:s11] =	stream.linear.scatter [tilespmem:s28], [sflag:$0x7], $0x4000, $0x38;
	[tilespmem:$0x1BE00] =	vst v63  }
0x3d: {  	_ =	swait.ge [sflag:s29], $0x4000  }
0x3e: {  	[sflag:s29] =	ssyncset.done $0x0  }
0x3f: {  	s20 =	simm.s32 @!p1 $0x200;
	[sflag:s29] =	ssyncadd.s32 $0xFFFFC000  }
0x40: {  	[spmem:s12] =	stream.linear.scatter @!p1 [tilespmem:s20], [sflag:$0x7], $0x4000, $0x38;
	[tilespmem:$0x1BE00] =	vst v63  }
0x41: {  	s20 =	simm.s32 @!p1 $0x7  }
0x42: {  	_ =	swait.ge @!p1 [sflag:s20], $0x4000  }
0x43: {  	[sflag:s20] =	ssyncset.done @!p1 $0x0  }
0x44: {  	[sflag:s20] =	ssyncadd.s32 @!p1 $0xFFFFC000  }
0x45: {  	[bflag:$0x0] =	sbarrier.arrive $0xFFFF  }
0x46: {  	s23 =	rddreg [dreg:$0x3]  }
0x47: {  	[tilespmem:s2], [sflag:$0x1] =	stream.linear.gather [hbm4b:s23+s2], $0x80, $0x38;
	[tilespmem:$0x1BE00] =	vst v63  }
0x48: {  	s21 =	rddreg [dreg:$0x4]  }
0x49: {  	[tilespmem:s30], [sflag:$0x1] =	stream.linear.gather [hbm4b:s21+s2], $0x80, $0x38;
	[tilespmem:$0x1BE00] =	vst v63  }
0x4a: {  	_ =	swait.ge [sflag:s31], $0x80  }
0x4b: {  	[sflag:s31] =	ssyncset.done $0x0  }
0x4c: {  	[sflag:s31] =	ssyncadd.s32 $0xFFFFFF80  }
0x4d: {  	_ =	swait.ge [sflag:s31], $0x80  }
0x4e: {  	[sflag:s31] =	ssyncset.done $0x0  }
0x4f: {  	[sflag:s31] =	ssyncadd.s32 $0xFFFFFF80  }
0x50: {  	[tilespmem:s28], [sflag:$0x3] =	stream.indirect.gather [hbm4b:s4+s0], $0x80, s2, s0, $0xb8;
	[tilespmem:$0x1BE00] =	vst v63  }
0x51: {  	s22 =	rddreg [dreg:$0x5]  }
0x52: {  	[tilespmem:s0], [sflag:$0x2] =	stream.linear.gather [hbm4b:s22+s2], $0x80, $0x38;
	[tilespmem:$0x1BE00] =	vst v63  }
0x53: {  	s20 =	simm.s32 $0x180;
	s21 =	rddreg [dreg:$0x6]  }
0x54: {  	[tilespmem:s20], [sflag:$0x2] =	stream.linear.gather [hbm4b:s21+s2], $0x80, $0x38;
	[tilespmem:$0x1BE00] =	vst v63  }
0x55: {  	_ =	swait.ge [sflag:s3], $0x80  }
0x56: {  	[sflag:s3] =	ssyncset.done $0x0  }
0x57: {  	[sflag:s3] =	ssyncadd.s32 $0xFFFFFF80  }
0x58: {  	_ =	swait.ge [sflag:s3], $0x80  }
0x59: {  	[sflag:s3] =	ssyncset.done $0x0  }
0x5a: {  	[sflag:s3] =	ssyncadd.s32 $0xFFFFFF80  }
0x5b: {  	[tilespmem:s13], [sflag:$0x4] =	stream.indirect.gather [hbm4b:s4+s0], $0x80, s0, s0, $0xb8;
	[tilespmem:$0x1BE00] =	vst v63  }
0x5c: {  	s23 =	simm.s32 $0x100;
	_ =	swait.ge [sflag:s14], $0x4000  }
0x5d: {  	s22 =	sand.u32 $0x7C00, s23;
	[sflag:s14] =	ssyncset.done $0x0  }
0x5e: {  	s22 =	sadd.s32 s9, s22;
	s21 =	sand.u32 $0x300, s23;
	[sflag:s14] =	ssyncadd.s32 $0xFFFFC000  }
0x5f: {  	[spmem:s1] =	stream.indirect.scatter.add.f32 [tilespmem:s28], [sflag:$0x5], $0x80, s30, s0, $0xb8;
	[tilespmem:$0x1BE00] =	vst v63  }
0x60: {  	s21 =	sor.u32 s21, s22;
	_ =	swait.ge [sflag:s15], $0x4000  }
0x61: {  	s21 =	sshrl.u32 s21, $0x3;
	[sflag:s15] =	ssyncset.done $0x0  }
0x62: {  	s23 =	sadd.s32 s5, s21;
	[sflag:s15] =	ssyncadd.s32 $0xFFFFC000  }
0x63: {  	[tilespmem:s2], [sflag:$0x1] =	stream.linear.gather [hbm4b:s23+s2], $0x80, $0x38;
	[tilespmem:$0x1BE00] =	vst v63  }
0x64: {  	s21 =	sadd.s32 s6, s21  }
0x65: {  	[tilespmem:s30], [sflag:$0x1] =	stream.linear.gather [hbm4b:s21+s2], $0x80, $0x38;
	[tilespmem:$0x1BE00] =	vst v63  }
0x66: {  	_ =	swait.ge [sflag:s31], $0x80  }
0x67: {  	[sflag:s31] =	ssyncset.done $0x0  }
0x68: {  	[sflag:s31] =	ssyncadd.s32 $0xFFFFFF80  }
0x69: {  	_ =	swait.ge [sflag:s31], $0x80  }
0x6a: {  	[sflag:s31] =	ssyncset.done $0x0  }
0x6b: {  	[sflag:s31] =	ssyncadd.s32 $0xFFFFFF80  }
0x6c: {  	[tilespmem:s28], [sflag:$0x3] =	stream.indirect.gather [hbm4b:s4+s0], $0x80, s2, s0, $0xb8;
	[tilespmem:$0x1BE00] =	vst v63  }
0x6d: {  	_ =	swait.ge [sflag:s16], $0x4000  }
0x6e: {  	s23 =	sand.u32 $0x7C00, s20;
	[sflag:s16] =	ssyncset.done $0x0  }
0x6f: {  	s20 =	sand.u32 $0x380, s20;
	s21 =	sadd.s32 s9, s23;
	[sflag:s16] =	ssyncadd.s32 $0xFFFFC000  }
0x70: {  	[spmem:s1] =	stream.indirect.scatter.add.f32 [tilespmem:s13], [sflag:$0x6], $0x80, s17, s0, $0xb8;
	[tilespmem:$0x1BE00] =	vst v63  }
0x71: {  	s20 =	sor.u32 s20, s21;
	_ =	swait.ge [sflag:s18], $0x4000  }
0x72: {  	s21 =	sshrl.u32 s20, $0x3;
	[sflag:s18] =	ssyncset.done $0x0  }
0x73: {  	s20 =	sadd.s32 s5, s21;
	[sflag:s18] =	ssyncadd.s32 $0xFFFFC000  }
0x74: {  	[tilespmem:s0], [sflag:$0x2] =	stream.linear.gather [hbm4b:s20+s2], $0x80, $0x38;
	[tilespmem:$0x1BE00] =	vst v63  }
0x75: {  	s22 =	sadd.s32 s6, s21;
	s20 =	simm.s32 $0x280  }
.LBB2_4:
0x76: {  	p3 =	sne.s32 s20, $0x2680;
	s21 =	smov.u32 s20;
	s20 =	sadd.s32 $0x100, s20  }
0x77: {  	[tilespmem:s17], [sflag:$0x2] =	stream.linear.gather [hbm4b:s22+s2], $0x80, $0x38;
	[tilespmem:$0x1BE00] =	vst v63  }
0x78: {  	_ =	swait.ge [sflag:s3], $0x80  }
0x79: {  	[sflag:s3] =	ssyncset.done $0x0  }
0x7a: {  	[sflag:s3] =	ssyncadd.s32 $0xFFFFFF80  }
0x7b: {  	_ =	swait.ge [sflag:s3], $0x80  }
0x7c: {  	[sflag:s3] =	ssyncset.done $0x0  }
0x7d: {  	[sflag:s3] =	ssyncadd.s32 $0xFFFFFF80  }
0x7e: {  	[tilespmem:s13], [sflag:$0x4] =	stream.indirect.gather [hbm4b:s4+s0], $0x80, s0, s0, $0xb8;
	[tilespmem:$0x1BE00] =	vst v63  }
0x7f: {  	_ =	swait.ge [sflag:s14], $0x4000  }
0x80: {  	s22 =	sadd.s32 $0xFFFFFF80, s21;
	[sflag:s14] =	ssyncset.done $0x0  }
0x81: {  	s23 =	sand.u32 $0x7C00, s22;
	s22 =	sand.u32 $0x300, s22;
	[sflag:s14] =	ssyncadd.s32 $0xFFFFC000  }
0x82: {  	[spmem:s1] =	stream.indirect.scatter.add.f32 [tilespmem:s28], [sflag:$0x5], $0x80, s30, s0, $0xb8;
	[tilespmem:$0x1BE00] =	vst v63  }
0x83: {  	s23 =	sadd.s32 s9, s23;
	_ =	swait.ge [sflag:s15], $0x4000  }
0x84: {  	s22 =	sor.u32 s22, s23;
	[sflag:s15] =	ssyncset.done $0x0  }
0x85: {  	s22 =	sshrl.u32 s22, $0x3;
	[sflag:s15] =	ssyncadd.s32 $0xFFFFC000  }
0x86: {  	s23 =	sadd.s32 s5, s22;
	s22 =	sadd.s32 s6, s22  }
0x87: {  	[tilespmem:s2], [sflag:$0x1] =	stream.linear.gather [hbm4b:s23+s2], $0x80, $0x38;
	[tilespmem:$0x1BE00] =	vst v63  }
0x88: {  	_ = 	snop  }
0x89: {  	[tilespmem:s30], [sflag:$0x1] =	stream.linear.gather [hbm4b:s22+s2], $0x80, $0x38;
	[tilespmem:$0x1BE00] =	vst v63  }
0x8a: {  	_ =	swait.ge [sflag:s31], $0x80  }
0x8b: {  	[sflag:s31] =	ssyncset.done $0x0  }
0x8c: {  	[sflag:s31] =	ssyncadd.s32 $0xFFFFFF80  }
0x8d: {  	_ =	swait.ge [sflag:s31], $0x80  }
0x8e: {  	[sflag:s31] =	ssyncset.done $0x0  }
0x8f: {  	[sflag:s31] =	ssyncadd.s32 $0xFFFFFF80  }
0x90: {  	[tilespmem:s28], [sflag:$0x3] =	stream.indirect.gather [hbm4b:s4+s0], $0x80, s2, s0, $0xb8;
	[tilespmem:$0x1BE00] =	vst v63  }
0x91: {  	_ =	swait.ge [sflag:s16], $0x4000  }
0x92: {  	s22 =	sand.u32 $0x7C00, s21;
	[sflag:s16] =	ssyncset.done $0x0  }
0x93: {  	s21 =	sand.u32 $0x380, s21;
	s22 =	sadd.s32 s9, s22;
	[sflag:s16] =	ssyncadd.s32 $0xFFFFC000  }
0x94: {  	[spmem:s1] =	stream.indirect.scatter.add.f32 [tilespmem:s13], [sflag:$0x6], $0x80, s17, s0, $0xb8;
	[tilespmem:$0x1BE00] =	vst v63  }
.Ltmp1:
0x95: {  	_ = 	snop;
	(pc) =	sbr.rel @p3 .LBB2_4-.Ltmp1, $4  }
0x96: {  	s21 =	sor.u32 s21, s22;
	_ =	swait.ge [sflag:s18], $0x4000  }
0x97: {  	s21 =	sshrl.u32 s21, $0x3;
	[sflag:s18] =	ssyncset.done $0x0  }
0x98: {  	s23 =	sadd.s32 s5, s21;
	s22 =	sadd.s32 s6, s21;
	[sflag:s18] =	ssyncadd.s32 $0xFFFFC000  }
0x99: {  	[tilespmem:s0], [sflag:$0x2] =	stream.linear.gather [hbm4b:s23+s2], $0x80, $0x38;
	[tilespmem:$0x1BE00] =	vst v63  }
0x9a: {  	[tilespmem:s17], [sflag:$0x2] =	stream.linear.gather [hbm4b:s22+s2], $0x80, $0x38;
	[tilespmem:$0x1BE00] =	vst v63  }
0x9b: {  	_ =	swait.ge [sflag:s3], $0x80  }
0x9c: {  	[sflag:s3] =	ssyncset.done $0x0  }
0x9d: {  	[sflag:s3] =	ssyncadd.s32 $0xFFFFFF80  }
0x9e: {  	_ =	swait.ge [sflag:s3], $0x80  }
0x9f: {  	[sflag:s3] =	ssyncset.done $0x0  }
0xa0: {  	[sflag:s3] =	ssyncadd.s32 $0xFFFFFF80  }
0xa1: {  	[tilespmem:s13], [sflag:$0x4] =	stream.indirect.gather [hbm4b:s4+s0], $0x80, s0, s0, $0xb8;
	[tilespmem:$0x1BE00] =	vst v63  }
0xa2: {  	_ =	swait.ge [sflag:s14], $0x4000  }
0xa3: {  	[sflag:s14] =	ssyncset.done $0x0  }
0xa4: {  	[sflag:s14] =	ssyncadd.s32 $0xFFFFC000  }
0xa5: {  	[spmem:s1] =	stream.indirect.scatter.add.f32 [tilespmem:s28], [sflag:$0x5], $0x80, s30, s0, $0xb8;
	[tilespmem:$0x1BE00] =	vst v63  }
0xa6: {  	_ =	swait.ge [sflag:s15], $0x4000  }
0xa7: {  	[sflag:s15] =	ssyncset.done $0x0  }
0xa8: {  	[sflag:s15] =	ssyncadd.s32 $0xFFFFC000  }
0xa9: {  	[tilespmem:s2], [sflag:$0x1] =	stream.linear.gather [hbm4b:s24+s2], $0x80, $0x38;
	[tilespmem:$0x1BE00] =	vst v63  }
0xaa: {  	_ = 	snop  }
0xab: {  	[tilespmem:s30], [sflag:$0x1] =	stream.linear.gather [hbm4b:s25+s2], $0x80, $0x38;
	[tilespmem:$0x1BE00] =	vst v63  }
0xac: {  	_ =	swait.ge [sflag:s31], $0x80  }
0xad: {  	[sflag:s31] =	ssyncset.done $0x0  }
0xae: {  	[sflag:s31] =	ssyncadd.s32 $0xFFFFFF80  }
0xaf: {  	_ =	swait.ge [sflag:s31], $0x80  }
0xb0: {  	[sflag:s31] =	ssyncset.done $0x0  }
0xb1: {  	[sflag:s31] =	ssyncadd.s32 $0xFFFFFF80  }
0xb2: {  	[tilespmem:s28], [sflag:$0x3] =	stream.indirect.gather [hbm4b:s4+s0], $0x80, s2, s0, $0xb8;
	[tilespmem:$0x1BE00] =	vst v63  }
0xb3: {  	_ =	swait.ge [sflag:s16], $0x4000  }
0xb4: {  	[sflag:s16] =	ssyncset.done $0x0  }
0xb5: {  	[sflag:s16] =	ssyncadd.s32 $0xFFFFC000  }
0xb6: {  	[spmem:s1] =	stream.indirect.scatter.add.f32 [tilespmem:s13], [sflag:$0x6], $0x80, s17, s0, $0xb8;
	[tilespmem:$0x1BE00] =	vst v63  }
0xb7: {  	_ =	swait.ge [sflag:s14], $0x4000  }
0xb8: {  	[sflag:s14] =	ssyncset.done $0x0  }
0xb9: {  	[sflag:s14] =	ssyncadd.s32 $0xFFFFC000  }
0xba: {  	[spmem:s1] =	stream.indirect.scatter.add.f32 [tilespmem:s28], [sflag:$0x5], $0x80, s30, s0, $0xb8;
	[tilespmem:$0x1BE00] =	vst v63  }
0xbb: {  	_ =	swait.ge [sflag:s15], $0x4000  }
0xbc: {  	[sflag:s15] =	ssyncset.done $0x0  }
0xbd: {  	[sflag:s15] =	ssyncadd.s32 $0xFFFFC000  }
0xbe: {  	_ =	swait.ge [sflag:s18], $0x4000  }
0xbf: {  	[sflag:s18] =	ssyncset.done $0x0  }
0xc0: {  	[sflag:s18] =	ssyncadd.s32 $0xFFFFC000  }
0xc1: {  	[bflag:$0x0] =	sbarrier.arrive $0xFFFF  }
0xc2: {  	[tilespmem:s28], [sflag:$0x7] =	stream.linear.gather [spmem:s7], $0x4000, $0x38;
	[tilespmem:$0x1BE00] =	vst v63  }
0xc3: {  	_ =	swait.ge [sflag:s29], $0x4000  }
0xc4: {  	[sflag:s29] =	ssyncset.done $0x0  }
0xc5: {  	s20 =	rddreg [dreg:$0x7];
	[sflag:s29] =	ssyncadd.s32 $0xFFFFC000  }
0xc6: {  	[hbm4b:s20+s2] =	stream.linear.scatter [tilespmem:s28], [sflag:$0x7], $0x4000, $0x38;
	[tilespmem:$0x1BE00] =	vst v63  }
0xc7: {  	_ =	swait.ge [sflag:s29], $0x4000  }
0xc8: {  	[sflag:s29] =	ssyncset.done $0x0  }
0xc9: {  	[sflag:s29] =	ssyncadd.s32 $0xFFFFC000  }
0xca: {  	[tilespmem:s28], [sflag:$0x7] =	stream.linear.gather [spmem:s8], $0x4000, $0x38;
	[tilespmem:$0x1BE00] =	vst v63  }
0xcb: {  	_ =	swait.ge [sflag:s29], $0x4000  }
0xcc: {  	[sflag:s29] =	ssyncset.done $0x0  }
0xcd: {  	s23 =	rddreg [dreg:$0x8];
	[sflag:s29] =	ssyncadd.s32 $0xFFFFC000  }
0xce: {  	[hbm4b:s23+s2] =	stream.linear.scatter [tilespmem:s28], [sflag:$0x7], $0x4000, $0x38;
	[tilespmem:$0x1BE00] =	vst v63  }
0xcf: {  	_ =	swait.ge [sflag:s29], $0x4000  }
0xd0: {  	[sflag:s29] =	ssyncset.done $0x0  }
0xd1: {  	[sflag:s29] =	ssyncadd.s32 $0xFFFFC000  }
0xd2: {  	[tilespmem:s28], [sflag:$0x7] =	stream.linear.gather [spmem:s10], $0x4000, $0x38;
	[tilespmem:$0x1BE00] =	vst v63  }
0xd3: {  	_ =	swait.ge [sflag:s29], $0x4000  }
0xd4: {  	[sflag:s29] =	ssyncset.done $0x0  }
0xd5: {  	s21 =	rddreg [dreg:$0x9];
	[sflag:s29] =	ssyncadd.s32 $0xFFFFC000  }
0xd6: {  	[hbm4b:s21+s2] =	stream.linear.scatter [tilespmem:s28], [sflag:$0x7], $0x4000, $0x38;
	[tilespmem:$0x1BE00] =	vst v63  }
0xd7: {  	_ =	swait.ge [sflag:s29], $0x4000  }
0xd8: {  	[sflag:s29] =	ssyncset.done $0x0  }
0xd9: {  	[sflag:s29] =	ssyncadd.s32 $0xFFFFC000  }
0xda: {  	[tilespmem:s28], [sflag:$0x7] =	stream.linear.gather [spmem:s11], $0x4000, $0x38;
	[tilespmem:$0x1BE00] =	vst v63  }
0xdb: {  	_ =	swait.ge [sflag:s29], $0x4000  }
0xdc: {  	[sflag:s29] =	ssyncset.done $0x0  }
0xdd: {  	s22 =	rddreg [dreg:$0xa];
	[sflag:s29] =	ssyncadd.s32 $0xFFFFC000  }
0xde: {  	[hbm4b:s22+s2] =	stream.linear.scatter [tilespmem:s28], [sflag:$0x7], $0x4000, $0x38;
	[tilespmem:$0x1BE00] =	vst v63  }
0xdf: {  	_ =	swait.ge [sflag:s29], $0x4000  }
0xe0: {  	[sflag:s29] =	ssyncset.done $0x0  }
0xe1: {  	s20 =	simm.s32 @!p0 $0x200;
	s21 =	simm.s32 @!p0 $0x7;
	[sflag:s29] =	ssyncadd.s32 $0xFFFFC000  }
0xe2: {  	[tilespmem:s20], [sflag:$0x7] =	stream.linear.gather @!p0 [spmem:s12], $0x4000, $0x38;
	[tilespmem:$0x1BE00] =	vst v63  }
0xe3: {  	_ =	swait.ge @!p0 [sflag:s21], $0x4000  }
0xe4: {  	[sflag:s21] =	ssyncset.done @!p0 $0x0  }
0xe5: {  	s22 =	simm.s32 @!p0 $0x0;
	s23 =	rddreg [dreg:$0xb];
	[sflag:s21] =	ssyncadd.s32 @!p0 $0xFFFFC000  }
0xe6: {  	[hbm4b:s23+s22] =	stream.linear.scatter @!p0 [tilespmem:s20], [sflag:$0x7], $0x4000, $0x38;
	[tilespmem:$0x1BE00] =	vst v63  }
0xe7: {  	_ =	swait.ge @!p0 [sflag:s21], $0x4000  }
0xe8: {  	[sflag:s21] =	ssyncset.done @!p0 $0x0  }
0xe9: {  	s20 =	simm.s32 @!p2 $0x4200;
	[sflag:s21] =	ssyncadd.s32 @!p0 $0xFFFFC000;
	s21 =	simm.s32 @!p2 $0x7  }
0xea: {  	[tilespmem:s20], [sflag:$0x7] =	stream.linear.gather @!p2 [spmem:s26], $0x800, $0x38;
	[tilespmem:$0x1BE00] =	vst v63  }
0xeb: {  	_ =	swait.ge @!p2 [sflag:s21], $0x800  }
0xec: {  	[sflag:s21] =	ssyncset.done @!p2 $0x0  }
0xed: {  	s22 =	simm.s32 @!p2 $0x0;
	s23 =	rddreg [dreg:$0xc];
	[sflag:s21] =	ssyncadd.s32 @!p2 $0xFFFFF800  }
0xee: {  	[hbm4b:s23+s22] =	stream.linear.scatter @!p2 [tilespmem:s20], [sflag:$0x7], $0x800, $0x38;
	[tilespmem:$0x1BE00] =	vst v63  }
0xef: {  	_ =	swait.ge @!p2 [sflag:s21], $0x800  }
0xf0: {  	s19 =	sadd.s32 $0x1, s19;
	s23 =	rddreg [dreg:$0xd]  }
0xf1: {  	p3 =	sne.s32 s19, s23  }
.Ltmp2:
0xf2: {  	_ = 	snop;
	(pc) =	sbr.rel @p3 .LBB2_1-.Ltmp2, $3  }
0xf3: {  	_ =	sdelay $0x1  }
0xf4: {  	[sflag:s21] =	ssyncset.done @!p2 $0x0  }
0xf5: {  	[sflag:s21] =	ssyncadd.s32 @!p2 $0xFFFFF800  }
0xf6: {  	_ =	sfence.sel $0x180000  }
0xf7: {  	[bflag:$0x0] =	sbarrier.arrive $0xFFFF  }
0xf8: {  	_ =	strace $0x9000004D  }
0xf9: {  	s0 =	stileid.u32;
	[bflag:$0x2] =	sbarrier.arrive $0xFFFF  }
0xfa: {  	p0 =	sne.s32 s0, $0x0;
	s0 =	rddreg [dreg:$0x2]  }
0xfb: {  	s0 =	sadd.s32 @!p0 $0x100000, s0  }
0xfc: {  	[sflag:s0] =	ssyncadd.tile.s32 @!p0 $0x1;
	_ =	shalt  }
.Lfunc_end2:
_tile_overlayer_lowered:
.L_overlay_start_2:
0xfd: {  	(tag) =	ssettag $0x2  }
0xfe: {  	s0 =	rddreg [dreg:$0x0];
	s2 =	stileid.u32  }
0xff: {  	s1 =	rddreg [dreg:$0x1];
	p0 =	sne.s32 s2, $0x0  }
0x100: {  	s3 =	rddreg [dreg:$0x2];
	[bflag:$0x3] =	sbarrier.arrive $0xFFFF;
	s2 =	simm.s32 @!p0 $0x1C07  }
0x101: {  	[timem:s3], [sflag:s2] =	dma.local @!p0 [hbm:s0], s1  }
0x102: {  	s0 =	simm.s32 @!p0 $0x7  }
0x103: {  	_ =	swait.ge @!p0 [sflag:s0], s1  }
0x104: {  	s1 =	ssub.s32 @!p0 $0x0, s1;
	[sflag:s0] =	ssyncset.done @!p0 $0x0  }
0x105: {  	[sflag:s0] =	ssyncadd.s32 @!p0 s1  }
0x106: {  	[bflag:$0x3] =	sbarrier.arrive $0xFFFF  }
0x107: {  	_ =	shalt  }

// kernel: kernel.8.cloned.1.call-start
scs
__scs_entry_jumppad:
0x0: {  	(pc) =	sbr.rel $0x88, $3  }
0x1: {  	(tag) =	ssettag $0x0;
	lr =	simm.s32 $0x1  }
0x2: {  	[smem:$0x3F99] =	sst lr;
	_ =	strace $0xD0000000  }
0x3: {  	_ = 	snop  }
0x4: {  	_ = 	snop  }
0x5: {  	_ = 	snop  }
0x6: {  	_ = 	snop  }
0x7: {  	_ = 	snop  }
__scs_overlays_trampoline_lowered:
0x8: {  	[smem:$0x3FA8] =	sst s0  }
0x9: {  	[smem:$0x3FA9] =	sst s1  }
0xa: {  	[smem:$0x3FAA] =	sst s2  }
0xb: {  	[smem:$0x3FAB] =	sst s3  }
0xc: {  	[smem:$0x3FAC] =	sst s4  }
0xd: {  	[smem:$0x3FAD] =	sst s5  }
0xe: {  	[smem:$0x3FAE] =	sst s6  }
0xf: {  	[smem:$0x3FAF] =	sst s7  }
0x10: {  	[smem:$0x3FB0] =	sst s8  }
0x11: {  	[smem:$0x3FB1] =	sst s9;
	s0 =	simm.s32 @!p0 $0x0  }
0x12: {  	s1 =	sld [smem:$0x3F97];
	s0 =	simm.s32 @p0 $0x1  }
0x13: {  	[smem:$0x3FB2] =	sst s0;
	s0 =	simm.s32 @!p1 $0x0  }
0x14: {  	s2 =	sld [smem:$0x3F96];
	s0 =	simm.s32 @p1 $0x1  }
0x15: {  	[smem:$0x3FB3] =	sst s0;
	s0 =	simm.s32 @!p2 $0x0  }
0x16: {  	s3 =	sld [smem:$0x3FDB];
	s0 =	simm.s32 @p2 $0x1  }
0x17: {  	s4 =	simm.s32 $0x1BF5;
	[smem:$0x3FB5] =	sst s0  }
0x18: {  	s0 =	sld [smem:$0x3F98];
	_ =	swait.ge [sflag:s4], $0x0  }
0x19: {  	s7 =	sld [smem:$0x3F99]  }
0x1a: {  	s8 =	sadd.s32 $0xFFFFE003, lr  }
0x1b: {  	s9 =	sadd.s32 $0xFFFFFEF7, lr;
	s5 =	simm.s32 $0xFFFFFFFF;
	p2 =	slt.u32 s8, $0xFFFFF086  }
0x1c: {  	p1 =	slt.u32 s9, $0xF7A;
	s5 =	simm.s32 @!p2 $0x0  }
0x1d: {  	s5 =	simm.s32 @p1 $0x1;
	p0 =	seq.s32 s7, s2  }
0x1e: {  	s7 =	smul.u32 @!p0 $0xF7A, s2;
	p2 =	seq.s32 @!p0 s5, $0x0  }
0x1f: {  	s9 =	smul.u32 $0xF7A, s1;
	s8 =	simm.s32 @!p0 $0x1BF5;
	p2 =	por !p2, p0  }
0x20: {  	[sflag:s8] =	ssyncset.s32 @!p0 $0xFFFFF086;
	s6 =	sadd.s32 @!p0 s3, s7;
	s7 =	simm.s32 @!p0 $0x108  }
0x21: {  	s3 =	sadd.s32 s3, s9;
	s6 =	sadd.s32 @!p0 $0x88, s6;
	s7 =	simm.s32 @p2 $0x1082  }
0x22: {  	[simem:s7], [sflag:s8] =	dma.local @!p0 [hbm:s6], $0xF7A  }
0x23: {  	s9 =	sor.u32 $0xD0000000, s2;
	s6 =	simm.s32 $0x108;
	_ =	swait.ge @!p0 [sflag:s8], $0x0  }
0x24: {  	s3 =	sadd.s32 $0x88, s3;
	s6 =	simm.s32 @!p1 $0x1082;
	[sflag:s4] =	ssyncset.s32 $0xFFFFF086  }
0x25: {  	[simem:s6], [sflag:s4] =	dma.local [hbm:s3], $0xF7A  }
0x26: {  	[smem:$0x3F99] =	sst s1;
	(tag) =	ssettag s2;
	_ =	strace s9  }
0x27: {  	s1 =	sld [smem:$0x3FA9]  }
0x28: {  	s2 =	sld [smem:$0x3FAA]  }
0x29: {  	s4 =	sld [smem:$0x3FAC]  }
0x2a: {  	p0 =	seq.s32 s5, $0x0;
	s5 =	sld [smem:$0x3FAD]  }
0x2b: {  	s6 =	sld [smem:$0x3FAE]  }
0x2c: {  	s7 =	sld [smem:$0x3FAF]  }
0x2d: {  	s3 =	simm.s32 $0x108;
	s8 =	sld [smem:$0x3FB0]  }
0x2e: {  	s3 =	simm.s32 @!p0 $0x1082;
	s9 =	sld [smem:$0x3FB1]  }
0x2f: {  	lr =	sadd.s32 s0, s3;
	s0 =	sld [smem:$0x3FA8]  }
0x30: {  	s3 =	sld [smem:$0x3FAB]  }
0x31: {  	[smem:$0x3FB4] =	sst s10  }
0x32: {  	s10 =	sld [smem:$0x3FB2];
	_ =	sdelay $0x3  }
0x33: {  	p0 =	seq.s32 s10, $0x1;
	s10 =	sld [smem:$0x3FB4];
	_ =	sdelay $0x3  }
0x34: {  	[smem:$0x3FB4] =	sst s10  }
0x35: {  	s10 =	sld [smem:$0x3FB3];
	_ =	sdelay $0x3  }
0x36: {  	p1 =	seq.s32 s10, $0x1;
	s10 =	sld [smem:$0x3FB4];
	_ =	sdelay $0x3  }
0x37: {  	[smem:$0x3FB4] =	sst s10  }
0x38: {  	s10 =	sld [smem:$0x3FB5]  }
0x39: {  	_ = 	snop;
	(pc) =	sbr.ind lr, $3  }
0x3a: {  	_ = 	snop  }
0x3b: {  	_ = 	snop  }
0x3c: {  	p2 =	seq.s32 s10, $0x1;
	s10 =	sld [smem:$0x3FB4]  }
0x3d: {  	_ =	shalt  }
0x3e: {  	_ =	shalt  }
0x3f: {  	_ =	shalt  }
0x40: {  	_ =	shalt  }
0x41: {  	_ =	shalt  }
0x42: {  	_ =	shalt  }
0x43: {  	_ =	shalt  }
0x44: {  	_ =	shalt  }
0x45: {  	_ =	shalt  }
0x46: {  	_ =	shalt  }
0x47: {  	_ =	shalt  }
0x48: {  	_ =	shalt  }
0x49: {  	_ =	shalt  }
0x4a: {  	_ =	shalt  }
0x4b: {  	_ =	shalt  }
0x4c: {  	_ =	shalt  }
0x4d: {  	_ =	shalt  }
0x4e: {  	_ =	shalt  }
0x4f: {  	_ =	shalt  }
0x50: {  	_ =	shalt  }
0x51: {  	_ =	shalt  }
0x52: {  	_ =	shalt  }
0x53: {  	_ =	shalt  }
0x54: {  	_ =	shalt  }
0x55: {  	_ =	shalt  }
0x56: {  	_ =	shalt  }
0x57: {  	_ =	shalt  }
0x58: {  	_ =	shalt  }
0x59: {  	_ =	shalt  }
0x5a: {  	_ =	shalt  }
0x5b: {  	_ =	shalt  }
0x5c: {  	_ =	shalt  }
0x5d: {  	_ =	shalt  }
0x5e: {  	_ =	shalt  }
0x5f: {  	_ =	shalt  }
0x60: {  	_ =	shalt  }
0x61: {  	_ =	shalt  }
0x62: {  	_ =	shalt  }
0x63: {  	_ =	shalt  }
0x64: {  	_ =	shalt  }
0x65: {  	_ =	shalt  }
0x66: {  	_ =	shalt  }
0x67: {  	_ =	shalt  }
0x68: {  	_ =	shalt  }
0x69: {  	_ =	shalt  }
0x6a: {  	_ =	shalt  }
0x6b: {  	_ =	shalt  }
0x6c: {  	_ =	shalt  }
0x6d: {  	_ =	shalt  }
0x6e: {  	_ =	shalt  }
0x6f: {  	_ =	shalt  }
0x70: {  	_ =	shalt  }
0x71: {  	_ =	shalt  }
0x72: {  	_ =	shalt  }
0x73: {  	_ =	shalt  }
0x74: {  	_ =	shalt  }
0x75: {  	_ =	shalt  }
0x76: {  	_ =	shalt  }
0x77: {  	_ =	shalt  }
0x78: {  	_ =	shalt  }
0x79: {  	_ =	shalt  }
0x7a: {  	_ =	shalt  }
0x7b: {  	_ =	shalt  }
0x7c: {  	_ =	shalt  }
0x7d: {  	_ =	shalt  }
0x7e: {  	_ =	shalt  }
0x7f: {  	_ =	shalt  }
0x80: {  	_ =	shalt  }
0x81: {  	_ =	shalt  }
0x82: {  	_ =	shalt  }
0x83: {  	_ =	shalt  }
0x84: {  	_ =	shalt  }
0x85: {  	_ =	shalt  }
0x86: {  	_ =	shalt  }
0x87: {  	_ =	shalt  }
.Lfunc_end0:
.L_simem_size_0:
called_computation_lowered:
.L_overlay_start_0:
0x88: {  	s2 =	sld [smem:$0x3FD9]  }
0x89: {  	s3 =	sld [smem:$0x3FFE];
	_ =	sdelay $0x1  }
0x8a: {  	s1 =	srdreg.scid  }
0x8b: {  	s0 =	sand.u32 $0x1, s1  }
0x8c: {  	s16 =	sshll.u32 s0, $0xA;
	s2 =	sadd.s32 s3, s2  }
0x8d: {  	s2 =	sadd.s32 s2, s16  }
0x8e: {  	[smem:$0x3FC0] =	sst s2  }
0x8f: {  	_ = 	snop  }
0x90: {  	(tm) =	ssettm $0x1  }
0x91: {  	s17 =	sld [smem:$0x3FFB];
	_ =	sdelay $0x3  }
0x92: {  	_ =	strace s17  }
0x93: {  	s2 =	sld [smem:$0x3FFC];
	_ =	sdelay $0x3  }
0x94: {  	_ =	strace s2  }
0x95: {  	s2 =	sld [smem:$0x3FFD];
	_ =	sdelay $0x3  }
0x96: {  	_ =	strace s2  }
0x97: {  	_ =	strace $0x8FFFFFFF  }
0x98: {  	s18 =	sld [smem:$0x3FDB];
	_ =	sdelay $0x1  }
0x99: {  	s19 =	simm.s32 $_scs_section_size  }
0x9a: {  	s4 =	simm.s32 $_size__tile_overlayer_lowered;
	s5 =	simm.s32 $_tile_overlayer_lowered  }
0x9b: {  	s22 =	simm.s32 $0x1BFF;
	s21 =	sshll.u32 s5, $0x1;
	s2 =	sadd.s32 s19, s18  }
0x9c: {  	s6 =	simm.s32 $0x0;
	s20 =	sshll.u32 s4, $0x1;
	s4 =	sadd.s32 s21, s2  }
0x9d: {  	[timem:s6], [sflag:s22] =	dma.local [hbm:s4], s20  }
0x9e: {  	_ =	swait.ge [sflag:s22], s20  }
0x9f: {  	s3 =	ssub.s32 $0x0, s20;
	[sflag:s22] =	ssyncset.done $0x0  }
0xa0: {  	[sflag:s22] =	ssyncadd.s32 s3;
	_ =	sdelay $0x1  }
0xa1: {  	s23 =	simm.s32 $0x1B8B  }
0xa2: {  	_ =	swait.ge [sflag:s23], $0x1  }
0xa3: {  	[sflag:s23] =	ssyncset.done $0x0  }
0xa4: {  	s25 =	simm.s32 $0x1B8E;
	s24 =	sld [smem:$0x3FFE];
	[sflag:s23] =	ssyncadd.s32 $0xFFFFFFFF  }
0xa5: {  	s26 =	simm.s32 $execute0_lowered;
	[smem:$0x3FD2] =	sst s25  }
0xa6: {  	s4 =	sshll.u32 s26, $0x1;
	_ =	strace $0x80000046;
	[dreg:$0x1] =	wrdreg $0xFFFFFFFF  }
0xa7: {  	s28 =	simm.s32 $_size_execute0_lowered;
	s2 =	sadd.s32 s2, s4;
	[dreg:$0x0] =	wrdreg $0x0  }
0xa8: {  	s4 =	sshll.u32 s28, $0x1;
	[dreg:$0x2] =	wrdreg s2  }
0xa9: {  	[dreg:$0x3] =	wrdreg s4  }
0xaa: {  	[dreg:$0x4] =	wrdreg $0xC0  }
0xab: {  	_ =	task [dreg:s6], $0x5FFFF  }
0xac: {  	[dreg:$0x1] =	wrdreg $0xFFFFFFFF  }
0xad: {  	[dreg:$0x0] =	wrdreg $0x60  }
0xae: {  	[dreg:$0x2] =	wrdreg s24  }
0xaf: {  	[dreg:$0x3] =	wrdreg $0x68000  }
0xb0: {  	[dreg:$0x4] =	wrdreg $0x9  }
0xb1: {  	_ =	task.clear_ibuf [dreg:s6], $0x5FFFF;
	_ =	strace $0x90000046  }
0xb2: {  	s29 =	simm.s32 $0x9;
	_ =	strace $0x80000048  }
0xb3: {  	_ =	swait.ge [sflag:s29], $0x1  }
0xb4: {  	[sflag:s29] =	ssyncadd.s32 $0xFFFFFFFF  }
0xb5: {  	_ =	strace $0x90000048  }
0xb6: {  	_ =	sfence  }
0xb7: {  	s30 =	sld [smem:$0x0];
	_ =	sdelay $0x2  }
0xb8: {  	s31 =	sshll.u32 s1, $0xD;
	s1 =	sshrl.u32 s1, $0x2  }
0xb9: {  	s3 =	sand.u32 $0x4000, s31;
	s1 =	sadd.s32 s1, s30  }
0xba: {  	s0 =	sor.u32 s3, s0;
	s1 =	sshll.u32 s1, $0x11  }
0xbb: {  	s0 =	sor.u32 s1, s0  }
0xbc: {  	s0 =	sadd.s32 $0x8F2B, s0  }
0xbd: {  	[sflag:s0] =	ssyncadd.remote.s32 $0x1  }
0xbe: {  	_ =	sfence.sel $0xFFFF  }
0xbf: {  	[dreg:$0x0] =	wrdreg $0xFFFFFFFF;
	(pc) =	sbr.abs _section_cstart, $3  }
0xc0: {  	[dreg:$0x1] =	wrdreg $0xFFFFFFFF  }
0xc1: {  	_ =	task.clear_ibuf [dreg:s6], $0x2FFFF;
	_ =	strace $0x9FFFFFFF  }
0xc2: {  	(tm) =	ssettm $0x7FFFFFFF  }
0xc3: {  	_ =	shalt  }
tec
execute0_lowered:
.L_overlay_start_1:
0x0: {  	(tag) =	ssettag $0x1  }
0x1: {  	s0 =	srdreg.scid;
	s4 =	rddreg [dreg:$0x0]  }
0x2: {  	s2 =	rddreg [dreg:$0x1];
	s3 =	simm.s32 $0x0;
	s19 =	simm.s32 $0x2800  }
0x3: {  	s20 =	simm.s32 $0x80;
	s21 =	simm.s32 $0x1;
	s6 =	sand.u32 $0x1, s0  }
0x4: {  	s0 =	stileid.u32;
	[smem:$0x7FF] =	sst s3;
	s16 =	sadd.s32 $0xC800, s4  }
0x5: {  	s1 =	sshll.u32 s6, $0x4;
	s7 =	ssub.s32 $0x2, s6;
	s9 =	sshll.u32 s0, $0xE  }
0x6: {  	s14 =	smul.u32 $0x138800, s6;
	p0 =	seq.s32 s0, $0xF;
	p1 =	sgt.u32 s0, $0xD  }
0x7: {  	s5 =	sor.u32 s0, s1;
	s1 =	rddreg [dreg:$0x2];
	_ =	strace $0x80000047  }
0x8: {  	s22 =	sshrl.u32 s7, $0x1;
	s10 =	sor.u32 $0x40000, s9;
	s11 =	sor.u32 $0x80000, s9  }
0x9: {  	s12 =	sor.u32 $0xC0000, s9;
	s13 =	sor.u32 $0x100000, s9;
	p2 =	sne.s32 @!p1 s0, $0x1  }
0xa: {  	s5 =	smul.u32 $0x500, s5;
	s17 =	ssub.s32 s7, s22;
	s6 =	sadd.s32 s10, s2  }
0xb: {  	s7 =	sadd.s32 s11, s2;
	s8 =	sadd.s32 s12, s2;
	s15 =	sadd.s32 s9, s14  }
0xc: {  	s18 =	sadd.s32 s14, s10;
	s24 =	sadd.s32 s14, s11;
	s26 =	sadd.s32 s14, s12  }
0xd: {  	s29 =	sadd.s32 s14, s13;
	s31 =	sshrl.u32 s14, $0x3;
	s22 =	simm.s32 $0x2  }
0xe: {  	p2 =	por p2, p1;
	s15 =	sshrl.u32 s15, $0x3;
	s23 =	sshrl.u32 s18, $0x3  }
0xf: {  	s25 =	sshrl.u32 s24, $0x3;
	s28 =	sshrl.u32 s26, $0x3;
	s30 =	sshrl.u32 s29, $0x3  }
0x10: {  	s17 =	smax.u32 s17, $0x1;
	s18 =	simm.s32 $0x3;
	s5 =	sadd.s32 s5, s4  }
0x11: {  	s10 =	sadd.s32 s16, s15;
	s11 =	sadd.s32 s16, s23;
	s12 =	sadd.s32 s16, s25  }
0x12: {  	s14 =	sadd.s32 s16, s30;
	s4 =	sadd.s32 $0x2800, s5;
	s5 =	sadd.s32 s9, s2  }
0x13: {  	s9 =	sadd.s32 s13, s2;
	s13 =	sadd.s32 s16, s28;
	s16 =	sadd.s32 s16, s31  }
0x14: {  	v0 =	vimm.f32 $0.0e+00;
	v1 =	vimm.f32 $1.000000000e+00;
	s15 =	sadd.s32 $0x138000, s2;
	s23 =	simm.s32 $0x0;
	s16 =	sadd.s32 $0x27000, s16  }
.LBB2_1:
0x15: {  	s24 =	simm.s32 $0x200;
	s25 =	simm.s32 $0x0  }
.LBB2_2:
0x16: {  	p3 =	sne.s32 s24, $0xFE00;
	[tilespmem:s25+$0x2800] =	vst v0;
	s25 =	smov.u32 s24;
	s24 =	sadd.s32 $0x200, s24  }
.Ltmp0:
0x17: {  	(pc) =	sbr.rel @p3 .LBB2_2-.Ltmp0, $2  }
0x18: {  	_ =	sdelay $0x2  }
0x19: {  	s25 =	sshra.s32 s25, $0x2  }
0x1a: {  	[tilespmem:s25+$0x2800] =	vst v0  }
0x1b: {  	[tilespmem:s3], [sflag:$0x3] =	stream.linear.gather [hbm4b:s4+s3], $0x2780, $0x38;
	[tilespmem:$0x8F80] =	vst v63  }
0x1c: {  	_ =	swait.ge [sflag:s18], $0x2780  }
0x1d: {  	[sflag:s18] =	ssyncset.done $0x0  }
0x1e: {  	[sflag:s18] =	ssyncadd.s32 $0xFFFFD880  }
0x1f: {  	[spmem:s5] =	stream.linear.scatter [tilespmem:s19], [sflag:$0x3], $0x4000, $0x38;
	[tilespmem:$0x8F80] =	vst v63  }
0x20: {  	_ =	swait.ge [sflag:s18], $0x4000  }
0x21: {  	[sflag:s18] =	ssyncset.done $0x0  }
0x22: {  	[sflag:s18] =	ssyncadd.s32 $0xFFFFC000  }
0x23: {  	[spmem:s6] =	stream.linear.scatter [tilespmem:s19], [sflag:$0x3], $0x4000, $0x38;
	[tilespmem:$0x8F80] =	vst v63  }
0x24: {  	_ =	swait.ge [sflag:s18], $0x4000  }
0x25: {  	[sflag:s18] =	ssyncset.done $0x0  }
0x26: {  	[sflag:s18] =	ssyncadd.s32 $0xFFFFC000  }
0x27: {  	[spmem:s7] =	stream.linear.scatter [tilespmem:s19], [sflag:$0x3], $0x4000, $0x38;
	[tilespmem:$0x8F80] =	vst v63  }
0x28: {  	_ =	swait.ge [sflag:s18], $0x4000  }
0x29: {  	[sflag:s18] =	ssyncset.done $0x0  }
0x2a: {  	[sflag:s18] =	ssyncadd.s32 $0xFFFFC000  }
0x2b: {  	[spmem:s8] =	stream.linear.scatter [tilespmem:s19], [sflag:$0x3], $0x4000, $0x38;
	[tilespmem:$0x8F80] =	vst v63  }
0x2c: {  	_ =	swait.ge [sflag:s18], $0x4000  }
0x2d: {  	[sflag:s18] =	ssyncset.done $0x0  }
0x2e: {  	s24 =	simm.s32 @!p0 $0x2800;
	[sflag:s18] =	ssyncadd.s32 $0xFFFFC000  }
0x2f: {  	[spmem:s9] =	stream.linear.scatter @!p0 [tilespmem:s24], [sflag:$0x3], $0x4000, $0x38;
	[tilespmem:$0x8F80] =	vst v63  }
0x30: {  	s24 =	simm.s32 @!p0 $0x3  }
0x31: {  	_ =	swait.ge @!p0 [sflag:s24], $0x4000  }
0x32: {  	[sflag:s24] =	ssyncset.done @!p0 $0x0  }
0x33: {  	s25 =	simm.s32 $0x0;
	[sflag:s24] =	ssyncadd.s32 @!p0 $0xFFFFC000;
	s24 =	simm.s32 $0x200  }
.LBB2_4:
0x34: {  	p3 =	sne.s32 s24, $0xFE00;
	[tilespmem:s25+$0x2800] =	vst v1;
	s25 =	smov.u32 s24;
	s24 =	sadd.s32 $0x200, s24  }
.Ltmp1:
0x35: {  	(pc) =	sbr.rel @p3 .LBB2_4-.Ltmp1, $2  }
0x36: {  	_ =	sdelay $0x2  }
0x37: {  	s25 =	sshra.s32 s25, $0x2  }
0x38: {  	[tilespmem:s25+$0x2800] =	vst v1  }
0x39: {  	[bflag:$0x0] =	sbarrier.arrive $0xFFFF  }
0x3a: {  	[spmem:s2] =	stream.indirect.scatter.add.f32 [tilespmem:s19], [sflag:$0x1], $0x10, s3, s20, $0xb8;
	[tilespmem:$0x8F80] =	vst v63  }
0x3b: {  	s24 =	simm.s32 $0x80  }
0x3c: {  	[spmem:s2] =	stream.indirect.scatter.add.f32 [tilespmem:s19], [sflag:$0x2], $0x10, s24, s20, $0xb8;
	[tilespmem:$0x8F80] =	vst v63  }
0x3d: {  	_ =	swait.ge [sflag:s21], $0x800  }
0x3e: {  	[sflag:s21] =	ssyncset.done $0x0  }
0x3f: {  	s31 =	simm.s32 $0x100;
	[sflag:s21] =	ssyncadd.s32 $0xFFFFF800  }
0x40: {  	[spmem:s2] =	stream.indirect.scatter.add.f32 [tilespmem:s19], [sflag:$0x1], $0x10, s31, s20, $0xb8;
	[tilespmem:$0x8F80] =	vst v63  }
0x41: {  	_ =	swait.ge [sflag:s22], $0x800  }
0x42: {  	s25 =	simm.s32 $0xFFFF6C00;
	s24 =	simm.s32 $0xFFFFDA00;
	[sflag:s22] =	ssyncset.done $0x0  }
.LBB2_6:
0x43: {  	s26 =	sadd.s32 $0x2780, s24  }
0x44: {  	[sflag:s22] =	ssyncadd.s32 $0xFFFFF800;
	s28 =	smov.u32 s25;
	s29 =	sadd.s32 $0x400, s25  }
0x45: {  	[spmem:s2] =	stream.indirect.scatter.add.f32 [tilespmem:s19], [sflag:$0x2], $0x10, s26, s20, $0xb8;
	[tilespmem:$0x8F80] =	vst v63  }
0x46: {  	p3 =	sne.s32 s25, $0xFFFFFC00;
	_ =	swait.ge [sflag:s21], $0x800  }
.Ltmp2:
0x47: {  	[sflag:s21] =	ssyncset.done $0x0;
	(pc) =	sbr.rel @p3 .LBB2_6-.Ltmp2, $4  }
0x48: {  	s24 =	sadd.s32 $0x2800, s24;
	[sflag:s21] =	ssyncadd.s32 $0xFFFFF800  }
0x49: {  	[spmem:s2] =	stream.indirect.scatter.add.f32 [tilespmem:s19], [sflag:$0x1], $0x10, s24, s20, $0xb8;
	[tilespmem:$0x8F80] =	vst v63  }
0x4a: {  	_ =	swait.ge [sflag:s22], $0x800  }
0x4b: {  	s25 =	smov.u32 s29;
	s24 =	sshra.s32 s28, $0x2;
	[sflag:s22] =	ssyncset.done $0x0  }
0x4c: {  	s25 =	sadd.s32 $0x2780, s24;
	[sflag:s22] =	ssyncadd.s32 $0xFFFFF800  }
0x4d: {  	[spmem:s2] =	stream.indirect.scatter.add.f32 [tilespmem:s19], [sflag:$0x2], $0x10, s25, s20, $0xb8;
	[tilespmem:$0x8F80] =	vst v63  }
0x4e: {  	_ =	swait.ge [sflag:s21], $0x800  }
0x4f: {  	[sflag:s21] =	ssyncset.done $0x0  }
0x50: {  	s31 =	sadd.s32 $0x2800, s24;
	[sflag:s21] =	ssyncadd.s32 $0xFFFFF800  }
0x51: {  	[spmem:s2] =	stream.indirect.scatter.add.f32 [tilespmem:s19], [sflag:$0x1], $0x10, s31, s20, $0xb8;
	[tilespmem:$0x8F80] =	vst v63  }
0x52: {  	_ =	swait.ge [sflag:s22], $0x800  }
0x53: {  	[sflag:s22] =	ssyncset.done $0x0  }
0x54: {  	[sflag:s22] =	ssyncadd.s32 $0xFFFFF800  }
0x55: {  	_ =	swait.ge [sflag:s21], $0x800  }
0x56: {  	[sflag:s21] =	ssyncset.done $0x0  }
0x57: {  	[sflag:s21] =	ssyncadd.s32 $0xFFFFF800  }
0x58: {  	[bflag:$0x0] =	sbarrier.arrive $0xFFFF  }
0x59: {  	[tilespmem:s19], [sflag:$0x3] =	stream.linear.gather [spmem:s5], $0x4000, $0x38;
	[tilespmem:$0x8F80] =	vst v63  }
0x5a: {  	_ =	swait.ge [sflag:s18], $0x4000  }
0x5b: {  	[sflag:s18] =	ssyncset.done $0x0  }
0x5c: {  	[sflag:s18] =	ssyncadd.s32 $0xFFFFC000  }
0x5d: {  	[hbm4b:s10+s3] =	stream.linear.scatter [tilespmem:s19], [sflag:$0x3], $0x4000, $0x38;
	[tilespmem:$0x8F80] =	vst v63  }
0x5e: {  	_ =	swait.ge [sflag:s18], $0x4000  }
0x5f: {  	[sflag:s18] =	ssyncset.done $0x0  }
0x60: {  	[sflag:s18] =	ssyncadd.s32 $0xFFFFC000  }
0x61: {  	[tilespmem:s19], [sflag:$0x3] =	stream.linear.gather [spmem:s6], $0x4000, $0x38;
	[tilespmem:$0x8F80] =	vst v63  }
0x62: {  	_ =	swait.ge [sflag:s18], $0x4000  }
0x63: {  	[sflag:s18] =	ssyncset.done $0x0  }
0x64: {  	[sflag:s18] =	ssyncadd.s32 $0xFFFFC000  }
0x65: {  	[hbm4b:s11+s3] =	stream.linear.scatter [tilespmem:s19], [sflag:$0x3], $0x4000, $0x38;
	[tilespmem:$0x8F80] =	vst v63  }
0x66: {  	_ =	swait.ge [sflag:s18], $0x4000  }
0x67: {  	[sflag:s18] =	ssyncset.done $0x0  }
0x68: {  	[sflag:s18] =	ssyncadd.s32 $0xFFFFC000  }
0x69: {  	[tilespmem:s19], [sflag:$0x3] =	stream.linear.gather [spmem:s7], $0x4000, $0x38;
	[tilespmem:$0x8F80] =	vst v63  }
0x6a: {  	_ =	swait.ge [sflag:s18], $0x4000  }
0x6b: {  	[sflag:s18] =	ssyncset.done $0x0  }
0x6c: {  	[sflag:s18] =	ssyncadd.s32 $0xFFFFC000  }
0x6d: {  	[hbm4b:s12+s3] =	stream.linear.scatter [tilespmem:s19], [sflag:$0x3], $0x4000, $0x38;
	[tilespmem:$0x8F80] =	vst v63  }
0x6e: {  	_ =	swait.ge [sflag:s18], $0x4000  }
0x6f: {  	[sflag:s18] =	ssyncset.done $0x0  }
0x70: {  	[sflag:s18] =	ssyncadd.s32 $0xFFFFC000  }
0x71: {  	[tilespmem:s19], [sflag:$0x3] =	stream.linear.gather [spmem:s8], $0x4000, $0x38;
	[tilespmem:$0x8F80] =	vst v63  }
0x72: {  	_ =	swait.ge [sflag:s18], $0x4000  }
0x73: {  	[sflag:s18] =	ssyncset.done $0x0  }
0x74: {  	[sflag:s18] =	ssyncadd.s32 $0xFFFFC000  }
0x75: {  	[hbm4b:s13+s3] =	stream.linear.scatter [tilespmem:s19], [sflag:$0x3], $0x4000, $0x38;
	[tilespmem:$0x8F80] =	vst v63  }
0x76: {  	_ =	swait.ge [sflag:s18], $0x4000  }
0x77: {  	[sflag:s18] =	ssyncset.done $0x0  }
0x78: {  	s24 =	simm.s32 @!p1 $0x2800;
	s25 =	simm.s32 @!p1 $0x3;
	[sflag:s18] =	ssyncadd.s32 $0xFFFFC000  }
0x79: {  	[tilespmem:s24], [sflag:$0x3] =	stream.linear.gather @!p1 [spmem:s9], $0x4000, $0x38;
	[tilespmem:$0x8F80] =	vst v63  }
0x7a: {  	_ =	swait.ge @!p1 [sflag:s25], $0x4000  }
0x7b: {  	[sflag:s25] =	ssyncset.done @!p1 $0x0  }
0x7c: {  	s26 =	simm.s32 @!p1 $0x0;
	[sflag:s25] =	ssyncadd.s32 @!p1 $0xFFFFC000  }
0x7d: {  	[hbm4b:s14+s26] =	stream.linear.scatter @!p1 [tilespmem:s24], [sflag:$0x3], $0x4000, $0x38;
	[tilespmem:$0x8F80] =	vst v63  }
0x7e: {  	_ =	swait.ge @!p1 [sflag:s25], $0x4000  }
0x7f: {  	[sflag:s25] =	ssyncset.done @!p1 $0x0  }
0x80: {  	s24 =	simm.s32 @!p2 $0x2800;
	[sflag:s25] =	ssyncadd.s32 @!p1 $0xFFFFC000;
	s25 =	simm.s32 @!p2 $0x3  }
0x81: {  	[tilespmem:s24], [sflag:$0x3] =	stream.linear.gather @!p2 [spmem:s15], $0x800, $0x38;
	[tilespmem:$0x8F80] =	vst v63  }
0x82: {  	s23 =	sadd.s32 $0x1, s23;
	_ =	swait.ge @!p2 [sflag:s25], $0x800  }
0x83: {  	p3 =	sne.s32 s23, s17;
	[sflag:s25] =	ssyncset.done @!p2 $0x0  }
.Ltmp3:
0x84: {  	s26 =	simm.s32 @!p2 $0x0;
	[sflag:s25] =	ssyncadd.s32 @!p2 $0xFFFFF800;
	(pc) =	sbr.rel @p3 .LBB2_1-.Ltmp3, $4  }
0x85: {  	[hbm4b:s16+s26] =	stream.linear.scatter @!p2 [tilespmem:s24], [sflag:$0x3], $0x800, $0x38;
	[tilespmem:$0x8F80] =	vst v63  }
0x86: {  	_ =	swait.ge @!p2 [sflag:s25], $0x800  }
0x87: {  	[sflag:s25] =	ssyncset.done @!p2 $0x0  }
0x88: {  	[sflag:s25] =	ssyncadd.s32 @!p2 $0xFFFFF800  }
0x89: {  	_ =	sfence.sel $0x180000  }
0x8a: {  	[bflag:$0x0] =	sbarrier.arrive $0xFFFF  }
0x8b: {  	p0 =	sne.s32 s0, $0x0;
	_ =	strace $0x90000047  }
0x8c: {  	s0 =	sadd.s32 @!p0 $0x100000, s1;
	[bflag:$0x2] =	sbarrier.arrive $0xFFFF  }
0x8d: {  	[sflag:s0] =	ssyncadd.tile.s32 @!p0 $0x1;
	_ =	shalt  }
.Lfunc_end2:
_tile_overlayer_lowered:
.L_overlay_start_2:
0x8e: {  	(tag) =	ssettag $0x2  }
0x8f: {  	s0 =	rddreg [dreg:$0x0];
	s2 =	stileid.u32  }
0x90: {  	s1 =	rddreg [dreg:$0x1];
	p0 =	sne.s32 s2, $0x0  }
0x91: {  	s3 =	rddreg [dreg:$0x2];
	[bflag:$0x3] =	sbarrier.arrive $0xFFFF;
	s2 =	simm.s32 @!p0 $0x1C03  }
0x92: {  	[timem:s3], [sflag:s2] =	dma.local @!p0 [hbm:s0], s1  }
0x93: {  	s0 =	simm.s32 @!p0 $0x3  }
0x94: {  	_ =	swait.ge @!p0 [sflag:s0], s1  }
0x95: {  	s1 =	ssub.s32 @!p0 $0x0, s1;
	[sflag:s0] =	ssyncset.done @!p0 $0x0  }
0x96: {  	[sflag:s0] =	ssyncadd.s32 @!p0 s1  }
0x97: {  	[bflag:$0x3] =	sbarrier.arrive $0xFFFF  }
0x98: {  	_ =	shalt  }

</sc_bundles>
